<compile_context>
chip_gen: v7x
topology: tpu7x:2x2x1
jax: 0.10.2.dev20260603
libtpu: 0.0.44.dev20260713+nightly
codegen_flags: <defaults>
</compile_context>

<pallas_src>
import numpy as np

import jax
import jax.numpy as jnp
from jax import lax
from jax.experimental import pallas as pl
from jax.experimental.pallas import tpu as pltpu
from jax.experimental.pallas import tpu_sc as plsc

B, H, W = 32, 512, 512
N = B * H * W
ROWS, COLS = 16384, 512

NT = 16
PER_TILE = N // NT
TROWS = ROWS // NT
CH = 8192
CROWS = CH // COLS
NCH = PER_TILE // CH
HB = 2048
PAD = 17
BIG = np.int32(2**30)


def _sc_select(pred_hbm, targ_hbm, maskf_hbm, out_hbm, res_hbm,
               bufp, buft, bufm, bufo, hist, mred, mgbuf, macc, outv,
               sh_hist, semi0, semi1, semo0, semo1):
    tid = lax.axis_index("s")
    base = tid * PER_TILE
    rbase = tid * TROWS
    iota16 = lax.iota(jnp.int32, 16)
    ones_i = jnp.ones((16,), jnp.int32)
    zeros_i = jnp.zeros((16,), jnp.int32)
    semi = (semi0, semi1)
    semo = (semo0, semo1)
    inbufs = (bufp, buft, bufm)

    @plsc.parallel_loop(0, HB * PAD // 16, unroll=8)
    def _(i):
        hist[pl.ds(i * 16, 16)] = zeros_i

    def start3(c, par):
        r0 = rbase + c * CROWS
        for hb, vb in ((pred_hbm, bufp), (targ_hbm, buft), (maskf_hbm, bufm)):
            pltpu.async_copy(hb.at[pl.ds(r0, CROWS)],
                             vb.at[pl.ds(par * CROWS, CROWS)], semi[par])

    def wait3(c, par):
        r0 = rbase + c * CROWS
        for hb, vb in ((pred_hbm, bufp), (targ_hbm, buft), (maskf_hbm, bufm)):
            pltpu.make_async_copy(hb.at[pl.ds(r0, CROWS)],
                                  vb.at[pl.ds(par * CROWS, CROWS)],
                                  semi[par]).wait()

    def p1_compute(c, par, cnt):
        @plsc.parallel_loop(0, CH // 16, 4, carry=cnt)
        def out(i, cv):
            cs = []
            for u in range(4):
                iu = i + u
                rr = par * CROWS + lax.shift_right_logical(iu, 5)
                cc = lax.shift_left(jnp.bitwise_and(iu, jnp.int32(31)), 4)
                p = bufp[rr, pl.ds(cc, 16)]
                t = buft[rr, pl.ds(cc, 16)]
                m = bufm[rr, pl.ds(cc, 16)]
                valid = m > jnp.float32(0.5)
                r = jnp.where(valid, jnp.abs(p - t), jnp.float32(1e30))
                bufo[par, pl.ds(iu * 16, 16)] = r
                bits = plsc.bitcast(r, jnp.int32)
                idx = lax.shift_right_logical(bits, 21) * PAD + iota16
                plsc.addupdate_scatter(hist, [idx], ones_i)
                cs.append(jnp.where(valid, 1, 0))
            return cv + ((cs[0] + cs[1]) + (cs[2] + cs[3]))
        return out

    start3(0, 0)
    cnt0 = jnp.zeros((16,), jnp.int32)

    def p1_body(j, cnt):
        c0 = 2 * j
        wait3(c0, 0)
        start3(c0 + 1, 1)
        cnt = p1_compute(c0, 0, cnt)

        @pl.when(j >= 1)
        def _():
            pltpu.make_async_copy(bufo.at[0], res_hbm.at[pl.ds(0, CH)],
                                  semo[0]).wait()
        pltpu.async_copy(bufo.at[0], res_hbm.at[pl.ds(base + c0 * CH, CH)],
                         semo[0])

        wait3(c0 + 1, 1)

        @pl.when(j < NCH // 2 - 1)
        def _():
            start3(c0 + 2, 0)
        cnt = p1_compute(c0 + 1, 1, cnt)

        @pl.when(j >= 1)
        def _():
            pltpu.make_async_copy(bufo.at[1], res_hbm.at[pl.ds(0, CH)],
                                  semo[1]).wait()
        pltpu.async_copy(bufo.at[1], res_hbm.at[pl.ds(base + (c0 + 1) * CH, CH)],
                         semo[1])
        return cnt

    cnt = lax.fori_loop(0, NCH // 2, p1_body, cnt0)
    pltpu.make_async_copy(bufo.at[0], res_hbm.at[pl.ds(0, CH)], semo[0]).wait()
    pltpu.make_async_copy(bufo.at[1], res_hbm.at[pl.ds(0, CH)], semo[1]).wait()

    def lane_reduce():
        @plsc.parallel_loop(0, HB // 16, unroll=2)
        def _(i):
            rows = (i * 16 + iota16) * PAD
            acc = plsc.load_gather(hist, [rows])
            for l in range(1, 16):
                acc = acc + plsc.load_gather(hist, [rows + l])
            mred[pl.ds(i * 16, 16)] = acc

    def merge():
        pltpu.sync_copy(mred, sh_hist.at[tid])
        plsc.subcore_barrier()
        for half in range(2):
            pltpu.sync_copy(sh_hist.at[pl.ds(half * 8, 8)], mgbuf)

            @plsc.parallel_loop(0, HB // 16, unroll=2)
            def _(i):
                acc = mgbuf[0, pl.ds(i * 16, 16)]
                for u in range(1, 8):
                    acc = acc + mgbuf[u, pl.ds(i * 16, 16)]
                if half == 0:
                    macc[pl.ds(i * 16, 16)] = acc
                else:
                    plsc.addupdate(macc.at[pl.ds(i * 16, 16)], acc)
        plsc.subcore_barrier()

    lane_reduce()
    cnt_s = jnp.sum(cnt)
    mred[pl.ds(1024, 16)] = jnp.where(iota16 == 0, cnt_s, 0)
    merge()

    nvv = macc[pl.ds(1024, 16)]
    num_valid = nvv[0]
    nv4 = num_valid * 4
    q0 = (num_valid.astype(jnp.float32) * jnp.float32(0.8)).astype(jnp.int32)
    keep = jnp.int32(0)
    for d in range(-2, 3):
        cand = q0 + d
        ok = jnp.logical_and(cand >= 0, cand * 5 <= nv4)
        keep = jnp.where(ok, jnp.maximum(keep, cand), keep)

    def choose(k_res):
        def b1(i, carry):
            total, best = carry
            v = macc[pl.ds(i * 16, 16)]
            cum = plsc.cumsum(v) + total
            lanes = iota16 + i * 16
            cand = jnp.min(jnp.where(cum >= k_res, lanes, BIG))
            return jnp.max(cum), jnp.minimum(best, cand)

        _, best = lax.fori_loop(0, HB // 16, b1, (jnp.int32(0), BIG))

        def b2(i, acc):
            v = macc[pl.ds(i * 16, 16)]
            lanes = iota16 + i * 16
            return acc + jnp.sum(jnp.where(lanes < best, v, 0))

        below = lax.fori_loop(0, HB // 16, b2, jnp.int32(0))
        return best, k_res - below

    b1sel, k1 = choose(keep)

    def start_r(c, par):
        pltpu.async_copy(res_hbm.at[pl.ds(base + c * CH, CH)],
                         bufo.at[par], semi[par])

    def wait_r(c, par):
        pltpu.make_async_copy(res_hbm.at[pl.ds(base + c * CH, CH)],
                              bufo.at[par], semi[par]).wait()

    def scan(process, carry_init):
        start_r(0, 0)

        def body(j, carry):
            wait_r(2 * j, 0)
            start_r(2 * j + 1, 1)
            carry = process(0, carry)
            wait_r(2 * j + 1, 1)

            @pl.when(j < NCH // 2 - 1)
            def _():
                start_r(2 * j + 2, 0)

            return process(1, carry)

        return lax.fori_loop(0, NCH // 2, body, carry_init)

    def hist_pass(bucket_fn):
        @plsc.parallel_loop(0, HB * PAD // 16, unroll=8)
        def _(i):
            hist[pl.ds(i * 16, 16)] = zeros_i

        def process(b, carry):
            @plsc.parallel_loop(0, CH // 16, unroll=8)
            def _(i):
                v = bufo[b, pl.ds(i * 16, 16)]
                bits = plsc.bitcast(v, jnp.int32)
                bk, match = bucket_fn(bits)
                idx = bk * PAD + iota16
                plsc.addupdate_scatter(hist, [idx], ones_i, mask=match)
            return carry

        scan(process, 0)
        lane_reduce()
        merge()

    hist_pass(lambda bits: (
        jnp.bitwise_and(lax.shift_right_logical(bits, 10), jnp.int32(0x7FF)),
        lax.shift_right_logical(bits, 21) == b1sel))
    b2sel, k2 = choose(k1)
    p2 = jnp.bitwise_or(lax.shift_left(b1sel, 11), b2sel)

    hist_pass(lambda bits: (
        jnp.bitwise_and(bits, jnp.int32(0x3FF)),
        lax.shift_right_logical(bits, 10) == p2))
    b3sel, _ = choose(k2)
    vbits = jnp.bitwise_or(lax.shift_left(p2, 10), b3sel)
    vcv = plsc.bitcast(jnp.full((16,), vbits, jnp.int32), jnp.float32)

    def process4(b, carry):
        @plsc.parallel_loop(0, CH // 16, 8, carry=carry)
        def out(i, c):
            sumv, cntv = c
            sv, cv = [], []
            for u in range(8):
                v = bufo[b, pl.ds((i + u) * 16, 16)]
                m = v < vcv
                sv.append(jnp.where(m, v, jnp.float32(0.0)))
                cv.append(jnp.where(m, 1, 0))
            while len(sv) > 1:
                sv = [a + b2 for a, b2 in zip(sv[::2], sv[1::2])]
                cv = [a + b2 for a, b2 in zip(cv[::2], cv[1::2])]
            return sumv + sv[0], cntv + cv[0]
        return out

    sumv, cntv = scan(process4,
                      (jnp.zeros((16,), jnp.float32), jnp.zeros((16,), jnp.int32)))

    sl = jnp.sum(sumv)
    cl = jnp.sum(cntv).astype(jnp.float32)
    pv = (jnp.where(iota16 == 0, sl, jnp.float32(0.0))
          + jnp.where(iota16 == 1, cl, jnp.float32(0.0)))
    mred[pl.ds(0, 16)] = plsc.bitcast(pv, jnp.int32)
    pltpu.sync_copy(mred, sh_hist.at[tid])
    plsc.subcore_barrier()

    @pl.when(tid == 0)
    def _():
        pltpu.sync_copy(sh_hist.at[pl.ds(0, 8)], mgbuf)
        tot = jnp.zeros((16,), jnp.float32)
        for u in range(8):
            tot = tot + plsc.bitcast(mgbuf[u, pl.ds(0, 16)], jnp.float32)
        pltpu.sync_copy(sh_hist.at[pl.ds(8, 8)], mgbuf)
        for u in range(8):
            tot = tot + plsc.bitcast(mgbuf[u, pl.ds(0, 16)], jnp.float32)
        sum_less = jnp.full((16,), tot[0], jnp.float32)
        cnt_less = jnp.full((16,), tot[1], jnp.float32)
        kf = jnp.full((16,), keep.astype(jnp.float32), jnp.float32)
        trimmed = sum_less + (kf - cnt_less) * vcv
        nvf = jnp.full((16,), num_valid.astype(jnp.float32), jnp.float32)
        divisor = jnp.maximum(nvf, jnp.float32(1.0))
        result = jnp.where(keep > 0, trimmed / divisor,
                           jnp.zeros((16,), jnp.float32))
        outv[...] = result
        pltpu.sync_copy(outv, out_hbm)


@jax.jit
def kernel(prediction, target, mask):
    p = prediction.reshape(ROWS, COLS)
    t = target.reshape(ROWS, COLS)
    mf = mask.astype(jnp.float32).reshape(ROWS, COLS)

    sc = pl.kernel(
        _sc_select,
        out_type=(jax.ShapeDtypeStruct((16,), jnp.float32),
                  jax.ShapeDtypeStruct((N,), jnp.float32)),
        mesh=plsc.VectorSubcoreMesh(core_axis_name="c", subcore_axis_name="s",
                                    num_cores=1),
        compiler_params=pltpu.CompilerParams(needs_layout_passes=False),
        scratch_types=[
            pltpu.VMEM((2 * CROWS, COLS), jnp.float32),
            pltpu.VMEM((2 * CROWS, COLS), jnp.float32),
            pltpu.VMEM((2 * CROWS, COLS), jnp.float32),
            pltpu.VMEM((2, CH), jnp.float32),
            pltpu.VMEM((HB * PAD,), jnp.int32),
            pltpu.VMEM((HB,), jnp.int32),
            pltpu.VMEM((8, HB), jnp.int32),
            pltpu.VMEM((HB,), jnp.int32),
            pltpu.VMEM((16,), jnp.float32),
            pltpu.VMEM_SHARED((NT, HB), jnp.int32),
            pltpu.SemaphoreType.DMA,
            pltpu.SemaphoreType.DMA,
            pltpu.SemaphoreType.DMA,
            pltpu.SemaphoreType.DMA,
        ],
    )
    out16, _ = sc(p, t, mf)
    return out16[0]

# --- scband reference (transcript-rebuilt; emitter-appended) ---
"""Pipeline reference for scband-trimmed-maeloss-8229157339180 (READ-ONLY COPY).

The authoritative reference and input builder live on the scoring server;
editing this copy changes nothing except your own understanding.
"""

import jax, jax.numpy as jnp
import numpy as np

TRIM = 0.2
B, H, W = 32, 512, 512


def setup_inputs(seed: int = 0) -> dict:
    key = jax.random.key(seed)
    k1, k2, k3 = jax.random.split(key, 3)
    prediction = jax.random.normal(k1, (B, H, W), dtype=jnp.float32)
    target = jax.random.normal(k2, (B, H, W), dtype=jnp.float32)
    mask = jax.random.randint(k3, (B, H, W), 0, 2).astype(bool)
    return {"prediction": prediction, "target": target, "mask": mask}


def reference(prediction, target, mask):
    mask_b = mask.astype(bool)
    # number of valid pixels (traced scalar; kept as an array under jit)
    num_valid = jnp.sum(mask_b.astype(jnp.int32))
    # residuals; masked-out entries pushed to the end of the ascending sort
    res = jnp.abs(prediction - target)
    res_masked = jnp.where(mask_b, res, jnp.float32(1e30))
    sorted_res = jnp.sort(res_masked.reshape(-1))
    keep_num = (num_valid * 4) // 5
    keep_mask = jnp.arange(sorted_res.shape[0], dtype=keep_num.dtype) < keep_num
    trimmed_sum = jnp.sum(jnp.where(keep_mask, sorted_res, jnp.float32(0.0)))
    # batch-based reduction: sum(trimmed) / sum(M), M = per-image mask counts
    divisor = jnp.sum(mask_b.astype(jnp.float32))
    safe_divisor = jnp.where(divisor > 0, divisor, jnp.float32(1.0))
    zero_out = jnp.sum(prediction) * 0.0
    return jnp.where(keep_num > 0, trimmed_sum / safe_divisor, zero_out)

if __name__ == "__main__":
    import jax
    _d = setup_inputs()
    print(jax.jit(kernel)(*tuple(_d.values())))

</pallas_src>

<mosaic_0001>
#map = affine_map<(d0, d1) -> (0, 0)>
#map1 = affine_map<(d0, d1) -> (0)>
module attributes {stable_mosaic.version = 14 : i64} {
  func.func @_sc_select(%arg0: i32, %arg1: i32, %arg2: memref<16384x512xf32, #tpu.memory_space<hbm>>, %arg3: memref<16384x512xf32, #tpu.memory_space<hbm>>, %arg4: memref<16384x512xf32, #tpu.memory_space<hbm>>, %arg5: memref<16xf32, #tpu.memory_space<hbm>>, %arg6: memref<8388608xf32, #tpu.memory_space<hbm>>, %arg7: memref<32x512xf32, #tpu.memory_space<vmem>>, %arg8: memref<32x512xf32, #tpu.memory_space<vmem>>, %arg9: memref<32x512xf32, #tpu.memory_space<vmem>>, %arg10: memref<2x8192xf32, #tpu.memory_space<vmem>>, %arg11: memref<34816xi32, #tpu.memory_space<vmem>>, %arg12: memref<2048xi32, #tpu.memory_space<vmem>>, %arg13: memref<8x2048xi32, #tpu.memory_space<vmem>>, %arg14: memref<2048xi32, #tpu.memory_space<vmem>>, %arg15: memref<16xf32, #tpu.memory_space<vmem>>, %arg16: memref<16x2048xi32, #tpu.memory_space<vmem_shared>>, %arg17: memref<!tpu.dma_semaphore, #tpu.memory_space<semaphore_mem>>, %arg18: memref<!tpu.dma_semaphore, #tpu.memory_space<semaphore_mem>>, %arg19: memref<!tpu.dma_semaphore, #tpu.memory_space<semaphore_mem>>, %arg20: memref<!tpu.dma_semaphore, #tpu.memory_space<semaphore_mem>>) attributes {dimension_semantics = [#tpu.dimension_semantics<core_parallel>, #tpu.dimension_semantics<subcore_parallel>], iteration_bounds = array<i64: 1, 16>, scalar_prefetch = 0 : i64, scratch_operands = 14 : i64, tpu.core_type = #tpu.core_type<sc_vector_subcore>, window_params = [{transform_indices = #map}, {transform_indices = #map}, {transform_indices = #map}, {transform_indices = #map1}, {transform_indices = #map1}]} {
    %mul3A = arith.constant 524288 : i32
    %mul3A_0 = arith.muli %arg1, %mul3A : i32
    %mul3A_1 = arith.constant 1024 : i32
    %mul3A_2 = arith.muli %arg1, %mul3A_1 : i32
    %iota3A = tpu.iota {dimensions = array<i32: 0>} : vector<16xi32>
    %broadcast_in_dim3A = arith.constant 1 : i32
    %broadcast_in_dim3A_3 = vector.broadcast %broadcast_in_dim3A : i32 to vector<16xi32>
    %broadcast_in_dim3A_4 = arith.constant 0 : i32
    %broadcast_in_dim3A_5 = vector.broadcast %broadcast_in_dim3A_4 : i32 to vector<16xi32>
    %parallel_loop3A = arith.constant 0 : i32
    %parallel_loop3A_6 = arith.constant 2176 : i32
    %parallel_loop3A_7 = arith.constant 1 : i32
    scf.for %parallel_loop3A_305 = %parallel_loop3A to %parallel_loop3A_6 step %parallel_loop3A_7  : i32 {
      %parallel_loop3A_306 = arith.constant 16 : i32
      %parallel_loop3A_307 = arith.muli %parallel_loop3A_305, %parallel_loop3A_306 : i32
      %parallel_loop3A_308 = arith.index_cast %parallel_loop3A_307 : i32 to index
      %parallel_loop3A_309 = tpu.vector_load %arg11[%parallel_loop3A_308] {strides = array<i32>} : memref<34816xi32, #tpu.memory_space<vmem>>, vector<16xi32>,
      tpu.vector_store %arg11[%parallel_loop3A_308], %broadcast_in_dim3A_5 {strides = array<i32>} : memref<34816xi32, #tpu.memory_space<vmem>>, vector<16xi32>,
    } {sc.loop_unroll_factor = 8 : i64, sc.parallel_access}
    %add3A = arith.constant 0 : i32
    %add3A_8 = arith.addi %mul3A_2, %add3A : i32
    %dma_start3A = arith.constant 0 : i32
    %dma_start3A_9 = arith.constant 0 : i32
    %dma_start3A_10 = tpu.memref_slice %arg7[%dma_start3A, %dma_start3A_9] : memref<32x512xf32, #tpu.memory_space<vmem>> -> memref<16x512xf32, #tpu.memory_space<vmem>>
    %dma_start3A_11 = arith.constant 0 : i32
    %dma_start3A_12 = tpu.memref_slice %arg2[%add3A_8, %dma_start3A_11] : memref<16384x512xf32, #tpu.memory_space<hbm>> -> memref<16x512xf32, #tpu.memory_space<hbm>>
    %dma_start3A_13 = arith.constant 0 : i32
    %dma_start3A_14 = arith.constant 0 : i32
    %dma_start3A_15 = tpu.memref_slice %arg7[%dma_start3A_13, %dma_start3A_14] : memref<32x512xf32, #tpu.memory_space<vmem>> -> memref<16x512xf32, #tpu.memory_space<vmem>>
    %dma_start3A_16 = arith.constant 0 : i32
    %dma_start3A_17 = tpu.memref_slice %arg2[%add3A_8, %dma_start3A_16] : memref<16384x512xf32, #tpu.memory_space<hbm>> -> memref<16x512xf32, #tpu.memory_space<hbm>>
    tpu.enqueue_dma source(%dma_start3A_17 : memref<16x512xf32, #tpu.memory_space<hbm>>) target(%dma_start3A_15 : memref<16x512xf32, #tpu.memory_space<vmem>>) target_semaphore(%arg17 : memref<!tpu.dma_semaphore, #tpu.memory_space<semaphore_mem>>)
    %dma_start3A_18 = arith.constant 0 : i32
    %dma_start3A_19 = arith.constant 0 : i32
    %dma_start3A_20 = tpu.memref_slice %arg8[%dma_start3A_18, %dma_start3A_19] : memref<32x512xf32, #tpu.memory_space<vmem>> -> memref<16x512xf32, #tpu.memory_space<vmem>>
    %dma_start3A_21 = arith.constant 0 : i32
    %dma_start3A_22 = tpu.memref_slice %arg3[%add3A_8, %dma_start3A_21] : memref<16384x512xf32, #tpu.memory_space<hbm>> -> memref<16x512xf32, #tpu.memory_space<hbm>>
    %dma_start3A_23 = arith.constant 0 : i32
    %dma_start3A_24 = arith.constant 0 : i32
    %dma_start3A_25 = tpu.memref_slice %arg8[%dma_start3A_23, %dma_start3A_24] : memref<32x512xf32, #tpu.memory_space<vmem>> -> memref<16x512xf32, #tpu.memory_space<vmem>>
    %dma_start3A_26 = arith.constant 0 : i32
    %dma_start3A_27 = tpu.memref_slice %arg3[%add3A_8, %dma_start3A_26] : memref<16384x512xf32, #tpu.memory_space<hbm>> -> memref<16x512xf32, #tpu.memory_space<hbm>>
    tpu.enqueue_dma source(%dma_start3A_27 : memref<16x512xf32, #tpu.memory_space<hbm>>) target(%dma_start3A_25 : memref<16x512xf32, #tpu.memory_space<vmem>>) target_semaphore(%arg17 : memref<!tpu.dma_semaphore, #tpu.memory_space<semaphore_mem>>)
    %dma_start3A_28 = arith.constant 0 : i32
    %dma_start3A_29 = arith.constant 0 : i32
    %dma_start3A_30 = tpu.memref_slice %arg9[%dma_start3A_28, %dma_start3A_29] : memref<32x512xf32, #tpu.memory_space<vmem>> -> memref<16x512xf32, #tpu.memory_space<vmem>>
    %dma_start3A_31 = arith.constant 0 : i32
    %dma_start3A_32 = tpu.memref_slice %arg4[%add3A_8, %dma_start3A_31] : memref<16384x512xf32, #tpu.memory_space<hbm>> -> memref<16x512xf32, #tpu.memory_space<hbm>>
    %dma_start3A_33 = arith.constant 0 : i32
    %dma_start3A_34 = arith.constant 0 : i32
    %dma_start3A_35 = tpu.memref_slice %arg9[%dma_start3A_33, %dma_start3A_34] : memref<32x512xf32, #tpu.memory_space<vmem>> -> memref<16x512xf32, #tpu.memory_space<vmem>>
    %dma_start3A_36 = arith.constant 0 : i32
    %dma_start3A_37 = tpu.memref_slice %arg4[%add3A_8, %dma_start3A_36] : memref<16384x512xf32, #tpu.memory_space<hbm>> -> memref<16x512xf32, #tpu.memory_space<hbm>>
    tpu.enqueue_dma source(%dma_start3A_37 : memref<16x512xf32, #tpu.memory_space<hbm>>) target(%dma_start3A_35 : memref<16x512xf32, #tpu.memory_space<vmem>>) target_semaphore(%arg17 : memref<!tpu.dma_semaphore, #tpu.memory_space<semaphore_mem>>)
    %broadcast_in_dim3A_38 = arith.constant 0 : i32
    %broadcast_in_dim3A_39 = vector.broadcast %broadcast_in_dim3A_38 : i32 to vector<16xi32>
    %scan3A = arith.constant 0 : i32
    %scan3A_40 = arith.constant 32 : i32
    %scan3A_41 = arith.addi %scan3A, %scan3A_40 : i32
    %scan3A_42 = arith.constant 1 : i32
    %scan3A_43 = scf.for %scan3A_305 = %scan3A to %scan3A_41 step %scan3A_42 iter_args(%scan3A_306 = %broadcast_in_dim3A_39) -> (vector<16xi32>)  : i32 {
      %mul3A_307 = arith.constant 2 : i32
      %mul3A_308 = arith.muli %mul3A_307, %scan3A_305 : i32
      %mul3A_309 = arith.constant 16 : i32
      %mul3A_310 = arith.muli %mul3A_308, %mul3A_309 : i32
      %add3A_311 = arith.addi %mul3A_2, %mul3A_310 : i32
      %dma_wait3A_312 = arith.constant 0 : i32
      %dma_wait3A_313 = arith.constant 0 : i32
      %dma_wait3A_314 = tpu.memref_slice %arg7[%dma_wait3A_312, %dma_wait3A_313] : memref<32x512xf32, #tpu.memory_space<vmem>> -> memref<16x512xf32, #tpu.memory_space<vmem>>
      %dma_wait3A_315 = arith.constant 0 : i32
      %dma_wait3A_316 = tpu.memref_slice %arg2[%add3A_311, %dma_wait3A_315] : memref<16384x512xf32, #tpu.memory_space<hbm>> -> memref<16x512xf32, #tpu.memory_space<hbm>>
      %dma_wait3A_317 = arith.constant 0 : i32
      %dma_wait3A_318 = arith.constant 0 : i32
      %dma_wait3A_319 = tpu.memref_slice %arg7[%dma_wait3A_317, %dma_wait3A_318] : memref<32x512xf32, #tpu.memory_space<vmem>> -> memref<16x512xf32, #tpu.memory_space<vmem>>
      %dma_wait3A_320 = arith.constant 0 : i32
      %dma_wait3A_321 = tpu.memref_slice %arg2[%add3A_311, %dma_wait3A_320] : memref<16384x512xf32, #tpu.memory_space<hbm>> -> memref<16x512xf32, #tpu.memory_space<hbm>>
      tpu.wait_dma2 semaphore(%arg17 : memref<!tpu.dma_semaphore, #tpu.memory_space<semaphore_mem>>) src(%dma_wait3A_321 : memref<16x512xf32, #tpu.memory_space<hbm>>) dst(%dma_wait3A_319 : memref<16x512xf32, #tpu.memory_space<vmem>>)
      %dma_wait3A_322 = arith.constant 0 : i32
      %dma_wait3A_323 = arith.constant 0 : i32
      %dma_wait3A_324 = tpu.memref_slice %arg8[%dma_wait3A_322, %dma_wait3A_323] : memref<32x512xf32, #tpu.memory_space<vmem>> -> memref<16x512xf32, #tpu.memory_space<vmem>>
      %dma_wait3A_325 = arith.constant 0 : i32
      %dma_wait3A_326 = tpu.memref_slice %arg3[%add3A_311, %dma_wait3A_325] : memref<16384x512xf32, #tpu.memory_space<hbm>> -> memref<16x512xf32, #tpu.memory_space<hbm>>
      %dma_wait3A_327 = arith.constant 0 : i32
      %dma_wait3A_328 = arith.constant 0 : i32
      %dma_wait3A_329 = tpu.memref_slice %arg8[%dma_wait3A_327, %dma_wait3A_328] : memref<32x512xf32, #tpu.memory_space<vmem>> -> memref<16x512xf32, #tpu.memory_space<vmem>>
      %dma_wait3A_330 = arith.constant 0 : i32
      %dma_wait3A_331 = tpu.memref_slice %arg3[%add3A_311, %dma_wait3A_330] : memref<16384x512xf32, #tpu.memory_space<hbm>> -> memref<16x512xf32, #tpu.memory_space<hbm>>
      tpu.wait_dma2 semaphore(%arg17 : memref<!tpu.dma_semaphore, #tpu.memory_space<semaphore_mem>>) src(%dma_wait3A_331 : memref<16x512xf32, #tpu.memory_space<hbm>>) dst(%dma_wait3A_329 : memref<16x512xf32, #tpu.memory_space<vmem>>)
      %dma_wait3A_332 = arith.constant 0 : i32
      %dma_wait3A_333 = arith.constant 0 : i32
      %dma_wait3A_334 = tpu.memref_slice %arg9[%dma_wait3A_332, %dma_wait3A_333] : memref<32x512xf32, #tpu.memory_space<vmem>> -> memref<16x512xf32, #tpu.memory_space<vmem>>
      %dma_wait3A_335 = arith.constant 0 : i32
      %dma_wait3A_336 = tpu.memref_slice %arg4[%add3A_311, %dma_wait3A_335] : memref<16384x512xf32, #tpu.memory_space<hbm>> -> memref<16x512xf32, #tpu.memory_space<hbm>>
      %dma_wait3A_337 = arith.constant 0 : i32
      %dma_wait3A_338 = arith.constant 0 : i32
      %dma_wait3A_339 = tpu.memref_slice %arg9[%dma_wait3A_337, %dma_wait3A_338] : memref<32x512xf32, #tpu.memory_space<vmem>> -> memref<16x512xf32, #tpu.memory_space<vmem>>
      %dma_wait3A_340 = arith.constant 0 : i32
      %dma_wait3A_341 = tpu.memref_slice %arg4[%add3A_311, %dma_wait3A_340] : memref<16384x512xf32, #tpu.memory_space<hbm>> -> memref<16x512xf32, #tpu.memory_space<hbm>>
      tpu.wait_dma2 semaphore(%arg17 : memref<!tpu.dma_semaphore, #tpu.memory_space<semaphore_mem>>) src(%dma_wait3A_341 : memref<16x512xf32, #tpu.memory_space<hbm>>) dst(%dma_wait3A_339 : memref<16x512xf32, #tpu.memory_space<vmem>>)
      %add3A_342 = arith.constant 1 : i32
      %add3A_343 = arith.addi %mul3A_308, %add3A_342 : i32
      %mul3A_344 = arith.constant 16 : i32
      %mul3A_345 = arith.muli %add3A_343, %mul3A_344 : i32
      %add3A_346 = arith.addi %mul3A_2, %mul3A_345 : i32
      %dma_start3A_347 = arith.constant 16 : i32
      %dma_start3A_348 = arith.constant 0 : i32
      %dma_start3A_349 = tpu.memref_slice %arg7[%dma_start3A_347, %dma_start3A_348] : memref<32x512xf32, #tpu.memory_space<vmem>> -> memref<16x512xf32, #tpu.memory_space<vmem>>
      %dma_start3A_350 = arith.constant 0 : i32
      %dma_start3A_351 = tpu.memref_slice %arg2[%add3A_346, %dma_start3A_350] : memref<16384x512xf32, #tpu.memory_space<hbm>> -> memref<16x512xf32, #tpu.memory_space<hbm>>
      %dma_start3A_352 = arith.constant 16 : i32
      %dma_start3A_353 = arith.constant 0 : i32
      %dma_start3A_354 = tpu.memref_slice %arg7[%dma_start3A_352, %dma_start3A_353] : memref<32x512xf32, #tpu.memory_space<vmem>> -> memref<16x512xf32, #tpu.memory_space<vmem>>
      %dma_start3A_355 = arith.constant 0 : i32
      %dma_start3A_356 = tpu.memref_slice %arg2[%add3A_346, %dma_start3A_355] : memref<16384x512xf32, #tpu.memory_space<hbm>> -> memref<16x512xf32, #tpu.memory_space<hbm>>
      tpu.enqueue_dma source(%dma_start3A_356 : memref<16x512xf32, #tpu.memory_space<hbm>>) target(%dma_start3A_354 : memref<16x512xf32, #tpu.memory_space<vmem>>) target_semaphore(%arg18 : memref<!tpu.dma_semaphore, #tpu.memory_space<semaphore_mem>>)
      %dma_start3A_357 = arith.constant 16 : i32
      %dma_start3A_358 = arith.constant 0 : i32
      %dma_start3A_359 = tpu.memref_slice %arg8[%dma_start3A_357, %dma_start3A_358] : memref<32x512xf32, #tpu.memory_space<vmem>> -> memref<16x512xf32, #tpu.memory_space<vmem>>
      %dma_start3A_360 = arith.constant 0 : i32
      %dma_start3A_361 = tpu.memref_slice %arg3[%add3A_346, %dma_start3A_360] : memref<16384x512xf32, #tpu.memory_space<hbm>> -> memref<16x512xf32, #tpu.memory_space<hbm>>
      %dma_start3A_362 = arith.constant 16 : i32
      %dma_start3A_363 = arith.constant 0 : i32
      %dma_start3A_364 = tpu.memref_slice %arg8[%dma_start3A_362, %dma_start3A_363] : memref<32x512xf32, #tpu.memory_space<vmem>> -> memref<16x512xf32, #tpu.memory_space<vmem>>
      %dma_start3A_365 = arith.constant 0 : i32
      %dma_start3A_366 = tpu.memref_slice %arg3[%add3A_346, %dma_start3A_365] : memref<16384x512xf32, #tpu.memory_space<hbm>> -> memref<16x512xf32, #tpu.memory_space<hbm>>
      tpu.enqueue_dma source(%dma_start3A_366 : memref<16x512xf32, #tpu.memory_space<hbm>>) target(%dma_start3A_364 : memref<16x512xf32, #tpu.memory_space<vmem>>) target_semaphore(%arg18 : memref<!tpu.dma_semaphore, #tpu.memory_space<semaphore_mem>>)
      %dma_start3A_367 = arith.constant 16 : i32
      %dma_start3A_368 = arith.constant 0 : i32
      %dma_start3A_369 = tpu.memref_slice %arg9[%dma_start3A_367, %dma_start3A_368] : memref<32x512xf32, #tpu.memory_space<vmem>> -> memref<16x512xf32, #tpu.memory_space<vmem>>
      %dma_start3A_370 = arith.constant 0 : i32
      %dma_start3A_371 = tpu.memref_slice %arg4[%add3A_346, %dma_start3A_370] : memref<16384x512xf32, #tpu.memory_space<hbm>> -> memref<16x512xf32, #tpu.memory_space<hbm>>
      %dma_start3A_372 = arith.constant 16 : i32
      %dma_start3A_373 = arith.constant 0 : i32
      %dma_start3A_374 = tpu.memref_slice %arg9[%dma_start3A_372, %dma_start3A_373] : memref<32x512xf32, #tpu.memory_space<vmem>> -> memref<16x512xf32, #tpu.memory_space<vmem>>
      %dma_start3A_375 = arith.constant 0 : i32
      %dma_start3A_376 = tpu.memref_slice %arg4[%add3A_346, %dma_start3A_375] : memref<16384x512xf32, #tpu.memory_space<hbm>> -> memref<16x512xf32, #tpu.memory_space<hbm>>
      tpu.enqueue_dma source(%dma_start3A_376 : memref<16x512xf32, #tpu.memory_space<hbm>>) target(%dma_start3A_374 : memref<16x512xf32, #tpu.memory_space<vmem>>) target_semaphore(%arg18 : memref<!tpu.dma_semaphore, #tpu.memory_space<semaphore_mem>>)
      %parallel_loop3A_377 = arith.constant 0 : i32
      %parallel_loop3A_378 = arith.constant 512 : i32
      %parallel_loop3A_379 = arith.constant 4 : i32
      %parallel_loop3A_380 = scf.for %parallel_loop3A_462 = %parallel_loop3A_377 to %parallel_loop3A_378 step %parallel_loop3A_379 iter_args(%parallel_loop3A_463 = %scan3A_306) -> (vector<16xi32>)  : i32 {
        %parallel_loop3A_464 = arith.constant 0 : i32
        %parallel_loop3A_465 = arith.addi %parallel_loop3A_462, %parallel_loop3A_464 : i32
        %parallel_loop3A_466 = arith.constant 5 : i32
        %parallel_loop3A_467 = arith.shrui %parallel_loop3A_465, %parallel_loop3A_466 : i32
        %parallel_loop3A_468 = arith.constant 0 : i32
        %parallel_loop3A_469 = arith.addi %parallel_loop3A_468, %parallel_loop3A_467 : i32
        %parallel_loop3A_470 = arith.constant 31 : i32
        %parallel_loop3A_471 = arith.andi %parallel_loop3A_465, %parallel_loop3A_470 : i32
        %parallel_loop3A_472 = arith.constant 4 : i32
        %parallel_loop3A_473 = arith.shli %parallel_loop3A_471, %parallel_loop3A_472 : i32
        %parallel_loop3A_474 = arith.index_cast %parallel_loop3A_469 : i32 to index
        %parallel_loop3A_475 = arith.index_cast %parallel_loop3A_473 : i32 to index
        %parallel_loop3A_476 = tpu.vector_load %arg7[%parallel_loop3A_474, %parallel_loop3A_475] {strides = array<i32>} : memref<32x512xf32, #tpu.memory_space<vmem>>, vector<16xf32>,
        %parallel_loop3A_477 = arith.index_cast %parallel_loop3A_469 : i32 to index
        %parallel_loop3A_478 = arith.index_cast %parallel_loop3A_473 : i32 to index
        %parallel_loop3A_479 = tpu.vector_load %arg8[%parallel_loop3A_477, %parallel_loop3A_478] {strides = array<i32>} : memref<32x512xf32, #tpu.memory_space<vmem>>, vector<16xf32>,
        %parallel_loop3A_480 = arith.index_cast %parallel_loop3A_469 : i32 to index
        %parallel_loop3A_481 = arith.index_cast %parallel_loop3A_473 : i32 to index
        %parallel_loop3A_482 = tpu.vector_load %arg9[%parallel_loop3A_480, %parallel_loop3A_481] {strides = array<i32>} : memref<32x512xf32, #tpu.memory_space<vmem>>, vector<16xf32>,
        %parallel_loop3A_483 = arith.constant 5.000000e-01 : f32
        %parallel_loop3A_484 = vector.broadcast %parallel_loop3A_483 : f32 to vector<16xf32>
        %parallel_loop3A_485 = arith.cmpf ogt, %parallel_loop3A_482, %parallel_loop3A_484 : vector<16xf32>
        %parallel_loop3A_486 = arith.subf %parallel_loop3A_476, %parallel_loop3A_479 : vector<16xf32>
        %parallel_loop3A_487 = math.absf %parallel_loop3A_486 : vector<16xf32>
        %parallel_loop3A_488 = arith.constant 1.000000e+30 : f32
        %parallel_loop3A_489 = vector.broadcast %parallel_loop3A_488 : f32 to vector<16xf32>
        %parallel_loop3A_490 = arith.select %parallel_loop3A_485, %parallel_loop3A_487, %parallel_loop3A_489 : vector<16xi1>, vector<16xf32>
        %parallel_loop3A_491 = arith.constant 16 : i32
        %parallel_loop3A_492 = arith.muli %parallel_loop3A_465, %parallel_loop3A_491 : i32
        %parallel_loop3A_493 = arith.constant 0 : i32
        %parallel_loop3A_494 = arith.index_cast %parallel_loop3A_493 : i32 to index
        %parallel_loop3A_495 = arith.index_cast %parallel_loop3A_492 : i32 to index
        %parallel_loop3A_496 = tpu.vector_load %arg10[%parallel_loop3A_494, %parallel_loop3A_495] {strides = array<i32>} : memref<2x8192xf32, #tpu.memory_space<vmem>>, vector<16xf32>,
        tpu.vector_store %arg10[%parallel_loop3A_494, %parallel_loop3A_495], %parallel_loop3A_490 {strides = array<i32>} : memref<2x8192xf32, #tpu.memory_space<vmem>>, vector<16xf32>,
        %parallel_loop3A_497 = vector.bitcast %parallel_loop3A_490 : vector<16xf32> to vector<16xi32>
        %parallel_loop3A_498 = arith.constant 21 : i32
        %parallel_loop3A_499 = vector.broadcast %parallel_loop3A_498 : i32 to vector<16xi32>
        %parallel_loop3A_500 = arith.shrui %parallel_loop3A_497, %parallel_loop3A_499 : vector<16xi32>
        %parallel_loop3A_501 = arith.constant 17 : i32
        %parallel_loop3A_502 = vector.broadcast %parallel_loop3A_501 : i32 to vector<16xi32>
        %parallel_loop3A_503 = arith.muli %parallel_loop3A_500, %parallel_loop3A_502 : vector<16xi32>
        %parallel_loop3A_504 = arith.addi %parallel_loop3A_503, %iota3A : vector<16xi32>
        tpu.vector_store_idx %arg11[%parallel_loop3A_504], %broadcast_in_dim3A_3 {add = true} : memref<34816xi32, #tpu.memory_space<vmem>>[vector<16xi32>], vector<16xi32>,
        %parallel_loop3A_505 = arith.constant 1 : i32
        %parallel_loop3A_506 = arith.constant 0 : i32
        %parallel_loop3A_507 = vector.broadcast %parallel_loop3A_505 : i32 to vector<16xi32>
        %parallel_loop3A_508 = vector.broadcast %parallel_loop3A_506 : i32 to vector<16xi32>
        %parallel_loop3A_509 = arith.select %parallel_loop3A_485, %parallel_loop3A_507, %parallel_loop3A_508 : vector<16xi1>, vector<16xi32>
        %parallel_loop3A_510 = arith.constant 1 : i32
        %parallel_loop3A_511 = arith.addi %parallel_loop3A_462, %parallel_loop3A_510 : i32
        %parallel_loop3A_512 = arith.constant 5 : i32
        %parallel_loop3A_513 = arith.shrui %parallel_loop3A_511, %parallel_loop3A_512 : i32
        %parallel_loop3A_514 = arith.constant 0 : i32
        %parallel_loop3A_515 = arith.addi %parallel_loop3A_514, %parallel_loop3A_513 : i32
        %parallel_loop3A_516 = arith.constant 31 : i32
        %parallel_loop3A_517 = arith.andi %parallel_loop3A_511, %parallel_loop3A_516 : i32
        %parallel_loop3A_518 = arith.constant 4 : i32
        %parallel_loop3A_519 = arith.shli %parallel_loop3A_517, %parallel_loop3A_518 : i32
        %parallel_loop3A_520 = arith.index_cast %parallel_loop3A_515 : i32 to index
        %parallel_loop3A_521 = arith.index_cast %parallel_loop3A_519 : i32 to index
        %parallel_loop3A_522 = tpu.vector_load %arg7[%parallel_loop3A_520, %parallel_loop3A_521] {strides = array<i32>} : memref<32x512xf32, #tpu.memory_space<vmem>>, vector<16xf32>,
        %parallel_loop3A_523 = arith.index_cast %parallel_loop3A_515 : i32 to index
        %parallel_loop3A_524 = arith.index_cast %parallel_loop3A_519 : i32 to index
        %parallel_loop3A_525 = tpu.vector_load %arg8[%parallel_loop3A_523, %parallel_loop3A_524] {strides = array<i32>} : memref<32x512xf32, #tpu.memory_space<vmem>>, vector<16xf32>,
        %parallel_loop3A_526 = arith.index_cast %parallel_loop3A_515 : i32 to index
        %parallel_loop3A_527 = arith.index_cast %parallel_loop3A_519 : i32 to index
        %parallel_loop3A_528 = tpu.vector_load %arg9[%parallel_loop3A_526, %parallel_loop3A_527] {strides = array<i32>} : memref<32x512xf32, #tpu.memory_space<vmem>>, vector<16xf32>,
        %parallel_loop3A_529 = arith.constant 5.000000e-01 : f32
        %parallel_loop3A_530 = vector.broadcast %parallel_loop3A_529 : f32 to vector<16xf32>
        %parallel_loop3A_531 = arith.cmpf ogt, %parallel_loop3A_528, %parallel_loop3A_530 : vector<16xf32>
        %parallel_loop3A_532 = arith.subf %parallel_loop3A_522, %parallel_loop3A_525 : vector<16xf32>
        %parallel_loop3A_533 = math.absf %parallel_loop3A_532 : vector<16xf32>
        %parallel_loop3A_534 = arith.constant 1.000000e+30 : f32
        %parallel_loop3A_535 = vector.broadcast %parallel_loop3A_534 : f32 to vector<16xf32>
        %parallel_loop3A_536 = arith.select %parallel_loop3A_531, %parallel_loop3A_533, %parallel_loop3A_535 : vector<16xi1>, vector<16xf32>
        %parallel_loop3A_537 = arith.constant 16 : i32
        %parallel_loop3A_538 = arith.muli %parallel_loop3A_511, %parallel_loop3A_537 : i32
        %parallel_loop3A_539 = arith.constant 0 : i32
        %parallel_loop3A_540 = arith.index_cast %parallel_loop3A_539 : i32 to index
        %parallel_loop3A_541 = arith.index_cast %parallel_loop3A_538 : i32 to index
        %parallel_loop3A_542 = tpu.vector_load %arg10[%parallel_loop3A_540, %parallel_loop3A_541] {strides = array<i32>} : memref<2x8192xf32, #tpu.memory_space<vmem>>, vector<16xf32>,
        tpu.vector_store %arg10[%parallel_loop3A_540, %parallel_loop3A_541], %parallel_loop3A_536 {strides = array<i32>} : memref<2x8192xf32, #tpu.memory_space<vmem>>, vector<16xf32>,
        %parallel_loop3A_543 = vector.bitcast %parallel_loop3A_536 : vector<16xf32> to vector<16xi32>
        %parallel_loop3A_544 = arith.constant 21 : i32
        %parallel_loop3A_545 = vector.broadcast %parallel_loop3A_544 : i32 to vector<16xi32>
        %parallel_loop3A_546 = arith.shrui %parallel_loop3A_543, %parallel_loop3A_545 : vector<16xi32>
        %parallel_loop3A_547 = arith.constant 17 : i32
        %parallel_loop3A_548 = vector.broadcast %parallel_loop3A_547 : i32 to vector<16xi32>
        %parallel_loop3A_549 = arith.muli %parallel_loop3A_546, %parallel_loop3A_548 : vector<16xi32>
        %parallel_loop3A_550 = arith.addi %parallel_loop3A_549, %iota3A : vector<16xi32>
        tpu.vector_store_idx %arg11[%parallel_loop3A_550], %broadcast_in_dim3A_3 {add = true} : memref<34816xi32, #tpu.memory_space<vmem>>[vector<16xi32>], vector<16xi32>,
        %parallel_loop3A_551 = arith.constant 1 : i32
        %parallel_loop3A_552 = arith.constant 0 : i32
        %parallel_loop3A_553 = vector.broadcast %parallel_loop3A_551 : i32 to vector<16xi32>
        %parallel_loop3A_554 = vector.broadcast %parallel_loop3A_552 : i32 to vector<16xi32>
        %parallel_loop3A_555 = arith.select %parallel_loop3A_531, %parallel_loop3A_553, %parallel_loop3A_554 : vector<16xi1>, vector<16xi32>
        %parallel_loop3A_556 = arith.constant 2 : i32
        %parallel_loop3A_557 = arith.addi %parallel_loop3A_462, %parallel_loop3A_556 : i32
        %parallel_loop3A_558 = arith.constant 5 : i32
        %parallel_loop3A_559 = arith.shrui %parallel_loop3A_557, %parallel_loop3A_558 : i32
        %parallel_loop3A_560 = arith.constant 0 : i32
        %parallel_loop3A_561 = arith.addi %parallel_loop3A_560, %parallel_loop3A_559 : i32
        %parallel_loop3A_562 = arith.constant 31 : i32
        %parallel_loop3A_563 = arith.andi %parallel_loop3A_557, %parallel_loop3A_562 : i32
        %parallel_loop3A_564 = arith.constant 4 : i32
        %parallel_loop3A_565 = arith.shli %parallel_loop3A_563, %parallel_loop3A_564 : i32
        %parallel_loop3A_566 = arith.index_cast %parallel_loop3A_561 : i32 to index
        %parallel_loop3A_567 = arith.index_cast %parallel_loop3A_565 : i32 to index
        %parallel_loop3A_568 = tpu.vector_load %arg7[%parallel_loop3A_566, %parallel_loop3A_567] {strides = array<i32>} : memref<32x512xf32, #tpu.memory_space<vmem>>, vector<16xf32>,
        %parallel_loop3A_569 = arith.index_cast %parallel_loop3A_561 : i32 to index
        %parallel_loop3A_570 = arith.index_cast %parallel_loop3A_565 : i32 to index
        %parallel_loop3A_571 = tpu.vector_load %arg8[%parallel_loop3A_569, %parallel_loop3A_570] {strides = array<i32>} : memref<32x512xf32, #tpu.memory_space<vmem>>, vector<16xf32>,
        %parallel_loop3A_572 = arith.index_cast %parallel_loop3A_561 : i32 to index
        %parallel_loop3A_573 = arith.index_cast %parallel_loop3A_565 : i32 to index
        %parallel_loop3A_574 = tpu.vector_load %arg9[%parallel_loop3A_572, %parallel_loop3A_573] {strides = array<i32>} : memref<32x512xf32, #tpu.memory_space<vmem>>, vector<16xf32>,
        %parallel_loop3A_575 = arith.constant 5.000000e-01 : f32
        %parallel_loop3A_576 = vector.broadcast %parallel_loop3A_575 : f32 to vector<16xf32>
        %parallel_loop3A_577 = arith.cmpf ogt, %parallel_loop3A_574, %parallel_loop3A_576 : vector<16xf32>
        %parallel_loop3A_578 = arith.subf %parallel_loop3A_568, %parallel_loop3A_571 : vector<16xf32>
        %parallel_loop3A_579 = math.absf %parallel_loop3A_578 : vector<16xf32>
        %parallel_loop3A_580 = arith.constant 1.000000e+30 : f32
        %parallel_loop3A_581 = vector.broadcast %parallel_loop3A_580 : f32 to vector<16xf32>
        %parallel_loop3A_582 = arith.select %parallel_loop3A_577, %parallel_loop3A_579, %parallel_loop3A_581 : vector<16xi1>, vector<16xf32>
        %parallel_loop3A_583 = arith.constant 16 : i32
        %parallel_loop3A_584 = arith.muli %parallel_loop3A_557, %parallel_loop3A_583 : i32
        %parallel_loop3A_585 = arith.constant 0 : i32
        %parallel_loop3A_586 = arith.index_cast %parallel_loop3A_585 : i32 to index
        %parallel_loop3A_587 = arith.index_cast %parallel_loop3A_584 : i32 to index
        %parallel_loop3A_588 = tpu.vector_load %arg10[%parallel_loop3A_586, %parallel_loop3A_587] {strides = array<i32>} : memref<2x8192xf32, #tpu.memory_space<vmem>>, vector<16xf32>,
        tpu.vector_store %arg10[%parallel_loop3A_586, %parallel_loop3A_587], %parallel_loop3A_582 {strides = array<i32>} : memref<2x8192xf32, #tpu.memory_space<vmem>>, vector<16xf32>,
        %parallel_loop3A_589 = vector.bitcast %parallel_loop3A_582 : vector<16xf32> to vector<16xi32>
        %parallel_loop3A_590 = arith.constant 21 : i32
        %parallel_loop3A_591 = vector.broadcast %parallel_loop3A_590 : i32 to vector<16xi32>
        %parallel_loop3A_592 = arith.shrui %parallel_loop3A_589, %parallel_loop3A_591 : vector<16xi32>
        %parallel_loop3A_593 = arith.constant 17 : i32
        %parallel_loop3A_594 = vector.broadcast %parallel_loop3A_593 : i32 to vector<16xi32>
        %parallel_loop3A_595 = arith.muli %parallel_loop3A_592, %parallel_loop3A_594 : vector<16xi32>
        %parallel_loop3A_596 = arith.addi %parallel_loop3A_595, %iota3A : vector<16xi32>
        tpu.vector_store_idx %arg11[%parallel_loop3A_596], %broadcast_in_dim3A_3 {add = true} : memref<34816xi32, #tpu.memory_space<vmem>>[vector<16xi32>], vector<16xi32>,
        %parallel_loop3A_597 = arith.constant 1 : i32
        %parallel_loop3A_598 = arith.constant 0 : i32
        %parallel_loop3A_599 = vector.broadcast %parallel_loop3A_597 : i32 to vector<16xi32>
        %parallel_loop3A_600 = vector.broadcast %parallel_loop3A_598 : i32 to vector<16xi32>
        %parallel_loop3A_601 = arith.select %parallel_loop3A_577, %parallel_loop3A_599, %parallel_loop3A_600 : vector<16xi1>, vector<16xi32>
        %parallel_loop3A_602 = arith.constant 3 : i32
        %parallel_loop3A_603 = arith.addi %parallel_loop3A_462, %parallel_loop3A_602 : i32
        %parallel_loop3A_604 = arith.constant 5 : i32
        %parallel_loop3A_605 = arith.shrui %parallel_loop3A_603, %parallel_loop3A_604 : i32
        %parallel_loop3A_606 = arith.constant 0 : i32
        %parallel_loop3A_607 = arith.addi %parallel_loop3A_606, %parallel_loop3A_605 : i32
        %parallel_loop3A_608 = arith.constant 31 : i32
        %parallel_loop3A_609 = arith.andi %parallel_loop3A_603, %parallel_loop3A_608 : i32
        %parallel_loop3A_610 = arith.constant 4 : i32
        %parallel_loop3A_611 = arith.shli %parallel_loop3A_609, %parallel_loop3A_610 : i32
        %parallel_loop3A_612 = arith.index_cast %parallel_loop3A_607 : i32 to index
        %parallel_loop3A_613 = arith.index_cast %parallel_loop3A_611 : i32 to index
        %parallel_loop3A_614 = tpu.vector_load %arg7[%parallel_loop3A_612, %parallel_loop3A_613] {strides = array<i32>} : memref<32x512xf32, #tpu.memory_space<vmem>>, vector<16xf32>,
        %parallel_loop3A_615 = arith.index_cast %parallel_loop3A_607 : i32 to index
        %parallel_loop3A_616 = arith.index_cast %parallel_loop3A_611 : i32 to index
        %parallel_loop3A_617 = tpu.vector_load %arg8[%parallel_loop3A_615, %parallel_loop3A_616] {strides = array<i32>} : memref<32x512xf32, #tpu.memory_space<vmem>>, vector<16xf32>,
        %parallel_loop3A_618 = arith.index_cast %parallel_loop3A_607 : i32 to index
        %parallel_loop3A_619 = arith.index_cast %parallel_loop3A_611 : i32 to index
        %parallel_loop3A_620 = tpu.vector_load %arg9[%parallel_loop3A_618, %parallel_loop3A_619] {strides = array<i32>} : memref<32x512xf32, #tpu.memory_space<vmem>>, vector<16xf32>,
        %parallel_loop3A_621 = arith.constant 5.000000e-01 : f32
        %parallel_loop3A_622 = vector.broadcast %parallel_loop3A_621 : f32 to vector<16xf32>
        %parallel_loop3A_623 = arith.cmpf ogt, %parallel_loop3A_620, %parallel_loop3A_622 : vector<16xf32>
        %parallel_loop3A_624 = arith.subf %parallel_loop3A_614, %parallel_loop3A_617 : vector<16xf32>
        %parallel_loop3A_625 = math.absf %parallel_loop3A_624 : vector<16xf32>
        %parallel_loop3A_626 = arith.constant 1.000000e+30 : f32
        %parallel_loop3A_627 = vector.broadcast %parallel_loop3A_626 : f32 to vector<16xf32>
        %parallel_loop3A_628 = arith.select %parallel_loop3A_623, %parallel_loop3A_625, %parallel_loop3A_627 : vector<16xi1>, vector<16xf32>
        %parallel_loop3A_629 = arith.constant 16 : i32
        %parallel_loop3A_630 = arith.muli %parallel_loop3A_603, %parallel_loop3A_629 : i32
        %parallel_loop3A_631 = arith.constant 0 : i32
        %parallel_loop3A_632 = arith.index_cast %parallel_loop3A_631 : i32 to index
        %parallel_loop3A_633 = arith.index_cast %parallel_loop3A_630 : i32 to index
        %parallel_loop3A_634 = tpu.vector_load %arg10[%parallel_loop3A_632, %parallel_loop3A_633] {strides = array<i32>} : memref<2x8192xf32, #tpu.memory_space<vmem>>, vector<16xf32>,
        tpu.vector_store %arg10[%parallel_loop3A_632, %parallel_loop3A_633], %parallel_loop3A_628 {strides = array<i32>} : memref<2x8192xf32, #tpu.memory_space<vmem>>, vector<16xf32>,
        %parallel_loop3A_635 = vector.bitcast %parallel_loop3A_628 : vector<16xf32> to vector<16xi32>
        %parallel_loop3A_636 = arith.constant 21 : i32
        %parallel_loop3A_637 = vector.broadcast %parallel_loop3A_636 : i32 to vector<16xi32>
        %parallel_loop3A_638 = arith.shrui %parallel_loop3A_635, %parallel_loop3A_637 : vector<16xi32>
        %parallel_loop3A_639 = arith.constant 17 : i32
        %parallel_loop3A_640 = vector.broadcast %parallel_loop3A_639 : i32 to vector<16xi32>
        %parallel_loop3A_641 = arith.muli %parallel_loop3A_638, %parallel_loop3A_640 : vector<16xi32>
        %parallel_loop3A_642 = arith.addi %parallel_loop3A_641, %iota3A : vector<16xi32>
        tpu.vector_store_idx %arg11[%parallel_loop3A_642], %broadcast_in_dim3A_3 {add = true} : memref<34816xi32, #tpu.memory_space<vmem>>[vector<16xi32>], vector<16xi32>,
        %parallel_loop3A_643 = arith.constant 1 : i32
        %parallel_loop3A_644 = arith.constant 0 : i32
        %parallel_loop3A_645 = vector.broadcast %parallel_loop3A_643 : i32 to vector<16xi32>
        %parallel_loop3A_646 = vector.broadcast %parallel_loop3A_644 : i32 to vector<16xi32>
        %parallel_loop3A_647 = arith.select %parallel_loop3A_623, %parallel_loop3A_645, %parallel_loop3A_646 : vector<16xi1>, vector<16xi32>
        %parallel_loop3A_648 = arith.addi %parallel_loop3A_509, %parallel_loop3A_555 : vector<16xi32>
        %parallel_loop3A_649 = arith.addi %parallel_loop3A_601, %parallel_loop3A_647 : vector<16xi32>
        %parallel_loop3A_650 = arith.addi %parallel_loop3A_648, %parallel_loop3A_649 : vector<16xi32>
        %parallel_loop3A_651 = arith.addi %parallel_loop3A_463, %parallel_loop3A_650 : vector<16xi32>
        scf.yield %parallel_loop3A_651 : vector<16xi32>
      } {sc.loop_unroll_factor = 1 : i64, sc.parallel_access}
      %ge3A_381 = arith.constant 1 : i32
      %ge3A_382 = arith.cmpi sge, %scan3A_305, %ge3A_381 : i32
      %convert_element_type3A_383 = arith.extui %ge3A_382 : i1 to i32
      %cond3A_384 = arith.constant 0 : i32
      %cond3A_385 = arith.cmpi ne, %convert_element_type3A_383, %cond3A_384 : i32
      scf.if %cond3A_385 {
        %dma_wait3A_462 = arith.constant 0 : i32
        %dma_wait3A_463 = arith.constant 0 : i32
        %dma_wait3A_464 = tpu.memref_slice %arg10[%dma_wait3A_462, %dma_wait3A_463] : memref<2x8192xf32, #tpu.memory_space<vmem>> -> memref<1x8192xf32, #tpu.memory_space<vmem>>
        %dma_wait3A_465 = tpu.memref_squeeze %dma_wait3A_464 : memref<1x8192xf32, #tpu.memory_space<vmem>> -> memref<8192xf32, #tpu.memory_space<vmem>>
        %dma_wait3A_466 = arith.constant 0 : i32
        %dma_wait3A_467 = tpu.memref_slice %arg6[%dma_wait3A_466] : memref<8388608xf32, #tpu.memory_space<hbm>> -> memref<8192xf32, #tpu.memory_space<hbm>>
        %dma_wait3A_468 = arith.constant 0 : i32
        %dma_wait3A_469 = tpu.memref_slice %arg6[%dma_wait3A_468] : memref<8388608xf32, #tpu.memory_space<hbm>> -> memref<8192xf32, #tpu.memory_space<hbm>>
        %dma_wait3A_470 = arith.constant 0 : i32
        %dma_wait3A_471 = tpu.memref_slice %arg10[%dma_wait3A_462, %dma_wait3A_470] : memref<2x8192xf32, #tpu.memory_space<vmem>> -> memref<1x8192xf32, #tpu.memory_space<vmem>>
        %dma_wait3A_472 = tpu.memref_squeeze %dma_wait3A_471 : memref<1x8192xf32, #tpu.memory_space<vmem>> -> memref<8192xf32, #tpu.memory_space<vmem>>
        tpu.wait_dma2 semaphore(%arg19 : memref<!tpu.dma_semaphore, #tpu.memory_space<semaphore_mem>>) src(%dma_wait3A_472 : memref<8192xf32, #tpu.memory_space<vmem>>) dst(%dma_wait3A_469 : memref<8192xf32, #tpu.memory_space<hbm>>)
      } else {
      }
      %mul3A_386 = arith.constant 8192 : i32
      %mul3A_387 = arith.muli %mul3A_308, %mul3A_386 : i32
      %add3A_388 = arith.addi %mul3A_0, %mul3A_387 : i32
      %dma_start3A_389 = arith.constant 0 : i32
      %dma_start3A_390 = arith.constant 0 : i32
      %dma_start3A_391 = tpu.memref_slice %arg10[%dma_start3A_389, %dma_start3A_390] : memref<2x8192xf32, #tpu.memory_space<vmem>> -> memref<1x8192xf32, #tpu.memory_space<vmem>>
      %dma_start3A_392 = tpu.memref_squeeze %dma_start3A_391 : memref<1x8192xf32, #tpu.memory_space<vmem>> -> memref<8192xf32, #tpu.memory_space<vmem>>
      %dma_start3A_393 = tpu.memref_slice %arg6[%add3A_388] : memref<8388608xf32, #tpu.memory_space<hbm>> -> memref<8192xf32, #tpu.memory_space<hbm>>
      %dma_start3A_394 = tpu.memref_slice %arg6[%add3A_388] : memref<8388608xf32, #tpu.memory_space<hbm>> -> memref<8192xf32, #tpu.memory_space<hbm>>
      %dma_start3A_395 = arith.constant 0 : i32
      %dma_start3A_396 = tpu.memref_slice %arg10[%dma_start3A_389, %dma_start3A_395] : memref<2x8192xf32, #tpu.memory_space<vmem>> -> memref<1x8192xf32, #tpu.memory_space<vmem>>
      %dma_start3A_397 = tpu.memref_squeeze %dma_start3A_396 : memref<1x8192xf32, #tpu.memory_space<vmem>> -> memref<8192xf32, #tpu.memory_space<vmem>>
      tpu.enqueue_dma source(%dma_start3A_397 : memref<8192xf32, #tpu.memory_space<vmem>>) target(%dma_start3A_394 : memref<8192xf32, #tpu.memory_space<hbm>>) target_semaphore(%arg19 : memref<!tpu.dma_semaphore, #tpu.memory_space<semaphore_mem>>)
      %add3A_398 = arith.constant 1 : i32
      %add3A_399 = arith.addi %mul3A_308, %add3A_398 : i32
      %mul3A_400 = arith.constant 16 : i32
      %mul3A_401 = arith.muli %add3A_399, %mul3A_400 : i32
      %add3A_402 = arith.addi %mul3A_2, %mul3A_401 : i32
      %dma_wait3A_403 = arith.constant 16 : i32
      %dma_wait3A_404 = arith.constant 0 : i32
      %dma_wait3A_405 = tpu.memref_slice %arg7[%dma_wait3A_403, %dma_wait3A_404] : memref<32x512xf32, #tpu.memory_space<vmem>> -> memref<16x512xf32, #tpu.memory_space<vmem>>
      %dma_wait3A_406 = arith.constant 0 : i32
      %dma_wait3A_407 = tpu.memref_slice %arg2[%add3A_402, %dma_wait3A_406] : memref<16384x512xf32, #tpu.memory_space<hbm>> -> memref<16x512xf32, #tpu.memory_space<hbm>>
      %dma_wait3A_408 = arith.constant 16 : i32
      %dma_wait3A_409 = arith.constant 0 : i32
      %dma_wait3A_410 = tpu.memref_slice %arg7[%dma_wait3A_408, %dma_wait3A_409] : memref<32x512xf32, #tpu.memory_space<vmem>> -> memref<16x512xf32, #tpu.memory_space<vmem>>
      %dma_wait3A_411 = arith.constant 0 : i32
      %dma_wait3A_412 = tpu.memref_slice %arg2[%add3A_402, %dma_wait3A_411] : memref<16384x512xf32, #tpu.memory_space<hbm>> -> memref<16x512xf32, #tpu.memory_space<hbm>>
      tpu.wait_dma2 semaphore(%arg18 : memref<!tpu.dma_semaphore, #tpu.memory_space<semaphore_mem>>) src(%dma_wait3A_412 : memref<16x512xf32, #tpu.memory_space<hbm>>) dst(%dma_wait3A_410 : memref<16x512xf32, #tpu.memory_space<vmem>>)
      %dma_wait3A_413 = arith.constant 16 : i32
      %dma_wait3A_414 = arith.constant 0 : i32
      %dma_wait3A_415 = tpu.memref_slice %arg8[%dma_wait3A_413, %dma_wait3A_414] : memref<32x512xf32, #tpu.memory_space<vmem>> -> memref<16x512xf32, #tpu.memory_space<vmem>>
      %dma_wait3A_416 = arith.constant 0 : i32
      %dma_wait3A_417 = tpu.memref_slice %arg3[%add3A_402, %dma_wait3A_416] : memref<16384x512xf32, #tpu.memory_space<hbm>> -> memref<16x512xf32, #tpu.memory_space<hbm>>
      %dma_wait3A_418 = arith.constant 16 : i32
      %dma_wait3A_419 = arith.constant 0 : i32
      %dma_wait3A_420 = tpu.memref_slice %arg8[%dma_wait3A_418, %dma_wait3A_419] : memref<32x512xf32, #tpu.memory_space<vmem>> -> memref<16x512xf32, #tpu.memory_space<vmem>>
      %dma_wait3A_421 = arith.constant 0 : i32
      %dma_wait3A_422 = tpu.memref_slice %arg3[%add3A_402, %dma_wait3A_421] : memref<16384x512xf32, #tpu.memory_space<hbm>> -> memref<16x512xf32, #tpu.memory_space<hbm>>
      tpu.wait_dma2 semaphore(%arg18 : memref<!tpu.dma_semaphore, #tpu.memory_space<semaphore_mem>>) src(%dma_wait3A_422 : memref<16x512xf32, #tpu.memory_space<hbm>>) dst(%dma_wait3A_420 : memref<16x512xf32, #tpu.memory_space<vmem>>)
      %dma_wait3A_423 = arith.constant 16 : i32
      %dma_wait3A_424 = arith.constant 0 : i32
      %dma_wait3A_425 = tpu.memref_slice %arg9[%dma_wait3A_423, %dma_wait3A_424] : memref<32x512xf32, #tpu.memory_space<vmem>> -> memref<16x512xf32, #tpu.memory_space<vmem>>
      %dma_wait3A_426 = arith.constant 0 : i32
      %dma_wait3A_427 = tpu.memref_slice %arg4[%add3A_402, %dma_wait3A_426] : memref<16384x512xf32, #tpu.memory_space<hbm>> -> memref<16x512xf32, #tpu.memory_space<hbm>>
      %dma_wait3A_428 = arith.constant 16 : i32
      %dma_wait3A_429 = arith.constant 0 : i32
      %dma_wait3A_430 = tpu.memref_slice %arg9[%dma_wait3A_428, %dma_wait3A_429] : memref<32x512xf32, #tpu.memory_space<vmem>> -> memref<16x512xf32, #tpu.memory_space<vmem>>
      %dma_wait3A_431 = arith.constant 0 : i32
      %dma_wait3A_432 = tpu.memref_slice %arg4[%add3A_402, %dma_wait3A_431] : memref<16384x512xf32, #tpu.memory_space<hbm>> -> memref<16x512xf32, #tpu.memory_space<hbm>>
      tpu.wait_dma2 semaphore(%arg18 : memref<!tpu.dma_semaphore, #tpu.memory_space<semaphore_mem>>) src(%dma_wait3A_432 : memref<16x512xf32, #tpu.memory_space<hbm>>) dst(%dma_wait3A_430 : memref<16x512xf32, #tpu.memory_space<vmem>>)
      %lt3A = arith.constant 31 : i32
      %lt3A_433 = arith.cmpi slt, %scan3A_305, %lt3A : i32
      %convert_element_type3A_434 = arith.extui %lt3A_433 : i1 to i32
      %cond3A_435 = arith.constant 0 : i32
      %cond3A_436 = arith.cmpi ne, %convert_element_type3A_434, %cond3A_435 : i32
      scf.if %cond3A_436 {
        %add3A_462 = arith.constant 2 : i32
        %add3A_463 = arith.addi %mul3A_308, %add3A_462 : i32
        %mul3A_464 = arith.constant 16 : i32
        %mul3A_465 = arith.muli %add3A_463, %mul3A_464 : i32
        %add3A_466 = arith.addi %mul3A_2, %mul3A_465 : i32
        %dma_start3A_467 = arith.constant 0 : i32
        %dma_start3A_468 = arith.constant 0 : i32
        %dma_start3A_469 = tpu.memref_slice %arg7[%dma_start3A_467, %dma_start3A_468] : memref<32x512xf32, #tpu.memory_space<vmem>> -> memref<16x512xf32, #tpu.memory_space<vmem>>
        %dma_start3A_470 = arith.constant 0 : i32
        %dma_start3A_471 = tpu.memref_slice %arg2[%add3A_466, %dma_start3A_470] : memref<16384x512xf32, #tpu.memory_space<hbm>> -> memref<16x512xf32, #tpu.memory_space<hbm>>
        %dma_start3A_472 = arith.constant 0 : i32
        %dma_start3A_473 = arith.constant 0 : i32
        %dma_start3A_474 = tpu.memref_slice %arg7[%dma_start3A_472, %dma_start3A_473] : memref<32x512xf32, #tpu.memory_space<vmem>> -> memref<16x512xf32, #tpu.memory_space<vmem>>
        %dma_start3A_475 = arith.constant 0 : i32
        %dma_start3A_476 = tpu.memref_slice %arg2[%add3A_466, %dma_start3A_475] : memref<16384x512xf32, #tpu.memory_space<hbm>> -> memref<16x512xf32, #tpu.memory_space<hbm>>
        tpu.enqueue_dma source(%dma_start3A_476 : memref<16x512xf32, #tpu.memory_space<hbm>>) target(%dma_start3A_474 : memref<16x512xf32, #tpu.memory_space<vmem>>) target_semaphore(%arg17 : memref<!tpu.dma_semaphore, #tpu.memory_space<semaphore_mem>>)
        %dma_start3A_477 = arith.constant 0 : i32
        %dma_start3A_478 = arith.constant 0 : i32
        %dma_start3A_479 = tpu.memref_slice %arg8[%dma_start3A_477, %dma_start3A_478] : memref<32x512xf32, #tpu.memory_space<vmem>> -> memref<16x512xf32, #tpu.memory_space<vmem>>
        %dma_start3A_480 = arith.constant 0 : i32
        %dma_start3A_481 = tpu.memref_slice %arg3[%add3A_466, %dma_start3A_480] : memref<16384x512xf32, #tpu.memory_space<hbm>> -> memref<16x512xf32, #tpu.memory_space<hbm>>
        %dma_start3A_482 = arith.constant 0 : i32
        %dma_start3A_483 = arith.constant 0 : i32
        %dma_start3A_484 = tpu.memref_slice %arg8[%dma_start3A_482, %dma_start3A_483] : memref<32x512xf32, #tpu.memory_space<vmem>> -> memref<16x512xf32, #tpu.memory_space<vmem>>
        %dma_start3A_485 = arith.constant 0 : i32
        %dma_start3A_486 = tpu.memref_slice %arg3[%add3A_466, %dma_start3A_485] : memref<16384x512xf32, #tpu.memory_space<hbm>> -> memref<16x512xf32, #tpu.memory_space<hbm>>
        tpu.enqueue_dma source(%dma_start3A_486 : memref<16x512xf32, #tpu.memory_space<hbm>>) target(%dma_start3A_484 : memref<16x512xf32, #tpu.memory_space<vmem>>) target_semaphore(%arg17 : memref<!tpu.dma_semaphore, #tpu.memory_space<semaphore_mem>>)
        %dma_start3A_487 = arith.constant 0 : i32
        %dma_start3A_488 = arith.constant 0 : i32
        %dma_start3A_489 = tpu.memref_slice %arg9[%dma_start3A_487, %dma_start3A_488] : memref<32x512xf32, #tpu.memory_space<vmem>> -> memref<16x512xf32, #tpu.memory_space<vmem>>
        %dma_start3A_490 = arith.constant 0 : i32
        %dma_start3A_491 = tpu.memref_slice %arg4[%add3A_466, %dma_start3A_490] : memref<16384x512xf32, #tpu.memory_space<hbm>> -> memref<16x512xf32, #tpu.memory_space<hbm>>
        %dma_start3A_492 = arith.constant 0 : i32
        %dma_start3A_493 = arith.constant 0 : i32
        %dma_start3A_494 = tpu.memref_slice %arg9[%dma_start3A_492, %dma_start3A_493] : memref<32x512xf32, #tpu.memory_space<vmem>> -> memref<16x512xf32, #tpu.memory_space<vmem>>
        %dma_start3A_495 = arith.constant 0 : i32
        %dma_start3A_496 = tpu.memref_slice %arg4[%add3A_466, %dma_start3A_495] : memref<16384x512xf32, #tpu.memory_space<hbm>> -> memref<16x512xf32, #tpu.memory_space<hbm>>
        tpu.enqueue_dma source(%dma_start3A_496 : memref<16x512xf32, #tpu.memory_space<hbm>>) target(%dma_start3A_494 : memref<16x512xf32, #tpu.memory_space<vmem>>) target_semaphore(%arg17 : memref<!tpu.dma_semaphore, #tpu.memory_space<semaphore_mem>>)
      } else {
      }
      %add3A_437 = arith.constant 1 : i32
      %add3A_438 = arith.addi %mul3A_308, %add3A_437 : i32
      %parallel_loop3A_439 = arith.constant 0 : i32
      %parallel_loop3A_440 = arith.constant 512 : i32
      %parallel_loop3A_441 = arith.constant 4 : i32
      %parallel_loop3A_442 = scf.for %parallel_loop3A_462 = %parallel_loop3A_439 to %parallel_loop3A_440 step %parallel_loop3A_441 iter_args(%parallel_loop3A_463 = %parallel_loop3A_380) -> (vector<16xi32>)  : i32 {
        %parallel_loop3A_464 = arith.constant 0 : i32
        %parallel_loop3A_465 = arith.addi %parallel_loop3A_462, %parallel_loop3A_464 : i32
        %parallel_loop3A_466 = arith.constant 5 : i32
        %parallel_loop3A_467 = arith.shrui %parallel_loop3A_465, %parallel_loop3A_466 : i32
        %parallel_loop3A_468 = arith.constant 16 : i32
        %parallel_loop3A_469 = arith.addi %parallel_loop3A_468, %parallel_loop3A_467 : i32
        %parallel_loop3A_470 = arith.constant 31 : i32
        %parallel_loop3A_471 = arith.andi %parallel_loop3A_465, %parallel_loop3A_470 : i32
        %parallel_loop3A_472 = arith.constant 4 : i32
        %parallel_loop3A_473 = arith.shli %parallel_loop3A_471, %parallel_loop3A_472 : i32
        %parallel_loop3A_474 = arith.index_cast %parallel_loop3A_469 : i32 to index
        %parallel_loop3A_475 = arith.index_cast %parallel_loop3A_473 : i32 to index
        %parallel_loop3A_476 = tpu.vector_load %arg7[%parallel_loop3A_474, %parallel_loop3A_475] {strides = array<i32>} : memref<32x512xf32, #tpu.memory_space<vmem>>, vector<16xf32>,
        %parallel_loop3A_477 = arith.index_cast %parallel_loop3A_469 : i32 to index
        %parallel_loop3A_478 = arith.index_cast %parallel_loop3A_473 : i32 to index
        %parallel_loop3A_479 = tpu.vector_load %arg8[%parallel_loop3A_477, %parallel_loop3A_478] {strides = array<i32>} : memref<32x512xf32, #tpu.memory_space<vmem>>, vector<16xf32>,
        %parallel_loop3A_480 = arith.index_cast %parallel_loop3A_469 : i32 to index
        %parallel_loop3A_481 = arith.index_cast %parallel_loop3A_473 : i32 to index
        %parallel_loop3A_482 = tpu.vector_load %arg9[%parallel_loop3A_480, %parallel_loop3A_481] {strides = array<i32>} : memref<32x512xf32, #tpu.memory_space<vmem>>, vector<16xf32>,
        %parallel_loop3A_483 = arith.constant 5.000000e-01 : f32
        %parallel_loop3A_484 = vector.broadcast %parallel_loop3A_483 : f32 to vector<16xf32>
        %parallel_loop3A_485 = arith.cmpf ogt, %parallel_loop3A_482, %parallel_loop3A_484 : vector<16xf32>
        %parallel_loop3A_486 = arith.subf %parallel_loop3A_476, %parallel_loop3A_479 : vector<16xf32>
        %parallel_loop3A_487 = math.absf %parallel_loop3A_486 : vector<16xf32>
        %parallel_loop3A_488 = arith.constant 1.000000e+30 : f32
        %parallel_loop3A_489 = vector.broadcast %parallel_loop3A_488 : f32 to vector<16xf32>
        %parallel_loop3A_490 = arith.select %parallel_loop3A_485, %parallel_loop3A_487, %parallel_loop3A_489 : vector<16xi1>, vector<16xf32>
        %parallel_loop3A_491 = arith.constant 16 : i32
        %parallel_loop3A_492 = arith.muli %parallel_loop3A_465, %parallel_loop3A_491 : i32
        %parallel_loop3A_493 = arith.constant 1 : i32
        %parallel_loop3A_494 = arith.index_cast %parallel_loop3A_493 : i32 to index
        %parallel_loop3A_495 = arith.index_cast %parallel_loop3A_492 : i32 to index
        %parallel_loop3A_496 = tpu.vector_load %arg10[%parallel_loop3A_494, %parallel_loop3A_495] {strides = array<i32>} : memref<2x8192xf32, #tpu.memory_space<vmem>>, vector<16xf32>,
        tpu.vector_store %arg10[%parallel_loop3A_494, %parallel_loop3A_495], %parallel_loop3A_490 {strides = array<i32>} : memref<2x8192xf32, #tpu.memory_space<vmem>>, vector<16xf32>,
        %parallel_loop3A_497 = vector.bitcast %parallel_loop3A_490 : vector<16xf32> to vector<16xi32>
        %parallel_loop3A_498 = arith.constant 21 : i32
        %parallel_loop3A_499 = vector.broadcast %parallel_loop3A_498 : i32 to vector<16xi32>
        %parallel_loop3A_500 = arith.shrui %parallel_loop3A_497, %parallel_loop3A_499 : vector<16xi32>
        %parallel_loop3A_501 = arith.constant 17 : i32
        %parallel_loop3A_502 = vector.broadcast %parallel_loop3A_501 : i32 to vector<16xi32>
        %parallel_loop3A_503 = arith.muli %parallel_loop3A_500, %parallel_loop3A_502 : vector<16xi32>
        %parallel_loop3A_504 = arith.addi %parallel_loop3A_503, %iota3A : vector<16xi32>
        tpu.vector_store_idx %arg11[%parallel_loop3A_504], %broadcast_in_dim3A_3 {add = true} : memref<34816xi32, #tpu.memory_space<vmem>>[vector<16xi32>], vector<16xi32>,
        %parallel_loop3A_505 = arith.constant 1 : i32
        %parallel_loop3A_506 = arith.constant 0 : i32
        %parallel_loop3A_507 = vector.broadcast %parallel_loop3A_505 : i32 to vector<16xi32>
        %parallel_loop3A_508 = vector.broadcast %parallel_loop3A_506 : i32 to vector<16xi32>
        %parallel_loop3A_509 = arith.select %parallel_loop3A_485, %parallel_loop3A_507, %parallel_loop3A_508 : vector<16xi1>, vector<16xi32>
        %parallel_loop3A_510 = arith.constant 1 : i32
        %parallel_loop3A_511 = arith.addi %parallel_loop3A_462, %parallel_loop3A_510 : i32
        %parallel_loop3A_512 = arith.constant 5 : i32
        %parallel_loop3A_513 = arith.shrui %parallel_loop3A_511, %parallel_loop3A_512 : i32
        %parallel_loop3A_514 = arith.constant 16 : i32
        %parallel_loop3A_515 = arith.addi %parallel_loop3A_514, %parallel_loop3A_513 : i32
        %parallel_loop3A_516 = arith.constant 31 : i32
        %parallel_loop3A_517 = arith.andi %parallel_loop3A_511, %parallel_loop3A_516 : i32
        %parallel_loop3A_518 = arith.constant 4 : i32
        %parallel_loop3A_519 = arith.shli %parallel_loop3A_517, %parallel_loop3A_518 : i32
        %parallel_loop3A_520 = arith.index_cast %parallel_loop3A_515 : i32 to index
        %parallel_loop3A_521 = arith.index_cast %parallel_loop3A_519 : i32 to index
        %parallel_loop3A_522 = tpu.vector_load %arg7[%parallel_loop3A_520, %parallel_loop3A_521] {strides = array<i32>} : memref<32x512xf32, #tpu.memory_space<vmem>>, vector<16xf32>,
        %parallel_loop3A_523 = arith.index_cast %parallel_loop3A_515 : i32 to index
        %parallel_loop3A_524 = arith.index_cast %parallel_loop3A_519 : i32 to index
        %parallel_loop3A_525 = tpu.vector_load %arg8[%parallel_loop3A_523, %parallel_loop3A_524] {strides = array<i32>} : memref<32x512xf32, #tpu.memory_space<vmem>>, vector<16xf32>,
        %parallel_loop3A_526 = arith.index_cast %parallel_loop3A_515 : i32 to index
        %parallel_loop3A_527 = arith.index_cast %parallel_loop3A_519 : i32 to index
        %parallel_loop3A_528 = tpu.vector_load %arg9[%parallel_loop3A_526, %parallel_loop3A_527] {strides = array<i32>} : memref<32x512xf32, #tpu.memory_space<vmem>>, vector<16xf32>,
        %parallel_loop3A_529 = arith.constant 5.000000e-01 : f32
        %parallel_loop3A_530 = vector.broadcast %parallel_loop3A_529 : f32 to vector<16xf32>
        %parallel_loop3A_531 = arith.cmpf ogt, %parallel_loop3A_528, %parallel_loop3A_530 : vector<16xf32>
        %parallel_loop3A_532 = arith.subf %parallel_loop3A_522, %parallel_loop3A_525 : vector<16xf32>
        %parallel_loop3A_533 = math.absf %parallel_loop3A_532 : vector<16xf32>
        %parallel_loop3A_534 = arith.constant 1.000000e+30 : f32
        %parallel_loop3A_535 = vector.broadcast %parallel_loop3A_534 : f32 to vector<16xf32>
        %parallel_loop3A_536 = arith.select %parallel_loop3A_531, %parallel_loop3A_533, %parallel_loop3A_535 : vector<16xi1>, vector<16xf32>
        %parallel_loop3A_537 = arith.constant 16 : i32
        %parallel_loop3A_538 = arith.muli %parallel_loop3A_511, %parallel_loop3A_537 : i32
        %parallel_loop3A_539 = arith.constant 1 : i32
        %parallel_loop3A_540 = arith.index_cast %parallel_loop3A_539 : i32 to index
        %parallel_loop3A_541 = arith.index_cast %parallel_loop3A_538 : i32 to index
        %parallel_loop3A_542 = tpu.vector_load %arg10[%parallel_loop3A_540, %parallel_loop3A_541] {strides = array<i32>} : memref<2x8192xf32, #tpu.memory_space<vmem>>, vector<16xf32>,
        tpu.vector_store %arg10[%parallel_loop3A_540, %parallel_loop3A_541], %parallel_loop3A_536 {strides = array<i32>} : memref<2x8192xf32, #tpu.memory_space<vmem>>, vector<16xf32>,
        %parallel_loop3A_543 = vector.bitcast %parallel_loop3A_536 : vector<16xf32> to vector<16xi32>
        %parallel_loop3A_544 = arith.constant 21 : i32
        %parallel_loop3A_545 = vector.broadcast %parallel_loop3A_544 : i32 to vector<16xi32>
        %parallel_loop3A_546 = arith.shrui %parallel_loop3A_543, %parallel_loop3A_545 : vector<16xi32>
        %parallel_loop3A_547 = arith.constant 17 : i32
        %parallel_loop3A_548 = vector.broadcast %parallel_loop3A_547 : i32 to vector<16xi32>
        %parallel_loop3A_549 = arith.muli %parallel_loop3A_546, %parallel_loop3A_548 : vector<16xi32>
        %parallel_loop3A_550 = arith.addi %parallel_loop3A_549, %iota3A : vector<16xi32>
        tpu.vector_store_idx %arg11[%parallel_loop3A_550], %broadcast_in_dim3A_3 {add = true} : memref<34816xi32, #tpu.memory_space<vmem>>[vector<16xi32>], vector<16xi32>,
        %parallel_loop3A_551 = arith.constant 1 : i32
        %parallel_loop3A_552 = arith.constant 0 : i32
        %parallel_loop3A_553 = vector.broadcast %parallel_loop3A_551 : i32 to vector<16xi32>
        %parallel_loop3A_554 = vector.broadcast %parallel_loop3A_552 : i32 to vector<16xi32>
        %parallel_loop3A_555 = arith.select %parallel_loop3A_531, %parallel_loop3A_553, %parallel_loop3A_554 : vector<16xi1>, vector<16xi32>
        %parallel_loop3A_556 = arith.constant 2 : i32
        %parallel_loop3A_557 = arith.addi %parallel_loop3A_462, %parallel_loop3A_556 : i32
        %parallel_loop3A_558 = arith.constant 5 : i32
        %parallel_loop3A_559 = arith.shrui %parallel_loop3A_557, %parallel_loop3A_558 : i32
        %parallel_loop3A_560 = arith.constant 16 : i32
        %parallel_loop3A_561 = arith.addi %parallel_loop3A_560, %parallel_loop3A_559 : i32
        %parallel_loop3A_562 = arith.constant 31 : i32
        %parallel_loop3A_563 = arith.andi %parallel_loop3A_557, %parallel_loop3A_562 : i32
        %parallel_loop3A_564 = arith.constant 4 : i32
        %parallel_loop3A_565 = arith.shli %parallel_loop3A_563, %parallel_loop3A_564 : i32
        %parallel_loop3A_566 = arith.index_cast %parallel_loop3A_561 : i32 to index
        %parallel_loop3A_567 = arith.index_cast %parallel_loop3A_565 : i32 to index
        %parallel_loop3A_568 = tpu.vector_load %arg7[%parallel_loop3A_566, %parallel_loop3A_567] {strides = array<i32>} : memref<32x512xf32, #tpu.memory_space<vmem>>, vector<16xf32>,
        %parallel_loop3A_569 = arith.index_cast %parallel_loop3A_561 : i32 to index
        %parallel_loop3A_570 = arith.index_cast %parallel_loop3A_565 : i32 to index
        %parallel_loop3A_571 = tpu.vector_load %arg8[%parallel_loop3A_569, %parallel_loop3A_570] {strides = array<i32>} : memref<32x512xf32, #tpu.memory_space<vmem>>, vector<16xf32>,
        %parallel_loop3A_572 = arith.index_cast %parallel_loop3A_561 : i32 to index
        %parallel_loop3A_573 = arith.index_cast %parallel_loop3A_565 : i32 to index
        %parallel_loop3A_574 = tpu.vector_load %arg9[%parallel_loop3A_572, %parallel_loop3A_573] {strides = array<i32>} : memref<32x512xf32, #tpu.memory_space<vmem>>, vector<16xf32>,
        %parallel_loop3A_575 = arith.constant 5.000000e-01 : f32
        %parallel_loop3A_576 = vector.broadcast %parallel_loop3A_575 : f32 to vector<16xf32>
        %parallel_loop3A_577 = arith.cmpf ogt, %parallel_loop3A_574, %parallel_loop3A_576 : vector<16xf32>
        %parallel_loop3A_578 = arith.subf %parallel_loop3A_568, %parallel_loop3A_571 : vector<16xf32>
        %parallel_loop3A_579 = math.absf %parallel_loop3A_578 : vector<16xf32>
        %parallel_loop3A_580 = arith.constant 1.000000e+30 : f32
        %parallel_loop3A_581 = vector.broadcast %parallel_loop3A_580 : f32 to vector<16xf32>
        %parallel_loop3A_582 = arith.select %parallel_loop3A_577, %parallel_loop3A_579, %parallel_loop3A_581 : vector<16xi1>, vector<16xf32>
        %parallel_loop3A_583 = arith.constant 16 : i32
        %parallel_loop3A_584 = arith.muli %parallel_loop3A_557, %parallel_loop3A_583 : i32
        %parallel_loop3A_585 = arith.constant 1 : i32
        %parallel_loop3A_586 = arith.index_cast %parallel_loop3A_585 : i32 to index
        %parallel_loop3A_587 = arith.index_cast %parallel_loop3A_584 : i32 to index
        %parallel_loop3A_588 = tpu.vector_load %arg10[%parallel_loop3A_586, %parallel_loop3A_587] {strides = array<i32>} : memref<2x8192xf32, #tpu.memory_space<vmem>>, vector<16xf32>,
        tpu.vector_store %arg10[%parallel_loop3A_586, %parallel_loop3A_587], %parallel_loop3A_582 {strides = array<i32>} : memref<2x8192xf32, #tpu.memory_space<vmem>>, vector<16xf32>,
        %parallel_loop3A_589 = vector.bitcast %parallel_loop3A_582 : vector<16xf32> to vector<16xi32>
        %parallel_loop3A_590 = arith.constant 21 : i32
        %parallel_loop3A_591 = vector.broadcast %parallel_loop3A_590 : i32 to vector<16xi32>
        %parallel_loop3A_592 = arith.shrui %parallel_loop3A_589, %parallel_loop3A_591 : vector<16xi32>
        %parallel_loop3A_593 = arith.constant 17 : i32
        %parallel_loop3A_594 = vector.broadcast %parallel_loop3A_593 : i32 to vector<16xi32>
        %parallel_loop3A_595 = arith.muli %parallel_loop3A_592, %parallel_loop3A_594 : vector<16xi32>
        %parallel_loop3A_596 = arith.addi %parallel_loop3A_595, %iota3A : vector<16xi32>
        tpu.vector_store_idx %arg11[%parallel_loop3A_596], %broadcast_in_dim3A_3 {add = true} : memref<34816xi32, #tpu.memory_space<vmem>>[vector<16xi32>], vector<16xi32>,
        %parallel_loop3A_597 = arith.constant 1 : i32
        %parallel_loop3A_598 = arith.constant 0 : i32
        %parallel_loop3A_599 = vector.broadcast %parallel_loop3A_597 : i32 to vector<16xi32>
        %parallel_loop3A_600 = vector.broadcast %parallel_loop3A_598 : i32 to vector<16xi32>
        %parallel_loop3A_601 = arith.select %parallel_loop3A_577, %parallel_loop3A_599, %parallel_loop3A_600 : vector<16xi1>, vector<16xi32>
        %parallel_loop3A_602 = arith.constant 3 : i32
        %parallel_loop3A_603 = arith.addi %parallel_loop3A_462, %parallel_loop3A_602 : i32
        %parallel_loop3A_604 = arith.constant 5 : i32
        %parallel_loop3A_605 = arith.shrui %parallel_loop3A_603, %parallel_loop3A_604 : i32
        %parallel_loop3A_606 = arith.constant 16 : i32
        %parallel_loop3A_607 = arith.addi %parallel_loop3A_606, %parallel_loop3A_605 : i32
        %parallel_loop3A_608 = arith.constant 31 : i32
        %parallel_loop3A_609 = arith.andi %parallel_loop3A_603, %parallel_loop3A_608 : i32
        %parallel_loop3A_610 = arith.constant 4 : i32
        %parallel_loop3A_611 = arith.shli %parallel_loop3A_609, %parallel_loop3A_610 : i32
        %parallel_loop3A_612 = arith.index_cast %parallel_loop3A_607 : i32 to index
        %parallel_loop3A_613 = arith.index_cast %parallel_loop3A_611 : i32 to index
        %parallel_loop3A_614 = tpu.vector_load %arg7[%parallel_loop3A_612, %parallel_loop3A_613] {strides = array<i32>} : memref<32x512xf32, #tpu.memory_space<vmem>>, vector<16xf32>,
        %parallel_loop3A_615 = arith.index_cast %parallel_loop3A_607 : i32 to index
        %parallel_loop3A_616 = arith.index_cast %parallel_loop3A_611 : i32 to index
        %parallel_loop3A_617 = tpu.vector_load %arg8[%parallel_loop3A_615, %parallel_loop3A_616] {strides = array<i32>} : memref<32x512xf32, #tpu.memory_space<vmem>>, vector<16xf32>,
        %parallel_loop3A_618 = arith.index_cast %parallel_loop3A_607 : i32 to index
        %parallel_loop3A_619 = arith.index_cast %parallel_loop3A_611 : i32 to index
        %parallel_loop3A_620 = tpu.vector_load %arg9[%parallel_loop3A_618, %parallel_loop3A_619] {strides = array<i32>} : memref<32x512xf32, #tpu.memory_space<vmem>>, vector<16xf32>,
        %parallel_loop3A_621 = arith.constant 5.000000e-01 : f32
        %parallel_loop3A_622 = vector.broadcast %parallel_loop3A_621 : f32 to vector<16xf32>
        %parallel_loop3A_623 = arith.cmpf ogt, %parallel_loop3A_620, %parallel_loop3A_622 : vector<16xf32>
        %parallel_loop3A_624 = arith.subf %parallel_loop3A_614, %parallel_loop3A_617 : vector<16xf32>
        %parallel_loop3A_625 = math.absf %parallel_loop3A_624 : vector<16xf32>
        %parallel_loop3A_626 = arith.constant 1.000000e+30 : f32
        %parallel_loop3A_627 = vector.broadcast %parallel_loop3A_626 : f32 to vector<16xf32>
        %parallel_loop3A_628 = arith.select %parallel_loop3A_623, %parallel_loop3A_625, %parallel_loop3A_627 : vector<16xi1>, vector<16xf32>
        %parallel_loop3A_629 = arith.constant 16 : i32
        %parallel_loop3A_630 = arith.muli %parallel_loop3A_603, %parallel_loop3A_629 : i32
        %parallel_loop3A_631 = arith.constant 1 : i32
        %parallel_loop3A_632 = arith.index_cast %parallel_loop3A_631 : i32 to index
        %parallel_loop3A_633 = arith.index_cast %parallel_loop3A_630 : i32 to index
        %parallel_loop3A_634 = tpu.vector_load %arg10[%parallel_loop3A_632, %parallel_loop3A_633] {strides = array<i32>} : memref<2x8192xf32, #tpu.memory_space<vmem>>, vector<16xf32>,
        tpu.vector_store %arg10[%parallel_loop3A_632, %parallel_loop3A_633], %parallel_loop3A_628 {strides = array<i32>} : memref<2x8192xf32, #tpu.memory_space<vmem>>, vector<16xf32>,
        %parallel_loop3A_635 = vector.bitcast %parallel_loop3A_628 : vector<16xf32> to vector<16xi32>
        %parallel_loop3A_636 = arith.constant 21 : i32
        %parallel_loop3A_637 = vector.broadcast %parallel_loop3A_636 : i32 to vector<16xi32>
        %parallel_loop3A_638 = arith.shrui %parallel_loop3A_635, %parallel_loop3A_637 : vector<16xi32>
        %parallel_loop3A_639 = arith.constant 17 : i32
        %parallel_loop3A_640 = vector.broadcast %parallel_loop3A_639 : i32 to vector<16xi32>
        %parallel_loop3A_641 = arith.muli %parallel_loop3A_638, %parallel_loop3A_640 : vector<16xi32>
        %parallel_loop3A_642 = arith.addi %parallel_loop3A_641, %iota3A : vector<16xi32>
        tpu.vector_store_idx %arg11[%parallel_loop3A_642], %broadcast_in_dim3A_3 {add = true} : memref<34816xi32, #tpu.memory_space<vmem>>[vector<16xi32>], vector<16xi32>,
        %parallel_loop3A_643 = arith.constant 1 : i32
        %parallel_loop3A_644 = arith.constant 0 : i32
        %parallel_loop3A_645 = vector.broadcast %parallel_loop3A_643 : i32 to vector<16xi32>
        %parallel_loop3A_646 = vector.broadcast %parallel_loop3A_644 : i32 to vector<16xi32>
        %parallel_loop3A_647 = arith.select %parallel_loop3A_623, %parallel_loop3A_645, %parallel_loop3A_646 : vector<16xi1>, vector<16xi32>
        %parallel_loop3A_648 = arith.addi %parallel_loop3A_509, %parallel_loop3A_555 : vector<16xi32>
        %parallel_loop3A_649 = arith.addi %parallel_loop3A_601, %parallel_loop3A_647 : vector<16xi32>
        %parallel_loop3A_650 = arith.addi %parallel_loop3A_648, %parallel_loop3A_649 : vector<16xi32>
        %parallel_loop3A_651 = arith.addi %parallel_loop3A_463, %parallel_loop3A_650 : vector<16xi32>
        scf.yield %parallel_loop3A_651 : vector<16xi32>
      } {sc.loop_unroll_factor = 1 : i64, sc.parallel_access}
      %ge3A_443 = arith.constant 1 : i32
      %ge3A_444 = arith.cmpi sge, %scan3A_305, %ge3A_443 : i32
      %convert_element_type3A_445 = arith.extui %ge3A_444 : i1 to i32
      %cond3A_446 = arith.constant 0 : i32
      %cond3A_447 = arith.cmpi ne, %convert_element_type3A_445, %cond3A_446 : i32
      scf.if %cond3A_447 {
        %dma_wait3A_462 = arith.constant 1 : i32
        %dma_wait3A_463 = arith.constant 0 : i32
        %dma_wait3A_464 = tpu.memref_slice %arg10[%dma_wait3A_462, %dma_wait3A_463] : memref<2x8192xf32, #tpu.memory_space<vmem>> -> memref<1x8192xf32, #tpu.memory_space<vmem>>
        %dma_wait3A_465 = tpu.memref_squeeze %dma_wait3A_464 : memref<1x8192xf32, #tpu.memory_space<vmem>> -> memref<8192xf32, #tpu.memory_space<vmem>>
        %dma_wait3A_466 = arith.constant 0 : i32
        %dma_wait3A_467 = tpu.memref_slice %arg6[%dma_wait3A_466] : memref<8388608xf32, #tpu.memory_space<hbm>> -> memref<8192xf32, #tpu.memory_space<hbm>>
        %dma_wait3A_468 = arith.constant 0 : i32
        %dma_wait3A_469 = tpu.memref_slice %arg6[%dma_wait3A_468] : memref<8388608xf32, #tpu.memory_space<hbm>> -> memref<8192xf32, #tpu.memory_space<hbm>>
        %dma_wait3A_470 = arith.constant 0 : i32
        %dma_wait3A_471 = tpu.memref_slice %arg10[%dma_wait3A_462, %dma_wait3A_470] : memref<2x8192xf32, #tpu.memory_space<vmem>> -> memref<1x8192xf32, #tpu.memory_space<vmem>>
        %dma_wait3A_472 = tpu.memref_squeeze %dma_wait3A_471 : memref<1x8192xf32, #tpu.memory_space<vmem>> -> memref<8192xf32, #tpu.memory_space<vmem>>
        tpu.wait_dma2 semaphore(%arg20 : memref<!tpu.dma_semaphore, #tpu.memory_space<semaphore_mem>>) src(%dma_wait3A_472 : memref<8192xf32, #tpu.memory_space<vmem>>) dst(%dma_wait3A_469 : memref<8192xf32, #tpu.memory_space<hbm>>)
      } else {
      }
      %add3A_448 = arith.constant 1 : i32
      %add3A_449 = arith.addi %mul3A_308, %add3A_448 : i32
      %mul3A_450 = arith.constant 8192 : i32
      %mul3A_451 = arith.muli %add3A_449, %mul3A_450 : i32
      %add3A_452 = arith.addi %mul3A_0, %mul3A_451 : i32
      %dma_start3A_453 = arith.constant 1 : i32
      %dma_start3A_454 = arith.constant 0 : i32
      %dma_start3A_455 = tpu.memref_slice %arg10[%dma_start3A_453, %dma_start3A_454] : memref<2x8192xf32, #tpu.memory_space<vmem>> -> memref<1x8192xf32, #tpu.memory_space<vmem>>
      %dma_start3A_456 = tpu.memref_squeeze %dma_start3A_455 : memref<1x8192xf32, #tpu.memory_space<vmem>> -> memref<8192xf32, #tpu.memory_space<vmem>>
      %dma_start3A_457 = tpu.memref_slice %arg6[%add3A_452] : memref<8388608xf32, #tpu.memory_space<hbm>> -> memref<8192xf32, #tpu.memory_space<hbm>>
      %dma_start3A_458 = tpu.memref_slice %arg6[%add3A_452] : memref<8388608xf32, #tpu.memory_space<hbm>> -> memref<8192xf32, #tpu.memory_space<hbm>>
      %dma_start3A_459 = arith.constant 0 : i32
      %dma_start3A_460 = tpu.memref_slice %arg10[%dma_start3A_453, %dma_start3A_459] : memref<2x8192xf32, #tpu.memory_space<vmem>> -> memref<1x8192xf32, #tpu.memory_space<vmem>>
      %dma_start3A_461 = tpu.memref_squeeze %dma_start3A_460 : memref<1x8192xf32, #tpu.memory_space<vmem>> -> memref<8192xf32, #tpu.memory_space<vmem>>
      tpu.enqueue_dma source(%dma_start3A_461 : memref<8192xf32, #tpu.memory_space<vmem>>) target(%dma_start3A_458 : memref<8192xf32, #tpu.memory_space<hbm>>) target_semaphore(%arg20 : memref<!tpu.dma_semaphore, #tpu.memory_space<semaphore_mem>>)
      scf.yield %parallel_loop3A_442 : vector<16xi32>
    }
    %scan3A_44 = arith.constant 32 : i32
    %dma_wait3A = arith.constant 0 : i32
    %dma_wait3A_45 = arith.constant 0 : i32
    %dma_wait3A_46 = tpu.memref_slice %arg10[%dma_wait3A, %dma_wait3A_45] : memref<2x8192xf32, #tpu.memory_space<vmem>> -> memref<1x8192xf32, #tpu.memory_space<vmem>>
    %dma_wait3A_47 = tpu.memref_squeeze %dma_wait3A_46 : memref<1x8192xf32, #tpu.memory_space<vmem>> -> memref<8192xf32, #tpu.memory_space<vmem>>
    %dma_wait3A_48 = arith.constant 0 : i32
    %dma_wait3A_49 = tpu.memref_slice %arg6[%dma_wait3A_48] : memref<8388608xf32, #tpu.memory_space<hbm>> -> memref<8192xf32, #tpu.memory_space<hbm>>
    %dma_wait3A_50 = arith.constant 0 : i32
    %dma_wait3A_51 = tpu.memref_slice %arg6[%dma_wait3A_50] : memref<8388608xf32, #tpu.memory_space<hbm>> -> memref<8192xf32, #tpu.memory_space<hbm>>
    %dma_wait3A_52 = arith.constant 0 : i32
    %dma_wait3A_53 = tpu.memref_slice %arg10[%dma_wait3A, %dma_wait3A_52] : memref<2x8192xf32, #tpu.memory_space<vmem>> -> memref<1x8192xf32, #tpu.memory_space<vmem>>
    %dma_wait3A_54 = tpu.memref_squeeze %dma_wait3A_53 : memref<1x8192xf32, #tpu.memory_space<vmem>> -> memref<8192xf32, #tpu.memory_space<vmem>>
    tpu.wait_dma2 semaphore(%arg19 : memref<!tpu.dma_semaphore, #tpu.memory_space<semaphore_mem>>) src(%dma_wait3A_54 : memref<8192xf32, #tpu.memory_space<vmem>>) dst(%dma_wait3A_51 : memref<8192xf32, #tpu.memory_space<hbm>>)
    %dma_wait3A_55 = arith.constant 1 : i32
    %dma_wait3A_56 = arith.constant 0 : i32
    %dma_wait3A_57 = tpu.memref_slice %arg10[%dma_wait3A_55, %dma_wait3A_56] : memref<2x8192xf32, #tpu.memory_space<vmem>> -> memref<1x8192xf32, #tpu.memory_space<vmem>>
    %dma_wait3A_58 = tpu.memref_squeeze %dma_wait3A_57 : memref<1x8192xf32, #tpu.memory_space<vmem>> -> memref<8192xf32, #tpu.memory_space<vmem>>
    %dma_wait3A_59 = arith.constant 0 : i32
    %dma_wait3A_60 = tpu.memref_slice %arg6[%dma_wait3A_59] : memref<8388608xf32, #tpu.memory_space<hbm>> -> memref<8192xf32, #tpu.memory_space<hbm>>
    %dma_wait3A_61 = arith.constant 0 : i32
    %dma_wait3A_62 = tpu.memref_slice %arg6[%dma_wait3A_61] : memref<8388608xf32, #tpu.memory_space<hbm>> -> memref<8192xf32, #tpu.memory_space<hbm>>
    %dma_wait3A_63 = arith.constant 0 : i32
    %dma_wait3A_64 = tpu.memref_slice %arg10[%dma_wait3A_55, %dma_wait3A_63] : memref<2x8192xf32, #tpu.memory_space<vmem>> -> memref<1x8192xf32, #tpu.memory_space<vmem>>
    %dma_wait3A_65 = tpu.memref_squeeze %dma_wait3A_64 : memref<1x8192xf32, #tpu.memory_space<vmem>> -> memref<8192xf32, #tpu.memory_space<vmem>>
    tpu.wait_dma2 semaphore(%arg20 : memref<!tpu.dma_semaphore, #tpu.memory_space<semaphore_mem>>) src(%dma_wait3A_65 : memref<8192xf32, #tpu.memory_space<vmem>>) dst(%dma_wait3A_62 : memref<8192xf32, #tpu.memory_space<hbm>>)
    %parallel_loop3A_66 = arith.constant 0 : i32
    %parallel_loop3A_67 = arith.constant 128 : i32
    %parallel_loop3A_68 = arith.constant 1 : i32
    scf.for %parallel_loop3A_305 = %parallel_loop3A_66 to %parallel_loop3A_67 step %parallel_loop3A_68  : i32 {
      %parallel_loop3A_306 = arith.constant 16 : i32
      %parallel_loop3A_307 = arith.muli %parallel_loop3A_305, %parallel_loop3A_306 : i32
      %parallel_loop3A_308 = vector.broadcast %parallel_loop3A_307 : i32 to vector<16xi32>
      %parallel_loop3A_309 = arith.addi %parallel_loop3A_308, %iota3A : vector<16xi32>
      %parallel_loop3A_310 = arith.constant 17 : i32
      %parallel_loop3A_311 = vector.broadcast %parallel_loop3A_310 : i32 to vector<16xi32>
      %parallel_loop3A_312 = arith.muli %parallel_loop3A_309, %parallel_loop3A_311 : vector<16xi32>
      %parallel_loop3A_313 = tpu.vector_load_idx %arg11[%parallel_loop3A_312] : memref<34816xi32, #tpu.memory_space<vmem>>[vector<16xi32>], vector<16xi32>,
      %parallel_loop3A_314 = arith.constant 1 : i32
      %parallel_loop3A_315 = vector.broadcast %parallel_loop3A_314 : i32 to vector<16xi32>
      %parallel_loop3A_316 = arith.addi %parallel_loop3A_312, %parallel_loop3A_315 : vector<16xi32>
      %parallel_loop3A_317 = tpu.vector_load_idx %arg11[%parallel_loop3A_316] : memref<34816xi32, #tpu.memory_space<vmem>>[vector<16xi32>], vector<16xi32>,
      %parallel_loop3A_318 = arith.addi %parallel_loop3A_313, %parallel_loop3A_317 : vector<16xi32>
      %parallel_loop3A_319 = arith.constant 2 : i32
      %parallel_loop3A_320 = vector.broadcast %parallel_loop3A_319 : i32 to vector<16xi32>
      %parallel_loop3A_321 = arith.addi %parallel_loop3A_312, %parallel_loop3A_320 : vector<16xi32>
      %parallel_loop3A_322 = tpu.vector_load_idx %arg11[%parallel_loop3A_321] : memref<34816xi32, #tpu.memory_space<vmem>>[vector<16xi32>], vector<16xi32>,
      %parallel_loop3A_323 = arith.addi %parallel_loop3A_318, %parallel_loop3A_322 : vector<16xi32>
      %parallel_loop3A_324 = arith.constant 3 : i32
      %parallel_loop3A_325 = vector.broadcast %parallel_loop3A_324 : i32 to vector<16xi32>
      %parallel_loop3A_326 = arith.addi %parallel_loop3A_312, %parallel_loop3A_325 : vector<16xi32>
      %parallel_loop3A_327 = tpu.vector_load_idx %arg11[%parallel_loop3A_326] : memref<34816xi32, #tpu.memory_space<vmem>>[vector<16xi32>], vector<16xi32>,
      %parallel_loop3A_328 = arith.addi %parallel_loop3A_323, %parallel_loop3A_327 : vector<16xi32>
      %parallel_loop3A_329 = arith.constant 4 : i32
      %parallel_loop3A_330 = vector.broadcast %parallel_loop3A_329 : i32 to vector<16xi32>
      %parallel_loop3A_331 = arith.addi %parallel_loop3A_312, %parallel_loop3A_330 : vector<16xi32>
      %parallel_loop3A_332 = tpu.vector_load_idx %arg11[%parallel_loop3A_331] : memref<34816xi32, #tpu.memory_space<vmem>>[vector<16xi32>], vector<16xi32>,
      %parallel_loop3A_333 = arith.addi %parallel_loop3A_328, %parallel_loop3A_332 : vector<16xi32>
      %parallel_loop3A_334 = arith.constant 5 : i32
      %parallel_loop3A_335 = vector.broadcast %parallel_loop3A_334 : i32 to vector<16xi32>
      %parallel_loop3A_336 = arith.addi %parallel_loop3A_312, %parallel_loop3A_335 : vector<16xi32>
      %parallel_loop3A_337 = tpu.vector_load_idx %arg11[%parallel_loop3A_336] : memref<34816xi32, #tpu.memory_space<vmem>>[vector<16xi32>], vector<16xi32>,
      %parallel_loop3A_338 = arith.addi %parallel_loop3A_333, %parallel_loop3A_337 : vector<16xi32>
      %parallel_loop3A_339 = arith.constant 6 : i32
      %parallel_loop3A_340 = vector.broadcast %parallel_loop3A_339 : i32 to vector<16xi32>
      %parallel_loop3A_341 = arith.addi %parallel_loop3A_312, %parallel_loop3A_340 : vector<16xi32>
      %parallel_loop3A_342 = tpu.vector_load_idx %arg11[%parallel_loop3A_341] : memref<34816xi32, #tpu.memory_space<vmem>>[vector<16xi32>], vector<16xi32>,
      %parallel_loop3A_343 = arith.addi %parallel_loop3A_338, %parallel_loop3A_342 : vector<16xi32>
      %parallel_loop3A_344 = arith.constant 7 : i32
      %parallel_loop3A_345 = vector.broadcast %parallel_loop3A_344 : i32 to vector<16xi32>
      %parallel_loop3A_346 = arith.addi %parallel_loop3A_312, %parallel_loop3A_345 : vector<16xi32>
      %parallel_loop3A_347 = tpu.vector_load_idx %arg11[%parallel_loop3A_346] : memref<34816xi32, #tpu.memory_space<vmem>>[vector<16xi32>], vector<16xi32>,
      %parallel_loop3A_348 = arith.addi %parallel_loop3A_343, %parallel_loop3A_347 : vector<16xi32>
      %parallel_loop3A_349 = arith.constant 8 : i32
      %parallel_loop3A_350 = vector.broadcast %parallel_loop3A_349 : i32 to vector<16xi32>
      %parallel_loop3A_351 = arith.addi %parallel_loop3A_312, %parallel_loop3A_350 : vector<16xi32>
      %parallel_loop3A_352 = tpu.vector_load_idx %arg11[%parallel_loop3A_351] : memref<34816xi32, #tpu.memory_space<vmem>>[vector<16xi32>], vector<16xi32>,
      %parallel_loop3A_353 = arith.addi %parallel_loop3A_348, %parallel_loop3A_352 : vector<16xi32>
      %parallel_loop3A_354 = arith.constant 9 : i32
      %parallel_loop3A_355 = vector.broadcast %parallel_loop3A_354 : i32 to vector<16xi32>
      %parallel_loop3A_356 = arith.addi %parallel_loop3A_312, %parallel_loop3A_355 : vector<16xi32>
      %parallel_loop3A_357 = tpu.vector_load_idx %arg11[%parallel_loop3A_356] : memref<34816xi32, #tpu.memory_space<vmem>>[vector<16xi32>], vector<16xi32>,
      %parallel_loop3A_358 = arith.addi %parallel_loop3A_353, %parallel_loop3A_357 : vector<16xi32>
      %parallel_loop3A_359 = arith.constant 10 : i32
      %parallel_loop3A_360 = vector.broadcast %parallel_loop3A_359 : i32 to vector<16xi32>
      %parallel_loop3A_361 = arith.addi %parallel_loop3A_312, %parallel_loop3A_360 : vector<16xi32>
      %parallel_loop3A_362 = tpu.vector_load_idx %arg11[%parallel_loop3A_361] : memref<34816xi32, #tpu.memory_space<vmem>>[vector<16xi32>], vector<16xi32>,
      %parallel_loop3A_363 = arith.addi %parallel_loop3A_358, %parallel_loop3A_362 : vector<16xi32>
      %parallel_loop3A_364 = arith.constant 11 : i32
      %parallel_loop3A_365 = vector.broadcast %parallel_loop3A_364 : i32 to vector<16xi32>
      %parallel_loop3A_366 = arith.addi %parallel_loop3A_312, %parallel_loop3A_365 : vector<16xi32>
      %parallel_loop3A_367 = tpu.vector_load_idx %arg11[%parallel_loop3A_366] : memref<34816xi32, #tpu.memory_space<vmem>>[vector<16xi32>], vector<16xi32>,
      %parallel_loop3A_368 = arith.addi %parallel_loop3A_363, %parallel_loop3A_367 : vector<16xi32>
      %parallel_loop3A_369 = arith.constant 12 : i32
      %parallel_loop3A_370 = vector.broadcast %parallel_loop3A_369 : i32 to vector<16xi32>
      %parallel_loop3A_371 = arith.addi %parallel_loop3A_312, %parallel_loop3A_370 : vector<16xi32>
      %parallel_loop3A_372 = tpu.vector_load_idx %arg11[%parallel_loop3A_371] : memref<34816xi32, #tpu.memory_space<vmem>>[vector<16xi32>], vector<16xi32>,
      %parallel_loop3A_373 = arith.addi %parallel_loop3A_368, %parallel_loop3A_372 : vector<16xi32>
      %parallel_loop3A_374 = arith.constant 13 : i32
      %parallel_loop3A_375 = vector.broadcast %parallel_loop3A_374 : i32 to vector<16xi32>
      %parallel_loop3A_376 = arith.addi %parallel_loop3A_312, %parallel_loop3A_375 : vector<16xi32>
      %parallel_loop3A_377 = tpu.vector_load_idx %arg11[%parallel_loop3A_376] : memref<34816xi32, #tpu.memory_space<vmem>>[vector<16xi32>], vector<16xi32>,
      %parallel_loop3A_378 = arith.addi %parallel_loop3A_373, %parallel_loop3A_377 : vector<16xi32>
      %parallel_loop3A_379 = arith.constant 14 : i32
      %parallel_loop3A_380 = vector.broadcast %parallel_loop3A_379 : i32 to vector<16xi32>
      %parallel_loop3A_381 = arith.addi %parallel_loop3A_312, %parallel_loop3A_380 : vector<16xi32>
      %parallel_loop3A_382 = tpu.vector_load_idx %arg11[%parallel_loop3A_381] : memref<34816xi32, #tpu.memory_space<vmem>>[vector<16xi32>], vector<16xi32>,
      %parallel_loop3A_383 = arith.addi %parallel_loop3A_378, %parallel_loop3A_382 : vector<16xi32>
      %parallel_loop3A_384 = arith.constant 15 : i32
      %parallel_loop3A_385 = vector.broadcast %parallel_loop3A_384 : i32 to vector<16xi32>
      %parallel_loop3A_386 = arith.addi %parallel_loop3A_312, %parallel_loop3A_385 : vector<16xi32>
      %parallel_loop3A_387 = tpu.vector_load_idx %arg11[%parallel_loop3A_386] : memref<34816xi32, #tpu.memory_space<vmem>>[vector<16xi32>], vector<16xi32>,
      %parallel_loop3A_388 = arith.addi %parallel_loop3A_383, %parallel_loop3A_387 : vector<16xi32>
      %parallel_loop3A_389 = arith.constant 16 : i32
      %parallel_loop3A_390 = arith.muli %parallel_loop3A_305, %parallel_loop3A_389 : i32
      %parallel_loop3A_391 = arith.index_cast %parallel_loop3A_390 : i32 to index
      %parallel_loop3A_392 = tpu.vector_load %arg12[%parallel_loop3A_391] {strides = array<i32>} : memref<2048xi32, #tpu.memory_space<vmem>>, vector<16xi32>,
      tpu.vector_store %arg12[%parallel_loop3A_391], %parallel_loop3A_388 {strides = array<i32>} : memref<2048xi32, #tpu.memory_space<vmem>>, vector<16xi32>,
    } {sc.loop_unroll_factor = 2 : i64, sc.parallel_access}
    %reduce_sum3A = arith.constant true
    %reduce_sum3A_69 = vector.broadcast %reduce_sum3A : i1 to vector<16xi1>
    %reduce_sum3A_70 = tpu.scan <sum>, %scan3A_43 masked %reduce_sum3A_69 : vector<16xi32>, vector<16xi1> -> vector<16xi32>
    %reduce_sum3A_71 = vector.extract %reduce_sum3A_70[15] : i32 from vector<16xi32>
    %eq3A = arith.constant 0 : i32
    %eq3A_72 = vector.broadcast %eq3A : i32 to vector<16xi32>
    %eq3A_73 = arith.cmpi eq, %iota3A, %eq3A_72 : vector<16xi32>
    %jit3A = arith.constant 0 : i32
    %broadcast_in_dim3A_74 = vector.broadcast %reduce_sum3A_71 : i32 to vector<16xi32>
    %broadcast_in_dim3A_75 = vector.broadcast %jit3A : i32 to vector<16xi32>
    %select_n3A = arith.select %eq3A_73, %broadcast_in_dim3A_74, %broadcast_in_dim3A_75 : vector<16xi1>, vector<16xi32>
    %swap3A = arith.constant 1024 : index
    %swap3A_76 = tpu.vector_load %arg12[%swap3A] {strides = array<i32>} : memref<2048xi32, #tpu.memory_space<vmem>>, vector<16xi32>,
    tpu.vector_store %arg12[%swap3A], %select_n3A {strides = array<i32>} : memref<2048xi32, #tpu.memory_space<vmem>>, vector<16xi32>,
    "tpu.region"() ({
      %run_scoped3A = tpu.sem_alloc : memref<!tpu.dma_semaphore, #tpu.memory_space<semaphore_mem>>
      %dma_start3A_305 = arith.constant 0 : i32
      %dma_start3A_306 = tpu.memref_slice %arg16[%arg1, %dma_start3A_305] : memref<16x2048xi32, #tpu.memory_space<vmem_shared>> -> memref<1x2048xi32, #tpu.memory_space<vmem_shared>>
      %dma_start3A_307 = tpu.memref_squeeze %dma_start3A_306 : memref<1x2048xi32, #tpu.memory_space<vmem_shared>> -> memref<2048xi32, #tpu.memory_space<vmem_shared>>
      %dma_start3A_308 = arith.constant 0 : i32
      %dma_start3A_309 = tpu.memref_slice %arg16[%arg1, %dma_start3A_308] : memref<16x2048xi32, #tpu.memory_space<vmem_shared>> -> memref<1x2048xi32, #tpu.memory_space<vmem_shared>>
      %dma_start3A_310 = tpu.memref_squeeze %dma_start3A_309 : memref<1x2048xi32, #tpu.memory_space<vmem_shared>> -> memref<2048xi32, #tpu.memory_space<vmem_shared>>
      tpu.enqueue_dma source(%arg12 : memref<2048xi32, #tpu.memory_space<vmem>>) target(%dma_start3A_310 : memref<2048xi32, #tpu.memory_space<vmem_shared>>) target_semaphore(%run_scoped3A : memref<!tpu.dma_semaphore, #tpu.memory_space<semaphore_mem>>)
      %dma_wait3A_311 = arith.constant 0 : i32
      %dma_wait3A_312 = tpu.memref_slice %arg16[%arg1, %dma_wait3A_311] : memref<16x2048xi32, #tpu.memory_space<vmem_shared>> -> memref<1x2048xi32, #tpu.memory_space<vmem_shared>>
      %dma_wait3A_313 = tpu.memref_squeeze %dma_wait3A_312 : memref<1x2048xi32, #tpu.memory_space<vmem_shared>> -> memref<2048xi32, #tpu.memory_space<vmem_shared>>
      %dma_wait3A_314 = arith.constant 0 : i32
      %dma_wait3A_315 = tpu.memref_slice %arg16[%arg1, %dma_wait3A_314] : memref<16x2048xi32, #tpu.memory_space<vmem_shared>> -> memref<1x2048xi32, #tpu.memory_space<vmem_shared>>
      %dma_wait3A_316 = tpu.memref_squeeze %dma_wait3A_315 : memref<1x2048xi32, #tpu.memory_space<vmem_shared>> -> memref<2048xi32, #tpu.memory_space<vmem_shared>>
      tpu.wait_dma2 semaphore(%run_scoped3A : memref<!tpu.dma_semaphore, #tpu.memory_space<semaphore_mem>>) src(%arg12 : memref<2048xi32, #tpu.memory_space<vmem>>) dst(%dma_wait3A_316 : memref<2048xi32, #tpu.memory_space<vmem_shared>>)
      tpu.yield
    }) : () -> ()
    %barrier3A = arith.constant 0 : index
    tpu.barrier barrier_id(%barrier3A)
    "tpu.region"() ({
      %run_scoped3A = tpu.sem_alloc : memref<!tpu.dma_semaphore, #tpu.memory_space<semaphore_mem>>
      %dma_start3A_305 = arith.constant 0 : i32
      %dma_start3A_306 = arith.constant 0 : i32
      %dma_start3A_307 = tpu.memref_slice %arg16[%dma_start3A_305, %dma_start3A_306] : memref<16x2048xi32, #tpu.memory_space<vmem_shared>> -> memref<8x2048xi32, #tpu.memory_space<vmem_shared>>
      %dma_start3A_308 = arith.constant 0 : i32
      %dma_start3A_309 = arith.constant 0 : i32
      %dma_start3A_310 = tpu.memref_slice %arg16[%dma_start3A_308, %dma_start3A_309] : memref<16x2048xi32, #tpu.memory_space<vmem_shared>> -> memref<8x2048xi32, #tpu.memory_space<vmem_shared>>
      tpu.enqueue_dma source(%dma_start3A_310 : memref<8x2048xi32, #tpu.memory_space<vmem_shared>>) target(%arg13 : memref<8x2048xi32, #tpu.memory_space<vmem>>) target_semaphore(%run_scoped3A : memref<!tpu.dma_semaphore, #tpu.memory_space<semaphore_mem>>)
      %dma_wait3A_311 = arith.constant 0 : i32
      %dma_wait3A_312 = arith.constant 0 : i32
      %dma_wait3A_313 = tpu.memref_slice %arg16[%dma_wait3A_311, %dma_wait3A_312] : memref<16x2048xi32, #tpu.memory_space<vmem_shared>> -> memref<8x2048xi32, #tpu.memory_space<vmem_shared>>
      %dma_wait3A_314 = arith.constant 0 : i32
      %dma_wait3A_315 = arith.constant 0 : i32
      %dma_wait3A_316 = tpu.memref_slice %arg16[%dma_wait3A_314, %dma_wait3A_315] : memref<16x2048xi32, #tpu.memory_space<vmem_shared>> -> memref<8x2048xi32, #tpu.memory_space<vmem_shared>>
      tpu.wait_dma2 semaphore(%run_scoped3A : memref<!tpu.dma_semaphore, #tpu.memory_space<semaphore_mem>>) src(%dma_wait3A_316 : memref<8x2048xi32, #tpu.memory_space<vmem_shared>>) dst(%arg13 : memref<8x2048xi32, #tpu.memory_space<vmem>>)
      tpu.yield
    }) : () -> ()
    %parallel_loop3A_77 = arith.constant 0 : i32
    %parallel_loop3A_78 = arith.constant 128 : i32
    %parallel_loop3A_79 = arith.constant 1 : i32
    scf.for %parallel_loop3A_305 = %parallel_loop3A_77 to %parallel_loop3A_78 step %parallel_loop3A_79  : i32 {
      %parallel_loop3A_306 = arith.constant 16 : i32
      %parallel_loop3A_307 = arith.muli %parallel_loop3A_305, %parallel_loop3A_306 : i32
      %parallel_loop3A_308 = arith.constant 0 : i32
      %parallel_loop3A_309 = arith.index_cast %parallel_loop3A_308 : i32 to index
      %parallel_loop3A_310 = arith.index_cast %parallel_loop3A_307 : i32 to index
      %parallel_loop3A_311 = tpu.vector_load %arg13[%parallel_loop3A_309, %parallel_loop3A_310] {strides = array<i32>} : memref<8x2048xi32, #tpu.memory_space<vmem>>, vector<16xi32>,
      %parallel_loop3A_312 = arith.constant 16 : i32
      %parallel_loop3A_313 = arith.muli %parallel_loop3A_305, %parallel_loop3A_312 : i32
      %parallel_loop3A_314 = arith.constant 1 : i32
      %parallel_loop3A_315 = arith.index_cast %parallel_loop3A_314 : i32 to index
      %parallel_loop3A_316 = arith.index_cast %parallel_loop3A_313 : i32 to index
      %parallel_loop3A_317 = tpu.vector_load %arg13[%parallel_loop3A_315, %parallel_loop3A_316] {strides = array<i32>} : memref<8x2048xi32, #tpu.memory_space<vmem>>, vector<16xi32>,
      %parallel_loop3A_318 = arith.addi %parallel_loop3A_311, %parallel_loop3A_317 : vector<16xi32>
      %parallel_loop3A_319 = arith.constant 16 : i32
      %parallel_loop3A_320 = arith.muli %parallel_loop3A_305, %parallel_loop3A_319 : i32
      %parallel_loop3A_321 = arith.constant 2 : i32
      %parallel_loop3A_322 = arith.index_cast %parallel_loop3A_321 : i32 to index
      %parallel_loop3A_323 = arith.index_cast %parallel_loop3A_320 : i32 to index
      %parallel_loop3A_324 = tpu.vector_load %arg13[%parallel_loop3A_322, %parallel_loop3A_323] {strides = array<i32>} : memref<8x2048xi32, #tpu.memory_space<vmem>>, vector<16xi32>,
      %parallel_loop3A_325 = arith.addi %parallel_loop3A_318, %parallel_loop3A_324 : vector<16xi32>
      %parallel_loop3A_326 = arith.constant 16 : i32
      %parallel_loop3A_327 = arith.muli %parallel_loop3A_305, %parallel_loop3A_326 : i32
      %parallel_loop3A_328 = arith.constant 3 : i32
      %parallel_loop3A_329 = arith.index_cast %parallel_loop3A_328 : i32 to index
      %parallel_loop3A_330 = arith.index_cast %parallel_loop3A_327 : i32 to index
      %parallel_loop3A_331 = tpu.vector_load %arg13[%parallel_loop3A_329, %parallel_loop3A_330] {strides = array<i32>} : memref<8x2048xi32, #tpu.memory_space<vmem>>, vector<16xi32>,
      %parallel_loop3A_332 = arith.addi %parallel_loop3A_325, %parallel_loop3A_331 : vector<16xi32>
      %parallel_loop3A_333 = arith.constant 16 : i32
      %parallel_loop3A_334 = arith.muli %parallel_loop3A_305, %parallel_loop3A_333 : i32
      %parallel_loop3A_335 = arith.constant 4 : i32
      %parallel_loop3A_336 = arith.index_cast %parallel_loop3A_335 : i32 to index
      %parallel_loop3A_337 = arith.index_cast %parallel_loop3A_334 : i32 to index
      %parallel_loop3A_338 = tpu.vector_load %arg13[%parallel_loop3A_336, %parallel_loop3A_337] {strides = array<i32>} : memref<8x2048xi32, #tpu.memory_space<vmem>>, vector<16xi32>,
      %parallel_loop3A_339 = arith.addi %parallel_loop3A_332, %parallel_loop3A_338 : vector<16xi32>
      %parallel_loop3A_340 = arith.constant 16 : i32
      %parallel_loop3A_341 = arith.muli %parallel_loop3A_305, %parallel_loop3A_340 : i32
      %parallel_loop3A_342 = arith.constant 5 : i32
      %parallel_loop3A_343 = arith.index_cast %parallel_loop3A_342 : i32 to index
      %parallel_loop3A_344 = arith.index_cast %parallel_loop3A_341 : i32 to index
      %parallel_loop3A_345 = tpu.vector_load %arg13[%parallel_loop3A_343, %parallel_loop3A_344] {strides = array<i32>} : memref<8x2048xi32, #tpu.memory_space<vmem>>, vector<16xi32>,
      %parallel_loop3A_346 = arith.addi %parallel_loop3A_339, %parallel_loop3A_345 : vector<16xi32>
      %parallel_loop3A_347 = arith.constant 16 : i32
      %parallel_loop3A_348 = arith.muli %parallel_loop3A_305, %parallel_loop3A_347 : i32
      %parallel_loop3A_349 = arith.constant 6 : i32
      %parallel_loop3A_350 = arith.index_cast %parallel_loop3A_349 : i32 to index
      %parallel_loop3A_351 = arith.index_cast %parallel_loop3A_348 : i32 to index
      %parallel_loop3A_352 = tpu.vector_load %arg13[%parallel_loop3A_350, %parallel_loop3A_351] {strides = array<i32>} : memref<8x2048xi32, #tpu.memory_space<vmem>>, vector<16xi32>,
      %parallel_loop3A_353 = arith.addi %parallel_loop3A_346, %parallel_loop3A_352 : vector<16xi32>
      %parallel_loop3A_354 = arith.constant 16 : i32
      %parallel_loop3A_355 = arith.muli %parallel_loop3A_305, %parallel_loop3A_354 : i32
      %parallel_loop3A_356 = arith.constant 7 : i32
      %parallel_loop3A_357 = arith.index_cast %parallel_loop3A_356 : i32 to index
      %parallel_loop3A_358 = arith.index_cast %parallel_loop3A_355 : i32 to index
      %parallel_loop3A_359 = tpu.vector_load %arg13[%parallel_loop3A_357, %parallel_loop3A_358] {strides = array<i32>} : memref<8x2048xi32, #tpu.memory_space<vmem>>, vector<16xi32>,
      %parallel_loop3A_360 = arith.addi %parallel_loop3A_353, %parallel_loop3A_359 : vector<16xi32>
      %parallel_loop3A_361 = arith.constant 16 : i32
      %parallel_loop3A_362 = arith.muli %parallel_loop3A_305, %parallel_loop3A_361 : i32
      %parallel_loop3A_363 = arith.index_cast %parallel_loop3A_362 : i32 to index
      %parallel_loop3A_364 = tpu.vector_load %arg14[%parallel_loop3A_363] {strides = array<i32>} : memref<2048xi32, #tpu.memory_space<vmem>>, vector<16xi32>,
      tpu.vector_store %arg14[%parallel_loop3A_363], %parallel_loop3A_360 {strides = array<i32>} : memref<2048xi32, #tpu.memory_space<vmem>>, vector<16xi32>,
    } {sc.loop_unroll_factor = 2 : i64, sc.parallel_access}
    "tpu.region"() ({
      %run_scoped3A = tpu.sem_alloc : memref<!tpu.dma_semaphore, #tpu.memory_space<semaphore_mem>>
      %dma_start3A_305 = arith.constant 8 : i32
      %dma_start3A_306 = arith.constant 0 : i32
      %dma_start3A_307 = tpu.memref_slice %arg16[%dma_start3A_305, %dma_start3A_306] : memref<16x2048xi32, #tpu.memory_space<vmem_shared>> -> memref<8x2048xi32, #tpu.memory_space<vmem_shared>>
      %dma_start3A_308 = arith.constant 8 : i32
      %dma_start3A_309 = arith.constant 0 : i32
      %dma_start3A_310 = tpu.memref_slice %arg16[%dma_start3A_308, %dma_start3A_309] : memref<16x2048xi32, #tpu.memory_space<vmem_shared>> -> memref<8x2048xi32, #tpu.memory_space<vmem_shared>>
      tpu.enqueue_dma source(%dma_start3A_310 : memref<8x2048xi32, #tpu.memory_space<vmem_shared>>) target(%arg13 : memref<8x2048xi32, #tpu.memory_space<vmem>>) target_semaphore(%run_scoped3A : memref<!tpu.dma_semaphore, #tpu.memory_space<semaphore_mem>>)
      %dma_wait3A_311 = arith.constant 8 : i32
      %dma_wait3A_312 = arith.constant 0 : i32
      %dma_wait3A_313 = tpu.memref_slice %arg16[%dma_wait3A_311, %dma_wait3A_312] : memref<16x2048xi32, #tpu.memory_space<vmem_shared>> -> memref<8x2048xi32, #tpu.memory_space<vmem_shared>>
      %dma_wait3A_314 = arith.constant 8 : i32
      %dma_wait3A_315 = arith.constant 0 : i32
      %dma_wait3A_316 = tpu.memref_slice %arg16[%dma_wait3A_314, %dma_wait3A_315] : memref<16x2048xi32, #tpu.memory_space<vmem_shared>> -> memref<8x2048xi32, #tpu.memory_space<vmem_shared>>
      tpu.wait_dma2 semaphore(%run_scoped3A : memref<!tpu.dma_semaphore, #tpu.memory_space<semaphore_mem>>) src(%dma_wait3A_316 : memref<8x2048xi32, #tpu.memory_space<vmem_shared>>) dst(%arg13 : memref<8x2048xi32, #tpu.memory_space<vmem>>)
      tpu.yield
    }) : () -> ()
    %parallel_loop3A_80 = arith.constant 0 : i32
    %parallel_loop3A_81 = arith.constant 128 : i32
    %parallel_loop3A_82 = arith.constant 1 : i32
    scf.for %parallel_loop3A_305 = %parallel_loop3A_80 to %parallel_loop3A_81 step %parallel_loop3A_82  : i32 {
      %parallel_loop3A_306 = arith.constant 16 : i32
      %parallel_loop3A_307 = arith.muli %parallel_loop3A_305, %parallel_loop3A_306 : i32
      %parallel_loop3A_308 = arith.constant 0 : i32
      %parallel_loop3A_309 = arith.index_cast %parallel_loop3A_308 : i32 to index
      %parallel_loop3A_310 = arith.index_cast %parallel_loop3A_307 : i32 to index
      %parallel_loop3A_311 = tpu.vector_load %arg13[%parallel_loop3A_309, %parallel_loop3A_310] {strides = array<i32>} : memref<8x2048xi32, #tpu.memory_space<vmem>>, vector<16xi32>,
      %parallel_loop3A_312 = arith.constant 16 : i32
      %parallel_loop3A_313 = arith.muli %parallel_loop3A_305, %parallel_loop3A_312 : i32
      %parallel_loop3A_314 = arith.constant 1 : i32
      %parallel_loop3A_315 = arith.index_cast %parallel_loop3A_314 : i32 to index
      %parallel_loop3A_316 = arith.index_cast %parallel_loop3A_313 : i32 to index
      %parallel_loop3A_317 = tpu.vector_load %arg13[%parallel_loop3A_315, %parallel_loop3A_316] {strides = array<i32>} : memref<8x2048xi32, #tpu.memory_space<vmem>>, vector<16xi32>,
      %parallel_loop3A_318 = arith.addi %parallel_loop3A_311, %parallel_loop3A_317 : vector<16xi32>
      %parallel_loop3A_319 = arith.constant 16 : i32
      %parallel_loop3A_320 = arith.muli %parallel_loop3A_305, %parallel_loop3A_319 : i32
      %parallel_loop3A_321 = arith.constant 2 : i32
      %parallel_loop3A_322 = arith.index_cast %parallel_loop3A_321 : i32 to index
      %parallel_loop3A_323 = arith.index_cast %parallel_loop3A_320 : i32 to index
      %parallel_loop3A_324 = tpu.vector_load %arg13[%parallel_loop3A_322, %parallel_loop3A_323] {strides = array<i32>} : memref<8x2048xi32, #tpu.memory_space<vmem>>, vector<16xi32>,
      %parallel_loop3A_325 = arith.addi %parallel_loop3A_318, %parallel_loop3A_324 : vector<16xi32>
      %parallel_loop3A_326 = arith.constant 16 : i32
      %parallel_loop3A_327 = arith.muli %parallel_loop3A_305, %parallel_loop3A_326 : i32
      %parallel_loop3A_328 = arith.constant 3 : i32
      %parallel_loop3A_329 = arith.index_cast %parallel_loop3A_328 : i32 to index
      %parallel_loop3A_330 = arith.index_cast %parallel_loop3A_327 : i32 to index
      %parallel_loop3A_331 = tpu.vector_load %arg13[%parallel_loop3A_329, %parallel_loop3A_330] {strides = array<i32>} : memref<8x2048xi32, #tpu.memory_space<vmem>>, vector<16xi32>,
      %parallel_loop3A_332 = arith.addi %parallel_loop3A_325, %parallel_loop3A_331 : vector<16xi32>
      %parallel_loop3A_333 = arith.constant 16 : i32
      %parallel_loop3A_334 = arith.muli %parallel_loop3A_305, %parallel_loop3A_333 : i32
      %parallel_loop3A_335 = arith.constant 4 : i32
      %parallel_loop3A_336 = arith.index_cast %parallel_loop3A_335 : i32 to index
      %parallel_loop3A_337 = arith.index_cast %parallel_loop3A_334 : i32 to index
      %parallel_loop3A_338 = tpu.vector_load %arg13[%parallel_loop3A_336, %parallel_loop3A_337] {strides = array<i32>} : memref<8x2048xi32, #tpu.memory_space<vmem>>, vector<16xi32>,
      %parallel_loop3A_339 = arith.addi %parallel_loop3A_332, %parallel_loop3A_338 : vector<16xi32>
      %parallel_loop3A_340 = arith.constant 16 : i32
      %parallel_loop3A_341 = arith.muli %parallel_loop3A_305, %parallel_loop3A_340 : i32
      %parallel_loop3A_342 = arith.constant 5 : i32
      %parallel_loop3A_343 = arith.index_cast %parallel_loop3A_342 : i32 to index
      %parallel_loop3A_344 = arith.index_cast %parallel_loop3A_341 : i32 to index
      %parallel_loop3A_345 = tpu.vector_load %arg13[%parallel_loop3A_343, %parallel_loop3A_344] {strides = array<i32>} : memref<8x2048xi32, #tpu.memory_space<vmem>>, vector<16xi32>,
      %parallel_loop3A_346 = arith.addi %parallel_loop3A_339, %parallel_loop3A_345 : vector<16xi32>
      %parallel_loop3A_347 = arith.constant 16 : i32
      %parallel_loop3A_348 = arith.muli %parallel_loop3A_305, %parallel_loop3A_347 : i32
      %parallel_loop3A_349 = arith.constant 6 : i32
      %parallel_loop3A_350 = arith.index_cast %parallel_loop3A_349 : i32 to index
      %parallel_loop3A_351 = arith.index_cast %parallel_loop3A_348 : i32 to index
      %parallel_loop3A_352 = tpu.vector_load %arg13[%parallel_loop3A_350, %parallel_loop3A_351] {strides = array<i32>} : memref<8x2048xi32, #tpu.memory_space<vmem>>, vector<16xi32>,
      %parallel_loop3A_353 = arith.addi %parallel_loop3A_346, %parallel_loop3A_352 : vector<16xi32>
      %parallel_loop3A_354 = arith.constant 16 : i32
      %parallel_loop3A_355 = arith.muli %parallel_loop3A_305, %parallel_loop3A_354 : i32
      %parallel_loop3A_356 = arith.constant 7 : i32
      %parallel_loop3A_357 = arith.index_cast %parallel_loop3A_356 : i32 to index
      %parallel_loop3A_358 = arith.index_cast %parallel_loop3A_355 : i32 to index
      %parallel_loop3A_359 = tpu.vector_load %arg13[%parallel_loop3A_357, %parallel_loop3A_358] {strides = array<i32>} : memref<8x2048xi32, #tpu.memory_space<vmem>>, vector<16xi32>,
      %parallel_loop3A_360 = arith.addi %parallel_loop3A_353, %parallel_loop3A_359 : vector<16xi32>
      %parallel_loop3A_361 = arith.constant 16 : i32
      %parallel_loop3A_362 = arith.muli %parallel_loop3A_305, %parallel_loop3A_361 : i32
      %parallel_loop3A_363 = arith.index_cast %parallel_loop3A_362 : i32 to index
      %parallel_loop3A_364 = tpu.vector_load %arg14[%parallel_loop3A_363] {strides = array<i32>} : memref<2048xi32, #tpu.memory_space<vmem>>, vector<16xi32>,
      tpu.vector_store %arg14[%parallel_loop3A_363], %parallel_loop3A_360 {add = true, strides = array<i32>} : memref<2048xi32, #tpu.memory_space<vmem>>, vector<16xi32>,
    } {sc.loop_unroll_factor = 2 : i64, sc.parallel_access}
    %barrier3A_83 = arith.constant 0 : index
    tpu.barrier barrier_id(%barrier3A_83)
    %get3A = arith.constant 1024 : index
    %get3A_84 = tpu.vector_load %arg14[%get3A] {strides = array<i32>} : memref<2048xi32, #tpu.memory_space<vmem>>, vector<16xi32>,
    %slice3A = vector.extract_strided_slice %get3A_84 {offsets = [0], sizes = [1], strides = [1]} : vector<16xi32> to vector<1xi32>
    %squeeze3A = vector.extract %slice3A[0] : i32 from vector<1xi32>
    %mul3A_85 = arith.constant 4 : i32
    %mul3A_86 = arith.muli %squeeze3A, %mul3A_85 : i32
    %convert_element_type3A = arith.sitofp %squeeze3A : i32 to f32
    %mul3A_87 = arith.constant 8.000000e-01 : f32
    %mul3A_88 = arith.mulf %convert_element_type3A, %mul3A_87 : f32
    %convert_element_type3A_89 = arith.fptosi %mul3A_88 : f32 to i32
    %add3A_90 = arith.constant -2 : i32
    %add3A_91 = arith.addi %convert_element_type3A_89, %add3A_90 : i32
    %ge3A = arith.constant 0 : i32
    %ge3A_92 = arith.cmpi sge, %add3A_91, %ge3A : i32
    %mul3A_93 = arith.constant 5 : i32
    %mul3A_94 = arith.muli %add3A_91, %mul3A_93 : i32
    %le3A = arith.cmpi sle, %mul3A_94, %mul3A_86 : i32
    %and3A = arith.andi %ge3A_92, %le3A : i1
    %max3A = arith.constant 0 : i32
    %max3A_95 = arith.maxsi %max3A, %add3A_91 : i32
    %jit3A_96 = arith.constant 0 : i32
    %select_n3A_97 = arith.select %and3A, %max3A_95, %jit3A_96 : i32
    %add3A_98 = arith.constant -1 : i32
    %add3A_99 = arith.addi %convert_element_type3A_89, %add3A_98 : i32
    %ge3A_100 = arith.constant 0 : i32
    %ge3A_101 = arith.cmpi sge, %add3A_99, %ge3A_100 : i32
    %mul3A_102 = arith.constant 5 : i32
    %mul3A_103 = arith.muli %add3A_99, %mul3A_102 : i32
    %le3A_104 = arith.cmpi sle, %mul3A_103, %mul3A_86 : i32
    %and3A_105 = arith.andi %ge3A_101, %le3A_104 : i1
    %max3A_106 = arith.maxsi %select_n3A_97, %add3A_99 : i32
    %select_n3A_107 = arith.select %and3A_105, %max3A_106, %select_n3A_97 : i32
    %add3A_108 = arith.constant 0 : i32
    %add3A_109 = arith.addi %convert_element_type3A_89, %add3A_108 : i32
    %ge3A_110 = arith.constant 0 : i32
    %ge3A_111 = arith.cmpi sge, %add3A_109, %ge3A_110 : i32
    %mul3A_112 = arith.constant 5 : i32
    %mul3A_113 = arith.muli %add3A_109, %mul3A_112 : i32
    %le3A_114 = arith.cmpi sle, %mul3A_113, %mul3A_86 : i32
    %and3A_115 = arith.andi %ge3A_111, %le3A_114 : i1
    %max3A_116 = arith.maxsi %select_n3A_107, %add3A_109 : i32
    %select_n3A_117 = arith.select %and3A_115, %max3A_116, %select_n3A_107 : i32
    %add3A_118 = arith.constant 1 : i32
    %add3A_119 = arith.addi %convert_element_type3A_89, %add3A_118 : i32
    %ge3A_120 = arith.constant 0 : i32
    %ge3A_121 = arith.cmpi sge, %add3A_119, %ge3A_120 : i32
    %mul3A_122 = arith.constant 5 : i32
    %mul3A_123 = arith.muli %add3A_119, %mul3A_122 : i32
    %le3A_124 = arith.cmpi sle, %mul3A_123, %mul3A_86 : i32
    %and3A_125 = arith.andi %ge3A_121, %le3A_124 : i1
    %max3A_126 = arith.maxsi %select_n3A_117, %add3A_119 : i32
    %select_n3A_127 = arith.select %and3A_125, %max3A_126, %select_n3A_117 : i32
    %add3A_128 = arith.constant 2 : i32
    %add3A_129 = arith.addi %convert_element_type3A_89, %add3A_128 : i32
    %ge3A_130 = arith.constant 0 : i32
    %ge3A_131 = arith.cmpi sge, %add3A_129, %ge3A_130 : i32
    %mul3A_132 = arith.constant 5 : i32
    %mul3A_133 = arith.muli %add3A_129, %mul3A_132 : i32
    %le3A_134 = arith.cmpi sle, %mul3A_133, %mul3A_86 : i32
    %and3A_135 = arith.andi %ge3A_131, %le3A_134 : i1
    %max3A_136 = arith.maxsi %select_n3A_127, %add3A_129 : i32
    %select_n3A_137 = arith.select %and3A_135, %max3A_136, %select_n3A_127 : i32
    %scan3A_138 = arith.constant 0 : i32
    %scan3A_139 = arith.constant 1073741824 : i32
    %scan3A_140 = arith.constant 0 : i32
    %scan3A_141 = arith.constant 128 : i32
    %scan3A_142 = arith.addi %scan3A_140, %scan3A_141 : i32
    %scan3A_143 = arith.constant 1 : i32
    %scan3A_144:2 = scf.for %scan3A_305 = %scan3A_140 to %scan3A_142 step %scan3A_143 iter_args(%scan3A_306 = %scan3A_138, %scan3A_307 = %scan3A_139) -> (i32, i32)  : i32 {
      %mul3A_308 = arith.constant 16 : i32
      %mul3A_309 = arith.muli %scan3A_305, %mul3A_308 : i32
      %get3A_310 = arith.index_cast %mul3A_309 : i32 to index
      %get3A_311 = tpu.vector_load %arg14[%get3A_310] {strides = array<i32>} : memref<2048xi32, #tpu.memory_space<vmem>>, vector<16xi32>,
      %broadcast_in_dim3A_312 = arith.constant true
      %broadcast_in_dim3A_313 = vector.broadcast %broadcast_in_dim3A_312 : i1 to vector<16xi1>
      %masked_cumsum3A = tpu.scan <sum>, %get3A_311 masked %broadcast_in_dim3A_313 : vector<16xi32>, vector<16xi1> -> vector<16xi32>
      %add3A_314 = vector.broadcast %scan3A_306 : i32 to vector<16xi32>
      %add3A_315 = arith.addi %masked_cumsum3A, %add3A_314 : vector<16xi32>
      %mul3A_316 = arith.constant 16 : i32
      %mul3A_317 = arith.muli %scan3A_305, %mul3A_316 : i32
      %add3A_318 = vector.broadcast %mul3A_317 : i32 to vector<16xi32>
      %add3A_319 = arith.addi %iota3A, %add3A_318 : vector<16xi32>
      %ge3A_320 = vector.broadcast %select_n3A_137 : i32 to vector<16xi32>
      %ge3A_321 = arith.cmpi sge, %add3A_315, %ge3A_320 : vector<16xi32>
      %jit3A_322 = arith.constant 1073741824 : i32
      %broadcast_in_dim3A_323 = vector.broadcast %jit3A_322 : i32 to vector<16xi32>
      %select_n3A_324 = arith.select %ge3A_321, %add3A_319, %broadcast_in_dim3A_323 : vector<16xi1>, vector<16xi32>
      %reduce_min3A = arith.constant true
      %reduce_min3A_325 = vector.broadcast %reduce_min3A : i1 to vector<16xi1>
      %reduce_min3A_326 = arith.constant -2147483648 : i32
      %reduce_min3A_327 = vector.broadcast %reduce_min3A_326 : i32 to vector<16xi32>
      %reduce_min3A_328 = arith.xori %select_n3A_324, %reduce_min3A_327 : vector<16xi32>
      %reduce_min3A_329 = tpu.scan <min>, %reduce_min3A_328 masked %reduce_min3A_325 : vector<16xi32>, vector<16xi1> -> vector<16xi32>
      %reduce_min3A_330 = arith.xori %reduce_min3A_329, %reduce_min3A_327 : vector<16xi32>
      %reduce_min3A_331 = vector.extract %reduce_min3A_330[15] : i32 from vector<16xi32>
      %reduce_max3A = arith.constant true
      %reduce_max3A_332 = vector.broadcast %reduce_max3A : i1 to vector<16xi1>
      %reduce_max3A_333 = arith.constant -2147483648 : i32
      %reduce_max3A_334 = vector.broadcast %reduce_max3A_333 : i32 to vector<16xi32>
      %reduce_max3A_335 = arith.xori %add3A_315, %reduce_max3A_334 : vector<16xi32>
      %reduce_max3A_336 = tpu.scan <max>, %reduce_max3A_335 masked %reduce_max3A_332 : vector<16xi32>, vector<16xi1> -> vector<16xi32>
      %reduce_max3A_337 = arith.xori %reduce_max3A_336, %reduce_max3A_334 : vector<16xi32>
      %reduce_max3A_338 = vector.extract %reduce_max3A_337[15] : i32 from vector<16xi32>
      %min3A = arith.minsi %scan3A_307, %reduce_min3A_331 : i32
      scf.yield %reduce_max3A_338, %min3A : i32, i32
    }
    %scan3A_145 = arith.constant 128 : i32
    %scan3A_146 = arith.constant 0 : i32
    %scan3A_147 = arith.constant 0 : i32
    %scan3A_148 = arith.constant 128 : i32
    %scan3A_149 = arith.addi %scan3A_147, %scan3A_148 : i32
    %scan3A_150 = arith.constant 1 : i32
    %scan3A_151 = scf.for %scan3A_305 = %scan3A_147 to %scan3A_149 step %scan3A_150 iter_args(%scan3A_306 = %scan3A_146) -> (i32)  : i32 {
      %mul3A_307 = arith.constant 16 : i32
      %mul3A_308 = arith.muli %scan3A_305, %mul3A_307 : i32
      %get3A_309 = arith.index_cast %mul3A_308 : i32 to index
      %get3A_310 = tpu.vector_load %arg14[%get3A_309] {strides = array<i32>} : memref<2048xi32, #tpu.memory_space<vmem>>, vector<16xi32>,
      %mul3A_311 = arith.constant 16 : i32
      %mul3A_312 = arith.muli %scan3A_305, %mul3A_311 : i32
      %add3A_313 = vector.broadcast %mul3A_312 : i32 to vector<16xi32>
      %add3A_314 = arith.addi %iota3A, %add3A_313 : vector<16xi32>
      %lt3A = vector.broadcast %scan3A_144#1 : i32 to vector<16xi32>
      %lt3A_315 = arith.cmpi slt, %add3A_314, %lt3A : vector<16xi32>
      %jit3A_316 = arith.constant 0 : i32
      %broadcast_in_dim3A_317 = vector.broadcast %jit3A_316 : i32 to vector<16xi32>
      %select_n3A_318 = arith.select %lt3A_315, %get3A_310, %broadcast_in_dim3A_317 : vector<16xi1>, vector<16xi32>
      %reduce_sum3A_319 = arith.constant true
      %reduce_sum3A_320 = vector.broadcast %reduce_sum3A_319 : i1 to vector<16xi1>
      %reduce_sum3A_321 = tpu.scan <sum>, %select_n3A_318 masked %reduce_sum3A_320 : vector<16xi32>, vector<16xi1> -> vector<16xi32>
      %reduce_sum3A_322 = vector.extract %reduce_sum3A_321[15] : i32 from vector<16xi32>
      %add3A_323 = arith.addi %scan3A_306, %reduce_sum3A_322 : i32
      scf.yield %add3A_323 : i32
    }
    %scan3A_152 = arith.constant 128 : i32
    %sub3A = arith.subi %select_n3A_137, %scan3A_151 : i32
    %parallel_loop3A_153 = arith.constant 0 : i32
    %parallel_loop3A_154 = arith.constant 2176 : i32
    %parallel_loop3A_155 = arith.constant 1 : i32
    scf.for %parallel_loop3A_305 = %parallel_loop3A_153 to %parallel_loop3A_154 step %parallel_loop3A_155  : i32 {
      %parallel_loop3A_306 = arith.constant 16 : i32
      %parallel_loop3A_307 = arith.muli %parallel_loop3A_305, %parallel_loop3A_306 : i32
      %parallel_loop3A_308 = arith.index_cast %parallel_loop3A_307 : i32 to index
      %parallel_loop3A_309 = tpu.vector_load %arg11[%parallel_loop3A_308] {strides = array<i32>} : memref<34816xi32, #tpu.memory_space<vmem>>, vector<16xi32>,
      tpu.vector_store %arg11[%parallel_loop3A_308], %broadcast_in_dim3A_5 {strides = array<i32>} : memref<34816xi32, #tpu.memory_space<vmem>>, vector<16xi32>,
    } {sc.loop_unroll_factor = 8 : i64, sc.parallel_access}
    %add3A_156 = arith.constant 0 : i32
    %add3A_157 = arith.addi %mul3A_0, %add3A_156 : i32
    %dma_start3A_158 = arith.constant 0 : i32
    %dma_start3A_159 = arith.constant 0 : i32
    %dma_start3A_160 = tpu.memref_slice %arg10[%dma_start3A_158, %dma_start3A_159] : memref<2x8192xf32, #tpu.memory_space<vmem>> -> memref<1x8192xf32, #tpu.memory_space<vmem>>
    %dma_start3A_161 = tpu.memref_squeeze %dma_start3A_160 : memref<1x8192xf32, #tpu.memory_space<vmem>> -> memref<8192xf32, #tpu.memory_space<vmem>>
    %dma_start3A_162 = tpu.memref_slice %arg6[%add3A_157] : memref<8388608xf32, #tpu.memory_space<hbm>> -> memref<8192xf32, #tpu.memory_space<hbm>>
    %dma_start3A_163 = arith.constant 0 : i32
    %dma_start3A_164 = tpu.memref_slice %arg10[%dma_start3A_158, %dma_start3A_163] : memref<2x8192xf32, #tpu.memory_space<vmem>> -> memref<1x8192xf32, #tpu.memory_space<vmem>>
    %dma_start3A_165 = tpu.memref_squeeze %dma_start3A_164 : memref<1x8192xf32, #tpu.memory_space<vmem>> -> memref<8192xf32, #tpu.memory_space<vmem>>
    %dma_start3A_166 = tpu.memref_slice %arg6[%add3A_157] : memref<8388608xf32, #tpu.memory_space<hbm>> -> memref<8192xf32, #tpu.memory_space<hbm>>
    tpu.enqueue_dma source(%dma_start3A_166 : memref<8192xf32, #tpu.memory_space<hbm>>) target(%dma_start3A_165 : memref<8192xf32, #tpu.memory_space<vmem>>) target_semaphore(%arg17 : memref<!tpu.dma_semaphore, #tpu.memory_space<semaphore_mem>>)
    %scan3A_167 = arith.constant 0 : i32
    %scan3A_168 = arith.constant 0 : i32
    %scan3A_169 = arith.constant 32 : i32
    %scan3A_170 = arith.addi %scan3A_168, %scan3A_169 : i32
    %scan3A_171 = arith.constant 1 : i32
    scf.for %scan3A_305 = %scan3A_168 to %scan3A_170 step %scan3A_171  : i32 {
      %mul3A_306 = arith.constant 2 : i32
      %mul3A_307 = arith.muli %mul3A_306, %scan3A_305 : i32
      %mul3A_308 = arith.constant 8192 : i32
      %mul3A_309 = arith.muli %mul3A_307, %mul3A_308 : i32
      %add3A_310 = arith.addi %mul3A_0, %mul3A_309 : i32
      %dma_wait3A_311 = arith.constant 0 : i32
      %dma_wait3A_312 = arith.constant 0 : i32
      %dma_wait3A_313 = tpu.memref_slice %arg10[%dma_wait3A_311, %dma_wait3A_312] : memref<2x8192xf32, #tpu.memory_space<vmem>> -> memref<1x8192xf32, #tpu.memory_space<vmem>>
      %dma_wait3A_314 = tpu.memref_squeeze %dma_wait3A_313 : memref<1x8192xf32, #tpu.memory_space<vmem>> -> memref<8192xf32, #tpu.memory_space<vmem>>
      %dma_wait3A_315 = tpu.memref_slice %arg6[%add3A_310] : memref<8388608xf32, #tpu.memory_space<hbm>> -> memref<8192xf32, #tpu.memory_space<hbm>>
      %dma_wait3A_316 = arith.constant 0 : i32
      %dma_wait3A_317 = tpu.memref_slice %arg10[%dma_wait3A_311, %dma_wait3A_316] : memref<2x8192xf32, #tpu.memory_space<vmem>> -> memref<1x8192xf32, #tpu.memory_space<vmem>>
      %dma_wait3A_318 = tpu.memref_squeeze %dma_wait3A_317 : memref<1x8192xf32, #tpu.memory_space<vmem>> -> memref<8192xf32, #tpu.memory_space<vmem>>
      %dma_wait3A_319 = tpu.memref_slice %arg6[%add3A_310] : memref<8388608xf32, #tpu.memory_space<hbm>> -> memref<8192xf32, #tpu.memory_space<hbm>>
      tpu.wait_dma2 semaphore(%arg17 : memref<!tpu.dma_semaphore, #tpu.memory_space<semaphore_mem>>) src(%dma_wait3A_319 : memref<8192xf32, #tpu.memory_space<hbm>>) dst(%dma_wait3A_318 : memref<8192xf32, #tpu.memory_space<vmem>>)
      %mul3A_320 = arith.constant 2 : i32
      %mul3A_321 = arith.muli %mul3A_320, %scan3A_305 : i32
      %add3A_322 = arith.constant 1 : i32
      %add3A_323 = arith.addi %mul3A_321, %add3A_322 : i32
      %mul3A_324 = arith.constant 8192 : i32
      %mul3A_325 = arith.muli %add3A_323, %mul3A_324 : i32
      %add3A_326 = arith.addi %mul3A_0, %mul3A_325 : i32
      %dma_start3A_327 = arith.constant 1 : i32
      %dma_start3A_328 = arith.constant 0 : i32
      %dma_start3A_329 = tpu.memref_slice %arg10[%dma_start3A_327, %dma_start3A_328] : memref<2x8192xf32, #tpu.memory_space<vmem>> -> memref<1x8192xf32, #tpu.memory_space<vmem>>
      %dma_start3A_330 = tpu.memref_squeeze %dma_start3A_329 : memref<1x8192xf32, #tpu.memory_space<vmem>> -> memref<8192xf32, #tpu.memory_space<vmem>>
      %dma_start3A_331 = tpu.memref_slice %arg6[%add3A_326] : memref<8388608xf32, #tpu.memory_space<hbm>> -> memref<8192xf32, #tpu.memory_space<hbm>>
      %dma_start3A_332 = arith.constant 0 : i32
      %dma_start3A_333 = tpu.memref_slice %arg10[%dma_start3A_327, %dma_start3A_332] : memref<2x8192xf32, #tpu.memory_space<vmem>> -> memref<1x8192xf32, #tpu.memory_space<vmem>>
      %dma_start3A_334 = tpu.memref_squeeze %dma_start3A_333 : memref<1x8192xf32, #tpu.memory_space<vmem>> -> memref<8192xf32, #tpu.memory_space<vmem>>
      %dma_start3A_335 = tpu.memref_slice %arg6[%add3A_326] : memref<8388608xf32, #tpu.memory_space<hbm>> -> memref<8192xf32, #tpu.memory_space<hbm>>
      tpu.enqueue_dma source(%dma_start3A_335 : memref<8192xf32, #tpu.memory_space<hbm>>) target(%dma_start3A_334 : memref<8192xf32, #tpu.memory_space<vmem>>) target_semaphore(%arg18 : memref<!tpu.dma_semaphore, #tpu.memory_space<semaphore_mem>>)
      %parallel_loop3A_336 = arith.constant 0 : i32
      %parallel_loop3A_337 = arith.constant 512 : i32
      %parallel_loop3A_338 = arith.constant 1 : i32
      scf.for %parallel_loop3A_362 = %parallel_loop3A_336 to %parallel_loop3A_337 step %parallel_loop3A_338  : i32 {
        %parallel_loop3A_363 = arith.constant 16 : i32
        %parallel_loop3A_364 = arith.muli %parallel_loop3A_362, %parallel_loop3A_363 : i32
        %parallel_loop3A_365 = arith.constant 0 : i32
        %parallel_loop3A_366 = arith.index_cast %parallel_loop3A_365 : i32 to index
        %parallel_loop3A_367 = arith.index_cast %parallel_loop3A_364 : i32 to index
        %parallel_loop3A_368 = tpu.vector_load %arg10[%parallel_loop3A_366, %parallel_loop3A_367] {strides = array<i32>} : memref<2x8192xf32, #tpu.memory_space<vmem>>, vector<16xf32>,
        %parallel_loop3A_369 = vector.bitcast %parallel_loop3A_368 : vector<16xf32> to vector<16xi32>
        %parallel_loop3A_370 = arith.constant 10 : i32
        %parallel_loop3A_371 = vector.broadcast %parallel_loop3A_370 : i32 to vector<16xi32>
        %parallel_loop3A_372 = arith.shrui %parallel_loop3A_369, %parallel_loop3A_371 : vector<16xi32>
        %parallel_loop3A_373 = arith.constant 2047 : i32
        %parallel_loop3A_374 = vector.broadcast %parallel_loop3A_373 : i32 to vector<16xi32>
        %parallel_loop3A_375 = arith.andi %parallel_loop3A_372, %parallel_loop3A_374 : vector<16xi32>
        %parallel_loop3A_376 = arith.constant 21 : i32
        %parallel_loop3A_377 = vector.broadcast %parallel_loop3A_376 : i32 to vector<16xi32>
        %parallel_loop3A_378 = arith.shrui %parallel_loop3A_369, %parallel_loop3A_377 : vector<16xi32>
        %parallel_loop3A_379 = vector.broadcast %scan3A_144#1 : i32 to vector<16xi32>
        %parallel_loop3A_380 = arith.cmpi eq, %parallel_loop3A_378, %parallel_loop3A_379 : vector<16xi32>
        %parallel_loop3A_381 = arith.constant 17 : i32
        %parallel_loop3A_382 = vector.broadcast %parallel_loop3A_381 : i32 to vector<16xi32>
        %parallel_loop3A_383 = arith.muli %parallel_loop3A_375, %parallel_loop3A_382 : vector<16xi32>
        %parallel_loop3A_384 = arith.addi %parallel_loop3A_383, %iota3A : vector<16xi32>
        tpu.vector_store_idx %arg11[%parallel_loop3A_384], %broadcast_in_dim3A_3 masked %parallel_loop3A_380 {add = true} : memref<34816xi32, #tpu.memory_space<vmem>>[vector<16xi32>], vector<16xi32>, vector<16xi1>
      } {sc.loop_unroll_factor = 8 : i64, sc.parallel_access}
      %mul3A_339 = arith.constant 2 : i32
      %mul3A_340 = arith.muli %mul3A_339, %scan3A_305 : i32
      %add3A_341 = arith.constant 1 : i32
      %add3A_342 = arith.addi %mul3A_340, %add3A_341 : i32
      %mul3A_343 = arith.constant 8192 : i32
      %mul3A_344 = arith.muli %add3A_342, %mul3A_343 : i32
      %add3A_345 = arith.addi %mul3A_0, %mul3A_344 : i32
      %dma_wait3A_346 = arith.constant 1 : i32
      %dma_wait3A_347 = arith.constant 0 : i32
      %dma_wait3A_348 = tpu.memref_slice %arg10[%dma_wait3A_346, %dma_wait3A_347] : memref<2x8192xf32, #tpu.memory_space<vmem>> -> memref<1x8192xf32, #tpu.memory_space<vmem>>
      %dma_wait3A_349 = tpu.memref_squeeze %dma_wait3A_348 : memref<1x8192xf32, #tpu.memory_space<vmem>> -> memref<8192xf32, #tpu.memory_space<vmem>>
      %dma_wait3A_350 = tpu.memref_slice %arg6[%add3A_345] : memref<8388608xf32, #tpu.memory_space<hbm>> -> memref<8192xf32, #tpu.memory_space<hbm>>
      %dma_wait3A_351 = arith.constant 0 : i32
      %dma_wait3A_352 = tpu.memref_slice %arg10[%dma_wait3A_346, %dma_wait3A_351] : memref<2x8192xf32, #tpu.memory_space<vmem>> -> memref<1x8192xf32, #tpu.memory_space<vmem>>
      %dma_wait3A_353 = tpu.memref_squeeze %dma_wait3A_352 : memref<1x8192xf32, #tpu.memory_space<vmem>> -> memref<8192xf32, #tpu.memory_space<vmem>>
      %dma_wait3A_354 = tpu.memref_slice %arg6[%add3A_345] : memref<8388608xf32, #tpu.memory_space<hbm>> -> memref<8192xf32, #tpu.memory_space<hbm>>
      tpu.wait_dma2 semaphore(%arg18 : memref<!tpu.dma_semaphore, #tpu.memory_space<semaphore_mem>>) src(%dma_wait3A_354 : memref<8192xf32, #tpu.memory_space<hbm>>) dst(%dma_wait3A_353 : memref<8192xf32, #tpu.memory_space<vmem>>)
      %lt3A = arith.constant 31 : i32
      %lt3A_355 = arith.cmpi slt, %scan3A_305, %lt3A : i32
      %convert_element_type3A_356 = arith.extui %lt3A_355 : i1 to i32
      %cond3A_357 = arith.constant 0 : i32
      %cond3A_358 = arith.cmpi ne, %convert_element_type3A_356, %cond3A_357 : i32
      scf.if %cond3A_358 {
        %mul3A_362 = arith.constant 2 : i32
        %mul3A_363 = arith.muli %mul3A_362, %scan3A_305 : i32
        %add3A_364 = arith.constant 2 : i32
        %add3A_365 = arith.addi %mul3A_363, %add3A_364 : i32
        %mul3A_366 = arith.constant 8192 : i32
        %mul3A_367 = arith.muli %add3A_365, %mul3A_366 : i32
        %add3A_368 = arith.addi %mul3A_0, %mul3A_367 : i32
        %dma_start3A_369 = arith.constant 0 : i32
        %dma_start3A_370 = arith.constant 0 : i32
        %dma_start3A_371 = tpu.memref_slice %arg10[%dma_start3A_369, %dma_start3A_370] : memref<2x8192xf32, #tpu.memory_space<vmem>> -> memref<1x8192xf32, #tpu.memory_space<vmem>>
        %dma_start3A_372 = tpu.memref_squeeze %dma_start3A_371 : memref<1x8192xf32, #tpu.memory_space<vmem>> -> memref<8192xf32, #tpu.memory_space<vmem>>
        %dma_start3A_373 = tpu.memref_slice %arg6[%add3A_368] : memref<8388608xf32, #tpu.memory_space<hbm>> -> memref<8192xf32, #tpu.memory_space<hbm>>
        %dma_start3A_374 = arith.constant 0 : i32
        %dma_start3A_375 = tpu.memref_slice %arg10[%dma_start3A_369, %dma_start3A_374] : memref<2x8192xf32, #tpu.memory_space<vmem>> -> memref<1x8192xf32, #tpu.memory_space<vmem>>
        %dma_start3A_376 = tpu.memref_squeeze %dma_start3A_375 : memref<1x8192xf32, #tpu.memory_space<vmem>> -> memref<8192xf32, #tpu.memory_space<vmem>>
        %dma_start3A_377 = tpu.memref_slice %arg6[%add3A_368] : memref<8388608xf32, #tpu.memory_space<hbm>> -> memref<8192xf32, #tpu.memory_space<hbm>>
        tpu.enqueue_dma source(%dma_start3A_377 : memref<8192xf32, #tpu.memory_space<hbm>>) target(%dma_start3A_376 : memref<8192xf32, #tpu.memory_space<vmem>>) target_semaphore(%arg17 : memref<!tpu.dma_semaphore, #tpu.memory_space<semaphore_mem>>)
      } else {
      }
      %parallel_loop3A_359 = arith.constant 0 : i32
      %parallel_loop3A_360 = arith.constant 512 : i32
      %parallel_loop3A_361 = arith.constant 1 : i32
      scf.for %parallel_loop3A_362 = %parallel_loop3A_359 to %parallel_loop3A_360 step %parallel_loop3A_361  : i32 {
        %parallel_loop3A_363 = arith.constant 16 : i32
        %parallel_loop3A_364 = arith.muli %parallel_loop3A_362, %parallel_loop3A_363 : i32
        %parallel_loop3A_365 = arith.constant 1 : i32
        %parallel_loop3A_366 = arith.index_cast %parallel_loop3A_365 : i32 to index
        %parallel_loop3A_367 = arith.index_cast %parallel_loop3A_364 : i32 to index
        %parallel_loop3A_368 = tpu.vector_load %arg10[%parallel_loop3A_366, %parallel_loop3A_367] {strides = array<i32>} : memref<2x8192xf32, #tpu.memory_space<vmem>>, vector<16xf32>,
        %parallel_loop3A_369 = vector.bitcast %parallel_loop3A_368 : vector<16xf32> to vector<16xi32>
        %parallel_loop3A_370 = arith.constant 10 : i32
        %parallel_loop3A_371 = vector.broadcast %parallel_loop3A_370 : i32 to vector<16xi32>
        %parallel_loop3A_372 = arith.shrui %parallel_loop3A_369, %parallel_loop3A_371 : vector<16xi32>
        %parallel_loop3A_373 = arith.constant 2047 : i32
        %parallel_loop3A_374 = vector.broadcast %parallel_loop3A_373 : i32 to vector<16xi32>
        %parallel_loop3A_375 = arith.andi %parallel_loop3A_372, %parallel_loop3A_374 : vector<16xi32>
        %parallel_loop3A_376 = arith.constant 21 : i32
        %parallel_loop3A_377 = vector.broadcast %parallel_loop3A_376 : i32 to vector<16xi32>
        %parallel_loop3A_378 = arith.shrui %parallel_loop3A_369, %parallel_loop3A_377 : vector<16xi32>
        %parallel_loop3A_379 = vector.broadcast %scan3A_144#1 : i32 to vector<16xi32>
        %parallel_loop3A_380 = arith.cmpi eq, %parallel_loop3A_378, %parallel_loop3A_379 : vector<16xi32>
        %parallel_loop3A_381 = arith.constant 17 : i32
        %parallel_loop3A_382 = vector.broadcast %parallel_loop3A_381 : i32 to vector<16xi32>
        %parallel_loop3A_383 = arith.muli %parallel_loop3A_375, %parallel_loop3A_382 : vector<16xi32>
        %parallel_loop3A_384 = arith.addi %parallel_loop3A_383, %iota3A : vector<16xi32>
        tpu.vector_store_idx %arg11[%parallel_loop3A_384], %broadcast_in_dim3A_3 masked %parallel_loop3A_380 {add = true} : memref<34816xi32, #tpu.memory_space<vmem>>[vector<16xi32>], vector<16xi32>, vector<16xi1>
      } {sc.loop_unroll_factor = 8 : i64, sc.parallel_access}
    }
    %scan3A_172 = arith.constant 32 : i32
    %parallel_loop3A_173 = arith.constant 0 : i32
    %parallel_loop3A_174 = arith.constant 128 : i32
    %parallel_loop3A_175 = arith.constant 1 : i32
    scf.for %parallel_loop3A_305 = %parallel_loop3A_173 to %parallel_loop3A_174 step %parallel_loop3A_175  : i32 {
      %parallel_loop3A_306 = arith.constant 16 : i32
      %parallel_loop3A_307 = arith.muli %parallel_loop3A_305, %parallel_loop3A_306 : i32
      %parallel_loop3A_308 = vector.broadcast %parallel_loop3A_307 : i32 to vector<16xi32>
      %parallel_loop3A_309 = arith.addi %parallel_loop3A_308, %iota3A : vector<16xi32>
      %parallel_loop3A_310 = arith.constant 17 : i32
      %parallel_loop3A_311 = vector.broadcast %parallel_loop3A_310 : i32 to vector<16xi32>
      %parallel_loop3A_312 = arith.muli %parallel_loop3A_309, %parallel_loop3A_311 : vector<16xi32>
      %parallel_loop3A_313 = tpu.vector_load_idx %arg11[%parallel_loop3A_312] : memref<34816xi32, #tpu.memory_space<vmem>>[vector<16xi32>], vector<16xi32>,
      %parallel_loop3A_314 = arith.constant 1 : i32
      %parallel_loop3A_315 = vector.broadcast %parallel_loop3A_314 : i32 to vector<16xi32>
      %parallel_loop3A_316 = arith.addi %parallel_loop3A_312, %parallel_loop3A_315 : vector<16xi32>
      %parallel_loop3A_317 = tpu.vector_load_idx %arg11[%parallel_loop3A_316] : memref<34816xi32, #tpu.memory_space<vmem>>[vector<16xi32>], vector<16xi32>,
      %parallel_loop3A_318 = arith.addi %parallel_loop3A_313, %parallel_loop3A_317 : vector<16xi32>
      %parallel_loop3A_319 = arith.constant 2 : i32
      %parallel_loop3A_320 = vector.broadcast %parallel_loop3A_319 : i32 to vector<16xi32>
      %parallel_loop3A_321 = arith.addi %parallel_loop3A_312, %parallel_loop3A_320 : vector<16xi32>
      %parallel_loop3A_322 = tpu.vector_load_idx %arg11[%parallel_loop3A_321] : memref<34816xi32, #tpu.memory_space<vmem>>[vector<16xi32>], vector<16xi32>,
      %parallel_loop3A_323 = arith.addi %parallel_loop3A_318, %parallel_loop3A_322 : vector<16xi32>
      %parallel_loop3A_324 = arith.constant 3 : i32
      %parallel_loop3A_325 = vector.broadcast %parallel_loop3A_324 : i32 to vector<16xi32>
      %parallel_loop3A_326 = arith.addi %parallel_loop3A_312, %parallel_loop3A_325 : vector<16xi32>
      %parallel_loop3A_327 = tpu.vector_load_idx %arg11[%parallel_loop3A_326] : memref<34816xi32, #tpu.memory_space<vmem>>[vector<16xi32>], vector<16xi32>,
      %parallel_loop3A_328 = arith.addi %parallel_loop3A_323, %parallel_loop3A_327 : vector<16xi32>
      %parallel_loop3A_329 = arith.constant 4 : i32
      %parallel_loop3A_330 = vector.broadcast %parallel_loop3A_329 : i32 to vector<16xi32>
      %parallel_loop3A_331 = arith.addi %parallel_loop3A_312, %parallel_loop3A_330 : vector<16xi32>
      %parallel_loop3A_332 = tpu.vector_load_idx %arg11[%parallel_loop3A_331] : memref<34816xi32, #tpu.memory_space<vmem>>[vector<16xi32>], vector<16xi32>,
      %parallel_loop3A_333 = arith.addi %parallel_loop3A_328, %parallel_loop3A_332 : vector<16xi32>
      %parallel_loop3A_334 = arith.constant 5 : i32
      %parallel_loop3A_335 = vector.broadcast %parallel_loop3A_334 : i32 to vector<16xi32>
      %parallel_loop3A_336 = arith.addi %parallel_loop3A_312, %parallel_loop3A_335 : vector<16xi32>
      %parallel_loop3A_337 = tpu.vector_load_idx %arg11[%parallel_loop3A_336] : memref<34816xi32, #tpu.memory_space<vmem>>[vector<16xi32>], vector<16xi32>,
      %parallel_loop3A_338 = arith.addi %parallel_loop3A_333, %parallel_loop3A_337 : vector<16xi32>
      %parallel_loop3A_339 = arith.constant 6 : i32
      %parallel_loop3A_340 = vector.broadcast %parallel_loop3A_339 : i32 to vector<16xi32>
      %parallel_loop3A_341 = arith.addi %parallel_loop3A_312, %parallel_loop3A_340 : vector<16xi32>
      %parallel_loop3A_342 = tpu.vector_load_idx %arg11[%parallel_loop3A_341] : memref<34816xi32, #tpu.memory_space<vmem>>[vector<16xi32>], vector<16xi32>,
      %parallel_loop3A_343 = arith.addi %parallel_loop3A_338, %parallel_loop3A_342 : vector<16xi32>
      %parallel_loop3A_344 = arith.constant 7 : i32
      %parallel_loop3A_345 = vector.broadcast %parallel_loop3A_344 : i32 to vector<16xi32>
      %parallel_loop3A_346 = arith.addi %parallel_loop3A_312, %parallel_loop3A_345 : vector<16xi32>
      %parallel_loop3A_347 = tpu.vector_load_idx %arg11[%parallel_loop3A_346] : memref<34816xi32, #tpu.memory_space<vmem>>[vector<16xi32>], vector<16xi32>,
      %parallel_loop3A_348 = arith.addi %parallel_loop3A_343, %parallel_loop3A_347 : vector<16xi32>
      %parallel_loop3A_349 = arith.constant 8 : i32
      %parallel_loop3A_350 = vector.broadcast %parallel_loop3A_349 : i32 to vector<16xi32>
      %parallel_loop3A_351 = arith.addi %parallel_loop3A_312, %parallel_loop3A_350 : vector<16xi32>
      %parallel_loop3A_352 = tpu.vector_load_idx %arg11[%parallel_loop3A_351] : memref<34816xi32, #tpu.memory_space<vmem>>[vector<16xi32>], vector<16xi32>,
      %parallel_loop3A_353 = arith.addi %parallel_loop3A_348, %parallel_loop3A_352 : vector<16xi32>
      %parallel_loop3A_354 = arith.constant 9 : i32
      %parallel_loop3A_355 = vector.broadcast %parallel_loop3A_354 : i32 to vector<16xi32>
      %parallel_loop3A_356 = arith.addi %parallel_loop3A_312, %parallel_loop3A_355 : vector<16xi32>
      %parallel_loop3A_357 = tpu.vector_load_idx %arg11[%parallel_loop3A_356] : memref<34816xi32, #tpu.memory_space<vmem>>[vector<16xi32>], vector<16xi32>,
      %parallel_loop3A_358 = arith.addi %parallel_loop3A_353, %parallel_loop3A_357 : vector<16xi32>
      %parallel_loop3A_359 = arith.constant 10 : i32
      %parallel_loop3A_360 = vector.broadcast %parallel_loop3A_359 : i32 to vector<16xi32>
      %parallel_loop3A_361 = arith.addi %parallel_loop3A_312, %parallel_loop3A_360 : vector<16xi32>
      %parallel_loop3A_362 = tpu.vector_load_idx %arg11[%parallel_loop3A_361] : memref<34816xi32, #tpu.memory_space<vmem>>[vector<16xi32>], vector<16xi32>,
      %parallel_loop3A_363 = arith.addi %parallel_loop3A_358, %parallel_loop3A_362 : vector<16xi32>
      %parallel_loop3A_364 = arith.constant 11 : i32
      %parallel_loop3A_365 = vector.broadcast %parallel_loop3A_364 : i32 to vector<16xi32>
      %parallel_loop3A_366 = arith.addi %parallel_loop3A_312, %parallel_loop3A_365 : vector<16xi32>
      %parallel_loop3A_367 = tpu.vector_load_idx %arg11[%parallel_loop3A_366] : memref<34816xi32, #tpu.memory_space<vmem>>[vector<16xi32>], vector<16xi32>,
      %parallel_loop3A_368 = arith.addi %parallel_loop3A_363, %parallel_loop3A_367 : vector<16xi32>
      %parallel_loop3A_369 = arith.constant 12 : i32
      %parallel_loop3A_370 = vector.broadcast %parallel_loop3A_369 : i32 to vector<16xi32>
      %parallel_loop3A_371 = arith.addi %parallel_loop3A_312, %parallel_loop3A_370 : vector<16xi32>
      %parallel_loop3A_372 = tpu.vector_load_idx %arg11[%parallel_loop3A_371] : memref<34816xi32, #tpu.memory_space<vmem>>[vector<16xi32>], vector<16xi32>,
      %parallel_loop3A_373 = arith.addi %parallel_loop3A_368, %parallel_loop3A_372 : vector<16xi32>
      %parallel_loop3A_374 = arith.constant 13 : i32
      %parallel_loop3A_375 = vector.broadcast %parallel_loop3A_374 : i32 to vector<16xi32>
      %parallel_loop3A_376 = arith.addi %parallel_loop3A_312, %parallel_loop3A_375 : vector<16xi32>
      %parallel_loop3A_377 = tpu.vector_load_idx %arg11[%parallel_loop3A_376] : memref<34816xi32, #tpu.memory_space<vmem>>[vector<16xi32>], vector<16xi32>,
      %parallel_loop3A_378 = arith.addi %parallel_loop3A_373, %parallel_loop3A_377 : vector<16xi32>
      %parallel_loop3A_379 = arith.constant 14 : i32
      %parallel_loop3A_380 = vector.broadcast %parallel_loop3A_379 : i32 to vector<16xi32>
      %parallel_loop3A_381 = arith.addi %parallel_loop3A_312, %parallel_loop3A_380 : vector<16xi32>
      %parallel_loop3A_382 = tpu.vector_load_idx %arg11[%parallel_loop3A_381] : memref<34816xi32, #tpu.memory_space<vmem>>[vector<16xi32>], vector<16xi32>,
      %parallel_loop3A_383 = arith.addi %parallel_loop3A_378, %parallel_loop3A_382 : vector<16xi32>
      %parallel_loop3A_384 = arith.constant 15 : i32
      %parallel_loop3A_385 = vector.broadcast %parallel_loop3A_384 : i32 to vector<16xi32>
      %parallel_loop3A_386 = arith.addi %parallel_loop3A_312, %parallel_loop3A_385 : vector<16xi32>
      %parallel_loop3A_387 = tpu.vector_load_idx %arg11[%parallel_loop3A_386] : memref<34816xi32, #tpu.memory_space<vmem>>[vector<16xi32>], vector<16xi32>,
      %parallel_loop3A_388 = arith.addi %parallel_loop3A_383, %parallel_loop3A_387 : vector<16xi32>
      %parallel_loop3A_389 = arith.constant 16 : i32
      %parallel_loop3A_390 = arith.muli %parallel_loop3A_305, %parallel_loop3A_389 : i32
      %parallel_loop3A_391 = arith.index_cast %parallel_loop3A_390 : i32 to index
      %parallel_loop3A_392 = tpu.vector_load %arg12[%parallel_loop3A_391] {strides = array<i32>} : memref<2048xi32, #tpu.memory_space<vmem>>, vector<16xi32>,
      tpu.vector_store %arg12[%parallel_loop3A_391], %parallel_loop3A_388 {strides = array<i32>} : memref<2048xi32, #tpu.memory_space<vmem>>, vector<16xi32>,
    } {sc.loop_unroll_factor = 2 : i64, sc.parallel_access}
    "tpu.region"() ({
      %run_scoped3A = tpu.sem_alloc : memref<!tpu.dma_semaphore, #tpu.memory_space<semaphore_mem>>
      %dma_start3A_305 = arith.constant 0 : i32
      %dma_start3A_306 = tpu.memref_slice %arg16[%arg1, %dma_start3A_305] : memref<16x2048xi32, #tpu.memory_space<vmem_shared>> -> memref<1x2048xi32, #tpu.memory_space<vmem_shared>>
      %dma_start3A_307 = tpu.memref_squeeze %dma_start3A_306 : memref<1x2048xi32, #tpu.memory_space<vmem_shared>> -> memref<2048xi32, #tpu.memory_space<vmem_shared>>
      %dma_start3A_308 = arith.constant 0 : i32
      %dma_start3A_309 = tpu.memref_slice %arg16[%arg1, %dma_start3A_308] : memref<16x2048xi32, #tpu.memory_space<vmem_shared>> -> memref<1x2048xi32, #tpu.memory_space<vmem_shared>>
      %dma_start3A_310 = tpu.memref_squeeze %dma_start3A_309 : memref<1x2048xi32, #tpu.memory_space<vmem_shared>> -> memref<2048xi32, #tpu.memory_space<vmem_shared>>
      tpu.enqueue_dma source(%arg12 : memref<2048xi32, #tpu.memory_space<vmem>>) target(%dma_start3A_310 : memref<2048xi32, #tpu.memory_space<vmem_shared>>) target_semaphore(%run_scoped3A : memref<!tpu.dma_semaphore, #tpu.memory_space<semaphore_mem>>)
      %dma_wait3A_311 = arith.constant 0 : i32
      %dma_wait3A_312 = tpu.memref_slice %arg16[%arg1, %dma_wait3A_311] : memref<16x2048xi32, #tpu.memory_space<vmem_shared>> -> memref<1x2048xi32, #tpu.memory_space<vmem_shared>>
      %dma_wait3A_313 = tpu.memref_squeeze %dma_wait3A_312 : memref<1x2048xi32, #tpu.memory_space<vmem_shared>> -> memref<2048xi32, #tpu.memory_space<vmem_shared>>
      %dma_wait3A_314 = arith.constant 0 : i32
      %dma_wait3A_315 = tpu.memref_slice %arg16[%arg1, %dma_wait3A_314] : memref<16x2048xi32, #tpu.memory_space<vmem_shared>> -> memref<1x2048xi32, #tpu.memory_space<vmem_shared>>
      %dma_wait3A_316 = tpu.memref_squeeze %dma_wait3A_315 : memref<1x2048xi32, #tpu.memory_space<vmem_shared>> -> memref<2048xi32, #tpu.memory_space<vmem_shared>>
      tpu.wait_dma2 semaphore(%run_scoped3A : memref<!tpu.dma_semaphore, #tpu.memory_space<semaphore_mem>>) src(%arg12 : memref<2048xi32, #tpu.memory_space<vmem>>) dst(%dma_wait3A_316 : memref<2048xi32, #tpu.memory_space<vmem_shared>>)
      tpu.yield
    }) : () -> ()
    %barrier3A_176 = arith.constant 0 : index
    tpu.barrier barrier_id(%barrier3A_176)
    "tpu.region"() ({
      %run_scoped3A = tpu.sem_alloc : memref<!tpu.dma_semaphore, #tpu.memory_space<semaphore_mem>>
      %dma_start3A_305 = arith.constant 0 : i32
      %dma_start3A_306 = arith.constant 0 : i32
      %dma_start3A_307 = tpu.memref_slice %arg16[%dma_start3A_305, %dma_start3A_306] : memref<16x2048xi32, #tpu.memory_space<vmem_shared>> -> memref<8x2048xi32, #tpu.memory_space<vmem_shared>>
      %dma_start3A_308 = arith.constant 0 : i32
      %dma_start3A_309 = arith.constant 0 : i32
      %dma_start3A_310 = tpu.memref_slice %arg16[%dma_start3A_308, %dma_start3A_309] : memref<16x2048xi32, #tpu.memory_space<vmem_shared>> -> memref<8x2048xi32, #tpu.memory_space<vmem_shared>>
      tpu.enqueue_dma source(%dma_start3A_310 : memref<8x2048xi32, #tpu.memory_space<vmem_shared>>) target(%arg13 : memref<8x2048xi32, #tpu.memory_space<vmem>>) target_semaphore(%run_scoped3A : memref<!tpu.dma_semaphore, #tpu.memory_space<semaphore_mem>>)
      %dma_wait3A_311 = arith.constant 0 : i32
      %dma_wait3A_312 = arith.constant 0 : i32
      %dma_wait3A_313 = tpu.memref_slice %arg16[%dma_wait3A_311, %dma_wait3A_312] : memref<16x2048xi32, #tpu.memory_space<vmem_shared>> -> memref<8x2048xi32, #tpu.memory_space<vmem_shared>>
      %dma_wait3A_314 = arith.constant 0 : i32
      %dma_wait3A_315 = arith.constant 0 : i32
      %dma_wait3A_316 = tpu.memref_slice %arg16[%dma_wait3A_314, %dma_wait3A_315] : memref<16x2048xi32, #tpu.memory_space<vmem_shared>> -> memref<8x2048xi32, #tpu.memory_space<vmem_shared>>
      tpu.wait_dma2 semaphore(%run_scoped3A : memref<!tpu.dma_semaphore, #tpu.memory_space<semaphore_mem>>) src(%dma_wait3A_316 : memref<8x2048xi32, #tpu.memory_space<vmem_shared>>) dst(%arg13 : memref<8x2048xi32, #tpu.memory_space<vmem>>)
      tpu.yield
    }) : () -> ()
    %parallel_loop3A_177 = arith.constant 0 : i32
    %parallel_loop3A_178 = arith.constant 128 : i32
    %parallel_loop3A_179 = arith.constant 1 : i32
    scf.for %parallel_loop3A_305 = %parallel_loop3A_177 to %parallel_loop3A_178 step %parallel_loop3A_179  : i32 {
      %parallel_loop3A_306 = arith.constant 16 : i32
      %parallel_loop3A_307 = arith.muli %parallel_loop3A_305, %parallel_loop3A_306 : i32
      %parallel_loop3A_308 = arith.constant 0 : i32
      %parallel_loop3A_309 = arith.index_cast %parallel_loop3A_308 : i32 to index
      %parallel_loop3A_310 = arith.index_cast %parallel_loop3A_307 : i32 to index
      %parallel_loop3A_311 = tpu.vector_load %arg13[%parallel_loop3A_309, %parallel_loop3A_310] {strides = array<i32>} : memref<8x2048xi32, #tpu.memory_space<vmem>>, vector<16xi32>,
      %parallel_loop3A_312 = arith.constant 16 : i32
      %parallel_loop3A_313 = arith.muli %parallel_loop3A_305, %parallel_loop3A_312 : i32
      %parallel_loop3A_314 = arith.constant 1 : i32
      %parallel_loop3A_315 = arith.index_cast %parallel_loop3A_314 : i32 to index
      %parallel_loop3A_316 = arith.index_cast %parallel_loop3A_313 : i32 to index
      %parallel_loop3A_317 = tpu.vector_load %arg13[%parallel_loop3A_315, %parallel_loop3A_316] {strides = array<i32>} : memref<8x2048xi32, #tpu.memory_space<vmem>>, vector<16xi32>,
      %parallel_loop3A_318 = arith.addi %parallel_loop3A_311, %parallel_loop3A_317 : vector<16xi32>
      %parallel_loop3A_319 = arith.constant 16 : i32
      %parallel_loop3A_320 = arith.muli %parallel_loop3A_305, %parallel_loop3A_319 : i32
      %parallel_loop3A_321 = arith.constant 2 : i32
      %parallel_loop3A_322 = arith.index_cast %parallel_loop3A_321 : i32 to index
      %parallel_loop3A_323 = arith.index_cast %parallel_loop3A_320 : i32 to index
      %parallel_loop3A_324 = tpu.vector_load %arg13[%parallel_loop3A_322, %parallel_loop3A_323] {strides = array<i32>} : memref<8x2048xi32, #tpu.memory_space<vmem>>, vector<16xi32>,
      %parallel_loop3A_325 = arith.addi %parallel_loop3A_318, %parallel_loop3A_324 : vector<16xi32>
      %parallel_loop3A_326 = arith.constant 16 : i32
      %parallel_loop3A_327 = arith.muli %parallel_loop3A_305, %parallel_loop3A_326 : i32
      %parallel_loop3A_328 = arith.constant 3 : i32
      %parallel_loop3A_329 = arith.index_cast %parallel_loop3A_328 : i32 to index
      %parallel_loop3A_330 = arith.index_cast %parallel_loop3A_327 : i32 to index
      %parallel_loop3A_331 = tpu.vector_load %arg13[%parallel_loop3A_329, %parallel_loop3A_330] {strides = array<i32>} : memref<8x2048xi32, #tpu.memory_space<vmem>>, vector<16xi32>,
      %parallel_loop3A_332 = arith.addi %parallel_loop3A_325, %parallel_loop3A_331 : vector<16xi32>
      %parallel_loop3A_333 = arith.constant 16 : i32
      %parallel_loop3A_334 = arith.muli %parallel_loop3A_305, %parallel_loop3A_333 : i32
      %parallel_loop3A_335 = arith.constant 4 : i32
      %parallel_loop3A_336 = arith.index_cast %parallel_loop3A_335 : i32 to index
      %parallel_loop3A_337 = arith.index_cast %parallel_loop3A_334 : i32 to index
      %parallel_loop3A_338 = tpu.vector_load %arg13[%parallel_loop3A_336, %parallel_loop3A_337] {strides = array<i32>} : memref<8x2048xi32, #tpu.memory_space<vmem>>, vector<16xi32>,
      %parallel_loop3A_339 = arith.addi %parallel_loop3A_332, %parallel_loop3A_338 : vector<16xi32>
      %parallel_loop3A_340 = arith.constant 16 : i32
      %parallel_loop3A_341 = arith.muli %parallel_loop3A_305, %parallel_loop3A_340 : i32
      %parallel_loop3A_342 = arith.constant 5 : i32
      %parallel_loop3A_343 = arith.index_cast %parallel_loop3A_342 : i32 to index
      %parallel_loop3A_344 = arith.index_cast %parallel_loop3A_341 : i32 to index
      %parallel_loop3A_345 = tpu.vector_load %arg13[%parallel_loop3A_343, %parallel_loop3A_344] {strides = array<i32>} : memref<8x2048xi32, #tpu.memory_space<vmem>>, vector<16xi32>,
      %parallel_loop3A_346 = arith.addi %parallel_loop3A_339, %parallel_loop3A_345 : vector<16xi32>
      %parallel_loop3A_347 = arith.constant 16 : i32
      %parallel_loop3A_348 = arith.muli %parallel_loop3A_305, %parallel_loop3A_347 : i32
      %parallel_loop3A_349 = arith.constant 6 : i32
      %parallel_loop3A_350 = arith.index_cast %parallel_loop3A_349 : i32 to index
      %parallel_loop3A_351 = arith.index_cast %parallel_loop3A_348 : i32 to index
      %parallel_loop3A_352 = tpu.vector_load %arg13[%parallel_loop3A_350, %parallel_loop3A_351] {strides = array<i32>} : memref<8x2048xi32, #tpu.memory_space<vmem>>, vector<16xi32>,
      %parallel_loop3A_353 = arith.addi %parallel_loop3A_346, %parallel_loop3A_352 : vector<16xi32>
      %parallel_loop3A_354 = arith.constant 16 : i32
      %parallel_loop3A_355 = arith.muli %parallel_loop3A_305, %parallel_loop3A_354 : i32
      %parallel_loop3A_356 = arith.constant 7 : i32
      %parallel_loop3A_357 = arith.index_cast %parallel_loop3A_356 : i32 to index
      %parallel_loop3A_358 = arith.index_cast %parallel_loop3A_355 : i32 to index
      %parallel_loop3A_359 = tpu.vector_load %arg13[%parallel_loop3A_357, %parallel_loop3A_358] {strides = array<i32>} : memref<8x2048xi32, #tpu.memory_space<vmem>>, vector<16xi32>,
      %parallel_loop3A_360 = arith.addi %parallel_loop3A_353, %parallel_loop3A_359 : vector<16xi32>
      %parallel_loop3A_361 = arith.constant 16 : i32
      %parallel_loop3A_362 = arith.muli %parallel_loop3A_305, %parallel_loop3A_361 : i32
      %parallel_loop3A_363 = arith.index_cast %parallel_loop3A_362 : i32 to index
      %parallel_loop3A_364 = tpu.vector_load %arg14[%parallel_loop3A_363] {strides = array<i32>} : memref<2048xi32, #tpu.memory_space<vmem>>, vector<16xi32>,
      tpu.vector_store %arg14[%parallel_loop3A_363], %parallel_loop3A_360 {strides = array<i32>} : memref<2048xi32, #tpu.memory_space<vmem>>, vector<16xi32>,
    } {sc.loop_unroll_factor = 2 : i64, sc.parallel_access}
    "tpu.region"() ({
      %run_scoped3A = tpu.sem_alloc : memref<!tpu.dma_semaphore, #tpu.memory_space<semaphore_mem>>
      %dma_start3A_305 = arith.constant 8 : i32
      %dma_start3A_306 = arith.constant 0 : i32
      %dma_start3A_307 = tpu.memref_slice %arg16[%dma_start3A_305, %dma_start3A_306] : memref<16x2048xi32, #tpu.memory_space<vmem_shared>> -> memref<8x2048xi32, #tpu.memory_space<vmem_shared>>
      %dma_start3A_308 = arith.constant 8 : i32
      %dma_start3A_309 = arith.constant 0 : i32
      %dma_start3A_310 = tpu.memref_slice %arg16[%dma_start3A_308, %dma_start3A_309] : memref<16x2048xi32, #tpu.memory_space<vmem_shared>> -> memref<8x2048xi32, #tpu.memory_space<vmem_shared>>
      tpu.enqueue_dma source(%dma_start3A_310 : memref<8x2048xi32, #tpu.memory_space<vmem_shared>>) target(%arg13 : memref<8x2048xi32, #tpu.memory_space<vmem>>) target_semaphore(%run_scoped3A : memref<!tpu.dma_semaphore, #tpu.memory_space<semaphore_mem>>)
      %dma_wait3A_311 = arith.constant 8 : i32
      %dma_wait3A_312 = arith.constant 0 : i32
      %dma_wait3A_313 = tpu.memref_slice %arg16[%dma_wait3A_311, %dma_wait3A_312] : memref<16x2048xi32, #tpu.memory_space<vmem_shared>> -> memref<8x2048xi32, #tpu.memory_space<vmem_shared>>
      %dma_wait3A_314 = arith.constant 8 : i32
      %dma_wait3A_315 = arith.constant 0 : i32
      %dma_wait3A_316 = tpu.memref_slice %arg16[%dma_wait3A_314, %dma_wait3A_315] : memref<16x2048xi32, #tpu.memory_space<vmem_shared>> -> memref<8x2048xi32, #tpu.memory_space<vmem_shared>>
      tpu.wait_dma2 semaphore(%run_scoped3A : memref<!tpu.dma_semaphore, #tpu.memory_space<semaphore_mem>>) src(%dma_wait3A_316 : memref<8x2048xi32, #tpu.memory_space<vmem_shared>>) dst(%arg13 : memref<8x2048xi32, #tpu.memory_space<vmem>>)
      tpu.yield
    }) : () -> ()
    %parallel_loop3A_180 = arith.constant 0 : i32
    %parallel_loop3A_181 = arith.constant 128 : i32
    %parallel_loop3A_182 = arith.constant 1 : i32
    scf.for %parallel_loop3A_305 = %parallel_loop3A_180 to %parallel_loop3A_181 step %parallel_loop3A_182  : i32 {
      %parallel_loop3A_306 = arith.constant 16 : i32
      %parallel_loop3A_307 = arith.muli %parallel_loop3A_305, %parallel_loop3A_306 : i32
      %parallel_loop3A_308 = arith.constant 0 : i32
      %parallel_loop3A_309 = arith.index_cast %parallel_loop3A_308 : i32 to index
      %parallel_loop3A_310 = arith.index_cast %parallel_loop3A_307 : i32 to index
      %parallel_loop3A_311 = tpu.vector_load %arg13[%parallel_loop3A_309, %parallel_loop3A_310] {strides = array<i32>} : memref<8x2048xi32, #tpu.memory_space<vmem>>, vector<16xi32>,
      %parallel_loop3A_312 = arith.constant 16 : i32
      %parallel_loop3A_313 = arith.muli %parallel_loop3A_305, %parallel_loop3A_312 : i32
      %parallel_loop3A_314 = arith.constant 1 : i32
      %parallel_loop3A_315 = arith.index_cast %parallel_loop3A_314 : i32 to index
      %parallel_loop3A_316 = arith.index_cast %parallel_loop3A_313 : i32 to index
      %parallel_loop3A_317 = tpu.vector_load %arg13[%parallel_loop3A_315, %parallel_loop3A_316] {strides = array<i32>} : memref<8x2048xi32, #tpu.memory_space<vmem>>, vector<16xi32>,
      %parallel_loop3A_318 = arith.addi %parallel_loop3A_311, %parallel_loop3A_317 : vector<16xi32>
      %parallel_loop3A_319 = arith.constant 16 : i32
      %parallel_loop3A_320 = arith.muli %parallel_loop3A_305, %parallel_loop3A_319 : i32
      %parallel_loop3A_321 = arith.constant 2 : i32
      %parallel_loop3A_322 = arith.index_cast %parallel_loop3A_321 : i32 to index
      %parallel_loop3A_323 = arith.index_cast %parallel_loop3A_320 : i32 to index
      %parallel_loop3A_324 = tpu.vector_load %arg13[%parallel_loop3A_322, %parallel_loop3A_323] {strides = array<i32>} : memref<8x2048xi32, #tpu.memory_space<vmem>>, vector<16xi32>,
      %parallel_loop3A_325 = arith.addi %parallel_loop3A_318, %parallel_loop3A_324 : vector<16xi32>
      %parallel_loop3A_326 = arith.constant 16 : i32
      %parallel_loop3A_327 = arith.muli %parallel_loop3A_305, %parallel_loop3A_326 : i32
      %parallel_loop3A_328 = arith.constant 3 : i32
      %parallel_loop3A_329 = arith.index_cast %parallel_loop3A_328 : i32 to index
      %parallel_loop3A_330 = arith.index_cast %parallel_loop3A_327 : i32 to index
      %parallel_loop3A_331 = tpu.vector_load %arg13[%parallel_loop3A_329, %parallel_loop3A_330] {strides = array<i32>} : memref<8x2048xi32, #tpu.memory_space<vmem>>, vector<16xi32>,
      %parallel_loop3A_332 = arith.addi %parallel_loop3A_325, %parallel_loop3A_331 : vector<16xi32>
      %parallel_loop3A_333 = arith.constant 16 : i32
      %parallel_loop3A_334 = arith.muli %parallel_loop3A_305, %parallel_loop3A_333 : i32
      %parallel_loop3A_335 = arith.constant 4 : i32
      %parallel_loop3A_336 = arith.index_cast %parallel_loop3A_335 : i32 to index
      %parallel_loop3A_337 = arith.index_cast %parallel_loop3A_334 : i32 to index
      %parallel_loop3A_338 = tpu.vector_load %arg13[%parallel_loop3A_336, %parallel_loop3A_337] {strides = array<i32>} : memref<8x2048xi32, #tpu.memory_space<vmem>>, vector<16xi32>,
      %parallel_loop3A_339 = arith.addi %parallel_loop3A_332, %parallel_loop3A_338 : vector<16xi32>
      %parallel_loop3A_340 = arith.constant 16 : i32
      %parallel_loop3A_341 = arith.muli %parallel_loop3A_305, %parallel_loop3A_340 : i32
      %parallel_loop3A_342 = arith.constant 5 : i32
      %parallel_loop3A_343 = arith.index_cast %parallel_loop3A_342 : i32 to index
      %parallel_loop3A_344 = arith.index_cast %parallel_loop3A_341 : i32 to index
      %parallel_loop3A_345 = tpu.vector_load %arg13[%parallel_loop3A_343, %parallel_loop3A_344] {strides = array<i32>} : memref<8x2048xi32, #tpu.memory_space<vmem>>, vector<16xi32>,
      %parallel_loop3A_346 = arith.addi %parallel_loop3A_339, %parallel_loop3A_345 : vector<16xi32>
      %parallel_loop3A_347 = arith.constant 16 : i32
      %parallel_loop3A_348 = arith.muli %parallel_loop3A_305, %parallel_loop3A_347 : i32
      %parallel_loop3A_349 = arith.constant 6 : i32
      %parallel_loop3A_350 = arith.index_cast %parallel_loop3A_349 : i32 to index
      %parallel_loop3A_351 = arith.index_cast %parallel_loop3A_348 : i32 to index
      %parallel_loop3A_352 = tpu.vector_load %arg13[%parallel_loop3A_350, %parallel_loop3A_351] {strides = array<i32>} : memref<8x2048xi32, #tpu.memory_space<vmem>>, vector<16xi32>,
      %parallel_loop3A_353 = arith.addi %parallel_loop3A_346, %parallel_loop3A_352 : vector<16xi32>
      %parallel_loop3A_354 = arith.constant 16 : i32
      %parallel_loop3A_355 = arith.muli %parallel_loop3A_305, %parallel_loop3A_354 : i32
      %parallel_loop3A_356 = arith.constant 7 : i32
      %parallel_loop3A_357 = arith.index_cast %parallel_loop3A_356 : i32 to index
      %parallel_loop3A_358 = arith.index_cast %parallel_loop3A_355 : i32 to index
      %parallel_loop3A_359 = tpu.vector_load %arg13[%parallel_loop3A_357, %parallel_loop3A_358] {strides = array<i32>} : memref<8x2048xi32, #tpu.memory_space<vmem>>, vector<16xi32>,
      %parallel_loop3A_360 = arith.addi %parallel_loop3A_353, %parallel_loop3A_359 : vector<16xi32>
      %parallel_loop3A_361 = arith.constant 16 : i32
      %parallel_loop3A_362 = arith.muli %parallel_loop3A_305, %parallel_loop3A_361 : i32
      %parallel_loop3A_363 = arith.index_cast %parallel_loop3A_362 : i32 to index
      %parallel_loop3A_364 = tpu.vector_load %arg14[%parallel_loop3A_363] {strides = array<i32>} : memref<2048xi32, #tpu.memory_space<vmem>>, vector<16xi32>,
      tpu.vector_store %arg14[%parallel_loop3A_363], %parallel_loop3A_360 {add = true, strides = array<i32>} : memref<2048xi32, #tpu.memory_space<vmem>>, vector<16xi32>,
    } {sc.loop_unroll_factor = 2 : i64, sc.parallel_access}
    %barrier3A_183 = arith.constant 0 : index
    tpu.barrier barrier_id(%barrier3A_183)
    %scan3A_184 = arith.constant 0 : i32
    %scan3A_185 = arith.constant 1073741824 : i32
    %scan3A_186 = arith.constant 0 : i32
    %scan3A_187 = arith.constant 128 : i32
    %scan3A_188 = arith.addi %scan3A_186, %scan3A_187 : i32
    %scan3A_189 = arith.constant 1 : i32
    %scan3A_190:2 = scf.for %scan3A_305 = %scan3A_186 to %scan3A_188 step %scan3A_189 iter_args(%scan3A_306 = %scan3A_184, %scan3A_307 = %scan3A_185) -> (i32, i32)  : i32 {
      %mul3A_308 = arith.constant 16 : i32
      %mul3A_309 = arith.muli %scan3A_305, %mul3A_308 : i32
      %get3A_310 = arith.index_cast %mul3A_309 : i32 to index
      %get3A_311 = tpu.vector_load %arg14[%get3A_310] {strides = array<i32>} : memref<2048xi32, #tpu.memory_space<vmem>>, vector<16xi32>,
      %broadcast_in_dim3A_312 = arith.constant true
      %broadcast_in_dim3A_313 = vector.broadcast %broadcast_in_dim3A_312 : i1 to vector<16xi1>
      %masked_cumsum3A = tpu.scan <sum>, %get3A_311 masked %broadcast_in_dim3A_313 : vector<16xi32>, vector<16xi1> -> vector<16xi32>
      %add3A_314 = vector.broadcast %scan3A_306 : i32 to vector<16xi32>
      %add3A_315 = arith.addi %masked_cumsum3A, %add3A_314 : vector<16xi32>
      %mul3A_316 = arith.constant 16 : i32
      %mul3A_317 = arith.muli %scan3A_305, %mul3A_316 : i32
      %add3A_318 = vector.broadcast %mul3A_317 : i32 to vector<16xi32>
      %add3A_319 = arith.addi %iota3A, %add3A_318 : vector<16xi32>
      %ge3A_320 = vector.broadcast %sub3A : i32 to vector<16xi32>
      %ge3A_321 = arith.cmpi sge, %add3A_315, %ge3A_320 : vector<16xi32>
      %jit3A_322 = arith.constant 1073741824 : i32
      %broadcast_in_dim3A_323 = vector.broadcast %jit3A_322 : i32 to vector<16xi32>
      %select_n3A_324 = arith.select %ge3A_321, %add3A_319, %broadcast_in_dim3A_323 : vector<16xi1>, vector<16xi32>
      %reduce_min3A = arith.constant true
      %reduce_min3A_325 = vector.broadcast %reduce_min3A : i1 to vector<16xi1>
      %reduce_min3A_326 = arith.constant -2147483648 : i32
      %reduce_min3A_327 = vector.broadcast %reduce_min3A_326 : i32 to vector<16xi32>
      %reduce_min3A_328 = arith.xori %select_n3A_324, %reduce_min3A_327 : vector<16xi32>
      %reduce_min3A_329 = tpu.scan <min>, %reduce_min3A_328 masked %reduce_min3A_325 : vector<16xi32>, vector<16xi1> -> vector<16xi32>
      %reduce_min3A_330 = arith.xori %reduce_min3A_329, %reduce_min3A_327 : vector<16xi32>
      %reduce_min3A_331 = vector.extract %reduce_min3A_330[15] : i32 from vector<16xi32>
      %reduce_max3A = arith.constant true
      %reduce_max3A_332 = vector.broadcast %reduce_max3A : i1 to vector<16xi1>
      %reduce_max3A_333 = arith.constant -2147483648 : i32
      %reduce_max3A_334 = vector.broadcast %reduce_max3A_333 : i32 to vector<16xi32>
      %reduce_max3A_335 = arith.xori %add3A_315, %reduce_max3A_334 : vector<16xi32>
      %reduce_max3A_336 = tpu.scan <max>, %reduce_max3A_335 masked %reduce_max3A_332 : vector<16xi32>, vector<16xi1> -> vector<16xi32>
      %reduce_max3A_337 = arith.xori %reduce_max3A_336, %reduce_max3A_334 : vector<16xi32>
      %reduce_max3A_338 = vector.extract %reduce_max3A_337[15] : i32 from vector<16xi32>
      %min3A = arith.minsi %scan3A_307, %reduce_min3A_331 : i32
      scf.yield %reduce_max3A_338, %min3A : i32, i32
    }
    %scan3A_191 = arith.constant 128 : i32
    %scan3A_192 = arith.constant 0 : i32
    %scan3A_193 = arith.constant 0 : i32
    %scan3A_194 = arith.constant 128 : i32
    %scan3A_195 = arith.addi %scan3A_193, %scan3A_194 : i32
    %scan3A_196 = arith.constant 1 : i32
    %scan3A_197 = scf.for %scan3A_305 = %scan3A_193 to %scan3A_195 step %scan3A_196 iter_args(%scan3A_306 = %scan3A_192) -> (i32)  : i32 {
      %mul3A_307 = arith.constant 16 : i32
      %mul3A_308 = arith.muli %scan3A_305, %mul3A_307 : i32
      %get3A_309 = arith.index_cast %mul3A_308 : i32 to index
      %get3A_310 = tpu.vector_load %arg14[%get3A_309] {strides = array<i32>} : memref<2048xi32, #tpu.memory_space<vmem>>, vector<16xi32>,
      %mul3A_311 = arith.constant 16 : i32
      %mul3A_312 = arith.muli %scan3A_305, %mul3A_311 : i32
      %add3A_313 = vector.broadcast %mul3A_312 : i32 to vector<16xi32>
      %add3A_314 = arith.addi %iota3A, %add3A_313 : vector<16xi32>
      %lt3A = vector.broadcast %scan3A_190#1 : i32 to vector<16xi32>
      %lt3A_315 = arith.cmpi slt, %add3A_314, %lt3A : vector<16xi32>
      %jit3A_316 = arith.constant 0 : i32
      %broadcast_in_dim3A_317 = vector.broadcast %jit3A_316 : i32 to vector<16xi32>
      %select_n3A_318 = arith.select %lt3A_315, %get3A_310, %broadcast_in_dim3A_317 : vector<16xi1>, vector<16xi32>
      %reduce_sum3A_319 = arith.constant true
      %reduce_sum3A_320 = vector.broadcast %reduce_sum3A_319 : i1 to vector<16xi1>
      %reduce_sum3A_321 = tpu.scan <sum>, %select_n3A_318 masked %reduce_sum3A_320 : vector<16xi32>, vector<16xi1> -> vector<16xi32>
      %reduce_sum3A_322 = vector.extract %reduce_sum3A_321[15] : i32 from vector<16xi32>
      %add3A_323 = arith.addi %scan3A_306, %reduce_sum3A_322 : i32
      scf.yield %add3A_323 : i32
    }
    %scan3A_198 = arith.constant 128 : i32
    %sub3A_199 = arith.subi %sub3A, %scan3A_197 : i32
    %shift_left3A = arith.constant 11 : i32
    %shift_left3A_200 = arith.shli %scan3A_144#1, %shift_left3A : i32
    %or3A = arith.ori %shift_left3A_200, %scan3A_190#1 : i32
    %parallel_loop3A_201 = arith.constant 0 : i32
    %parallel_loop3A_202 = arith.constant 2176 : i32
    %parallel_loop3A_203 = arith.constant 1 : i32
    scf.for %parallel_loop3A_305 = %parallel_loop3A_201 to %parallel_loop3A_202 step %parallel_loop3A_203  : i32 {
      %parallel_loop3A_306 = arith.constant 16 : i32
      %parallel_loop3A_307 = arith.muli %parallel_loop3A_305, %parallel_loop3A_306 : i32
      %parallel_loop3A_308 = arith.index_cast %parallel_loop3A_307 : i32 to index
      %parallel_loop3A_309 = tpu.vector_load %arg11[%parallel_loop3A_308] {strides = array<i32>} : memref<34816xi32, #tpu.memory_space<vmem>>, vector<16xi32>,
      tpu.vector_store %arg11[%parallel_loop3A_308], %broadcast_in_dim3A_5 {strides = array<i32>} : memref<34816xi32, #tpu.memory_space<vmem>>, vector<16xi32>,
    } {sc.loop_unroll_factor = 8 : i64, sc.parallel_access}
    %add3A_204 = arith.constant 0 : i32
    %add3A_205 = arith.addi %mul3A_0, %add3A_204 : i32
    %dma_start3A_206 = arith.constant 0 : i32
    %dma_start3A_207 = arith.constant 0 : i32
    %dma_start3A_208 = tpu.memref_slice %arg10[%dma_start3A_206, %dma_start3A_207] : memref<2x8192xf32, #tpu.memory_space<vmem>> -> memref<1x8192xf32, #tpu.memory_space<vmem>>
    %dma_start3A_209 = tpu.memref_squeeze %dma_start3A_208 : memref<1x8192xf32, #tpu.memory_space<vmem>> -> memref<8192xf32, #tpu.memory_space<vmem>>
    %dma_start3A_210 = tpu.memref_slice %arg6[%add3A_205] : memref<8388608xf32, #tpu.memory_space<hbm>> -> memref<8192xf32, #tpu.memory_space<hbm>>
    %dma_start3A_211 = arith.constant 0 : i32
    %dma_start3A_212 = tpu.memref_slice %arg10[%dma_start3A_206, %dma_start3A_211] : memref<2x8192xf32, #tpu.memory_space<vmem>> -> memref<1x8192xf32, #tpu.memory_space<vmem>>
    %dma_start3A_213 = tpu.memref_squeeze %dma_start3A_212 : memref<1x8192xf32, #tpu.memory_space<vmem>> -> memref<8192xf32, #tpu.memory_space<vmem>>
    %dma_start3A_214 = tpu.memref_slice %arg6[%add3A_205] : memref<8388608xf32, #tpu.memory_space<hbm>> -> memref<8192xf32, #tpu.memory_space<hbm>>
    tpu.enqueue_dma source(%dma_start3A_214 : memref<8192xf32, #tpu.memory_space<hbm>>) target(%dma_start3A_213 : memref<8192xf32, #tpu.memory_space<vmem>>) target_semaphore(%arg17 : memref<!tpu.dma_semaphore, #tpu.memory_space<semaphore_mem>>)
    %scan3A_215 = arith.constant 0 : i32
    %scan3A_216 = arith.constant 0 : i32
    %scan3A_217 = arith.constant 32 : i32
    %scan3A_218 = arith.addi %scan3A_216, %scan3A_217 : i32
    %scan3A_219 = arith.constant 1 : i32
    scf.for %scan3A_305 = %scan3A_216 to %scan3A_218 step %scan3A_219  : i32 {
      %mul3A_306 = arith.constant 2 : i32
      %mul3A_307 = arith.muli %mul3A_306, %scan3A_305 : i32
      %mul3A_308 = arith.constant 8192 : i32
      %mul3A_309 = arith.muli %mul3A_307, %mul3A_308 : i32
      %add3A_310 = arith.addi %mul3A_0, %mul3A_309 : i32
      %dma_wait3A_311 = arith.constant 0 : i32
      %dma_wait3A_312 = arith.constant 0 : i32
      %dma_wait3A_313 = tpu.memref_slice %arg10[%dma_wait3A_311, %dma_wait3A_312] : memref<2x8192xf32, #tpu.memory_space<vmem>> -> memref<1x8192xf32, #tpu.memory_space<vmem>>
      %dma_wait3A_314 = tpu.memref_squeeze %dma_wait3A_313 : memref<1x8192xf32, #tpu.memory_space<vmem>> -> memref<8192xf32, #tpu.memory_space<vmem>>
      %dma_wait3A_315 = tpu.memref_slice %arg6[%add3A_310] : memref<8388608xf32, #tpu.memory_space<hbm>> -> memref<8192xf32, #tpu.memory_space<hbm>>
      %dma_wait3A_316 = arith.constant 0 : i32
      %dma_wait3A_317 = tpu.memref_slice %arg10[%dma_wait3A_311, %dma_wait3A_316] : memref<2x8192xf32, #tpu.memory_space<vmem>> -> memref<1x8192xf32, #tpu.memory_space<vmem>>
      %dma_wait3A_318 = tpu.memref_squeeze %dma_wait3A_317 : memref<1x8192xf32, #tpu.memory_space<vmem>> -> memref<8192xf32, #tpu.memory_space<vmem>>
      %dma_wait3A_319 = tpu.memref_slice %arg6[%add3A_310] : memref<8388608xf32, #tpu.memory_space<hbm>> -> memref<8192xf32, #tpu.memory_space<hbm>>
      tpu.wait_dma2 semaphore(%arg17 : memref<!tpu.dma_semaphore, #tpu.memory_space<semaphore_mem>>) src(%dma_wait3A_319 : memref<8192xf32, #tpu.memory_space<hbm>>) dst(%dma_wait3A_318 : memref<8192xf32, #tpu.memory_space<vmem>>)
      %mul3A_320 = arith.constant 2 : i32
      %mul3A_321 = arith.muli %mul3A_320, %scan3A_305 : i32
      %add3A_322 = arith.constant 1 : i32
      %add3A_323 = arith.addi %mul3A_321, %add3A_322 : i32
      %mul3A_324 = arith.constant 8192 : i32
      %mul3A_325 = arith.muli %add3A_323, %mul3A_324 : i32
      %add3A_326 = arith.addi %mul3A_0, %mul3A_325 : i32
      %dma_start3A_327 = arith.constant 1 : i32
      %dma_start3A_328 = arith.constant 0 : i32
      %dma_start3A_329 = tpu.memref_slice %arg10[%dma_start3A_327, %dma_start3A_328] : memref<2x8192xf32, #tpu.memory_space<vmem>> -> memref<1x8192xf32, #tpu.memory_space<vmem>>
      %dma_start3A_330 = tpu.memref_squeeze %dma_start3A_329 : memref<1x8192xf32, #tpu.memory_space<vmem>> -> memref<8192xf32, #tpu.memory_space<vmem>>
      %dma_start3A_331 = tpu.memref_slice %arg6[%add3A_326] : memref<8388608xf32, #tpu.memory_space<hbm>> -> memref<8192xf32, #tpu.memory_space<hbm>>
      %dma_start3A_332 = arith.constant 0 : i32
      %dma_start3A_333 = tpu.memref_slice %arg10[%dma_start3A_327, %dma_start3A_332] : memref<2x8192xf32, #tpu.memory_space<vmem>> -> memref<1x8192xf32, #tpu.memory_space<vmem>>
      %dma_start3A_334 = tpu.memref_squeeze %dma_start3A_333 : memref<1x8192xf32, #tpu.memory_space<vmem>> -> memref<8192xf32, #tpu.memory_space<vmem>>
      %dma_start3A_335 = tpu.memref_slice %arg6[%add3A_326] : memref<8388608xf32, #tpu.memory_space<hbm>> -> memref<8192xf32, #tpu.memory_space<hbm>>
      tpu.enqueue_dma source(%dma_start3A_335 : memref<8192xf32, #tpu.memory_space<hbm>>) target(%dma_start3A_334 : memref<8192xf32, #tpu.memory_space<vmem>>) target_semaphore(%arg18 : memref<!tpu.dma_semaphore, #tpu.memory_space<semaphore_mem>>)
      %parallel_loop3A_336 = arith.constant 0 : i32
      %parallel_loop3A_337 = arith.constant 512 : i32
      %parallel_loop3A_338 = arith.constant 1 : i32
      scf.for %parallel_loop3A_362 = %parallel_loop3A_336 to %parallel_loop3A_337 step %parallel_loop3A_338  : i32 {
        %parallel_loop3A_363 = arith.constant 16 : i32
        %parallel_loop3A_364 = arith.muli %parallel_loop3A_362, %parallel_loop3A_363 : i32
        %parallel_loop3A_365 = arith.constant 0 : i32
        %parallel_loop3A_366 = arith.index_cast %parallel_loop3A_365 : i32 to index
        %parallel_loop3A_367 = arith.index_cast %parallel_loop3A_364 : i32 to index
        %parallel_loop3A_368 = tpu.vector_load %arg10[%parallel_loop3A_366, %parallel_loop3A_367] {strides = array<i32>} : memref<2x8192xf32, #tpu.memory_space<vmem>>, vector<16xf32>,
        %parallel_loop3A_369 = vector.bitcast %parallel_loop3A_368 : vector<16xf32> to vector<16xi32>
        %parallel_loop3A_370 = arith.constant 1023 : i32
        %parallel_loop3A_371 = vector.broadcast %parallel_loop3A_370 : i32 to vector<16xi32>
        %parallel_loop3A_372 = arith.andi %parallel_loop3A_369, %parallel_loop3A_371 : vector<16xi32>
        %parallel_loop3A_373 = arith.constant 10 : i32
        %parallel_loop3A_374 = vector.broadcast %parallel_loop3A_373 : i32 to vector<16xi32>
        %parallel_loop3A_375 = arith.shrui %parallel_loop3A_369, %parallel_loop3A_374 : vector<16xi32>
        %parallel_loop3A_376 = vector.broadcast %or3A : i32 to vector<16xi32>
        %parallel_loop3A_377 = arith.cmpi eq, %parallel_loop3A_375, %parallel_loop3A_376 : vector<16xi32>
        %parallel_loop3A_378 = arith.constant 17 : i32
        %parallel_loop3A_379 = vector.broadcast %parallel_loop3A_378 : i32 to vector<16xi32>
        %parallel_loop3A_380 = arith.muli %parallel_loop3A_372, %parallel_loop3A_379 : vector<16xi32>
        %parallel_loop3A_381 = arith.addi %parallel_loop3A_380, %iota3A : vector<16xi32>
        tpu.vector_store_idx %arg11[%parallel_loop3A_381], %broadcast_in_dim3A_3 masked %parallel_loop3A_377 {add = true} : memref<34816xi32, #tpu.memory_space<vmem>>[vector<16xi32>], vector<16xi32>, vector<16xi1>
      } {sc.loop_unroll_factor = 8 : i64, sc.parallel_access}
      %mul3A_339 = arith.constant 2 : i32
      %mul3A_340 = arith.muli %mul3A_339, %scan3A_305 : i32
      %add3A_341 = arith.constant 1 : i32
      %add3A_342 = arith.addi %mul3A_340, %add3A_341 : i32
      %mul3A_343 = arith.constant 8192 : i32
      %mul3A_344 = arith.muli %add3A_342, %mul3A_343 : i32
      %add3A_345 = arith.addi %mul3A_0, %mul3A_344 : i32
      %dma_wait3A_346 = arith.constant 1 : i32
      %dma_wait3A_347 = arith.constant 0 : i32
      %dma_wait3A_348 = tpu.memref_slice %arg10[%dma_wait3A_346, %dma_wait3A_347] : memref<2x8192xf32, #tpu.memory_space<vmem>> -> memref<1x8192xf32, #tpu.memory_space<vmem>>
      %dma_wait3A_349 = tpu.memref_squeeze %dma_wait3A_348 : memref<1x8192xf32, #tpu.memory_space<vmem>> -> memref<8192xf32, #tpu.memory_space<vmem>>
      %dma_wait3A_350 = tpu.memref_slice %arg6[%add3A_345] : memref<8388608xf32, #tpu.memory_space<hbm>> -> memref<8192xf32, #tpu.memory_space<hbm>>
      %dma_wait3A_351 = arith.constant 0 : i32
      %dma_wait3A_352 = tpu.memref_slice %arg10[%dma_wait3A_346, %dma_wait3A_351] : memref<2x8192xf32, #tpu.memory_space<vmem>> -> memref<1x8192xf32, #tpu.memory_space<vmem>>
      %dma_wait3A_353 = tpu.memref_squeeze %dma_wait3A_352 : memref<1x8192xf32, #tpu.memory_space<vmem>> -> memref<8192xf32, #tpu.memory_space<vmem>>
      %dma_wait3A_354 = tpu.memref_slice %arg6[%add3A_345] : memref<8388608xf32, #tpu.memory_space<hbm>> -> memref<8192xf32, #tpu.memory_space<hbm>>
      tpu.wait_dma2 semaphore(%arg18 : memref<!tpu.dma_semaphore, #tpu.memory_space<semaphore_mem>>) src(%dma_wait3A_354 : memref<8192xf32, #tpu.memory_space<hbm>>) dst(%dma_wait3A_353 : memref<8192xf32, #tpu.memory_space<vmem>>)
      %lt3A = arith.constant 31 : i32
      %lt3A_355 = arith.cmpi slt, %scan3A_305, %lt3A : i32
      %convert_element_type3A_356 = arith.extui %lt3A_355 : i1 to i32
      %cond3A_357 = arith.constant 0 : i32
      %cond3A_358 = arith.cmpi ne, %convert_element_type3A_356, %cond3A_357 : i32
      scf.if %cond3A_358 {
        %mul3A_362 = arith.constant 2 : i32
        %mul3A_363 = arith.muli %mul3A_362, %scan3A_305 : i32
        %add3A_364 = arith.constant 2 : i32
        %add3A_365 = arith.addi %mul3A_363, %add3A_364 : i32
        %mul3A_366 = arith.constant 8192 : i32
        %mul3A_367 = arith.muli %add3A_365, %mul3A_366 : i32
        %add3A_368 = arith.addi %mul3A_0, %mul3A_367 : i32
        %dma_start3A_369 = arith.constant 0 : i32
        %dma_start3A_370 = arith.constant 0 : i32
        %dma_start3A_371 = tpu.memref_slice %arg10[%dma_start3A_369, %dma_start3A_370] : memref<2x8192xf32, #tpu.memory_space<vmem>> -> memref<1x8192xf32, #tpu.memory_space<vmem>>
        %dma_start3A_372 = tpu.memref_squeeze %dma_start3A_371 : memref<1x8192xf32, #tpu.memory_space<vmem>> -> memref<8192xf32, #tpu.memory_space<vmem>>
        %dma_start3A_373 = tpu.memref_slice %arg6[%add3A_368] : memref<8388608xf32, #tpu.memory_space<hbm>> -> memref<8192xf32, #tpu.memory_space<hbm>>
        %dma_start3A_374 = arith.constant 0 : i32
        %dma_start3A_375 = tpu.memref_slice %arg10[%dma_start3A_369, %dma_start3A_374] : memref<2x8192xf32, #tpu.memory_space<vmem>> -> memref<1x8192xf32, #tpu.memory_space<vmem>>
        %dma_start3A_376 = tpu.memref_squeeze %dma_start3A_375 : memref<1x8192xf32, #tpu.memory_space<vmem>> -> memref<8192xf32, #tpu.memory_space<vmem>>
        %dma_start3A_377 = tpu.memref_slice %arg6[%add3A_368] : memref<8388608xf32, #tpu.memory_space<hbm>> -> memref<8192xf32, #tpu.memory_space<hbm>>
        tpu.enqueue_dma source(%dma_start3A_377 : memref<8192xf32, #tpu.memory_space<hbm>>) target(%dma_start3A_376 : memref<8192xf32, #tpu.memory_space<vmem>>) target_semaphore(%arg17 : memref<!tpu.dma_semaphore, #tpu.memory_space<semaphore_mem>>)
      } else {
      }
      %parallel_loop3A_359 = arith.constant 0 : i32
      %parallel_loop3A_360 = arith.constant 512 : i32
      %parallel_loop3A_361 = arith.constant 1 : i32
      scf.for %parallel_loop3A_362 = %parallel_loop3A_359 to %parallel_loop3A_360 step %parallel_loop3A_361  : i32 {
        %parallel_loop3A_363 = arith.constant 16 : i32
        %parallel_loop3A_364 = arith.muli %parallel_loop3A_362, %parallel_loop3A_363 : i32
        %parallel_loop3A_365 = arith.constant 1 : i32
        %parallel_loop3A_366 = arith.index_cast %parallel_loop3A_365 : i32 to index
        %parallel_loop3A_367 = arith.index_cast %parallel_loop3A_364 : i32 to index
        %parallel_loop3A_368 = tpu.vector_load %arg10[%parallel_loop3A_366, %parallel_loop3A_367] {strides = array<i32>} : memref<2x8192xf32, #tpu.memory_space<vmem>>, vector<16xf32>,
        %parallel_loop3A_369 = vector.bitcast %parallel_loop3A_368 : vector<16xf32> to vector<16xi32>
        %parallel_loop3A_370 = arith.constant 1023 : i32
        %parallel_loop3A_371 = vector.broadcast %parallel_loop3A_370 : i32 to vector<16xi32>
        %parallel_loop3A_372 = arith.andi %parallel_loop3A_369, %parallel_loop3A_371 : vector<16xi32>
        %parallel_loop3A_373 = arith.constant 10 : i32
        %parallel_loop3A_374 = vector.broadcast %parallel_loop3A_373 : i32 to vector<16xi32>
        %parallel_loop3A_375 = arith.shrui %parallel_loop3A_369, %parallel_loop3A_374 : vector<16xi32>
        %parallel_loop3A_376 = vector.broadcast %or3A : i32 to vector<16xi32>
        %parallel_loop3A_377 = arith.cmpi eq, %parallel_loop3A_375, %parallel_loop3A_376 : vector<16xi32>
        %parallel_loop3A_378 = arith.constant 17 : i32
        %parallel_loop3A_379 = vector.broadcast %parallel_loop3A_378 : i32 to vector<16xi32>
        %parallel_loop3A_380 = arith.muli %parallel_loop3A_372, %parallel_loop3A_379 : vector<16xi32>
        %parallel_loop3A_381 = arith.addi %parallel_loop3A_380, %iota3A : vector<16xi32>
        tpu.vector_store_idx %arg11[%parallel_loop3A_381], %broadcast_in_dim3A_3 masked %parallel_loop3A_377 {add = true} : memref<34816xi32, #tpu.memory_space<vmem>>[vector<16xi32>], vector<16xi32>, vector<16xi1>
      } {sc.loop_unroll_factor = 8 : i64, sc.parallel_access}
    }
    %scan3A_220 = arith.constant 32 : i32
    %parallel_loop3A_221 = arith.constant 0 : i32
    %parallel_loop3A_222 = arith.constant 128 : i32
    %parallel_loop3A_223 = arith.constant 1 : i32
    scf.for %parallel_loop3A_305 = %parallel_loop3A_221 to %parallel_loop3A_222 step %parallel_loop3A_223  : i32 {
      %parallel_loop3A_306 = arith.constant 16 : i32
      %parallel_loop3A_307 = arith.muli %parallel_loop3A_305, %parallel_loop3A_306 : i32
      %parallel_loop3A_308 = vector.broadcast %parallel_loop3A_307 : i32 to vector<16xi32>
      %parallel_loop3A_309 = arith.addi %parallel_loop3A_308, %iota3A : vector<16xi32>
      %parallel_loop3A_310 = arith.constant 17 : i32
      %parallel_loop3A_311 = vector.broadcast %parallel_loop3A_310 : i32 to vector<16xi32>
      %parallel_loop3A_312 = arith.muli %parallel_loop3A_309, %parallel_loop3A_311 : vector<16xi32>
      %parallel_loop3A_313 = tpu.vector_load_idx %arg11[%parallel_loop3A_312] : memref<34816xi32, #tpu.memory_space<vmem>>[vector<16xi32>], vector<16xi32>,
      %parallel_loop3A_314 = arith.constant 1 : i32
      %parallel_loop3A_315 = vector.broadcast %parallel_loop3A_314 : i32 to vector<16xi32>
      %parallel_loop3A_316 = arith.addi %parallel_loop3A_312, %parallel_loop3A_315 : vector<16xi32>
      %parallel_loop3A_317 = tpu.vector_load_idx %arg11[%parallel_loop3A_316] : memref<34816xi32, #tpu.memory_space<vmem>>[vector<16xi32>], vector<16xi32>,
      %parallel_loop3A_318 = arith.addi %parallel_loop3A_313, %parallel_loop3A_317 : vector<16xi32>
      %parallel_loop3A_319 = arith.constant 2 : i32
      %parallel_loop3A_320 = vector.broadcast %parallel_loop3A_319 : i32 to vector<16xi32>
      %parallel_loop3A_321 = arith.addi %parallel_loop3A_312, %parallel_loop3A_320 : vector<16xi32>
      %parallel_loop3A_322 = tpu.vector_load_idx %arg11[%parallel_loop3A_321] : memref<34816xi32, #tpu.memory_space<vmem>>[vector<16xi32>], vector<16xi32>,
      %parallel_loop3A_323 = arith.addi %parallel_loop3A_318, %parallel_loop3A_322 : vector<16xi32>
      %parallel_loop3A_324 = arith.constant 3 : i32
      %parallel_loop3A_325 = vector.broadcast %parallel_loop3A_324 : i32 to vector<16xi32>
      %parallel_loop3A_326 = arith.addi %parallel_loop3A_312, %parallel_loop3A_325 : vector<16xi32>
      %parallel_loop3A_327 = tpu.vector_load_idx %arg11[%parallel_loop3A_326] : memref<34816xi32, #tpu.memory_space<vmem>>[vector<16xi32>], vector<16xi32>,
      %parallel_loop3A_328 = arith.addi %parallel_loop3A_323, %parallel_loop3A_327 : vector<16xi32>
      %parallel_loop3A_329 = arith.constant 4 : i32
      %parallel_loop3A_330 = vector.broadcast %parallel_loop3A_329 : i32 to vector<16xi32>
      %parallel_loop3A_331 = arith.addi %parallel_loop3A_312, %parallel_loop3A_330 : vector<16xi32>
      %parallel_loop3A_332 = tpu.vector_load_idx %arg11[%parallel_loop3A_331] : memref<34816xi32, #tpu.memory_space<vmem>>[vector<16xi32>], vector<16xi32>,
      %parallel_loop3A_333 = arith.addi %parallel_loop3A_328, %parallel_loop3A_332 : vector<16xi32>
      %parallel_loop3A_334 = arith.constant 5 : i32
      %parallel_loop3A_335 = vector.broadcast %parallel_loop3A_334 : i32 to vector<16xi32>
      %parallel_loop3A_336 = arith.addi %parallel_loop3A_312, %parallel_loop3A_335 : vector<16xi32>
      %parallel_loop3A_337 = tpu.vector_load_idx %arg11[%parallel_loop3A_336] : memref<34816xi32, #tpu.memory_space<vmem>>[vector<16xi32>], vector<16xi32>,
      %parallel_loop3A_338 = arith.addi %parallel_loop3A_333, %parallel_loop3A_337 : vector<16xi32>
      %parallel_loop3A_339 = arith.constant 6 : i32
      %parallel_loop3A_340 = vector.broadcast %parallel_loop3A_339 : i32 to vector<16xi32>
      %parallel_loop3A_341 = arith.addi %parallel_loop3A_312, %parallel_loop3A_340 : vector<16xi32>
      %parallel_loop3A_342 = tpu.vector_load_idx %arg11[%parallel_loop3A_341] : memref<34816xi32, #tpu.memory_space<vmem>>[vector<16xi32>], vector<16xi32>,
      %parallel_loop3A_343 = arith.addi %parallel_loop3A_338, %parallel_loop3A_342 : vector<16xi32>
      %parallel_loop3A_344 = arith.constant 7 : i32
      %parallel_loop3A_345 = vector.broadcast %parallel_loop3A_344 : i32 to vector<16xi32>
      %parallel_loop3A_346 = arith.addi %parallel_loop3A_312, %parallel_loop3A_345 : vector<16xi32>
      %parallel_loop3A_347 = tpu.vector_load_idx %arg11[%parallel_loop3A_346] : memref<34816xi32, #tpu.memory_space<vmem>>[vector<16xi32>], vector<16xi32>,
      %parallel_loop3A_348 = arith.addi %parallel_loop3A_343, %parallel_loop3A_347 : vector<16xi32>
      %parallel_loop3A_349 = arith.constant 8 : i32
      %parallel_loop3A_350 = vector.broadcast %parallel_loop3A_349 : i32 to vector<16xi32>
      %parallel_loop3A_351 = arith.addi %parallel_loop3A_312, %parallel_loop3A_350 : vector<16xi32>
      %parallel_loop3A_352 = tpu.vector_load_idx %arg11[%parallel_loop3A_351] : memref<34816xi32, #tpu.memory_space<vmem>>[vector<16xi32>], vector<16xi32>,
      %parallel_loop3A_353 = arith.addi %parallel_loop3A_348, %parallel_loop3A_352 : vector<16xi32>
      %parallel_loop3A_354 = arith.constant 9 : i32
      %parallel_loop3A_355 = vector.broadcast %parallel_loop3A_354 : i32 to vector<16xi32>
      %parallel_loop3A_356 = arith.addi %parallel_loop3A_312, %parallel_loop3A_355 : vector<16xi32>
      %parallel_loop3A_357 = tpu.vector_load_idx %arg11[%parallel_loop3A_356] : memref<34816xi32, #tpu.memory_space<vmem>>[vector<16xi32>], vector<16xi32>,
      %parallel_loop3A_358 = arith.addi %parallel_loop3A_353, %parallel_loop3A_357 : vector<16xi32>
      %parallel_loop3A_359 = arith.constant 10 : i32
      %parallel_loop3A_360 = vector.broadcast %parallel_loop3A_359 : i32 to vector<16xi32>
      %parallel_loop3A_361 = arith.addi %parallel_loop3A_312, %parallel_loop3A_360 : vector<16xi32>
      %parallel_loop3A_362 = tpu.vector_load_idx %arg11[%parallel_loop3A_361] : memref<34816xi32, #tpu.memory_space<vmem>>[vector<16xi32>], vector<16xi32>,
      %parallel_loop3A_363 = arith.addi %parallel_loop3A_358, %parallel_loop3A_362 : vector<16xi32>
      %parallel_loop3A_364 = arith.constant 11 : i32
      %parallel_loop3A_365 = vector.broadcast %parallel_loop3A_364 : i32 to vector<16xi32>
      %parallel_loop3A_366 = arith.addi %parallel_loop3A_312, %parallel_loop3A_365 : vector<16xi32>
      %parallel_loop3A_367 = tpu.vector_load_idx %arg11[%parallel_loop3A_366] : memref<34816xi32, #tpu.memory_space<vmem>>[vector<16xi32>], vector<16xi32>,
      %parallel_loop3A_368 = arith.addi %parallel_loop3A_363, %parallel_loop3A_367 : vector<16xi32>
      %parallel_loop3A_369 = arith.constant 12 : i32
      %parallel_loop3A_370 = vector.broadcast %parallel_loop3A_369 : i32 to vector<16xi32>
      %parallel_loop3A_371 = arith.addi %parallel_loop3A_312, %parallel_loop3A_370 : vector<16xi32>
      %parallel_loop3A_372 = tpu.vector_load_idx %arg11[%parallel_loop3A_371] : memref<34816xi32, #tpu.memory_space<vmem>>[vector<16xi32>], vector<16xi32>,
      %parallel_loop3A_373 = arith.addi %parallel_loop3A_368, %parallel_loop3A_372 : vector<16xi32>
      %parallel_loop3A_374 = arith.constant 13 : i32
      %parallel_loop3A_375 = vector.broadcast %parallel_loop3A_374 : i32 to vector<16xi32>
      %parallel_loop3A_376 = arith.addi %parallel_loop3A_312, %parallel_loop3A_375 : vector<16xi32>
      %parallel_loop3A_377 = tpu.vector_load_idx %arg11[%parallel_loop3A_376] : memref<34816xi32, #tpu.memory_space<vmem>>[vector<16xi32>], vector<16xi32>,
      %parallel_loop3A_378 = arith.addi %parallel_loop3A_373, %parallel_loop3A_377 : vector<16xi32>
      %parallel_loop3A_379 = arith.constant 14 : i32
      %parallel_loop3A_380 = vector.broadcast %parallel_loop3A_379 : i32 to vector<16xi32>
      %parallel_loop3A_381 = arith.addi %parallel_loop3A_312, %parallel_loop3A_380 : vector<16xi32>
      %parallel_loop3A_382 = tpu.vector_load_idx %arg11[%parallel_loop3A_381] : memref<34816xi32, #tpu.memory_space<vmem>>[vector<16xi32>], vector<16xi32>,
      %parallel_loop3A_383 = arith.addi %parallel_loop3A_378, %parallel_loop3A_382 : vector<16xi32>
      %parallel_loop3A_384 = arith.constant 15 : i32
      %parallel_loop3A_385 = vector.broadcast %parallel_loop3A_384 : i32 to vector<16xi32>
      %parallel_loop3A_386 = arith.addi %parallel_loop3A_312, %parallel_loop3A_385 : vector<16xi32>
      %parallel_loop3A_387 = tpu.vector_load_idx %arg11[%parallel_loop3A_386] : memref<34816xi32, #tpu.memory_space<vmem>>[vector<16xi32>], vector<16xi32>,
      %parallel_loop3A_388 = arith.addi %parallel_loop3A_383, %parallel_loop3A_387 : vector<16xi32>
      %parallel_loop3A_389 = arith.constant 16 : i32
      %parallel_loop3A_390 = arith.muli %parallel_loop3A_305, %parallel_loop3A_389 : i32
      %parallel_loop3A_391 = arith.index_cast %parallel_loop3A_390 : i32 to index
      %parallel_loop3A_392 = tpu.vector_load %arg12[%parallel_loop3A_391] {strides = array<i32>} : memref<2048xi32, #tpu.memory_space<vmem>>, vector<16xi32>,
      tpu.vector_store %arg12[%parallel_loop3A_391], %parallel_loop3A_388 {strides = array<i32>} : memref<2048xi32, #tpu.memory_space<vmem>>, vector<16xi32>,
    } {sc.loop_unroll_factor = 2 : i64, sc.parallel_access}
    "tpu.region"() ({
      %run_scoped3A = tpu.sem_alloc : memref<!tpu.dma_semaphore, #tpu.memory_space<semaphore_mem>>
      %dma_start3A_305 = arith.constant 0 : i32
      %dma_start3A_306 = tpu.memref_slice %arg16[%arg1, %dma_start3A_305] : memref<16x2048xi32, #tpu.memory_space<vmem_shared>> -> memref<1x2048xi32, #tpu.memory_space<vmem_shared>>
      %dma_start3A_307 = tpu.memref_squeeze %dma_start3A_306 : memref<1x2048xi32, #tpu.memory_space<vmem_shared>> -> memref<2048xi32, #tpu.memory_space<vmem_shared>>
      %dma_start3A_308 = arith.constant 0 : i32
      %dma_start3A_309 = tpu.memref_slice %arg16[%arg1, %dma_start3A_308] : memref<16x2048xi32, #tpu.memory_space<vmem_shared>> -> memref<1x2048xi32, #tpu.memory_space<vmem_shared>>
      %dma_start3A_310 = tpu.memref_squeeze %dma_start3A_309 : memref<1x2048xi32, #tpu.memory_space<vmem_shared>> -> memref<2048xi32, #tpu.memory_space<vmem_shared>>
      tpu.enqueue_dma source(%arg12 : memref<2048xi32, #tpu.memory_space<vmem>>) target(%dma_start3A_310 : memref<2048xi32, #tpu.memory_space<vmem_shared>>) target_semaphore(%run_scoped3A : memref<!tpu.dma_semaphore, #tpu.memory_space<semaphore_mem>>)
      %dma_wait3A_311 = arith.constant 0 : i32
      %dma_wait3A_312 = tpu.memref_slice %arg16[%arg1, %dma_wait3A_311] : memref<16x2048xi32, #tpu.memory_space<vmem_shared>> -> memref<1x2048xi32, #tpu.memory_space<vmem_shared>>
      %dma_wait3A_313 = tpu.memref_squeeze %dma_wait3A_312 : memref<1x2048xi32, #tpu.memory_space<vmem_shared>> -> memref<2048xi32, #tpu.memory_space<vmem_shared>>
      %dma_wait3A_314 = arith.constant 0 : i32
      %dma_wait3A_315 = tpu.memref_slice %arg16[%arg1, %dma_wait3A_314] : memref<16x2048xi32, #tpu.memory_space<vmem_shared>> -> memref<1x2048xi32, #tpu.memory_space<vmem_shared>>
      %dma_wait3A_316 = tpu.memref_squeeze %dma_wait3A_315 : memref<1x2048xi32, #tpu.memory_space<vmem_shared>> -> memref<2048xi32, #tpu.memory_space<vmem_shared>>
      tpu.wait_dma2 semaphore(%run_scoped3A : memref<!tpu.dma_semaphore, #tpu.memory_space<semaphore_mem>>) src(%arg12 : memref<2048xi32, #tpu.memory_space<vmem>>) dst(%dma_wait3A_316 : memref<2048xi32, #tpu.memory_space<vmem_shared>>)
      tpu.yield
    }) : () -> ()
    %barrier3A_224 = arith.constant 0 : index
    tpu.barrier barrier_id(%barrier3A_224)
    "tpu.region"() ({
      %run_scoped3A = tpu.sem_alloc : memref<!tpu.dma_semaphore, #tpu.memory_space<semaphore_mem>>
      %dma_start3A_305 = arith.constant 0 : i32
      %dma_start3A_306 = arith.constant 0 : i32
      %dma_start3A_307 = tpu.memref_slice %arg16[%dma_start3A_305, %dma_start3A_306] : memref<16x2048xi32, #tpu.memory_space<vmem_shared>> -> memref<8x2048xi32, #tpu.memory_space<vmem_shared>>
      %dma_start3A_308 = arith.constant 0 : i32
      %dma_start3A_309 = arith.constant 0 : i32
      %dma_start3A_310 = tpu.memref_slice %arg16[%dma_start3A_308, %dma_start3A_309] : memref<16x2048xi32, #tpu.memory_space<vmem_shared>> -> memref<8x2048xi32, #tpu.memory_space<vmem_shared>>
      tpu.enqueue_dma source(%dma_start3A_310 : memref<8x2048xi32, #tpu.memory_space<vmem_shared>>) target(%arg13 : memref<8x2048xi32, #tpu.memory_space<vmem>>) target_semaphore(%run_scoped3A : memref<!tpu.dma_semaphore, #tpu.memory_space<semaphore_mem>>)
      %dma_wait3A_311 = arith.constant 0 : i32
      %dma_wait3A_312 = arith.constant 0 : i32
      %dma_wait3A_313 = tpu.memref_slice %arg16[%dma_wait3A_311, %dma_wait3A_312] : memref<16x2048xi32, #tpu.memory_space<vmem_shared>> -> memref<8x2048xi32, #tpu.memory_space<vmem_shared>>
      %dma_wait3A_314 = arith.constant 0 : i32
      %dma_wait3A_315 = arith.constant 0 : i32
      %dma_wait3A_316 = tpu.memref_slice %arg16[%dma_wait3A_314, %dma_wait3A_315] : memref<16x2048xi32, #tpu.memory_space<vmem_shared>> -> memref<8x2048xi32, #tpu.memory_space<vmem_shared>>
      tpu.wait_dma2 semaphore(%run_scoped3A : memref<!tpu.dma_semaphore, #tpu.memory_space<semaphore_mem>>) src(%dma_wait3A_316 : memref<8x2048xi32, #tpu.memory_space<vmem_shared>>) dst(%arg13 : memref<8x2048xi32, #tpu.memory_space<vmem>>)
      tpu.yield
    }) : () -> ()
    %parallel_loop3A_225 = arith.constant 0 : i32
    %parallel_loop3A_226 = arith.constant 128 : i32
    %parallel_loop3A_227 = arith.constant 1 : i32
    scf.for %parallel_loop3A_305 = %parallel_loop3A_225 to %parallel_loop3A_226 step %parallel_loop3A_227  : i32 {
      %parallel_loop3A_306 = arith.constant 16 : i32
      %parallel_loop3A_307 = arith.muli %parallel_loop3A_305, %parallel_loop3A_306 : i32
      %parallel_loop3A_308 = arith.constant 0 : i32
      %parallel_loop3A_309 = arith.index_cast %parallel_loop3A_308 : i32 to index
      %parallel_loop3A_310 = arith.index_cast %parallel_loop3A_307 : i32 to index
      %parallel_loop3A_311 = tpu.vector_load %arg13[%parallel_loop3A_309, %parallel_loop3A_310] {strides = array<i32>} : memref<8x2048xi32, #tpu.memory_space<vmem>>, vector<16xi32>,
      %parallel_loop3A_312 = arith.constant 16 : i32
      %parallel_loop3A_313 = arith.muli %parallel_loop3A_305, %parallel_loop3A_312 : i32
      %parallel_loop3A_314 = arith.constant 1 : i32
      %parallel_loop3A_315 = arith.index_cast %parallel_loop3A_314 : i32 to index
      %parallel_loop3A_316 = arith.index_cast %parallel_loop3A_313 : i32 to index
      %parallel_loop3A_317 = tpu.vector_load %arg13[%parallel_loop3A_315, %parallel_loop3A_316] {strides = array<i32>} : memref<8x2048xi32, #tpu.memory_space<vmem>>, vector<16xi32>,
      %parallel_loop3A_318 = arith.addi %parallel_loop3A_311, %parallel_loop3A_317 : vector<16xi32>
      %parallel_loop3A_319 = arith.constant 16 : i32
      %parallel_loop3A_320 = arith.muli %parallel_loop3A_305, %parallel_loop3A_319 : i32
      %parallel_loop3A_321 = arith.constant 2 : i32
      %parallel_loop3A_322 = arith.index_cast %parallel_loop3A_321 : i32 to index
      %parallel_loop3A_323 = arith.index_cast %parallel_loop3A_320 : i32 to index
      %parallel_loop3A_324 = tpu.vector_load %arg13[%parallel_loop3A_322, %parallel_loop3A_323] {strides = array<i32>} : memref<8x2048xi32, #tpu.memory_space<vmem>>, vector<16xi32>,
      %parallel_loop3A_325 = arith.addi %parallel_loop3A_318, %parallel_loop3A_324 : vector<16xi32>
      %parallel_loop3A_326 = arith.constant 16 : i32
      %parallel_loop3A_327 = arith.muli %parallel_loop3A_305, %parallel_loop3A_326 : i32
      %parallel_loop3A_328 = arith.constant 3 : i32
      %parallel_loop3A_329 = arith.index_cast %parallel_loop3A_328 : i32 to index
      %parallel_loop3A_330 = arith.index_cast %parallel_loop3A_327 : i32 to index
      %parallel_loop3A_331 = tpu.vector_load %arg13[%parallel_loop3A_329, %parallel_loop3A_330] {strides = array<i32>} : memref<8x2048xi32, #tpu.memory_space<vmem>>, vector<16xi32>,
      %parallel_loop3A_332 = arith.addi %parallel_loop3A_325, %parallel_loop3A_331 : vector<16xi32>
      %parallel_loop3A_333 = arith.constant 16 : i32
      %parallel_loop3A_334 = arith.muli %parallel_loop3A_305, %parallel_loop3A_333 : i32
      %parallel_loop3A_335 = arith.constant 4 : i32
      %parallel_loop3A_336 = arith.index_cast %parallel_loop3A_335 : i32 to index
      %parallel_loop3A_337 = arith.index_cast %parallel_loop3A_334 : i32 to index
      %parallel_loop3A_338 = tpu.vector_load %arg13[%parallel_loop3A_336, %parallel_loop3A_337] {strides = array<i32>} : memref<8x2048xi32, #tpu.memory_space<vmem>>, vector<16xi32>,
      %parallel_loop3A_339 = arith.addi %parallel_loop3A_332, %parallel_loop3A_338 : vector<16xi32>
      %parallel_loop3A_340 = arith.constant 16 : i32
      %parallel_loop3A_341 = arith.muli %parallel_loop3A_305, %parallel_loop3A_340 : i32
      %parallel_loop3A_342 = arith.constant 5 : i32
      %parallel_loop3A_343 = arith.index_cast %parallel_loop3A_342 : i32 to index
      %parallel_loop3A_344 = arith.index_cast %parallel_loop3A_341 : i32 to index
      %parallel_loop3A_345 = tpu.vector_load %arg13[%parallel_loop3A_343, %parallel_loop3A_344] {strides = array<i32>} : memref<8x2048xi32, #tpu.memory_space<vmem>>, vector<16xi32>,
      %parallel_loop3A_346 = arith.addi %parallel_loop3A_339, %parallel_loop3A_345 : vector<16xi32>
      %parallel_loop3A_347 = arith.constant 16 : i32
      %parallel_loop3A_348 = arith.muli %parallel_loop3A_305, %parallel_loop3A_347 : i32
      %parallel_loop3A_349 = arith.constant 6 : i32
      %parallel_loop3A_350 = arith.index_cast %parallel_loop3A_349 : i32 to index
      %parallel_loop3A_351 = arith.index_cast %parallel_loop3A_348 : i32 to index
      %parallel_loop3A_352 = tpu.vector_load %arg13[%parallel_loop3A_350, %parallel_loop3A_351] {strides = array<i32>} : memref<8x2048xi32, #tpu.memory_space<vmem>>, vector<16xi32>,
      %parallel_loop3A_353 = arith.addi %parallel_loop3A_346, %parallel_loop3A_352 : vector<16xi32>
      %parallel_loop3A_354 = arith.constant 16 : i32
      %parallel_loop3A_355 = arith.muli %parallel_loop3A_305, %parallel_loop3A_354 : i32
      %parallel_loop3A_356 = arith.constant 7 : i32
      %parallel_loop3A_357 = arith.index_cast %parallel_loop3A_356 : i32 to index
      %parallel_loop3A_358 = arith.index_cast %parallel_loop3A_355 : i32 to index
      %parallel_loop3A_359 = tpu.vector_load %arg13[%parallel_loop3A_357, %parallel_loop3A_358] {strides = array<i32>} : memref<8x2048xi32, #tpu.memory_space<vmem>>, vector<16xi32>,
      %parallel_loop3A_360 = arith.addi %parallel_loop3A_353, %parallel_loop3A_359 : vector<16xi32>
      %parallel_loop3A_361 = arith.constant 16 : i32
      %parallel_loop3A_362 = arith.muli %parallel_loop3A_305, %parallel_loop3A_361 : i32
      %parallel_loop3A_363 = arith.index_cast %parallel_loop3A_362 : i32 to index
      %parallel_loop3A_364 = tpu.vector_load %arg14[%parallel_loop3A_363] {strides = array<i32>} : memref<2048xi32, #tpu.memory_space<vmem>>, vector<16xi32>,
      tpu.vector_store %arg14[%parallel_loop3A_363], %parallel_loop3A_360 {strides = array<i32>} : memref<2048xi32, #tpu.memory_space<vmem>>, vector<16xi32>,
    } {sc.loop_unroll_factor = 2 : i64, sc.parallel_access}
    "tpu.region"() ({
      %run_scoped3A = tpu.sem_alloc : memref<!tpu.dma_semaphore, #tpu.memory_space<semaphore_mem>>
      %dma_start3A_305 = arith.constant 8 : i32
      %dma_start3A_306 = arith.constant 0 : i32
      %dma_start3A_307 = tpu.memref_slice %arg16[%dma_start3A_305, %dma_start3A_306] : memref<16x2048xi32, #tpu.memory_space<vmem_shared>> -> memref<8x2048xi32, #tpu.memory_space<vmem_shared>>
      %dma_start3A_308 = arith.constant 8 : i32
      %dma_start3A_309 = arith.constant 0 : i32
      %dma_start3A_310 = tpu.memref_slice %arg16[%dma_start3A_308, %dma_start3A_309] : memref<16x2048xi32, #tpu.memory_space<vmem_shared>> -> memref<8x2048xi32, #tpu.memory_space<vmem_shared>>
      tpu.enqueue_dma source(%dma_start3A_310 : memref<8x2048xi32, #tpu.memory_space<vmem_shared>>) target(%arg13 : memref<8x2048xi32, #tpu.memory_space<vmem>>) target_semaphore(%run_scoped3A : memref<!tpu.dma_semaphore, #tpu.memory_space<semaphore_mem>>)
      %dma_wait3A_311 = arith.constant 8 : i32
      %dma_wait3A_312 = arith.constant 0 : i32
      %dma_wait3A_313 = tpu.memref_slice %arg16[%dma_wait3A_311, %dma_wait3A_312] : memref<16x2048xi32, #tpu.memory_space<vmem_shared>> -> memref<8x2048xi32, #tpu.memory_space<vmem_shared>>
      %dma_wait3A_314 = arith.constant 8 : i32
      %dma_wait3A_315 = arith.constant 0 : i32
      %dma_wait3A_316 = tpu.memref_slice %arg16[%dma_wait3A_314, %dma_wait3A_315] : memref<16x2048xi32, #tpu.memory_space<vmem_shared>> -> memref<8x2048xi32, #tpu.memory_space<vmem_shared>>
      tpu.wait_dma2 semaphore(%run_scoped3A : memref<!tpu.dma_semaphore, #tpu.memory_space<semaphore_mem>>) src(%dma_wait3A_316 : memref<8x2048xi32, #tpu.memory_space<vmem_shared>>) dst(%arg13 : memref<8x2048xi32, #tpu.memory_space<vmem>>)
      tpu.yield
    }) : () -> ()
    %parallel_loop3A_228 = arith.constant 0 : i32
    %parallel_loop3A_229 = arith.constant 128 : i32
    %parallel_loop3A_230 = arith.constant 1 : i32
    scf.for %parallel_loop3A_305 = %parallel_loop3A_228 to %parallel_loop3A_229 step %parallel_loop3A_230  : i32 {
      %parallel_loop3A_306 = arith.constant 16 : i32
      %parallel_loop3A_307 = arith.muli %parallel_loop3A_305, %parallel_loop3A_306 : i32
      %parallel_loop3A_308 = arith.constant 0 : i32
      %parallel_loop3A_309 = arith.index_cast %parallel_loop3A_308 : i32 to index
      %parallel_loop3A_310 = arith.index_cast %parallel_loop3A_307 : i32 to index
      %parallel_loop3A_311 = tpu.vector_load %arg13[%parallel_loop3A_309, %parallel_loop3A_310] {strides = array<i32>} : memref<8x2048xi32, #tpu.memory_space<vmem>>, vector<16xi32>,
      %parallel_loop3A_312 = arith.constant 16 : i32
      %parallel_loop3A_313 = arith.muli %parallel_loop3A_305, %parallel_loop3A_312 : i32
      %parallel_loop3A_314 = arith.constant 1 : i32
      %parallel_loop3A_315 = arith.index_cast %parallel_loop3A_314 : i32 to index
      %parallel_loop3A_316 = arith.index_cast %parallel_loop3A_313 : i32 to index
      %parallel_loop3A_317 = tpu.vector_load %arg13[%parallel_loop3A_315, %parallel_loop3A_316] {strides = array<i32>} : memref<8x2048xi32, #tpu.memory_space<vmem>>, vector<16xi32>,
      %parallel_loop3A_318 = arith.addi %parallel_loop3A_311, %parallel_loop3A_317 : vector<16xi32>
      %parallel_loop3A_319 = arith.constant 16 : i32
      %parallel_loop3A_320 = arith.muli %parallel_loop3A_305, %parallel_loop3A_319 : i32
      %parallel_loop3A_321 = arith.constant 2 : i32
      %parallel_loop3A_322 = arith.index_cast %parallel_loop3A_321 : i32 to index
      %parallel_loop3A_323 = arith.index_cast %parallel_loop3A_320 : i32 to index
      %parallel_loop3A_324 = tpu.vector_load %arg13[%parallel_loop3A_322, %parallel_loop3A_323] {strides = array<i32>} : memref<8x2048xi32, #tpu.memory_space<vmem>>, vector<16xi32>,
      %parallel_loop3A_325 = arith.addi %parallel_loop3A_318, %parallel_loop3A_324 : vector<16xi32>
      %parallel_loop3A_326 = arith.constant 16 : i32
      %parallel_loop3A_327 = arith.muli %parallel_loop3A_305, %parallel_loop3A_326 : i32
      %parallel_loop3A_328 = arith.constant 3 : i32
      %parallel_loop3A_329 = arith.index_cast %parallel_loop3A_328 : i32 to index
      %parallel_loop3A_330 = arith.index_cast %parallel_loop3A_327 : i32 to index
      %parallel_loop3A_331 = tpu.vector_load %arg13[%parallel_loop3A_329, %parallel_loop3A_330] {strides = array<i32>} : memref<8x2048xi32, #tpu.memory_space<vmem>>, vector<16xi32>,
      %parallel_loop3A_332 = arith.addi %parallel_loop3A_325, %parallel_loop3A_331 : vector<16xi32>
      %parallel_loop3A_333 = arith.constant 16 : i32
      %parallel_loop3A_334 = arith.muli %parallel_loop3A_305, %parallel_loop3A_333 : i32
      %parallel_loop3A_335 = arith.constant 4 : i32
      %parallel_loop3A_336 = arith.index_cast %parallel_loop3A_335 : i32 to index
      %parallel_loop3A_337 = arith.index_cast %parallel_loop3A_334 : i32 to index
      %parallel_loop3A_338 = tpu.vector_load %arg13[%parallel_loop3A_336, %parallel_loop3A_337] {strides = array<i32>} : memref<8x2048xi32, #tpu.memory_space<vmem>>, vector<16xi32>,
      %parallel_loop3A_339 = arith.addi %parallel_loop3A_332, %parallel_loop3A_338 : vector<16xi32>
      %parallel_loop3A_340 = arith.constant 16 : i32
      %parallel_loop3A_341 = arith.muli %parallel_loop3A_305, %parallel_loop3A_340 : i32
      %parallel_loop3A_342 = arith.constant 5 : i32
      %parallel_loop3A_343 = arith.index_cast %parallel_loop3A_342 : i32 to index
      %parallel_loop3A_344 = arith.index_cast %parallel_loop3A_341 : i32 to index
      %parallel_loop3A_345 = tpu.vector_load %arg13[%parallel_loop3A_343, %parallel_loop3A_344] {strides = array<i32>} : memref<8x2048xi32, #tpu.memory_space<vmem>>, vector<16xi32>,
      %parallel_loop3A_346 = arith.addi %parallel_loop3A_339, %parallel_loop3A_345 : vector<16xi32>
      %parallel_loop3A_347 = arith.constant 16 : i32
      %parallel_loop3A_348 = arith.muli %parallel_loop3A_305, %parallel_loop3A_347 : i32
      %parallel_loop3A_349 = arith.constant 6 : i32
      %parallel_loop3A_350 = arith.index_cast %parallel_loop3A_349 : i32 to index
      %parallel_loop3A_351 = arith.index_cast %parallel_loop3A_348 : i32 to index
      %parallel_loop3A_352 = tpu.vector_load %arg13[%parallel_loop3A_350, %parallel_loop3A_351] {strides = array<i32>} : memref<8x2048xi32, #tpu.memory_space<vmem>>, vector<16xi32>,
      %parallel_loop3A_353 = arith.addi %parallel_loop3A_346, %parallel_loop3A_352 : vector<16xi32>
      %parallel_loop3A_354 = arith.constant 16 : i32
      %parallel_loop3A_355 = arith.muli %parallel_loop3A_305, %parallel_loop3A_354 : i32
      %parallel_loop3A_356 = arith.constant 7 : i32
      %parallel_loop3A_357 = arith.index_cast %parallel_loop3A_356 : i32 to index
      %parallel_loop3A_358 = arith.index_cast %parallel_loop3A_355 : i32 to index
      %parallel_loop3A_359 = tpu.vector_load %arg13[%parallel_loop3A_357, %parallel_loop3A_358] {strides = array<i32>} : memref<8x2048xi32, #tpu.memory_space<vmem>>, vector<16xi32>,
      %parallel_loop3A_360 = arith.addi %parallel_loop3A_353, %parallel_loop3A_359 : vector<16xi32>
      %parallel_loop3A_361 = arith.constant 16 : i32
      %parallel_loop3A_362 = arith.muli %parallel_loop3A_305, %parallel_loop3A_361 : i32
      %parallel_loop3A_363 = arith.index_cast %parallel_loop3A_362 : i32 to index
      %parallel_loop3A_364 = tpu.vector_load %arg14[%parallel_loop3A_363] {strides = array<i32>} : memref<2048xi32, #tpu.memory_space<vmem>>, vector<16xi32>,
      tpu.vector_store %arg14[%parallel_loop3A_363], %parallel_loop3A_360 {add = true, strides = array<i32>} : memref<2048xi32, #tpu.memory_space<vmem>>, vector<16xi32>,
    } {sc.loop_unroll_factor = 2 : i64, sc.parallel_access}
    %barrier3A_231 = arith.constant 0 : index
    tpu.barrier barrier_id(%barrier3A_231)
    %scan3A_232 = arith.constant 0 : i32
    %scan3A_233 = arith.constant 1073741824 : i32
    %scan3A_234 = arith.constant 0 : i32
    %scan3A_235 = arith.constant 128 : i32
    %scan3A_236 = arith.addi %scan3A_234, %scan3A_235 : i32
    %scan3A_237 = arith.constant 1 : i32
    %scan3A_238:2 = scf.for %scan3A_305 = %scan3A_234 to %scan3A_236 step %scan3A_237 iter_args(%scan3A_306 = %scan3A_232, %scan3A_307 = %scan3A_233) -> (i32, i32)  : i32 {
      %mul3A_308 = arith.constant 16 : i32
      %mul3A_309 = arith.muli %scan3A_305, %mul3A_308 : i32
      %get3A_310 = arith.index_cast %mul3A_309 : i32 to index
      %get3A_311 = tpu.vector_load %arg14[%get3A_310] {strides = array<i32>} : memref<2048xi32, #tpu.memory_space<vmem>>, vector<16xi32>,
      %broadcast_in_dim3A_312 = arith.constant true
      %broadcast_in_dim3A_313 = vector.broadcast %broadcast_in_dim3A_312 : i1 to vector<16xi1>
      %masked_cumsum3A = tpu.scan <sum>, %get3A_311 masked %broadcast_in_dim3A_313 : vector<16xi32>, vector<16xi1> -> vector<16xi32>
      %add3A_314 = vector.broadcast %scan3A_306 : i32 to vector<16xi32>
      %add3A_315 = arith.addi %masked_cumsum3A, %add3A_314 : vector<16xi32>
      %mul3A_316 = arith.constant 16 : i32
      %mul3A_317 = arith.muli %scan3A_305, %mul3A_316 : i32
      %add3A_318 = vector.broadcast %mul3A_317 : i32 to vector<16xi32>
      %add3A_319 = arith.addi %iota3A, %add3A_318 : vector<16xi32>
      %ge3A_320 = vector.broadcast %sub3A_199 : i32 to vector<16xi32>
      %ge3A_321 = arith.cmpi sge, %add3A_315, %ge3A_320 : vector<16xi32>
      %jit3A_322 = arith.constant 1073741824 : i32
      %broadcast_in_dim3A_323 = vector.broadcast %jit3A_322 : i32 to vector<16xi32>
      %select_n3A_324 = arith.select %ge3A_321, %add3A_319, %broadcast_in_dim3A_323 : vector<16xi1>, vector<16xi32>
      %reduce_min3A = arith.constant true
      %reduce_min3A_325 = vector.broadcast %reduce_min3A : i1 to vector<16xi1>
      %reduce_min3A_326 = arith.constant -2147483648 : i32
      %reduce_min3A_327 = vector.broadcast %reduce_min3A_326 : i32 to vector<16xi32>
      %reduce_min3A_328 = arith.xori %select_n3A_324, %reduce_min3A_327 : vector<16xi32>
      %reduce_min3A_329 = tpu.scan <min>, %reduce_min3A_328 masked %reduce_min3A_325 : vector<16xi32>, vector<16xi1> -> vector<16xi32>
      %reduce_min3A_330 = arith.xori %reduce_min3A_329, %reduce_min3A_327 : vector<16xi32>
      %reduce_min3A_331 = vector.extract %reduce_min3A_330[15] : i32 from vector<16xi32>
      %reduce_max3A = arith.constant true
      %reduce_max3A_332 = vector.broadcast %reduce_max3A : i1 to vector<16xi1>
      %reduce_max3A_333 = arith.constant -2147483648 : i32
      %reduce_max3A_334 = vector.broadcast %reduce_max3A_333 : i32 to vector<16xi32>
      %reduce_max3A_335 = arith.xori %add3A_315, %reduce_max3A_334 : vector<16xi32>
      %reduce_max3A_336 = tpu.scan <max>, %reduce_max3A_335 masked %reduce_max3A_332 : vector<16xi32>, vector<16xi1> -> vector<16xi32>
      %reduce_max3A_337 = arith.xori %reduce_max3A_336, %reduce_max3A_334 : vector<16xi32>
      %reduce_max3A_338 = vector.extract %reduce_max3A_337[15] : i32 from vector<16xi32>
      %min3A = arith.minsi %scan3A_307, %reduce_min3A_331 : i32
      scf.yield %reduce_max3A_338, %min3A : i32, i32
    }
    %scan3A_239 = arith.constant 128 : i32
    %scan3A_240 = arith.constant 0 : i32
    %scan3A_241 = arith.constant 0 : i32
    %scan3A_242 = arith.constant 128 : i32
    %scan3A_243 = arith.addi %scan3A_241, %scan3A_242 : i32
    %scan3A_244 = arith.constant 1 : i32
    %scan3A_245 = scf.for %scan3A_305 = %scan3A_241 to %scan3A_243 step %scan3A_244 iter_args(%scan3A_306 = %scan3A_240) -> (i32)  : i32 {
      %mul3A_307 = arith.constant 16 : i32
      %mul3A_308 = arith.muli %scan3A_305, %mul3A_307 : i32
      %get3A_309 = arith.index_cast %mul3A_308 : i32 to index
      %get3A_310 = tpu.vector_load %arg14[%get3A_309] {strides = array<i32>} : memref<2048xi32, #tpu.memory_space<vmem>>, vector<16xi32>,
      %mul3A_311 = arith.constant 16 : i32
      %mul3A_312 = arith.muli %scan3A_305, %mul3A_311 : i32
      %add3A_313 = vector.broadcast %mul3A_312 : i32 to vector<16xi32>
      %add3A_314 = arith.addi %iota3A, %add3A_313 : vector<16xi32>
      %lt3A = vector.broadcast %scan3A_238#1 : i32 to vector<16xi32>
      %lt3A_315 = arith.cmpi slt, %add3A_314, %lt3A : vector<16xi32>
      %jit3A_316 = arith.constant 0 : i32
      %broadcast_in_dim3A_317 = vector.broadcast %jit3A_316 : i32 to vector<16xi32>
      %select_n3A_318 = arith.select %lt3A_315, %get3A_310, %broadcast_in_dim3A_317 : vector<16xi1>, vector<16xi32>
      %reduce_sum3A_319 = arith.constant true
      %reduce_sum3A_320 = vector.broadcast %reduce_sum3A_319 : i1 to vector<16xi1>
      %reduce_sum3A_321 = tpu.scan <sum>, %select_n3A_318 masked %reduce_sum3A_320 : vector<16xi32>, vector<16xi1> -> vector<16xi32>
      %reduce_sum3A_322 = vector.extract %reduce_sum3A_321[15] : i32 from vector<16xi32>
      %add3A_323 = arith.addi %scan3A_306, %reduce_sum3A_322 : i32
      scf.yield %add3A_323 : i32
    }
    %scan3A_246 = arith.constant 128 : i32
    %sub3A_247 = arith.subi %sub3A_199, %scan3A_245 : i32
    %shift_left3A_248 = arith.constant 10 : i32
    %shift_left3A_249 = arith.shli %or3A, %shift_left3A_248 : i32
    %or3A_250 = arith.ori %shift_left3A_249, %scan3A_238#1 : i32
    %broadcast_in_dim3A_251 = vector.broadcast %or3A_250 : i32 to vector<16xi32>
    %bitcast3A = vector.bitcast %broadcast_in_dim3A_251 : vector<16xi32> to vector<16xf32>
    %broadcast_in_dim3A_252 = arith.constant 0.000000e+00 : f32
    %broadcast_in_dim3A_253 = vector.broadcast %broadcast_in_dim3A_252 : f32 to vector<16xf32>
    %broadcast_in_dim3A_254 = arith.constant 0 : i32
    %broadcast_in_dim3A_255 = vector.broadcast %broadcast_in_dim3A_254 : i32 to vector<16xi32>
    %add3A_256 = arith.constant 0 : i32
    %add3A_257 = arith.addi %mul3A_0, %add3A_256 : i32
    %dma_start3A_258 = arith.constant 0 : i32
    %dma_start3A_259 = arith.constant 0 : i32
    %dma_start3A_260 = tpu.memref_slice %arg10[%dma_start3A_258, %dma_start3A_259] : memref<2x8192xf32, #tpu.memory_space<vmem>> -> memref<1x8192xf32, #tpu.memory_space<vmem>>
    %dma_start3A_261 = tpu.memref_squeeze %dma_start3A_260 : memref<1x8192xf32, #tpu.memory_space<vmem>> -> memref<8192xf32, #tpu.memory_space<vmem>>
    %dma_start3A_262 = tpu.memref_slice %arg6[%add3A_257] : memref<8388608xf32, #tpu.memory_space<hbm>> -> memref<8192xf32, #tpu.memory_space<hbm>>
    %dma_start3A_263 = arith.constant 0 : i32
    %dma_start3A_264 = tpu.memref_slice %arg10[%dma_start3A_258, %dma_start3A_263] : memref<2x8192xf32, #tpu.memory_space<vmem>> -> memref<1x8192xf32, #tpu.memory_space<vmem>>
    %dma_start3A_265 = tpu.memref_squeeze %dma_start3A_264 : memref<1x8192xf32, #tpu.memory_space<vmem>> -> memref<8192xf32, #tpu.memory_space<vmem>>
    %dma_start3A_266 = tpu.memref_slice %arg6[%add3A_257] : memref<8388608xf32, #tpu.memory_space<hbm>> -> memref<8192xf32, #tpu.memory_space<hbm>>
    tpu.enqueue_dma source(%dma_start3A_266 : memref<8192xf32, #tpu.memory_space<hbm>>) target(%dma_start3A_265 : memref<8192xf32, #tpu.memory_space<vmem>>) target_semaphore(%arg17 : memref<!tpu.dma_semaphore, #tpu.memory_space<semaphore_mem>>)
    %scan3A_267 = arith.constant 0 : i32
    %scan3A_268 = arith.constant 32 : i32
    %scan3A_269 = arith.addi %scan3A_267, %scan3A_268 : i32
    %scan3A_270 = arith.constant 1 : i32
    %scan3A_271:2 = scf.for %scan3A_305 = %scan3A_267 to %scan3A_269 step %scan3A_270 iter_args(%scan3A_306 = %broadcast_in_dim3A_253, %scan3A_307 = %broadcast_in_dim3A_255) -> (vector<16xf32>, vector<16xi32>)  : i32 {
      %mul3A_308 = arith.constant 2 : i32
      %mul3A_309 = arith.muli %mul3A_308, %scan3A_305 : i32
      %mul3A_310 = arith.constant 8192 : i32
      %mul3A_311 = arith.muli %mul3A_309, %mul3A_310 : i32
      %add3A_312 = arith.addi %mul3A_0, %mul3A_311 : i32
      %dma_wait3A_313 = arith.constant 0 : i32
      %dma_wait3A_314 = arith.constant 0 : i32
      %dma_wait3A_315 = tpu.memref_slice %arg10[%dma_wait3A_313, %dma_wait3A_314] : memref<2x8192xf32, #tpu.memory_space<vmem>> -> memref<1x8192xf32, #tpu.memory_space<vmem>>
      %dma_wait3A_316 = tpu.memref_squeeze %dma_wait3A_315 : memref<1x8192xf32, #tpu.memory_space<vmem>> -> memref<8192xf32, #tpu.memory_space<vmem>>
      %dma_wait3A_317 = tpu.memref_slice %arg6[%add3A_312] : memref<8388608xf32, #tpu.memory_space<hbm>> -> memref<8192xf32, #tpu.memory_space<hbm>>
      %dma_wait3A_318 = arith.constant 0 : i32
      %dma_wait3A_319 = tpu.memref_slice %arg10[%dma_wait3A_313, %dma_wait3A_318] : memref<2x8192xf32, #tpu.memory_space<vmem>> -> memref<1x8192xf32, #tpu.memory_space<vmem>>
      %dma_wait3A_320 = tpu.memref_squeeze %dma_wait3A_319 : memref<1x8192xf32, #tpu.memory_space<vmem>> -> memref<8192xf32, #tpu.memory_space<vmem>>
      %dma_wait3A_321 = tpu.memref_slice %arg6[%add3A_312] : memref<8388608xf32, #tpu.memory_space<hbm>> -> memref<8192xf32, #tpu.memory_space<hbm>>
      tpu.wait_dma2 semaphore(%arg17 : memref<!tpu.dma_semaphore, #tpu.memory_space<semaphore_mem>>) src(%dma_wait3A_321 : memref<8192xf32, #tpu.memory_space<hbm>>) dst(%dma_wait3A_320 : memref<8192xf32, #tpu.memory_space<vmem>>)
      %mul3A_322 = arith.constant 2 : i32
      %mul3A_323 = arith.muli %mul3A_322, %scan3A_305 : i32
      %add3A_324 = arith.constant 1 : i32
      %add3A_325 = arith.addi %mul3A_323, %add3A_324 : i32
      %mul3A_326 = arith.constant 8192 : i32
      %mul3A_327 = arith.muli %add3A_325, %mul3A_326 : i32
      %add3A_328 = arith.addi %mul3A_0, %mul3A_327 : i32
      %dma_start3A_329 = arith.constant 1 : i32
      %dma_start3A_330 = arith.constant 0 : i32
      %dma_start3A_331 = tpu.memref_slice %arg10[%dma_start3A_329, %dma_start3A_330] : memref<2x8192xf32, #tpu.memory_space<vmem>> -> memref<1x8192xf32, #tpu.memory_space<vmem>>
      %dma_start3A_332 = tpu.memref_squeeze %dma_start3A_331 : memref<1x8192xf32, #tpu.memory_space<vmem>> -> memref<8192xf32, #tpu.memory_space<vmem>>
      %dma_start3A_333 = tpu.memref_slice %arg6[%add3A_328] : memref<8388608xf32, #tpu.memory_space<hbm>> -> memref<8192xf32, #tpu.memory_space<hbm>>
      %dma_start3A_334 = arith.constant 0 : i32
      %dma_start3A_335 = tpu.memref_slice %arg10[%dma_start3A_329, %dma_start3A_334] : memref<2x8192xf32, #tpu.memory_space<vmem>> -> memref<1x8192xf32, #tpu.memory_space<vmem>>
      %dma_start3A_336 = tpu.memref_squeeze %dma_start3A_335 : memref<1x8192xf32, #tpu.memory_space<vmem>> -> memref<8192xf32, #tpu.memory_space<vmem>>
      %dma_start3A_337 = tpu.memref_slice %arg6[%add3A_328] : memref<8388608xf32, #tpu.memory_space<hbm>> -> memref<8192xf32, #tpu.memory_space<hbm>>
      tpu.enqueue_dma source(%dma_start3A_337 : memref<8192xf32, #tpu.memory_space<hbm>>) target(%dma_start3A_336 : memref<8192xf32, #tpu.memory_space<vmem>>) target_semaphore(%arg18 : memref<!tpu.dma_semaphore, #tpu.memory_space<semaphore_mem>>)
      %parallel_loop3A_338 = arith.constant 0 : i32
      %parallel_loop3A_339 = arith.constant 512 : i32
      %parallel_loop3A_340 = arith.constant 8 : i32
      %parallel_loop3A_341:2 = scf.for %parallel_loop3A_366 = %parallel_loop3A_338 to %parallel_loop3A_339 step %parallel_loop3A_340 iter_args(%parallel_loop3A_367 = %scan3A_306, %parallel_loop3A_368 = %scan3A_307) -> (vector<16xf32>, vector<16xi32>)  : i32 {
        %parallel_loop3A_369 = arith.constant 0 : i32
        %parallel_loop3A_370 = arith.addi %parallel_loop3A_366, %parallel_loop3A_369 : i32
        %parallel_loop3A_371 = arith.constant 16 : i32
        %parallel_loop3A_372 = arith.muli %parallel_loop3A_370, %parallel_loop3A_371 : i32
        %parallel_loop3A_373 = arith.constant 0 : i32
        %parallel_loop3A_374 = arith.index_cast %parallel_loop3A_373 : i32 to index
        %parallel_loop3A_375 = arith.index_cast %parallel_loop3A_372 : i32 to index
        %parallel_loop3A_376 = tpu.vector_load %arg10[%parallel_loop3A_374, %parallel_loop3A_375] {strides = array<i32>} : memref<2x8192xf32, #tpu.memory_space<vmem>>, vector<16xf32>,
        %parallel_loop3A_377 = arith.cmpf olt, %parallel_loop3A_376, %bitcast3A : vector<16xf32>
        %parallel_loop3A_378 = arith.constant 0.000000e+00 : f32
        %parallel_loop3A_379 = vector.broadcast %parallel_loop3A_378 : f32 to vector<16xf32>
        %parallel_loop3A_380 = arith.select %parallel_loop3A_377, %parallel_loop3A_376, %parallel_loop3A_379 : vector<16xi1>, vector<16xf32>
        %parallel_loop3A_381 = arith.constant 1 : i32
        %parallel_loop3A_382 = arith.constant 0 : i32
        %parallel_loop3A_383 = vector.broadcast %parallel_loop3A_381 : i32 to vector<16xi32>
        %parallel_loop3A_384 = vector.broadcast %parallel_loop3A_382 : i32 to vector<16xi32>
        %parallel_loop3A_385 = arith.select %parallel_loop3A_377, %parallel_loop3A_383, %parallel_loop3A_384 : vector<16xi1>, vector<16xi32>
        %parallel_loop3A_386 = arith.constant 1 : i32
        %parallel_loop3A_387 = arith.addi %parallel_loop3A_366, %parallel_loop3A_386 : i32
        %parallel_loop3A_388 = arith.constant 16 : i32
        %parallel_loop3A_389 = arith.muli %parallel_loop3A_387, %parallel_loop3A_388 : i32
        %parallel_loop3A_390 = arith.constant 0 : i32
        %parallel_loop3A_391 = arith.index_cast %parallel_loop3A_390 : i32 to index
        %parallel_loop3A_392 = arith.index_cast %parallel_loop3A_389 : i32 to index
        %parallel_loop3A_393 = tpu.vector_load %arg10[%parallel_loop3A_391, %parallel_loop3A_392] {strides = array<i32>} : memref<2x8192xf32, #tpu.memory_space<vmem>>, vector<16xf32>,
        %parallel_loop3A_394 = arith.cmpf olt, %parallel_loop3A_393, %bitcast3A : vector<16xf32>
        %parallel_loop3A_395 = arith.constant 0.000000e+00 : f32
        %parallel_loop3A_396 = vector.broadcast %parallel_loop3A_395 : f32 to vector<16xf32>
        %parallel_loop3A_397 = arith.select %parallel_loop3A_394, %parallel_loop3A_393, %parallel_loop3A_396 : vector<16xi1>, vector<16xf32>
        %parallel_loop3A_398 = arith.constant 1 : i32
        %parallel_loop3A_399 = arith.constant 0 : i32
        %parallel_loop3A_400 = vector.broadcast %parallel_loop3A_398 : i32 to vector<16xi32>
        %parallel_loop3A_401 = vector.broadcast %parallel_loop3A_399 : i32 to vector<16xi32>
        %parallel_loop3A_402 = arith.select %parallel_loop3A_394, %parallel_loop3A_400, %parallel_loop3A_401 : vector<16xi1>, vector<16xi32>
        %parallel_loop3A_403 = arith.constant 2 : i32
        %parallel_loop3A_404 = arith.addi %parallel_loop3A_366, %parallel_loop3A_403 : i32
        %parallel_loop3A_405 = arith.constant 16 : i32
        %parallel_loop3A_406 = arith.muli %parallel_loop3A_404, %parallel_loop3A_405 : i32
        %parallel_loop3A_407 = arith.constant 0 : i32
        %parallel_loop3A_408 = arith.index_cast %parallel_loop3A_407 : i32 to index
        %parallel_loop3A_409 = arith.index_cast %parallel_loop3A_406 : i32 to index
        %parallel_loop3A_410 = tpu.vector_load %arg10[%parallel_loop3A_408, %parallel_loop3A_409] {strides = array<i32>} : memref<2x8192xf32, #tpu.memory_space<vmem>>, vector<16xf32>,
        %parallel_loop3A_411 = arith.cmpf olt, %parallel_loop3A_410, %bitcast3A : vector<16xf32>
        %parallel_loop3A_412 = arith.constant 0.000000e+00 : f32
        %parallel_loop3A_413 = vector.broadcast %parallel_loop3A_412 : f32 to vector<16xf32>
        %parallel_loop3A_414 = arith.select %parallel_loop3A_411, %parallel_loop3A_410, %parallel_loop3A_413 : vector<16xi1>, vector<16xf32>
        %parallel_loop3A_415 = arith.constant 1 : i32
        %parallel_loop3A_416 = arith.constant 0 : i32
        %parallel_loop3A_417 = vector.broadcast %parallel_loop3A_415 : i32 to vector<16xi32>
        %parallel_loop3A_418 = vector.broadcast %parallel_loop3A_416 : i32 to vector<16xi32>
        %parallel_loop3A_419 = arith.select %parallel_loop3A_411, %parallel_loop3A_417, %parallel_loop3A_418 : vector<16xi1>, vector<16xi32>
        %parallel_loop3A_420 = arith.constant 3 : i32
        %parallel_loop3A_421 = arith.addi %parallel_loop3A_366, %parallel_loop3A_420 : i32
        %parallel_loop3A_422 = arith.constant 16 : i32
        %parallel_loop3A_423 = arith.muli %parallel_loop3A_421, %parallel_loop3A_422 : i32
        %parallel_loop3A_424 = arith.constant 0 : i32
        %parallel_loop3A_425 = arith.index_cast %parallel_loop3A_424 : i32 to index
        %parallel_loop3A_426 = arith.index_cast %parallel_loop3A_423 : i32 to index
        %parallel_loop3A_427 = tpu.vector_load %arg10[%parallel_loop3A_425, %parallel_loop3A_426] {strides = array<i32>} : memref<2x8192xf32, #tpu.memory_space<vmem>>, vector<16xf32>,
        %parallel_loop3A_428 = arith.cmpf olt, %parallel_loop3A_427, %bitcast3A : vector<16xf32>
        %parallel_loop3A_429 = arith.constant 0.000000e+00 : f32
        %parallel_loop3A_430 = vector.broadcast %parallel_loop3A_429 : f32 to vector<16xf32>
        %parallel_loop3A_431 = arith.select %parallel_loop3A_428, %parallel_loop3A_427, %parallel_loop3A_430 : vector<16xi1>, vector<16xf32>
        %parallel_loop3A_432 = arith.constant 1 : i32
        %parallel_loop3A_433 = arith.constant 0 : i32
        %parallel_loop3A_434 = vector.broadcast %parallel_loop3A_432 : i32 to vector<16xi32>
        %parallel_loop3A_435 = vector.broadcast %parallel_loop3A_433 : i32 to vector<16xi32>
        %parallel_loop3A_436 = arith.select %parallel_loop3A_428, %parallel_loop3A_434, %parallel_loop3A_435 : vector<16xi1>, vector<16xi32>
        %parallel_loop3A_437 = arith.constant 4 : i32
        %parallel_loop3A_438 = arith.addi %parallel_loop3A_366, %parallel_loop3A_437 : i32
        %parallel_loop3A_439 = arith.constant 16 : i32
        %parallel_loop3A_440 = arith.muli %parallel_loop3A_438, %parallel_loop3A_439 : i32
        %parallel_loop3A_441 = arith.constant 0 : i32
        %parallel_loop3A_442 = arith.index_cast %parallel_loop3A_441 : i32 to index
        %parallel_loop3A_443 = arith.index_cast %parallel_loop3A_440 : i32 to index
        %parallel_loop3A_444 = tpu.vector_load %arg10[%parallel_loop3A_442, %parallel_loop3A_443] {strides = array<i32>} : memref<2x8192xf32, #tpu.memory_space<vmem>>, vector<16xf32>,
        %parallel_loop3A_445 = arith.cmpf olt, %parallel_loop3A_444, %bitcast3A : vector<16xf32>
        %parallel_loop3A_446 = arith.constant 0.000000e+00 : f32
        %parallel_loop3A_447 = vector.broadcast %parallel_loop3A_446 : f32 to vector<16xf32>
        %parallel_loop3A_448 = arith.select %parallel_loop3A_445, %parallel_loop3A_444, %parallel_loop3A_447 : vector<16xi1>, vector<16xf32>
        %parallel_loop3A_449 = arith.constant 1 : i32
        %parallel_loop3A_450 = arith.constant 0 : i32
        %parallel_loop3A_451 = vector.broadcast %parallel_loop3A_449 : i32 to vector<16xi32>
        %parallel_loop3A_452 = vector.broadcast %parallel_loop3A_450 : i32 to vector<16xi32>
        %parallel_loop3A_453 = arith.select %parallel_loop3A_445, %parallel_loop3A_451, %parallel_loop3A_452 : vector<16xi1>, vector<16xi32>
        %parallel_loop3A_454 = arith.constant 5 : i32
        %parallel_loop3A_455 = arith.addi %parallel_loop3A_366, %parallel_loop3A_454 : i32
        %parallel_loop3A_456 = arith.constant 16 : i32
        %parallel_loop3A_457 = arith.muli %parallel_loop3A_455, %parallel_loop3A_456 : i32
        %parallel_loop3A_458 = arith.constant 0 : i32
        %parallel_loop3A_459 = arith.index_cast %parallel_loop3A_458 : i32 to index
        %parallel_loop3A_460 = arith.index_cast %parallel_loop3A_457 : i32 to index
        %parallel_loop3A_461 = tpu.vector_load %arg10[%parallel_loop3A_459, %parallel_loop3A_460] {strides = array<i32>} : memref<2x8192xf32, #tpu.memory_space<vmem>>, vector<16xf32>,
        %parallel_loop3A_462 = arith.cmpf olt, %parallel_loop3A_461, %bitcast3A : vector<16xf32>
        %parallel_loop3A_463 = arith.constant 0.000000e+00 : f32
        %parallel_loop3A_464 = vector.broadcast %parallel_loop3A_463 : f32 to vector<16xf32>
        %parallel_loop3A_465 = arith.select %parallel_loop3A_462, %parallel_loop3A_461, %parallel_loop3A_464 : vector<16xi1>, vector<16xf32>
        %parallel_loop3A_466 = arith.constant 1 : i32
        %parallel_loop3A_467 = arith.constant 0 : i32
        %parallel_loop3A_468 = vector.broadcast %parallel_loop3A_466 : i32 to vector<16xi32>
        %parallel_loop3A_469 = vector.broadcast %parallel_loop3A_467 : i32 to vector<16xi32>
        %parallel_loop3A_470 = arith.select %parallel_loop3A_462, %parallel_loop3A_468, %parallel_loop3A_469 : vector<16xi1>, vector<16xi32>
        %parallel_loop3A_471 = arith.constant 6 : i32
        %parallel_loop3A_472 = arith.addi %parallel_loop3A_366, %parallel_loop3A_471 : i32
        %parallel_loop3A_473 = arith.constant 16 : i32
        %parallel_loop3A_474 = arith.muli %parallel_loop3A_472, %parallel_loop3A_473 : i32
        %parallel_loop3A_475 = arith.constant 0 : i32
        %parallel_loop3A_476 = arith.index_cast %parallel_loop3A_475 : i32 to index
        %parallel_loop3A_477 = arith.index_cast %parallel_loop3A_474 : i32 to index
        %parallel_loop3A_478 = tpu.vector_load %arg10[%parallel_loop3A_476, %parallel_loop3A_477] {strides = array<i32>} : memref<2x8192xf32, #tpu.memory_space<vmem>>, vector<16xf32>,
        %parallel_loop3A_479 = arith.cmpf olt, %parallel_loop3A_478, %bitcast3A : vector<16xf32>
        %parallel_loop3A_480 = arith.constant 0.000000e+00 : f32
        %parallel_loop3A_481 = vector.broadcast %parallel_loop3A_480 : f32 to vector<16xf32>
        %parallel_loop3A_482 = arith.select %parallel_loop3A_479, %parallel_loop3A_478, %parallel_loop3A_481 : vector<16xi1>, vector<16xf32>
        %parallel_loop3A_483 = arith.constant 1 : i32
        %parallel_loop3A_484 = arith.constant 0 : i32
        %parallel_loop3A_485 = vector.broadcast %parallel_loop3A_483 : i32 to vector<16xi32>
        %parallel_loop3A_486 = vector.broadcast %parallel_loop3A_484 : i32 to vector<16xi32>
        %parallel_loop3A_487 = arith.select %parallel_loop3A_479, %parallel_loop3A_485, %parallel_loop3A_486 : vector<16xi1>, vector<16xi32>
        %parallel_loop3A_488 = arith.constant 7 : i32
        %parallel_loop3A_489 = arith.addi %parallel_loop3A_366, %parallel_loop3A_488 : i32
        %parallel_loop3A_490 = arith.constant 16 : i32
        %parallel_loop3A_491 = arith.muli %parallel_loop3A_489, %parallel_loop3A_490 : i32
        %parallel_loop3A_492 = arith.constant 0 : i32
        %parallel_loop3A_493 = arith.index_cast %parallel_loop3A_492 : i32 to index
        %parallel_loop3A_494 = arith.index_cast %parallel_loop3A_491 : i32 to index
        %parallel_loop3A_495 = tpu.vector_load %arg10[%parallel_loop3A_493, %parallel_loop3A_494] {strides = array<i32>} : memref<2x8192xf32, #tpu.memory_space<vmem>>, vector<16xf32>,
        %parallel_loop3A_496 = arith.cmpf olt, %parallel_loop3A_495, %bitcast3A : vector<16xf32>
        %parallel_loop3A_497 = arith.constant 0.000000e+00 : f32
        %parallel_loop3A_498 = vector.broadcast %parallel_loop3A_497 : f32 to vector<16xf32>
        %parallel_loop3A_499 = arith.select %parallel_loop3A_496, %parallel_loop3A_495, %parallel_loop3A_498 : vector<16xi1>, vector<16xf32>
        %parallel_loop3A_500 = arith.constant 1 : i32
        %parallel_loop3A_501 = arith.constant 0 : i32
        %parallel_loop3A_502 = vector.broadcast %parallel_loop3A_500 : i32 to vector<16xi32>
        %parallel_loop3A_503 = vector.broadcast %parallel_loop3A_501 : i32 to vector<16xi32>
        %parallel_loop3A_504 = arith.select %parallel_loop3A_496, %parallel_loop3A_502, %parallel_loop3A_503 : vector<16xi1>, vector<16xi32>
        %parallel_loop3A_505 = arith.addf %parallel_loop3A_380, %parallel_loop3A_397 : vector<16xf32>
        %parallel_loop3A_506 = arith.addf %parallel_loop3A_414, %parallel_loop3A_431 : vector<16xf32>
        %parallel_loop3A_507 = arith.addf %parallel_loop3A_448, %parallel_loop3A_465 : vector<16xf32>
        %parallel_loop3A_508 = arith.addf %parallel_loop3A_482, %parallel_loop3A_499 : vector<16xf32>
        %parallel_loop3A_509 = arith.addi %parallel_loop3A_385, %parallel_loop3A_402 : vector<16xi32>
        %parallel_loop3A_510 = arith.addi %parallel_loop3A_419, %parallel_loop3A_436 : vector<16xi32>
        %parallel_loop3A_511 = arith.addi %parallel_loop3A_453, %parallel_loop3A_470 : vector<16xi32>
        %parallel_loop3A_512 = arith.addi %parallel_loop3A_487, %parallel_loop3A_504 : vector<16xi32>
        %parallel_loop3A_513 = arith.addf %parallel_loop3A_505, %parallel_loop3A_506 : vector<16xf32>
        %parallel_loop3A_514 = arith.addf %parallel_loop3A_507, %parallel_loop3A_508 : vector<16xf32>
        %parallel_loop3A_515 = arith.addi %parallel_loop3A_509, %parallel_loop3A_510 : vector<16xi32>
        %parallel_loop3A_516 = arith.addi %parallel_loop3A_511, %parallel_loop3A_512 : vector<16xi32>
        %parallel_loop3A_517 = arith.addf %parallel_loop3A_513, %parallel_loop3A_514 : vector<16xf32>
        %parallel_loop3A_518 = arith.addi %parallel_loop3A_515, %parallel_loop3A_516 : vector<16xi32>
        %parallel_loop3A_519 = arith.addf %parallel_loop3A_367, %parallel_loop3A_517 : vector<16xf32>
        %parallel_loop3A_520 = arith.addi %parallel_loop3A_368, %parallel_loop3A_518 : vector<16xi32>
        scf.yield %parallel_loop3A_519, %parallel_loop3A_520 : vector<16xf32>, vector<16xi32>
      } {sc.loop_unroll_factor = 1 : i64, sc.parallel_access}
      %mul3A_342 = arith.constant 2 : i32
      %mul3A_343 = arith.muli %mul3A_342, %scan3A_305 : i32
      %add3A_344 = arith.constant 1 : i32
      %add3A_345 = arith.addi %mul3A_343, %add3A_344 : i32
      %mul3A_346 = arith.constant 8192 : i32
      %mul3A_347 = arith.muli %add3A_345, %mul3A_346 : i32
      %add3A_348 = arith.addi %mul3A_0, %mul3A_347 : i32
      %dma_wait3A_349 = arith.constant 1 : i32
      %dma_wait3A_350 = arith.constant 0 : i32
      %dma_wait3A_351 = tpu.memref_slice %arg10[%dma_wait3A_349, %dma_wait3A_350] : memref<2x8192xf32, #tpu.memory_space<vmem>> -> memref<1x8192xf32, #tpu.memory_space<vmem>>
      %dma_wait3A_352 = tpu.memref_squeeze %dma_wait3A_351 : memref<1x8192xf32, #tpu.memory_space<vmem>> -> memref<8192xf32, #tpu.memory_space<vmem>>
      %dma_wait3A_353 = tpu.memref_slice %arg6[%add3A_348] : memref<8388608xf32, #tpu.memory_space<hbm>> -> memref<8192xf32, #tpu.memory_space<hbm>>
      %dma_wait3A_354 = arith.constant 0 : i32
      %dma_wait3A_355 = tpu.memref_slice %arg10[%dma_wait3A_349, %dma_wait3A_354] : memref<2x8192xf32, #tpu.memory_space<vmem>> -> memref<1x8192xf32, #tpu.memory_space<vmem>>
      %dma_wait3A_356 = tpu.memref_squeeze %dma_wait3A_355 : memref<1x8192xf32, #tpu.memory_space<vmem>> -> memref<8192xf32, #tpu.memory_space<vmem>>
      %dma_wait3A_357 = tpu.memref_slice %arg6[%add3A_348] : memref<8388608xf32, #tpu.memory_space<hbm>> -> memref<8192xf32, #tpu.memory_space<hbm>>
      tpu.wait_dma2 semaphore(%arg18 : memref<!tpu.dma_semaphore, #tpu.memory_space<semaphore_mem>>) src(%dma_wait3A_357 : memref<8192xf32, #tpu.memory_space<hbm>>) dst(%dma_wait3A_356 : memref<8192xf32, #tpu.memory_space<vmem>>)
      %lt3A = arith.constant 31 : i32
      %lt3A_358 = arith.cmpi slt, %scan3A_305, %lt3A : i32
      %convert_element_type3A_359 = arith.extui %lt3A_358 : i1 to i32
      %cond3A_360 = arith.constant 0 : i32
      %cond3A_361 = arith.cmpi ne, %convert_element_type3A_359, %cond3A_360 : i32
      scf.if %cond3A_361 {
        %mul3A_366 = arith.constant 2 : i32
        %mul3A_367 = arith.muli %mul3A_366, %scan3A_305 : i32
        %add3A_368 = arith.constant 2 : i32
        %add3A_369 = arith.addi %mul3A_367, %add3A_368 : i32
        %mul3A_370 = arith.constant 8192 : i32
        %mul3A_371 = arith.muli %add3A_369, %mul3A_370 : i32
        %add3A_372 = arith.addi %mul3A_0, %mul3A_371 : i32
        %dma_start3A_373 = arith.constant 0 : i32
        %dma_start3A_374 = arith.constant 0 : i32
        %dma_start3A_375 = tpu.memref_slice %arg10[%dma_start3A_373, %dma_start3A_374] : memref<2x8192xf32, #tpu.memory_space<vmem>> -> memref<1x8192xf32, #tpu.memory_space<vmem>>
        %dma_start3A_376 = tpu.memref_squeeze %dma_start3A_375 : memref<1x8192xf32, #tpu.memory_space<vmem>> -> memref<8192xf32, #tpu.memory_space<vmem>>
        %dma_start3A_377 = tpu.memref_slice %arg6[%add3A_372] : memref<8388608xf32, #tpu.memory_space<hbm>> -> memref<8192xf32, #tpu.memory_space<hbm>>
        %dma_start3A_378 = arith.constant 0 : i32
        %dma_start3A_379 = tpu.memref_slice %arg10[%dma_start3A_373, %dma_start3A_378] : memref<2x8192xf32, #tpu.memory_space<vmem>> -> memref<1x8192xf32, #tpu.memory_space<vmem>>
        %dma_start3A_380 = tpu.memref_squeeze %dma_start3A_379 : memref<1x8192xf32, #tpu.memory_space<vmem>> -> memref<8192xf32, #tpu.memory_space<vmem>>
        %dma_start3A_381 = tpu.memref_slice %arg6[%add3A_372] : memref<8388608xf32, #tpu.memory_space<hbm>> -> memref<8192xf32, #tpu.memory_space<hbm>>
        tpu.enqueue_dma source(%dma_start3A_381 : memref<8192xf32, #tpu.memory_space<hbm>>) target(%dma_start3A_380 : memref<8192xf32, #tpu.memory_space<vmem>>) target_semaphore(%arg17 : memref<!tpu.dma_semaphore, #tpu.memory_space<semaphore_mem>>)
      } else {
      }
      %parallel_loop3A_362 = arith.constant 0 : i32
      %parallel_loop3A_363 = arith.constant 512 : i32
      %parallel_loop3A_364 = arith.constant 8 : i32
      %parallel_loop3A_365:2 = scf.for %parallel_loop3A_366 = %parallel_loop3A_362 to %parallel_loop3A_363 step %parallel_loop3A_364 iter_args(%parallel_loop3A_367 = %parallel_loop3A_341#0, %parallel_loop3A_368 = %parallel_loop3A_341#1) -> (vector<16xf32>, vector<16xi32>)  : i32 {
        %parallel_loop3A_369 = arith.constant 0 : i32
        %parallel_loop3A_370 = arith.addi %parallel_loop3A_366, %parallel_loop3A_369 : i32
        %parallel_loop3A_371 = arith.constant 16 : i32
        %parallel_loop3A_372 = arith.muli %parallel_loop3A_370, %parallel_loop3A_371 : i32
        %parallel_loop3A_373 = arith.constant 1 : i32
        %parallel_loop3A_374 = arith.index_cast %parallel_loop3A_373 : i32 to index
        %parallel_loop3A_375 = arith.index_cast %parallel_loop3A_372 : i32 to index
        %parallel_loop3A_376 = tpu.vector_load %arg10[%parallel_loop3A_374, %parallel_loop3A_375] {strides = array<i32>} : memref<2x8192xf32, #tpu.memory_space<vmem>>, vector<16xf32>,
        %parallel_loop3A_377 = arith.cmpf olt, %parallel_loop3A_376, %bitcast3A : vector<16xf32>
        %parallel_loop3A_378 = arith.constant 0.000000e+00 : f32
        %parallel_loop3A_379 = vector.broadcast %parallel_loop3A_378 : f32 to vector<16xf32>
        %parallel_loop3A_380 = arith.select %parallel_loop3A_377, %parallel_loop3A_376, %parallel_loop3A_379 : vector<16xi1>, vector<16xf32>
        %parallel_loop3A_381 = arith.constant 1 : i32
        %parallel_loop3A_382 = arith.constant 0 : i32
        %parallel_loop3A_383 = vector.broadcast %parallel_loop3A_381 : i32 to vector<16xi32>
        %parallel_loop3A_384 = vector.broadcast %parallel_loop3A_382 : i32 to vector<16xi32>
        %parallel_loop3A_385 = arith.select %parallel_loop3A_377, %parallel_loop3A_383, %parallel_loop3A_384 : vector<16xi1>, vector<16xi32>
        %parallel_loop3A_386 = arith.constant 1 : i32
        %parallel_loop3A_387 = arith.addi %parallel_loop3A_366, %parallel_loop3A_386 : i32
        %parallel_loop3A_388 = arith.constant 16 : i32
        %parallel_loop3A_389 = arith.muli %parallel_loop3A_387, %parallel_loop3A_388 : i32
        %parallel_loop3A_390 = arith.constant 1 : i32
        %parallel_loop3A_391 = arith.index_cast %parallel_loop3A_390 : i32 to index
        %parallel_loop3A_392 = arith.index_cast %parallel_loop3A_389 : i32 to index
        %parallel_loop3A_393 = tpu.vector_load %arg10[%parallel_loop3A_391, %parallel_loop3A_392] {strides = array<i32>} : memref<2x8192xf32, #tpu.memory_space<vmem>>, vector<16xf32>,
        %parallel_loop3A_394 = arith.cmpf olt, %parallel_loop3A_393, %bitcast3A : vector<16xf32>
        %parallel_loop3A_395 = arith.constant 0.000000e+00 : f32
        %parallel_loop3A_396 = vector.broadcast %parallel_loop3A_395 : f32 to vector<16xf32>
        %parallel_loop3A_397 = arith.select %parallel_loop3A_394, %parallel_loop3A_393, %parallel_loop3A_396 : vector<16xi1>, vector<16xf32>
        %parallel_loop3A_398 = arith.constant 1 : i32
        %parallel_loop3A_399 = arith.constant 0 : i32
        %parallel_loop3A_400 = vector.broadcast %parallel_loop3A_398 : i32 to vector<16xi32>
        %parallel_loop3A_401 = vector.broadcast %parallel_loop3A_399 : i32 to vector<16xi32>
        %parallel_loop3A_402 = arith.select %parallel_loop3A_394, %parallel_loop3A_400, %parallel_loop3A_401 : vector<16xi1>, vector<16xi32>
        %parallel_loop3A_403 = arith.constant 2 : i32
        %parallel_loop3A_404 = arith.addi %parallel_loop3A_366, %parallel_loop3A_403 : i32
        %parallel_loop3A_405 = arith.constant 16 : i32
        %parallel_loop3A_406 = arith.muli %parallel_loop3A_404, %parallel_loop3A_405 : i32
        %parallel_loop3A_407 = arith.constant 1 : i32
        %parallel_loop3A_408 = arith.index_cast %parallel_loop3A_407 : i32 to index
        %parallel_loop3A_409 = arith.index_cast %parallel_loop3A_406 : i32 to index
        %parallel_loop3A_410 = tpu.vector_load %arg10[%parallel_loop3A_408, %parallel_loop3A_409] {strides = array<i32>} : memref<2x8192xf32, #tpu.memory_space<vmem>>, vector<16xf32>,
        %parallel_loop3A_411 = arith.cmpf olt, %parallel_loop3A_410, %bitcast3A : vector<16xf32>
        %parallel_loop3A_412 = arith.constant 0.000000e+00 : f32
        %parallel_loop3A_413 = vector.broadcast %parallel_loop3A_412 : f32 to vector<16xf32>
        %parallel_loop3A_414 = arith.select %parallel_loop3A_411, %parallel_loop3A_410, %parallel_loop3A_413 : vector<16xi1>, vector<16xf32>
        %parallel_loop3A_415 = arith.constant 1 : i32
        %parallel_loop3A_416 = arith.constant 0 : i32
        %parallel_loop3A_417 = vector.broadcast %parallel_loop3A_415 : i32 to vector<16xi32>
        %parallel_loop3A_418 = vector.broadcast %parallel_loop3A_416 : i32 to vector<16xi32>
        %parallel_loop3A_419 = arith.select %parallel_loop3A_411, %parallel_loop3A_417, %parallel_loop3A_418 : vector<16xi1>, vector<16xi32>
        %parallel_loop3A_420 = arith.constant 3 : i32
        %parallel_loop3A_421 = arith.addi %parallel_loop3A_366, %parallel_loop3A_420 : i32
        %parallel_loop3A_422 = arith.constant 16 : i32
        %parallel_loop3A_423 = arith.muli %parallel_loop3A_421, %parallel_loop3A_422 : i32
        %parallel_loop3A_424 = arith.constant 1 : i32
        %parallel_loop3A_425 = arith.index_cast %parallel_loop3A_424 : i32 to index
        %parallel_loop3A_426 = arith.index_cast %parallel_loop3A_423 : i32 to index
        %parallel_loop3A_427 = tpu.vector_load %arg10[%parallel_loop3A_425, %parallel_loop3A_426] {strides = array<i32>} : memref<2x8192xf32, #tpu.memory_space<vmem>>, vector<16xf32>,
        %parallel_loop3A_428 = arith.cmpf olt, %parallel_loop3A_427, %bitcast3A : vector<16xf32>
        %parallel_loop3A_429 = arith.constant 0.000000e+00 : f32
        %parallel_loop3A_430 = vector.broadcast %parallel_loop3A_429 : f32 to vector<16xf32>
        %parallel_loop3A_431 = arith.select %parallel_loop3A_428, %parallel_loop3A_427, %parallel_loop3A_430 : vector<16xi1>, vector<16xf32>
        %parallel_loop3A_432 = arith.constant 1 : i32
        %parallel_loop3A_433 = arith.constant 0 : i32
        %parallel_loop3A_434 = vector.broadcast %parallel_loop3A_432 : i32 to vector<16xi32>
        %parallel_loop3A_435 = vector.broadcast %parallel_loop3A_433 : i32 to vector<16xi32>
        %parallel_loop3A_436 = arith.select %parallel_loop3A_428, %parallel_loop3A_434, %parallel_loop3A_435 : vector<16xi1>, vector<16xi32>
        %parallel_loop3A_437 = arith.constant 4 : i32
        %parallel_loop3A_438 = arith.addi %parallel_loop3A_366, %parallel_loop3A_437 : i32
        %parallel_loop3A_439 = arith.constant 16 : i32
        %parallel_loop3A_440 = arith.muli %parallel_loop3A_438, %parallel_loop3A_439 : i32
        %parallel_loop3A_441 = arith.constant 1 : i32
        %parallel_loop3A_442 = arith.index_cast %parallel_loop3A_441 : i32 to index
        %parallel_loop3A_443 = arith.index_cast %parallel_loop3A_440 : i32 to index
        %parallel_loop3A_444 = tpu.vector_load %arg10[%parallel_loop3A_442, %parallel_loop3A_443] {strides = array<i32>} : memref<2x8192xf32, #tpu.memory_space<vmem>>, vector<16xf32>,
        %parallel_loop3A_445 = arith.cmpf olt, %parallel_loop3A_444, %bitcast3A : vector<16xf32>
        %parallel_loop3A_446 = arith.constant 0.000000e+00 : f32
        %parallel_loop3A_447 = vector.broadcast %parallel_loop3A_446 : f32 to vector<16xf32>
        %parallel_loop3A_448 = arith.select %parallel_loop3A_445, %parallel_loop3A_444, %parallel_loop3A_447 : vector<16xi1>, vector<16xf32>
        %parallel_loop3A_449 = arith.constant 1 : i32
        %parallel_loop3A_450 = arith.constant 0 : i32
        %parallel_loop3A_451 = vector.broadcast %parallel_loop3A_449 : i32 to vector<16xi32>
        %parallel_loop3A_452 = vector.broadcast %parallel_loop3A_450 : i32 to vector<16xi32>
        %parallel_loop3A_453 = arith.select %parallel_loop3A_445, %parallel_loop3A_451, %parallel_loop3A_452 : vector<16xi1>, vector<16xi32>
        %parallel_loop3A_454 = arith.constant 5 : i32
        %parallel_loop3A_455 = arith.addi %parallel_loop3A_366, %parallel_loop3A_454 : i32
        %parallel_loop3A_456 = arith.constant 16 : i32
        %parallel_loop3A_457 = arith.muli %parallel_loop3A_455, %parallel_loop3A_456 : i32
        %parallel_loop3A_458 = arith.constant 1 : i32
        %parallel_loop3A_459 = arith.index_cast %parallel_loop3A_458 : i32 to index
        %parallel_loop3A_460 = arith.index_cast %parallel_loop3A_457 : i32 to index
        %parallel_loop3A_461 = tpu.vector_load %arg10[%parallel_loop3A_459, %parallel_loop3A_460] {strides = array<i32>} : memref<2x8192xf32, #tpu.memory_space<vmem>>, vector<16xf32>,
        %parallel_loop3A_462 = arith.cmpf olt, %parallel_loop3A_461, %bitcast3A : vector<16xf32>
        %parallel_loop3A_463 = arith.constant 0.000000e+00 : f32
        %parallel_loop3A_464 = vector.broadcast %parallel_loop3A_463 : f32 to vector<16xf32>
        %parallel_loop3A_465 = arith.select %parallel_loop3A_462, %parallel_loop3A_461, %parallel_loop3A_464 : vector<16xi1>, vector<16xf32>
        %parallel_loop3A_466 = arith.constant 1 : i32
        %parallel_loop3A_467 = arith.constant 0 : i32
        %parallel_loop3A_468 = vector.broadcast %parallel_loop3A_466 : i32 to vector<16xi32>
        %parallel_loop3A_469 = vector.broadcast %parallel_loop3A_467 : i32 to vector<16xi32>
        %parallel_loop3A_470 = arith.select %parallel_loop3A_462, %parallel_loop3A_468, %parallel_loop3A_469 : vector<16xi1>, vector<16xi32>
        %parallel_loop3A_471 = arith.constant 6 : i32
        %parallel_loop3A_472 = arith.addi %parallel_loop3A_366, %parallel_loop3A_471 : i32
        %parallel_loop3A_473 = arith.constant 16 : i32
        %parallel_loop3A_474 = arith.muli %parallel_loop3A_472, %parallel_loop3A_473 : i32
        %parallel_loop3A_475 = arith.constant 1 : i32
        %parallel_loop3A_476 = arith.index_cast %parallel_loop3A_475 : i32 to index
        %parallel_loop3A_477 = arith.index_cast %parallel_loop3A_474 : i32 to index
        %parallel_loop3A_478 = tpu.vector_load %arg10[%parallel_loop3A_476, %parallel_loop3A_477] {strides = array<i32>} : memref<2x8192xf32, #tpu.memory_space<vmem>>, vector<16xf32>,
        %parallel_loop3A_479 = arith.cmpf olt, %parallel_loop3A_478, %bitcast3A : vector<16xf32>
        %parallel_loop3A_480 = arith.constant 0.000000e+00 : f32
        %parallel_loop3A_481 = vector.broadcast %parallel_loop3A_480 : f32 to vector<16xf32>
        %parallel_loop3A_482 = arith.select %parallel_loop3A_479, %parallel_loop3A_478, %parallel_loop3A_481 : vector<16xi1>, vector<16xf32>
        %parallel_loop3A_483 = arith.constant 1 : i32
        %parallel_loop3A_484 = arith.constant 0 : i32
        %parallel_loop3A_485 = vector.broadcast %parallel_loop3A_483 : i32 to vector<16xi32>
        %parallel_loop3A_486 = vector.broadcast %parallel_loop3A_484 : i32 to vector<16xi32>
        %parallel_loop3A_487 = arith.select %parallel_loop3A_479, %parallel_loop3A_485, %parallel_loop3A_486 : vector<16xi1>, vector<16xi32>
        %parallel_loop3A_488 = arith.constant 7 : i32
        %parallel_loop3A_489 = arith.addi %parallel_loop3A_366, %parallel_loop3A_488 : i32
        %parallel_loop3A_490 = arith.constant 16 : i32
        %parallel_loop3A_491 = arith.muli %parallel_loop3A_489, %parallel_loop3A_490 : i32
        %parallel_loop3A_492 = arith.constant 1 : i32
        %parallel_loop3A_493 = arith.index_cast %parallel_loop3A_492 : i32 to index
        %parallel_loop3A_494 = arith.index_cast %parallel_loop3A_491 : i32 to index
        %parallel_loop3A_495 = tpu.vector_load %arg10[%parallel_loop3A_493, %parallel_loop3A_494] {strides = array<i32>} : memref<2x8192xf32, #tpu.memory_space<vmem>>, vector<16xf32>,
        %parallel_loop3A_496 = arith.cmpf olt, %parallel_loop3A_495, %bitcast3A : vector<16xf32>
        %parallel_loop3A_497 = arith.constant 0.000000e+00 : f32
        %parallel_loop3A_498 = vector.broadcast %parallel_loop3A_497 : f32 to vector<16xf32>
        %parallel_loop3A_499 = arith.select %parallel_loop3A_496, %parallel_loop3A_495, %parallel_loop3A_498 : vector<16xi1>, vector<16xf32>
        %parallel_loop3A_500 = arith.constant 1 : i32
        %parallel_loop3A_501 = arith.constant 0 : i32
        %parallel_loop3A_502 = vector.broadcast %parallel_loop3A_500 : i32 to vector<16xi32>
        %parallel_loop3A_503 = vector.broadcast %parallel_loop3A_501 : i32 to vector<16xi32>
        %parallel_loop3A_504 = arith.select %parallel_loop3A_496, %parallel_loop3A_502, %parallel_loop3A_503 : vector<16xi1>, vector<16xi32>
        %parallel_loop3A_505 = arith.addf %parallel_loop3A_380, %parallel_loop3A_397 : vector<16xf32>
        %parallel_loop3A_506 = arith.addf %parallel_loop3A_414, %parallel_loop3A_431 : vector<16xf32>
        %parallel_loop3A_507 = arith.addf %parallel_loop3A_448, %parallel_loop3A_465 : vector<16xf32>
        %parallel_loop3A_508 = arith.addf %parallel_loop3A_482, %parallel_loop3A_499 : vector<16xf32>
        %parallel_loop3A_509 = arith.addi %parallel_loop3A_385, %parallel_loop3A_402 : vector<16xi32>
        %parallel_loop3A_510 = arith.addi %parallel_loop3A_419, %parallel_loop3A_436 : vector<16xi32>
        %parallel_loop3A_511 = arith.addi %parallel_loop3A_453, %parallel_loop3A_470 : vector<16xi32>
        %parallel_loop3A_512 = arith.addi %parallel_loop3A_487, %parallel_loop3A_504 : vector<16xi32>
        %parallel_loop3A_513 = arith.addf %parallel_loop3A_505, %parallel_loop3A_506 : vector<16xf32>
        %parallel_loop3A_514 = arith.addf %parallel_loop3A_507, %parallel_loop3A_508 : vector<16xf32>
        %parallel_loop3A_515 = arith.addi %parallel_loop3A_509, %parallel_loop3A_510 : vector<16xi32>
        %parallel_loop3A_516 = arith.addi %parallel_loop3A_511, %parallel_loop3A_512 : vector<16xi32>
        %parallel_loop3A_517 = arith.addf %parallel_loop3A_513, %parallel_loop3A_514 : vector<16xf32>
        %parallel_loop3A_518 = arith.addi %parallel_loop3A_515, %parallel_loop3A_516 : vector<16xi32>
        %parallel_loop3A_519 = arith.addf %parallel_loop3A_367, %parallel_loop3A_517 : vector<16xf32>
        %parallel_loop3A_520 = arith.addi %parallel_loop3A_368, %parallel_loop3A_518 : vector<16xi32>
        scf.yield %parallel_loop3A_519, %parallel_loop3A_520 : vector<16xf32>, vector<16xi32>
      } {sc.loop_unroll_factor = 1 : i64, sc.parallel_access}
      scf.yield %parallel_loop3A_365#0, %parallel_loop3A_365#1 : vector<16xf32>, vector<16xi32>
    }
    %scan3A_272 = arith.constant 32 : i32
    %reduce_sum3A_273 = arith.constant true
    %reduce_sum3A_274 = vector.broadcast %reduce_sum3A_273 : i1 to vector<16xi1>
    %reduce_sum3A_275 = tpu.scan <sum>, %scan3A_271#0 masked %reduce_sum3A_274 : vector<16xf32>, vector<16xi1> -> vector<16xf32>
    %reduce_sum3A_276 = vector.extract %reduce_sum3A_275[15] : f32 from vector<16xf32>
    %reduce_sum3A_277 = arith.constant true
    %reduce_sum3A_278 = vector.broadcast %reduce_sum3A_277 : i1 to vector<16xi1>
    %reduce_sum3A_279 = tpu.scan <sum>, %scan3A_271#1 masked %reduce_sum3A_278 : vector<16xi32>, vector<16xi1> -> vector<16xi32>
    %reduce_sum3A_280 = vector.extract %reduce_sum3A_279[15] : i32 from vector<16xi32>
    %convert_element_type3A_281 = arith.sitofp %reduce_sum3A_280 : i32 to f32
    %eq3A_282 = arith.constant 0 : i32
    %eq3A_283 = vector.broadcast %eq3A_282 : i32 to vector<16xi32>
    %eq3A_284 = arith.cmpi eq, %iota3A, %eq3A_283 : vector<16xi32>
    %jit3A_285 = arith.constant 0.000000e+00 : f32
    %broadcast_in_dim3A_286 = vector.broadcast %reduce_sum3A_276 : f32 to vector<16xf32>
    %broadcast_in_dim3A_287 = vector.broadcast %jit3A_285 : f32 to vector<16xf32>
    %select_n3A_288 = arith.select %eq3A_284, %broadcast_in_dim3A_286, %broadcast_in_dim3A_287 : vector<16xi1>, vector<16xf32>
    %eq3A_289 = arith.constant 1 : i32
    %eq3A_290 = vector.broadcast %eq3A_289 : i32 to vector<16xi32>
    %eq3A_291 = arith.cmpi eq, %iota3A, %eq3A_290 : vector<16xi32>
    %jit3A_292 = arith.constant 0.000000e+00 : f32
    %broadcast_in_dim3A_293 = vector.broadcast %convert_element_type3A_281 : f32 to vector<16xf32>
    %broadcast_in_dim3A_294 = vector.broadcast %jit3A_292 : f32 to vector<16xf32>
    %select_n3A_295 = arith.select %eq3A_291, %broadcast_in_dim3A_293, %broadcast_in_dim3A_294 : vector<16xi1>, vector<16xf32>
    %add3A_296 = arith.addf %select_n3A_288, %select_n3A_295 : vector<16xf32>
    %bitcast3A_297 = vector.bitcast %add3A_296 : vector<16xf32> to vector<16xi32>
    %swap3A_298 = arith.constant 0 : index
    %swap3A_299 = tpu.vector_load %arg12[%swap3A_298] {strides = array<i32>} : memref<2048xi32, #tpu.memory_space<vmem>>, vector<16xi32>,
    tpu.vector_store %arg12[%swap3A_298], %bitcast3A_297 {strides = array<i32>} : memref<2048xi32, #tpu.memory_space<vmem>>, vector<16xi32>,
    "tpu.region"() ({
      %run_scoped3A = tpu.sem_alloc : memref<!tpu.dma_semaphore, #tpu.memory_space<semaphore_mem>>
      %dma_start3A_305 = arith.constant 0 : i32
      %dma_start3A_306 = tpu.memref_slice %arg16[%arg1, %dma_start3A_305] : memref<16x2048xi32, #tpu.memory_space<vmem_shared>> -> memref<1x2048xi32, #tpu.memory_space<vmem_shared>>
      %dma_start3A_307 = tpu.memref_squeeze %dma_start3A_306 : memref<1x2048xi32, #tpu.memory_space<vmem_shared>> -> memref<2048xi32, #tpu.memory_space<vmem_shared>>
      %dma_start3A_308 = arith.constant 0 : i32
      %dma_start3A_309 = tpu.memref_slice %arg16[%arg1, %dma_start3A_308] : memref<16x2048xi32, #tpu.memory_space<vmem_shared>> -> memref<1x2048xi32, #tpu.memory_space<vmem_shared>>
      %dma_start3A_310 = tpu.memref_squeeze %dma_start3A_309 : memref<1x2048xi32, #tpu.memory_space<vmem_shared>> -> memref<2048xi32, #tpu.memory_space<vmem_shared>>
      tpu.enqueue_dma source(%arg12 : memref<2048xi32, #tpu.memory_space<vmem>>) target(%dma_start3A_310 : memref<2048xi32, #tpu.memory_space<vmem_shared>>) target_semaphore(%run_scoped3A : memref<!tpu.dma_semaphore, #tpu.memory_space<semaphore_mem>>)
      %dma_wait3A_311 = arith.constant 0 : i32
      %dma_wait3A_312 = tpu.memref_slice %arg16[%arg1, %dma_wait3A_311] : memref<16x2048xi32, #tpu.memory_space<vmem_shared>> -> memref<1x2048xi32, #tpu.memory_space<vmem_shared>>
      %dma_wait3A_313 = tpu.memref_squeeze %dma_wait3A_312 : memref<1x2048xi32, #tpu.memory_space<vmem_shared>> -> memref<2048xi32, #tpu.memory_space<vmem_shared>>
      %dma_wait3A_314 = arith.constant 0 : i32
      %dma_wait3A_315 = tpu.memref_slice %arg16[%arg1, %dma_wait3A_314] : memref<16x2048xi32, #tpu.memory_space<vmem_shared>> -> memref<1x2048xi32, #tpu.memory_space<vmem_shared>>
      %dma_wait3A_316 = tpu.memref_squeeze %dma_wait3A_315 : memref<1x2048xi32, #tpu.memory_space<vmem_shared>> -> memref<2048xi32, #tpu.memory_space<vmem_shared>>
      tpu.wait_dma2 semaphore(%run_scoped3A : memref<!tpu.dma_semaphore, #tpu.memory_space<semaphore_mem>>) src(%arg12 : memref<2048xi32, #tpu.memory_space<vmem>>) dst(%dma_wait3A_316 : memref<2048xi32, #tpu.memory_space<vmem_shared>>)
      tpu.yield
    }) : () -> ()
    %barrier3A_300 = arith.constant 0 : index
    tpu.barrier barrier_id(%barrier3A_300)
    %eq3A_301 = arith.constant 0 : i32
    %eq3A_302 = arith.cmpi eq, %arg1, %eq3A_301 : i32
    %convert_element_type3A_303 = arith.extui %eq3A_302 : i1 to i32
    %cond3A = arith.constant 0 : i32
    %cond3A_304 = arith.cmpi ne, %convert_element_type3A_303, %cond3A : i32
    scf.if %cond3A_304 {
      "tpu.region"() ({
        %run_scoped3A = tpu.sem_alloc : memref<!tpu.dma_semaphore, #tpu.memory_space<semaphore_mem>>
        %dma_start3A_425 = arith.constant 0 : i32
        %dma_start3A_426 = arith.constant 0 : i32
        %dma_start3A_427 = tpu.memref_slice %arg16[%dma_start3A_425, %dma_start3A_426] : memref<16x2048xi32, #tpu.memory_space<vmem_shared>> -> memref<8x2048xi32, #tpu.memory_space<vmem_shared>>
        %dma_start3A_428 = arith.constant 0 : i32
        %dma_start3A_429 = arith.constant 0 : i32
        %dma_start3A_430 = tpu.memref_slice %arg16[%dma_start3A_428, %dma_start3A_429] : memref<16x2048xi32, #tpu.memory_space<vmem_shared>> -> memref<8x2048xi32, #tpu.memory_space<vmem_shared>>
        tpu.enqueue_dma source(%dma_start3A_430 : memref<8x2048xi32, #tpu.memory_space<vmem_shared>>) target(%arg13 : memref<8x2048xi32, #tpu.memory_space<vmem>>) target_semaphore(%run_scoped3A : memref<!tpu.dma_semaphore, #tpu.memory_space<semaphore_mem>>)
        %dma_wait3A_431 = arith.constant 0 : i32
        %dma_wait3A_432 = arith.constant 0 : i32
        %dma_wait3A_433 = tpu.memref_slice %arg16[%dma_wait3A_431, %dma_wait3A_432] : memref<16x2048xi32, #tpu.memory_space<vmem_shared>> -> memref<8x2048xi32, #tpu.memory_space<vmem_shared>>
        %dma_wait3A_434 = arith.constant 0 : i32
        %dma_wait3A_435 = arith.constant 0 : i32
        %dma_wait3A_436 = tpu.memref_slice %arg16[%dma_wait3A_434, %dma_wait3A_435] : memref<16x2048xi32, #tpu.memory_space<vmem_shared>> -> memref<8x2048xi32, #tpu.memory_space<vmem_shared>>
        tpu.wait_dma2 semaphore(%run_scoped3A : memref<!tpu.dma_semaphore, #tpu.memory_space<semaphore_mem>>) src(%dma_wait3A_436 : memref<8x2048xi32, #tpu.memory_space<vmem_shared>>) dst(%arg13 : memref<8x2048xi32, #tpu.memory_space<vmem>>)
        tpu.yield
      }) : () -> ()
      %broadcast_in_dim3A_305 = arith.constant 0.000000e+00 : f32
      %broadcast_in_dim3A_306 = vector.broadcast %broadcast_in_dim3A_305 : f32 to vector<16xf32>
      %get3A_307 = arith.constant 0 : i32
      %get3A_308 = arith.index_cast %get3A_307 : i32 to index
      %get3A_309 = arith.constant 0 : index
      %get3A_310 = tpu.vector_load %arg13[%get3A_308, %get3A_309] {strides = array<i32>} : memref<8x2048xi32, #tpu.memory_space<vmem>>, vector<16xi32>,
      %bitcast3A_311 = vector.bitcast %get3A_310 : vector<16xi32> to vector<16xf32>
      %add3A_312 = arith.addf %broadcast_in_dim3A_306, %bitcast3A_311 : vector<16xf32>
      %get3A_313 = arith.constant 1 : i32
      %get3A_314 = arith.index_cast %get3A_313 : i32 to index
      %get3A_315 = arith.constant 0 : index
      %get3A_316 = tpu.vector_load %arg13[%get3A_314, %get3A_315] {strides = array<i32>} : memref<8x2048xi32, #tpu.memory_space<vmem>>, vector<16xi32>,
      %bitcast3A_317 = vector.bitcast %get3A_316 : vector<16xi32> to vector<16xf32>
      %add3A_318 = arith.addf %add3A_312, %bitcast3A_317 : vector<16xf32>
      %get3A_319 = arith.constant 2 : i32
      %get3A_320 = arith.index_cast %get3A_319 : i32 to index
      %get3A_321 = arith.constant 0 : index
      %get3A_322 = tpu.vector_load %arg13[%get3A_320, %get3A_321] {strides = array<i32>} : memref<8x2048xi32, #tpu.memory_space<vmem>>, vector<16xi32>,
      %bitcast3A_323 = vector.bitcast %get3A_322 : vector<16xi32> to vector<16xf32>
      %add3A_324 = arith.addf %add3A_318, %bitcast3A_323 : vector<16xf32>
      %get3A_325 = arith.constant 3 : i32
      %get3A_326 = arith.index_cast %get3A_325 : i32 to index
      %get3A_327 = arith.constant 0 : index
      %get3A_328 = tpu.vector_load %arg13[%get3A_326, %get3A_327] {strides = array<i32>} : memref<8x2048xi32, #tpu.memory_space<vmem>>, vector<16xi32>,
      %bitcast3A_329 = vector.bitcast %get3A_328 : vector<16xi32> to vector<16xf32>
      %add3A_330 = arith.addf %add3A_324, %bitcast3A_329 : vector<16xf32>
      %get3A_331 = arith.constant 4 : i32
      %get3A_332 = arith.index_cast %get3A_331 : i32 to index
      %get3A_333 = arith.constant 0 : index
      %get3A_334 = tpu.vector_load %arg13[%get3A_332, %get3A_333] {strides = array<i32>} : memref<8x2048xi32, #tpu.memory_space<vmem>>, vector<16xi32>,
      %bitcast3A_335 = vector.bitcast %get3A_334 : vector<16xi32> to vector<16xf32>
      %add3A_336 = arith.addf %add3A_330, %bitcast3A_335 : vector<16xf32>
      %get3A_337 = arith.constant 5 : i32
      %get3A_338 = arith.index_cast %get3A_337 : i32 to index
      %get3A_339 = arith.constant 0 : index
      %get3A_340 = tpu.vector_load %arg13[%get3A_338, %get3A_339] {strides = array<i32>} : memref<8x2048xi32, #tpu.memory_space<vmem>>, vector<16xi32>,
      %bitcast3A_341 = vector.bitcast %get3A_340 : vector<16xi32> to vector<16xf32>
      %add3A_342 = arith.addf %add3A_336, %bitcast3A_341 : vector<16xf32>
      %get3A_343 = arith.constant 6 : i32
      %get3A_344 = arith.index_cast %get3A_343 : i32 to index
      %get3A_345 = arith.constant 0 : index
      %get3A_346 = tpu.vector_load %arg13[%get3A_344, %get3A_345] {strides = array<i32>} : memref<8x2048xi32, #tpu.memory_space<vmem>>, vector<16xi32>,
      %bitcast3A_347 = vector.bitcast %get3A_346 : vector<16xi32> to vector<16xf32>
      %add3A_348 = arith.addf %add3A_342, %bitcast3A_347 : vector<16xf32>
      %get3A_349 = arith.constant 7 : i32
      %get3A_350 = arith.index_cast %get3A_349 : i32 to index
      %get3A_351 = arith.constant 0 : index
      %get3A_352 = tpu.vector_load %arg13[%get3A_350, %get3A_351] {strides = array<i32>} : memref<8x2048xi32, #tpu.memory_space<vmem>>, vector<16xi32>,
      %bitcast3A_353 = vector.bitcast %get3A_352 : vector<16xi32> to vector<16xf32>
      %add3A_354 = arith.addf %add3A_348, %bitcast3A_353 : vector<16xf32>
      "tpu.region"() ({
        %run_scoped3A = tpu.sem_alloc : memref<!tpu.dma_semaphore, #tpu.memory_space<semaphore_mem>>
        %dma_start3A_425 = arith.constant 8 : i32
        %dma_start3A_426 = arith.constant 0 : i32
        %dma_start3A_427 = tpu.memref_slice %arg16[%dma_start3A_425, %dma_start3A_426] : memref<16x2048xi32, #tpu.memory_space<vmem_shared>> -> memref<8x2048xi32, #tpu.memory_space<vmem_shared>>
        %dma_start3A_428 = arith.constant 8 : i32
        %dma_start3A_429 = arith.constant 0 : i32
        %dma_start3A_430 = tpu.memref_slice %arg16[%dma_start3A_428, %dma_start3A_429] : memref<16x2048xi32, #tpu.memory_space<vmem_shared>> -> memref<8x2048xi32, #tpu.memory_space<vmem_shared>>
        tpu.enqueue_dma source(%dma_start3A_430 : memref<8x2048xi32, #tpu.memory_space<vmem_shared>>) target(%arg13 : memref<8x2048xi32, #tpu.memory_space<vmem>>) target_semaphore(%run_scoped3A : memref<!tpu.dma_semaphore, #tpu.memory_space<semaphore_mem>>)
        %dma_wait3A_431 = arith.constant 8 : i32
        %dma_wait3A_432 = arith.constant 0 : i32
        %dma_wait3A_433 = tpu.memref_slice %arg16[%dma_wait3A_431, %dma_wait3A_432] : memref<16x2048xi32, #tpu.memory_space<vmem_shared>> -> memref<8x2048xi32, #tpu.memory_space<vmem_shared>>
        %dma_wait3A_434 = arith.constant 8 : i32
        %dma_wait3A_435 = arith.constant 0 : i32
        %dma_wait3A_436 = tpu.memref_slice %arg16[%dma_wait3A_434, %dma_wait3A_435] : memref<16x2048xi32, #tpu.memory_space<vmem_shared>> -> memref<8x2048xi32, #tpu.memory_space<vmem_shared>>
        tpu.wait_dma2 semaphore(%run_scoped3A : memref<!tpu.dma_semaphore, #tpu.memory_space<semaphore_mem>>) src(%dma_wait3A_436 : memref<8x2048xi32, #tpu.memory_space<vmem_shared>>) dst(%arg13 : memref<8x2048xi32, #tpu.memory_space<vmem>>)
        tpu.yield
      }) : () -> ()
      %get3A_355 = arith.constant 0 : i32
      %get3A_356 = arith.index_cast %get3A_355 : i32 to index
      %get3A_357 = arith.constant 0 : index
      %get3A_358 = tpu.vector_load %arg13[%get3A_356, %get3A_357] {strides = array<i32>} : memref<8x2048xi32, #tpu.memory_space<vmem>>, vector<16xi32>,
      %bitcast3A_359 = vector.bitcast %get3A_358 : vector<16xi32> to vector<16xf32>
      %add3A_360 = arith.addf %add3A_354, %bitcast3A_359 : vector<16xf32>
      %get3A_361 = arith.constant 1 : i32
      %get3A_362 = arith.index_cast %get3A_361 : i32 to index
      %get3A_363 = arith.constant 0 : index
      %get3A_364 = tpu.vector_load %arg13[%get3A_362, %get3A_363] {strides = array<i32>} : memref<8x2048xi32, #tpu.memory_space<vmem>>, vector<16xi32>,
      %bitcast3A_365 = vector.bitcast %get3A_364 : vector<16xi32> to vector<16xf32>
      %add3A_366 = arith.addf %add3A_360, %bitcast3A_365 : vector<16xf32>
      %get3A_367 = arith.constant 2 : i32
      %get3A_368 = arith.index_cast %get3A_367 : i32 to index
      %get3A_369 = arith.constant 0 : index
      %get3A_370 = tpu.vector_load %arg13[%get3A_368, %get3A_369] {strides = array<i32>} : memref<8x2048xi32, #tpu.memory_space<vmem>>, vector<16xi32>,
      %bitcast3A_371 = vector.bitcast %get3A_370 : vector<16xi32> to vector<16xf32>
      %add3A_372 = arith.addf %add3A_366, %bitcast3A_371 : vector<16xf32>
      %get3A_373 = arith.constant 3 : i32
      %get3A_374 = arith.index_cast %get3A_373 : i32 to index
      %get3A_375 = arith.constant 0 : index
      %get3A_376 = tpu.vector_load %arg13[%get3A_374, %get3A_375] {strides = array<i32>} : memref<8x2048xi32, #tpu.memory_space<vmem>>, vector<16xi32>,
      %bitcast3A_377 = vector.bitcast %get3A_376 : vector<16xi32> to vector<16xf32>
      %add3A_378 = arith.addf %add3A_372, %bitcast3A_377 : vector<16xf32>
      %get3A_379 = arith.constant 4 : i32
      %get3A_380 = arith.index_cast %get3A_379 : i32 to index
      %get3A_381 = arith.constant 0 : index
      %get3A_382 = tpu.vector_load %arg13[%get3A_380, %get3A_381] {strides = array<i32>} : memref<8x2048xi32, #tpu.memory_space<vmem>>, vector<16xi32>,
      %bitcast3A_383 = vector.bitcast %get3A_382 : vector<16xi32> to vector<16xf32>
      %add3A_384 = arith.addf %add3A_378, %bitcast3A_383 : vector<16xf32>
      %get3A_385 = arith.constant 5 : i32
      %get3A_386 = arith.index_cast %get3A_385 : i32 to index
      %get3A_387 = arith.constant 0 : index
      %get3A_388 = tpu.vector_load %arg13[%get3A_386, %get3A_387] {strides = array<i32>} : memref<8x2048xi32, #tpu.memory_space<vmem>>, vector<16xi32>,
      %bitcast3A_389 = vector.bitcast %get3A_388 : vector<16xi32> to vector<16xf32>
      %add3A_390 = arith.addf %add3A_384, %bitcast3A_389 : vector<16xf32>
      %get3A_391 = arith.constant 6 : i32
      %get3A_392 = arith.index_cast %get3A_391 : i32 to index
      %get3A_393 = arith.constant 0 : index
      %get3A_394 = tpu.vector_load %arg13[%get3A_392, %get3A_393] {strides = array<i32>} : memref<8x2048xi32, #tpu.memory_space<vmem>>, vector<16xi32>,
      %bitcast3A_395 = vector.bitcast %get3A_394 : vector<16xi32> to vector<16xf32>
      %add3A_396 = arith.addf %add3A_390, %bitcast3A_395 : vector<16xf32>
      %get3A_397 = arith.constant 7 : i32
      %get3A_398 = arith.index_cast %get3A_397 : i32 to index
      %get3A_399 = arith.constant 0 : index
      %get3A_400 = tpu.vector_load %arg13[%get3A_398, %get3A_399] {strides = array<i32>} : memref<8x2048xi32, #tpu.memory_space<vmem>>, vector<16xi32>,
      %bitcast3A_401 = vector.bitcast %get3A_400 : vector<16xi32> to vector<16xf32>
      %add3A_402 = arith.addf %add3A_396, %bitcast3A_401 : vector<16xf32>
      %slice3A_403 = vector.extract_strided_slice %add3A_402 {offsets = [0], sizes = [1], strides = [1]} : vector<16xf32> to vector<1xf32>
      %squeeze3A_404 = vector.extract %slice3A_403[0] : f32 from vector<1xf32>
      %broadcast_in_dim3A_405 = vector.broadcast %squeeze3A_404 : f32 to vector<16xf32>
      %slice3A_406 = vector.extract_strided_slice %add3A_402 {offsets = [1], sizes = [1], strides = [1]} : vector<16xf32> to vector<1xf32>
      %squeeze3A_407 = vector.extract %slice3A_406[0] : f32 from vector<1xf32>
      %broadcast_in_dim3A_408 = vector.broadcast %squeeze3A_407 : f32 to vector<16xf32>
      %convert_element_type3A_409 = arith.sitofp %select_n3A_137 : i32 to f32
      %broadcast_in_dim3A_410 = vector.broadcast %convert_element_type3A_409 : f32 to vector<16xf32>
      %sub3A_411 = arith.subf %broadcast_in_dim3A_410, %broadcast_in_dim3A_408 : vector<16xf32>
      %mul3A_412 = arith.mulf %sub3A_411, %bitcast3A : vector<16xf32>
      %add3A_413 = arith.addf %broadcast_in_dim3A_405, %mul3A_412 : vector<16xf32>
      %convert_element_type3A_414 = arith.sitofp %squeeze3A : i32 to f32
      %broadcast_in_dim3A_415 = vector.broadcast %convert_element_type3A_414 : f32 to vector<16xf32>
      %max3A_416 = arith.constant 1.000000e+00 : f32
      %max3A_417 = vector.broadcast %max3A_416 : f32 to vector<16xf32>
      %max3A_418 = arith.maximumf %broadcast_in_dim3A_415, %max3A_417 : vector<16xf32>
      %gt3A = arith.constant 0 : i32
      %gt3A_419 = arith.cmpi sgt, %select_n3A_137, %gt3A : i32
      %div3A = arith.divf %add3A_413, %max3A_418 : vector<16xf32>
      %broadcast_in_dim3A_420 = arith.constant 0.000000e+00 : f32
      %broadcast_in_dim3A_421 = vector.broadcast %broadcast_in_dim3A_420 : f32 to vector<16xf32>
      %select_n3A_422 = arith.select %gt3A_419, %div3A, %broadcast_in_dim3A_421 : vector<16xf32>
      %swap3A_423 = arith.constant 0 : index
      %swap3A_424 = tpu.vector_load %arg15[%swap3A_423] {strides = array<i32>} : memref<16xf32, #tpu.memory_space<vmem>>, vector<16xf32>,
      tpu.vector_store %arg15[%swap3A_423], %select_n3A_422 {strides = array<i32>} : memref<16xf32, #tpu.memory_space<vmem>>, vector<16xf32>,
      "tpu.region"() ({
        %run_scoped3A = tpu.sem_alloc : memref<!tpu.dma_semaphore, #tpu.memory_space<semaphore_mem>>
        tpu.enqueue_dma source(%arg15 : memref<16xf32, #tpu.memory_space<vmem>>) target(%arg5 : memref<16xf32, #tpu.memory_space<hbm>>) target_semaphore(%run_scoped3A : memref<!tpu.dma_semaphore, #tpu.memory_space<semaphore_mem>>)
        tpu.wait_dma2 semaphore(%run_scoped3A : memref<!tpu.dma_semaphore, #tpu.memory_space<semaphore_mem>>) src(%arg15 : memref<16xf32, #tpu.memory_space<vmem>>) dst(%arg5 : memref<16xf32, #tpu.memory_space<hbm>>)
        tpu.yield
      }) : () -> ()
    } else {
    }
    return
  }
}

</mosaic_0001>

<sc_bundles>
// kernel: kernel.3.cloned.1.call-start
scs
__scs_entry_jumppad:
0x0: {  	(pc) =	sbr.rel $0x88, $3  }
0x1: {  	(tag) =	ssettag $0x0;
	lr =	simm.s32 $0x1  }
0x2: {  	[smem:$0x3F9E] =	sst lr;
	_ =	strace $0xD0000000  }
0x3: {  	_ = 	snop  }
0x4: {  	_ = 	snop  }
0x5: {  	_ = 	snop  }
0x6: {  	_ = 	snop  }
0x7: {  	_ = 	snop  }
__scs_overlays_trampoline_lowered:
0x8: {  	[smem:$0x3FAD] =	sst s0  }
0x9: {  	[smem:$0x3FAE] =	sst s1  }
0xa: {  	[smem:$0x3FAF] =	sst s2  }
0xb: {  	[smem:$0x3FB0] =	sst s3  }
0xc: {  	[smem:$0x3FB1] =	sst s4  }
0xd: {  	[smem:$0x3FB2] =	sst s5  }
0xe: {  	[smem:$0x3FB3] =	sst s6  }
0xf: {  	[smem:$0x3FB4] =	sst s7  }
0x10: {  	[smem:$0x3FB5] =	sst s8  }
0x11: {  	[smem:$0x3FB6] =	sst s9;
	s0 =	simm.s32 @!p0 $0x0  }
0x12: {  	s1 =	sld [smem:$0x3F9C];
	s0 =	simm.s32 @p0 $0x1  }
0x13: {  	[smem:$0x3FB7] =	sst s0;
	s0 =	simm.s32 @!p1 $0x0  }
0x14: {  	s2 =	sld [smem:$0x3F9B];
	s0 =	simm.s32 @p1 $0x1  }
0x15: {  	[smem:$0x3FB8] =	sst s0;
	s0 =	simm.s32 @!p2 $0x0  }
0x16: {  	s3 =	sld [smem:$0x3FDB];
	s0 =	simm.s32 @p2 $0x1  }
0x17: {  	s4 =	simm.s32 $0x1BF5;
	[smem:$0x3FBA] =	sst s0  }
0x18: {  	s0 =	sld [smem:$0x3F9D];
	_ =	swait.ge [sflag:s4], $0x0  }
0x19: {  	s7 =	sld [smem:$0x3F9E]  }
0x1a: {  	s8 =	sadd.s32 $0xFFFFE003, lr  }
0x1b: {  	s9 =	sadd.s32 $0xFFFFFEF7, lr;
	s5 =	simm.s32 $0xFFFFFFFF;
	p2 =	slt.u32 s8, $0xFFFFF086  }
0x1c: {  	p1 =	slt.u32 s9, $0xF7A;
	s5 =	simm.s32 @!p2 $0x0  }
0x1d: {  	s5 =	simm.s32 @p1 $0x1;
	p0 =	seq.s32 s7, s2  }
0x1e: {  	s7 =	smul.u32 @!p0 $0xF7A, s2;
	p2 =	seq.s32 @!p0 s5, $0x0  }
0x1f: {  	s9 =	smul.u32 $0xF7A, s1;
	s8 =	simm.s32 @!p0 $0x1BF5;
	p2 =	por !p2, p0  }
0x20: {  	[sflag:s8] =	ssyncset.s32 @!p0 $0xFFFFF086;
	s6 =	sadd.s32 @!p0 s3, s7;
	s7 =	simm.s32 @!p0 $0x108  }
0x21: {  	s3 =	sadd.s32 s3, s9;
	s6 =	sadd.s32 @!p0 $0x88, s6;
	s7 =	simm.s32 @p2 $0x1082  }
0x22: {  	[simem:s7], [sflag:s8] =	dma.local @!p0 [hbm:s6], $0xF7A  }
0x23: {  	s9 =	sor.u32 $0xD0000000, s2;
	s6 =	simm.s32 $0x108;
	_ =	swait.ge @!p0 [sflag:s8], $0x0  }
0x24: {  	s3 =	sadd.s32 $0x88, s3;
	s6 =	simm.s32 @!p1 $0x1082;
	[sflag:s4] =	ssyncset.s32 $0xFFFFF086  }
0x25: {  	[simem:s6], [sflag:s4] =	dma.local [hbm:s3], $0xF7A  }
0x26: {  	[smem:$0x3F9E] =	sst s1;
	(tag) =	ssettag s2;
	_ =	strace s9  }
0x27: {  	s1 =	sld [smem:$0x3FAE]  }
0x28: {  	s2 =	sld [smem:$0x3FAF]  }
0x29: {  	s4 =	sld [smem:$0x3FB1]  }
0x2a: {  	p0 =	seq.s32 s5, $0x0;
	s5 =	sld [smem:$0x3FB2]  }
0x2b: {  	s6 =	sld [smem:$0x3FB3]  }
0x2c: {  	s7 =	sld [smem:$0x3FB4]  }
0x2d: {  	s3 =	simm.s32 $0x108;
	s8 =	sld [smem:$0x3FB5]  }
0x2e: {  	s3 =	simm.s32 @!p0 $0x1082;
	s9 =	sld [smem:$0x3FB6]  }
0x2f: {  	lr =	sadd.s32 s0, s3;
	s0 =	sld [smem:$0x3FAD]  }
0x30: {  	s3 =	sld [smem:$0x3FB0]  }
0x31: {  	[smem:$0x3FB9] =	sst s10  }
0x32: {  	s10 =	sld [smem:$0x3FB7];
	_ =	sdelay $0x3  }
0x33: {  	p0 =	seq.s32 s10, $0x1;
	s10 =	sld [smem:$0x3FB9];
	_ =	sdelay $0x3  }
0x34: {  	[smem:$0x3FB9] =	sst s10  }
0x35: {  	s10 =	sld [smem:$0x3FB8];
	_ =	sdelay $0x3  }
0x36: {  	p1 =	seq.s32 s10, $0x1;
	s10 =	sld [smem:$0x3FB9];
	_ =	sdelay $0x3  }
0x37: {  	[smem:$0x3FB9] =	sst s10  }
0x38: {  	s10 =	sld [smem:$0x3FBA]  }
0x39: {  	_ = 	snop;
	(pc) =	sbr.ind lr, $3  }
0x3a: {  	_ = 	snop  }
0x3b: {  	_ = 	snop  }
0x3c: {  	p2 =	seq.s32 s10, $0x1;
	s10 =	sld [smem:$0x3FB9]  }
0x3d: {  	_ =	shalt  }
0x3e: {  	_ =	shalt  }
0x3f: {  	_ =	shalt  }
0x40: {  	_ =	shalt  }
0x41: {  	_ =	shalt  }
0x42: {  	_ =	shalt  }
0x43: {  	_ =	shalt  }
0x44: {  	_ =	shalt  }
0x45: {  	_ =	shalt  }
0x46: {  	_ =	shalt  }
0x47: {  	_ =	shalt  }
0x48: {  	_ =	shalt  }
0x49: {  	_ =	shalt  }
0x4a: {  	_ =	shalt  }
0x4b: {  	_ =	shalt  }
0x4c: {  	_ =	shalt  }
0x4d: {  	_ =	shalt  }
0x4e: {  	_ =	shalt  }
0x4f: {  	_ =	shalt  }
0x50: {  	_ =	shalt  }
0x51: {  	_ =	shalt  }
0x52: {  	_ =	shalt  }
0x53: {  	_ =	shalt  }
0x54: {  	_ =	shalt  }
0x55: {  	_ =	shalt  }
0x56: {  	_ =	shalt  }
0x57: {  	_ =	shalt  }
0x58: {  	_ =	shalt  }
0x59: {  	_ =	shalt  }
0x5a: {  	_ =	shalt  }
0x5b: {  	_ =	shalt  }
0x5c: {  	_ =	shalt  }
0x5d: {  	_ =	shalt  }
0x5e: {  	_ =	shalt  }
0x5f: {  	_ =	shalt  }
0x60: {  	_ =	shalt  }
0x61: {  	_ =	shalt  }
0x62: {  	_ =	shalt  }
0x63: {  	_ =	shalt  }
0x64: {  	_ =	shalt  }
0x65: {  	_ =	shalt  }
0x66: {  	_ =	shalt  }
0x67: {  	_ =	shalt  }
0x68: {  	_ =	shalt  }
0x69: {  	_ =	shalt  }
0x6a: {  	_ =	shalt  }
0x6b: {  	_ =	shalt  }
0x6c: {  	_ =	shalt  }
0x6d: {  	_ =	shalt  }
0x6e: {  	_ =	shalt  }
0x6f: {  	_ =	shalt  }
0x70: {  	_ =	shalt  }
0x71: {  	_ =	shalt  }
0x72: {  	_ =	shalt  }
0x73: {  	_ =	shalt  }
0x74: {  	_ =	shalt  }
0x75: {  	_ =	shalt  }
0x76: {  	_ =	shalt  }
0x77: {  	_ =	shalt  }
0x78: {  	_ =	shalt  }
0x79: {  	_ =	shalt  }
0x7a: {  	_ =	shalt  }
0x7b: {  	_ =	shalt  }
0x7c: {  	_ =	shalt  }
0x7d: {  	_ =	shalt  }
0x7e: {  	_ =	shalt  }
0x7f: {  	_ =	shalt  }
0x80: {  	_ =	shalt  }
0x81: {  	_ =	shalt  }
0x82: {  	_ =	shalt  }
0x83: {  	_ =	shalt  }
0x84: {  	_ =	shalt  }
0x85: {  	_ =	shalt  }
0x86: {  	_ =	shalt  }
0x87: {  	_ =	shalt  }
.Lfunc_end0:
.L_simem_size_0:
called_computation_lowered:
.L_overlay_start_0:
0x88: {  	s0 =	sld [smem:$0x3FD9]  }
0x89: {  	s1 =	sld [smem:$0x3FFE];
	_ =	sdelay $0x3  }
0x8a: {  	s0 =	sadd.s32 s1, s0  }
0x8b: {  	[smem:$0x3FC5] =	sst s0  }
0x8c: {  	_ = 	snop  }
0x8d: {  	s0 =	sld [smem:$0x3FC9]  }
0x8e: {  	s16 =	sld [smem:$0x3FC8]  }
0x8f: {  	s2 =	sld [smem:$0x3FD0];
	(tm) =	ssettm $0x1  }
0x90: {  	s3 =	sld [smem:$0x3FFB];
	_ =	sdelay $0x3  }
0x91: {  	_ =	strace s3  }
0x92: {  	s3 =	sld [smem:$0x3FFC];
	_ =	sdelay $0x3  }
0x93: {  	_ =	strace s3  }
0x94: {  	s3 =	sld [smem:$0x3FFD];
	_ =	sdelay $0x3  }
0x95: {  	_ =	strace s3  }
0x96: {  	_ =	strace $0x8FFFFFFF  }
0x97: {  	s17 =	sld [smem:$0x3FDB];
	_ =	sdelay $0x1  }
0x98: {  	s4 =	simm.s32 $_scs_section_size  }
0x99: {  	s5 =	simm.s32 $_size__tile_overlayer_lowered;
	s6 =	simm.s32 $_tile_overlayer_lowered  }
0x9a: {  	s20 =	simm.s32 $0x1BFF;
	s19 =	sshll.u32 s6, $0x1;
	s3 =	sadd.s32 s4, s17  }
0x9b: {  	s7 =	simm.s32 $0x0;
	s18 =	sshll.u32 s5, $0x1;
	s5 =	sadd.s32 s19, s3  }
0x9c: {  	[timem:s7], [sflag:s20] =	dma.local [hbm:s5], s18  }
0x9d: {  	_ =	swait.ge [sflag:s20], s18  }
0x9e: {  	s4 =	ssub.s32 $0x0, s18;
	[sflag:s20] =	ssyncset.done $0x0  }
0x9f: {  	[sflag:s20] =	ssyncadd.s32 s4;
	_ =	sdelay $0x1  }
0xa0: {  	s21 =	simm.s32 $0x1B8B  }
0xa1: {  	_ =	swait.ge [sflag:s21], $0x1  }
0xa2: {  	[sflag:s21] =	ssyncset.done $0x0  }
0xa3: {  	s23 =	simm.s32 $0x1B8E;
	s22 =	sld [smem:$0x3FFE];
	[sflag:s21] =	ssyncadd.s32 $0xFFFFFFFF  }
0xa4: {  	s24 =	simm.s32 $execute0_lowered;
	[smem:$0x3FD2] =	sst s23  }
0xa5: {  	s5 =	sshll.u32 s24, $0x1;
	_ =	strace $0x80000046;
	[dreg:$0x1] =	wrdreg $0xFFFFFFFF  }
0xa6: {  	s25 =	simm.s32 $_size_execute0_lowered;
	s3 =	sadd.s32 s3, s5;
	[dreg:$0x0] =	wrdreg $0x0  }
0xa7: {  	s5 =	sshll.u32 s25, $0x1;
	[dreg:$0x2] =	wrdreg s3  }
0xa8: {  	[dreg:$0x3] =	wrdreg s5  }
0xa9: {  	[dreg:$0x4] =	wrdreg $0xC0  }
0xaa: {  	_ =	task [dreg:s7], $0x5FFFF  }
0xab: {  	[dreg:$0x1] =	wrdreg $0xFFFFFFFF  }
0xac: {  	[dreg:$0x0] =	wrdreg $0x60  }
0xad: {  	[dreg:$0x2] =	wrdreg s0  }
0xae: {  	[dreg:$0x3] =	wrdreg s16  }
0xaf: {  	[dreg:$0x4] =	wrdreg s22  }
0xb0: {  	[dreg:$0x5] =	wrdreg s2  }
0xb1: {  	[dreg:$0x6] =	wrdreg $0x1D8800  }
0xb2: {  	[dreg:$0x7] =	wrdreg $0x9  }
0xb3: {  	_ =	task.clear_ibuf [dreg:s7], $0x8FFFF;
	_ =	strace $0x90000046  }
0xb4: {  	s26 =	simm.s32 $0x9;
	_ =	strace $0x80000048  }
0xb5: {  	_ =	swait.ge [sflag:s26], $0x1  }
0xb6: {  	[sflag:s26] =	ssyncadd.s32 $0xFFFFFFFF  }
0xb7: {  	_ =	strace $0x90000048  }
0xb8: {  	_ =	sfence  }
0xb9: {  	s28 =	sld [smem:$0x0];
	_ =	sdelay $0x1  }
0xba: {  	s29 =	srdreg.scid  }
0xbb: {  	s30 =	sshll.u32 s29, $0xD;
	s31 =	sshrl.u32 s29, $0x2  }
0xbc: {  	s1 =	sand.u32 $0x1, s29;
	s2 =	sand.u32 $0x4000, s30;
	s0 =	sadd.s32 s31, s28  }
0xbd: {  	s1 =	sor.u32 s2, s1;
	s0 =	sshll.u32 s0, $0x11  }
0xbe: {  	s0 =	sor.u32 s0, s1  }
0xbf: {  	s0 =	sadd.s32 $0x8F2B, s0  }
0xc0: {  	[sflag:s0] =	ssyncadd.remote.s32 $0x1  }
0xc1: {  	_ =	sfence.sel $0xFFFF  }
0xc2: {  	[dreg:$0x0] =	wrdreg $0xFFFFFFFF;
	(pc) =	sbr.abs _section_cstart, $3  }
0xc3: {  	[dreg:$0x1] =	wrdreg $0xFFFFFFFF  }
0xc4: {  	_ =	task.clear_ibuf [dreg:s7], $0x2FFFF;
	_ =	strace $0x9FFFFFFF  }
0xc5: {  	(tm) =	ssettm $0x7FFFFFFF  }
tec
execute0_lowered:
.L_overlay_start_1:
0x0: {  	(tag) =	ssettag $0x1  }
0x1: {  	s11 =	rddreg [dreg:$0x0]  }
0x2: {  	s14 =	rddreg [dreg:$0x1];
	s0 =	simm.s32 $0x0  }
0x3: {  	v0 =	vimm.s32 $0x0;
	[smem:$0x7FF] =	sst s0;
	s0 =	simm.s32 $0x10040  }
0x4: {  	s1 =	rddreg [dreg:$0x2];
	_ =	strace $0x80000047;
	[tilespmem:s0+$0xFFFFFFC0] =	vst v0  }
0x5: {  	[tilespmem:s0+$0x30] =	vst v0  }
0x6: {  	[tilespmem:s0+$0x20] =	vst v0  }
0x7: {  	[tilespmem:s0+$0x10] =	vst v0  }
0x8: {  	s4 =	stileid.u32;
	[tilespmem:s0+$0x0] =	vst v0  }
0x9: {  	s5 =	sshll.u32 s4, $0x10;
	s15 =	sadd.s32 $0x800, s1;
	[tilespmem:s0+$0xFFFFFFF0] =	vst v0  }
0xa: {  	s30 =	sadd.s32 $0x100800, s1;
	s2 =	sadd.s32 s11, s5;
	[dreg:$0x8] =	wrdreg s5  }
0xb: {  	s3 =	sadd.s32 s14, s5;
	s1 =	sadd.s32 s15, s5;
	s5 =	simm.s32 $0x0;
	[tilespmem:s0+$0xFFFFFFE0] =	vst v0  }
.LBB2_1:
0xc: {  	s5 =	sadd.s32 $0x8, s5;
	[tilespmem:s0+$0xFFFFFFD0] =	vst v0;
	s0 =	sadd.s32 $0x80, s0  }
0xd: {  	[tilespmem:s0+$0xFFFFFFC0] =	vst v0;
	p0 =	slt.u32 s5, $0x878  }
0xe: {  	[tilespmem:s0+$0x30] =	vst v0  }
.Ltmp0:
0xf: {  	[tilespmem:s0+$0x20] =	vst v0;
	(pc) =	sbr.rel @p0 .LBB2_1-.Ltmp0, $4  }
0x10: {  	[tilespmem:s0+$0x10] =	vst v0  }
0x11: {  	[tilespmem:s0+$0x0] =	vst v0  }
0x12: {  	[tilespmem:s0+$0xFFFFFFF0] =	vst v0  }
0x13: {  	[tilespmem:s0+$0xFFFFFFE0] =	vst v0  }
0x14: {  	[tilespmem:s0+$0xFFFFFFD0] =	vst v0;
	s9 =	simm.s32 $0x0  }
0x15: {  	[tilespmem:s9], [sflag:$0x1] =	stream.linear.gather [hbm4b:s2+s9], $0x2000, $0x38;
	[tilespmem:$0x1E080] =	vst v63  }
0x16: {  	s29 =	rddreg [dreg:$0x8]  }
0x17: {  	s26 =	simm.s32 $0x4000;
	s31 =	sshll.u32 s4, $0x13;
	[dreg:$0x6] =	wrdreg s30  }
0x18: {  	s28 =	simm.s32 $0x8000;
	s12 =	simm.s32 $0x1;
	[dreg:$0x7] =	wrdreg s31  }
0x19: {  	s16 =	simm.s32 $0x10000;
	[dreg:$0x9] =	wrdreg s15;
	s0 =	sor.u32 $0x800, s29  }
0x1a: {  	[tilespmem:s26], [sflag:$0x1] =	stream.linear.gather [hbm4b:s3+s9], $0x2000, $0x38;
	[tilespmem:$0x1E080] =	vst v63  }
0x1b: {  	v0 =	vimm.s32 $0x0;
	s17 =	simm.s32 $0x2;
	s18 =	simm.s32 $0x0;
	[dreg:$0xa] =	wrdreg s0  }
0x1c: {  	v1 =	vlaneseq.u32;
	v2 =	vimm.s32 $0x1;
	v3 =	vimm.s32 $0x0;
	[tilespmem:s28], [sflag:$0x1] =	stream.linear.gather [hbm4b:s1+s9], $0x2000, $0x38;
	[tilespmem:$0x1E080] =	vst v63  }
.LBB2_3:
0x1d: {  	_ =	swait.ge [sflag:s12], $0x2000  }
0x1e: {  	[sflag:s12] =	ssyncset.done $0x0  }
0x1f: {  	[sflag:s12] =	ssyncadd.s32 $0xFFFFE000  }
0x20: {  	_ =	swait.ge [sflag:s12], $0x2000  }
0x21: {  	[sflag:s12] =	ssyncset.done $0x0  }
0x22: {  	s0 =	sshllo.u32 s18, $0x1;
	[sflag:s12] =	ssyncadd.s32 $0xFFFFE000  }
0x23: {  	_ =	swait.ge [sflag:s12], $0x2000;
	[dreg:$0xb] =	wrdreg s0  }
0x24: {  	s0 =	sshll.u32 s0, $0xA;
	s1 =	rddreg [dreg:$0x8]  }
0x25: {  	[sflag:s12] =	ssyncset.done $0x0;
	s0 =	sadd.s32 s1, s0  }
0x26: {  	s2 =	simm.s32 $0x2000;
	[sflag:s12] =	ssyncadd.s32 $0xFFFFE000;
	s1 =	sadd.s32 s11, s0  }
0x27: {  	[tilespmem:s2], [sflag:$0x2] =	stream.linear.gather [hbm4b:s1+s9], $0x2000, $0x38;
	[tilespmem:$0x1E080] =	vst v63  }
0x28: {  	s7 =	simm.s32 $0x6000;
	s8 =	simm.s32 $0xA000;
	s6 =	sadd.s32 s14, s0  }
0x29: {  	[tilespmem:s7], [sflag:$0x2] =	stream.linear.gather [hbm4b:s6+s9], $0x2000, $0x38;
	[tilespmem:$0x1E080] =	vst v63  }
0x2a: {  	s10 =	sand.u32 $0x1000, s9;
	s0 =	sadd.s32 s15, s0;
	s11 =	sand.u32 $0xC00, s9  }
0x2b: {  	[tilespmem:s8], [sflag:$0x2] =	stream.linear.gather [hbm4b:s0+s9], $0x2000, $0x38;
	[tilespmem:$0x1E080] =	vst v63  }
0x2c: {  	s13 =	sand.u32 $0x380, s9;
	s0 =	sor.u32 s11, s10  }
0x2d: {  	s2 =	sand.u32 $0x40, s9;
	s0 =	sor.u32 s13, s0  }
0x2e: {  	s1 =	sor.u32 s2, s0  }
0x2f: {  	v4 =	vld [tilespmem:s1+$0x4000]  }
0x30: {  	v5 =	vld [tilespmem:s1+$0x0];
	_ =	sdelay $0x1  }
0x31: {  	v6 =	vld [tilespmem:s1+$0x8000];
	_ =	sdelay $0x2  }
0x32: {  	v4 =	vsub.f32 v5, v4;
	_ =	sdelay $0x1  }
0x33: {  	vm0 =	vgt.f32 v6, $5.000000000e-01;
	v4 =	vand.u32 $0x7FFFFFFF, v4  }
0x34: {  	v4 =	vnsel vm0, $0x7149F2CA, v4  }
0x35: {  	s3 =	simm.s32 $0x40;
	s14 =	simm.s32 $0x200;
	v5 =	vshrl.u32 v4, $0x15  }
0x36: {  	s6 =	sand.u32 $0x1000, s3;
	s10 =	simm.s32 $0x10;
	s1 =	sand.u32 $0xC00, s14;
	v5 =	vmul.u32 $0x11, v5  }
0x37: {  	s15 =	sand.u32 $0x380, s10;
	s1 =	sor.u32 s1, s6  }
0x38: {  	s30 =	sand.u32 $0x40, s3;
	s31 =	sor.u32 s15, s1;
	v5 =	vadd.s32 v1, v5  }
0x39: {  	s19 =	sand.u32 $0x3F00, s9;
	s3 =	sor.u32 s30, s31  }
0x3a: {  	s1 =	sor.u32 $0xC000, s19;
	v7 =	vld [tilespmem:s3+$0x0]  }
0x3b: {  	s20 =	sor.u32 s2, s1;
	v6 =	vld [tilespmem:s3+$0x4000]  }
0x3c: {  	s21 =	sor.u32 $0x10, s2;
	v8 =	vld [tilespmem:s3+$0x8000];
	[tilespmem:s20+$0x0] =	vst v4  }
0x3d: {  	s24 =	sor.u32 s21, s0;
	[tilespmem:v5+s16+$0x0] =	vst.idx.add.s32.msk $0xffff, v2  }
0x3e: {  	v4 =	vld [tilespmem:s24+$0x0]  }
0x3f: {  	v5 =	vld [tilespmem:s24+$0x4000]  }
0x40: {  	v6 =	vsub.f32 v7, v6  }
0x41: {  	v7 =	vld [tilespmem:s24+$0x8000]  }
0x42: {  	s25 =	simm.s32 $0x400;
	s26 =	simm.s32 $0x80;
	vm1 =	vgt.f32 v8, $5.000000000e-01;
	v6 =	vand.u32 $0x7FFFFFFF, v6  }
0x43: {  	s4 =	simm.s32 $0x20;
	s13 =	sand.u32 $0x1000, s26;
	s3 =	sand.u32 $0xC00, s25;
	v6 =	vnsel vm1, $0x7149F2CA, v6  }
0x44: {  	s5 =	sand.u32 $0x380, s4;
	s3 =	sor.u32 s3, s13;
	v8 =	vshrl.u32 v6, $0x15;
	v4 =	vsub.f32 v4, v5  }
0x45: {  	s23 =	sand.u32 $0x40, s26;
	s22 =	sor.u32 s5, s3;
	v5 =	vmul.u32 $0x11, v8  }
0x46: {  	s3 =	sor.u32 s23, s22;
	vm2 =	vgt.f32 v7, $5.000000000e-01;
	v4 =	vand.u32 $0x7FFFFFFF, v4  }
0x47: {  	s7 =	simm.s32 $0x80;
	v9 =	vld [tilespmem:s3+$0x0];
	v5 =	vadd.s32 v1, v5;
	v4 =	vnsel vm2, $0x7149F2CA, v4  }
0x48: {  	s8 =	sand.u32 $0x3F00, s7;
	v8 =	vld [tilespmem:s3+$0x4000];
	v7 =	vshrl.u32 v4, $0x15  }
0x49: {  	s20 =	sor.u32 $0xC000, s8;
	v7 =	vmul.u32 $0x11, v7  }
0x4a: {  	v10 =	vld [tilespmem:s3+$0x8000];
	s6 =	sor.u32 s30, s20  }
0x4b: {  	s13 =	sor.u32 $0x10, s30;
	[tilespmem:s6+$0x0] =	vst v6;
	v6 =	vadd.s32 v1, v7  }
0x4c: {  	s11 =	sor.u32 s13, s31;
	[tilespmem:v5+s16+$0x0] =	vst.idx.add.s32.msk $0xffff, v2  }
0x4d: {  	v8 =	vsub.f32 v9, v8;
	v5 =	vld [tilespmem:s11+$0x0]  }
0x4e: {  	s14 =	sor.u32 s21, s1;
	v7 =	vld [tilespmem:s11+$0x4000]  }
0x4f: {  	vm3 =	vgt.f32 v10, $5.000000000e-01;
	s3 =	sor.u32 $0x20, s2;
	[tilespmem:s14+$0x0] =	vst v4;
	v4 =	vand.u32 $0x7FFFFFFF, v8;
	v11 =	vld [tilespmem:s11+$0x8000]  }
0x50: {  	s15 =	sor.u32 s3, s0;
	v4 =	vnsel vm3, $0x7149F2CA, v4;
	[tilespmem:v6+s16+$0x0] =	vst.idx.add.s32.msk $0xffff, v2  }
0x51: {  	v9 =	vshrl.u32 v4, $0x15;
	v6 =	vld [tilespmem:s15+$0x4000]  }
0x52: {  	s19 =	simm.s32 $0x600;
	s21 =	simm.s32 $0xC0;
	v9 =	vmul.u32 $0x11, v9;
	v8 =	vld [tilespmem:s15+$0x0]  }
0x53: {  	s10 =	sand.u32 $0xC00, s19;
	s25 =	simm.s32 $0x30;
	s24 =	sand.u32 $0x1000, s21;
	v5 =	vsub.f32 v5, v7  }
0x54: {  	s4 =	simm.s32 $0x100;
	s26 =	sand.u32 $0x380, s25;
	s6 =	sor.u32 s10, s24;
	v9 =	vadd.s32 v1, v9;
	v7 =	vld [tilespmem:s15+$0x8000]  }
0x55: {  	s25 =	sand.u32 $0x40, s21;
	s5 =	sand.u32 $0x3F00, s4;
	s24 =	sor.u32 s26, s6;
	vm4 =	vgt.f32 v11, $5.000000000e-01;
	v5 =	vand.u32 $0x7FFFFFFF, v5  }
0x56: {  	s21 =	sor.u32 $0xC000, s5;
	s6 =	sor.u32 s25, s24;
	v5 =	vnsel vm4, $0x7149F2CA, v5  }
0x57: {  	s19 =	simm.s32 $0x100;
	s7 =	sor.u32 s23, s21;
	v10 =	vld [tilespmem:s6+$0x4000];
	v6 =	vsub.f32 v8, v6;
	v8 =	vshrl.u32 v5, $0x15  }
0x58: {  	s5 =	sand.u32 $0x1000, s19;
	s10 =	sor.u32 $0x10, s23;
	[tilespmem:s7+$0x0] =	vst v4;
	v11 =	vld [tilespmem:s6+$0x0];
	v8 =	vmul.u32 $0x11, v8  }
0x59: {  	s8 =	sor.u32 s10, s22;
	s14 =	simm.s32 $0x800;
	s15 =	sor.u32 $0x30, s2;
	[tilespmem:v9+s16+$0x0] =	vst.idx.add.s32.msk $0xffff, v2;
	vm5 =	vgt.f32 v7, $5.000000000e-01;
	v6 =	vand.u32 $0x7FFFFFFF, v6  }
0x5a: {  	s2 =	sand.u32 $0xC00, s14;
	s4 =	sor.u32 s15, s0;
	s0 =	simm.s32 $0x40;
	v7 =	vld [tilespmem:s6+$0x8000];
	v4 =	vadd.s32 v1, v8;
	v6 =	vnsel vm5, $0x7149F2CA, v6  }
0x5b: {  	s2 =	sor.u32 s2, s5;
	s26 =	sand.u32 $0x380, s0;
	v9 =	vld [tilespmem:s8+$0x0];
	v8 =	vshrl.u32 v6, $0x15  }
0x5c: {  	s29 =	sand.u32 $0x40, s19;
	s28 =	sor.u32 s26, s2;
	v12 =	vld [tilespmem:s8+$0x4000];
	v8 =	vmul.u32 $0x11, v8  }
0x5d: {  	vm0 =	vmmov vm0;
	s13 =	sor.u32 s13, s20;
	s2 =	sor.u32 s29, s28;
	v13 =	vld [tilespmem:s8+$0x8000]  }
0x5e: {  	vm6 =	vmmov vm0;
	[tilespmem:s13+$0x0] =	vst v5;
	s13 =	sor.u32 $0x20, s30;
	v10 =	vsub.f32 v11, v10;
	v61 =	vld [tilespmem:s2+$0x4000];
	v5 =	vadd.s32 v1, v8  }
0x5f: {  	vm6 =	vmmov vm6;
	s11 =	sor.u32 s13, s31;
	[tilespmem:v4+s16+$0x0] =	vst.idx.add.s32.msk $0xffff, v2  }
0x60: {  	vm1 =	vmmov vm1;
	vm0 =	vgt.f32 v7, $5.000000000e-01;
	v4 =	vand.u32 $0x7FFFFFFF, v10;
	v8 =	vld [tilespmem:s11+$0x4000]  }
0x61: {  	vm8 =	vmmov vm3;
	vm7 =	vmmov vm2;
	s3 =	sor.u32 s3, s1;
	v7 =	vld [tilespmem:s11+$0x0];
	v4 =	vnsel vm0, $0x7149F2CA, v4  }
0x62: {  	vm2 =	vmmov vm1;
	[tilespmem:s3+$0x0] =	vst v6;
	v9 =	vsub.f32 v9, v12;
	v10 =	vld [tilespmem:s11+$0x8000];
	v11 =	vshrl.u32 v4, $0x15  }
0x63: {  	vm3 =	vmmov vm2;
	v6 =	vsel vm6, $0x1, v0;
	[tilespmem:v5+s16+$0x0] =	vst.idx.add.s32.msk $0xffff, v2;
	v5 =	vmul.u32 $0x11, v11  }
0x64: {  	v3 =	vadd.s32 v6, v3;
	vm1 =	vgt.f32 v13, $5.000000000e-01;
	v6 =	vand.u32 $0x7FFFFFFF, v9;
	v9 =	vld [tilespmem:s4+$0x0]  }
0x65: {  	vm2 =	vmmov vm8;
	s3 =	simm.s32 $0x180;
	v6 =	vnsel vm1, $0x7149F2CA, v6;
	v11 =	vld [tilespmem:s4+$0x4000];
	v5 =	vadd.s32 v1, v5  }
0x66: {  	vm2 =	vmmov vm2;
	v14 =	vld [tilespmem:s2+$0x0];
	s7 =	sand.u32 $0x3F00, s3;
	v7 =	vsub.f32 v7, v8;
	v8 =	vshrl.u32 v6, $0x15  }
0x67: {  	vm4 =	vmmov vm4;
	vm6 =	vmmov vm7;
	s26 =	sor.u32 $0xC000, s7;
	v60 =	vld [tilespmem:s4+$0x8000];
	v8 =	vmul.u32 $0x11, v8  }
0x68: {  	vm7 =	vmmov vm5;
	s6 =	sor.u32 s25, s26;
	vm5 =	vgt.f32 v10, $5.000000000e-01;
	v7 =	vand.u32 $0x7FFFFFFF, v7  }
0x69: {  	v16 =	vsel vm7, $0x1, v0;
	s7 =	sor.u32 $0x10, s25;
	[tilespmem:s6+$0x0] =	vst v4;
	v10 =	vld [tilespmem:s2+$0x8000];
	v4 =	vadd.s32 v1, v8;
	v7 =	vnsel vm5, $0x7149F2CA, v7  }
0x6a: {  	s8 =	sor.u32 s7, s24;
	v8 =	vsel vm6, $0x1, v0;
	v15 =	vshrl.u32 v7, $0x15;
	v9 =	vsub.f32 v9, v11;
	[tilespmem:v5+s16+$0x0] =	vst.idx.add.s32.msk $0xffff, v2  }
0x6b: {  	v13 =	vsub.f32 v14, v61;
	v3 =	vadd.s32 v8, v3;
	v11 =	vmul.u32 $0x11, v15;
	v5 =	vld [tilespmem:s8+$0x8000]  }
0x6c: {  	s10 =	sor.u32 s10, s21;
	vm6 =	vgt.f32 v60, $5.000000000e-01;
	v3 =	vadd.s32 v16, v3;
	v62 =	vld [tilespmem:s8+$0x0];
	v8 =	vand.u32 $0x7FFFFFFF, v9  }
0x6d: {  	[tilespmem:s10+$0x0] =	vst v6;
	s2 =	sor.u32 $0x20, s23;
	v9 =	vsel vm6, $0x1, v0;
	v63 =	vld [tilespmem:s8+$0x4000];
	v15 =	vadd.s32 v1, v11;
	v11 =	vnsel vm6, $0x7149F2CA, v8  }
0x6e: {  	s11 =	sor.u32 s2, s22;
	v3 =	vadd.s32 v9, v3;
	[tilespmem:v4+s16+$0x0] =	vst.idx.add.s32.msk $0xffff, v2;
	v4 =	vsel vm3, $0x1, v0;
	v8 =	vshrl.u32 v11, $0x15  }
0x6f: {  	vm4 =	vmmov vm4;
	s14 =	sor.u32 s13, s20;
	v6 =	vld [tilespmem:s11+$0x4000];
	v3 =	vadd.s32 v4, v3;
	v4 =	vmul.u32 $0x11, v8  }
0x70: {  	s19 =	sor.u32 s15, s1;
	s30 =	sor.u32 $0x30, s30;
	vm1 =	vmmov vm1;
	[tilespmem:s14+$0x0] =	vst v7;
	v9 =	vand.u32 $0x7FFFFFFF, v13;
	vm3 =	vgt.f32 v10, $5.000000000e-01;
	v8 =	vld [tilespmem:s11+$0x0]  }
0x71: {  	s15 =	simm.s32 $0xA00;
	s13 =	sor.u32 $0x10, s29;
	s31 =	sor.u32 s30, s31;
	vm0 =	vmmov vm0;
	[tilespmem:s19+$0x0] =	vst v11;
	v9 =	vnsel vm3, $0x7149F2CA, v9;
	v7 =	vld [tilespmem:s11+$0x8000];
	v4 =	vadd.s32 v1, v4  }
0x72: {  	s1 =	sor.u32 s7, s26;
	s10 =	simm.s32 $0x140;
	vm5 =	vmmov vm5;
	s14 =	simm.s32 $0x10;
	v11 =	vshrl.u32 v9, $0x15;
	v10 =	vsub.f32 v62, v63;
	[tilespmem:v15+s16+$0x0] =	vst.idx.add.s32.msk $0xffff, v2  }
.LBB2_4:
0x73: {  	s6 =	sand.u32 $0x1000, s10;
	s7 =	sand.u32 $0xC00, s15;
	v11 =	vmul.u32 $0x11, v11;
	s0 =	sadd.s32 $0x10, s0;
	v12 =	vld [tilespmem:s31+$0x8000];
	vm6 =	vmmov vm0;
	vm0 =	vmmov vm3  }
0x74: {  	vm7 =	vgt.f32 v5, $5.000000000e-01;
	s3 =	sadd.s32 $0x80, s3;
	s6 =	sor.u32 s7, s6;
	s7 =	sand.u32 $0x380, s0;
	v5 =	vand.u32 $0x7FFFFFFF, v10;
	v10 =	vld [tilespmem:s31+$0x0]  }
0x75: {  	s11 =	sand.u32 $0x40, s10;
	s14 =	sadd.s32 $0x4, s14;
	s7 =	sor.u32 s7, s6;
	v11 =	vadd.s32 v1, v11;
	v13 =	vnsel vm7, $0x7149F2CA, v5;
	v5 =	vsub.f32 v8, v6;
	v6 =	vld [tilespmem:s31+$0x4000]  }
0x76: {  	s5 =	sor.u32 $0x10, s11;
	s31 =	sand.u32 $0x3F00, s3;
	s6 =	sor.u32 s11, s7;
	v8 =	vshrl.u32 v13, $0x15;
	[tilespmem:v4+s16+$0x0] =	vst.idx.add.s32.msk $0xffff, v2  }
0x77: {  	p0 =	slt.u32 s14, $0x1FC;
	s4 =	sor.u32 $0xC000, s31;
	s31 =	smov.u32 s29;
	v4 =	vld [tilespmem:s6+$0x4000];
	v8 =	vmul.u32 $0x11, v8;
	v5 =	vand.u32 $0x7FFFFFFF, v5  }
0x78: {  	vm8 =	vgt.f32 v7, $5.000000000e-01;
	s29 =	smov.u32 s11;
	s8 =	sor.u32 s31, s4;
	s19 =	sor.u32 s13, s4;
	v14 =	vld [tilespmem:s6+$0x0]  }
0x79: {  	v15 =	vsel vm4, $0x1, v0;
	v7 =	vld [tilespmem:s6+$0x8000];
	[tilespmem:s8+$0x0] =	vst v9;
	v8 =	vadd.s32 v1, v8;
	v9 =	vnsel vm8, $0x7149F2CA, v5;
	s6 =	smov.u32 s22;
	s22 =	smov.u32 s24;
	s24 =	smov.u32 s28  }
0x7a: {  	s2 =	sor.u32 s2, s21;
	v16 =	vsel vm5, $0x1, v0;
	s28 =	smov.u32 s7;
	[tilespmem:v11+s16+$0x0] =	vst.idx.add.s32.msk $0xffff, v2;
	s8 =	sor.u32 s13, s24;
	v11 =	vshrl.u32 v9, $0x15;
	v6 =	vsub.f32 v10, v6  }
0x7b: {  	v3 =	vadd.s32 v15, v3;
	vm3 =	vgt.f32 v12, $5.000000000e-01;
	s13 =	smov.u32 s5;
	v5 =	vld [tilespmem:s8+$0x8000];
	[tilespmem:s2+$0x0] =	vst v9;
	v9 =	vmul.u32 $0x11, v11  }
0x7c: {  	v3 =	vadd.s32 v16, v3;
	v11 =	vsel vm3, $0x1, v0;
	v10 =	vld [tilespmem:s8+$0x0];
	v6 =	vand.u32 $0x7FFFFFFF, v6  }
0x7d: {  	s2 =	sor.u32 $0x20, s25;
	v4 =	vsub.f32 v14, v4;
	v12 =	vld [tilespmem:s8+$0x4000];
	[tilespmem:s1+$0x0] =	vst v13;
	v13 =	vadd.s32 v1, v9;
	v9 =	vnsel vm3, $0x7149F2CA, v6;
	s1 =	smov.u32 s19  }
.Ltmp1:
0x7e: {  	s7 =	sor.u32 s30, s20;
	s5 =	sor.u32 s2, s22;
	v3 =	vadd.s32 v11, v3;
	[tilespmem:v8+s16+$0x0] =	vst.idx.add.s32.msk $0xffff, v2;
	v8 =	vsel vm2, $0x1, v0;
	v14 =	vshrl.u32 v9, $0x15;
	(pc) =	sbr.rel @p0 .LBB2_4-.Ltmp1, $4  }
0x7f: {  	s20 =	smov.u32 s21;
	s21 =	smov.u32 s26;
	s26 =	smov.u32 s4;
	v4 =	vand.u32 $0x7FFFFFFF, v4;
	v6 =	vld [tilespmem:s5+$0x4000];
	v3 =	vadd.s32 v8, v3;
	[tilespmem:s7+$0x0] =	vst v9;
	v11 =	vmul.u32 $0x11, v14  }
0x80: {  	vm4 =	vmmov vm1;
	vm1 =	vmmov vm7;
	vm3 =	vgt.f32 v7, $5.000000000e-01;
	v8 =	vld [tilespmem:s5+$0x0]  }
0x81: {  	vm5 =	vmmov vm8;
	s30 =	sor.u32 $0x30, s23;
	s23 =	smov.u32 s25;
	s25 =	smov.u32 s31;
	v9 =	vnsel vm3, $0x7149F2CA, v4;
	v7 =	vld [tilespmem:s5+$0x8000];
	v4 =	vadd.s32 v1, v11  }
0x82: {  	s15 =	sadd.s32 $0x200, s15;
	s10 =	sadd.s32 $0x40, s10;
	s31 =	sor.u32 s30, s6;
	vm2 =	vmmov vm6;
	v11 =	vshrl.u32 v9, $0x15;
	v10 =	vsub.f32 v10, v12;
	[tilespmem:v13+s16+$0x0] =	vst.idx.add.s32.msk $0xffff, v2  }
0x83: {  	v11 =	vmul.u32 $0x11, v11;
	_ =	sdelay $0x1  }
0x84: {  	s0 =	sadd.s32 $0x80, s3;
	v11 =	vadd.s32 v1, v11  }
0x85: {  	s0 =	sand.u32 $0x3F00, s0  }
0x86: {  	s0 =	sor.u32 $0xC000, s0  }
0x87: {  	s5 =	sor.u32 s29, s0  }
0x88: {  	[tilespmem:s5+$0x0] =	vst v9  }
0x89: {  	s6 =	sor.u32 s13, s28;
	[tilespmem:v11+s16+$0x0] =	vst.idx.add.s32.msk $0xffff, v2  }
0x8a: {  	vm7 =	vgt.f32 v5, $5.000000000e-01;
	v5 =	vand.u32 $0x7FFFFFFF, v10;
	v9 =	vld [tilespmem:s6+$0x0]  }
0x8b: {  	v5 =	vnsel vm7, $0x7149F2CA, v5;
	v11 =	vld [tilespmem:s6+$0x4000]  }
0x8c: {  	v29 =	vshrl.u32 v5, $0x15  }
0x8d: {  	v10 =	vmul.u32 $0x11, v29;
	v12 =	vld [tilespmem:s6+$0x8000];
	_ =	sdelay $0x1  }
0x8e: {  	v10 =	vadd.s32 v1, v10  }
0x8f: {  	v9 =	vsub.f32 v9, v11;
	_ =	sdelay $0x1  }
0x90: {  	vm6 =	vgt.f32 v12, $5.000000000e-01;
	v9 =	vand.u32 $0x7FFFFFFF, v9  }
0x91: {  	s7 =	sor.u32 $0x20, s25;
	[tilespmem:s1+$0x0] =	vst v5;
	v9 =	vnsel vm6, $0x7149F2CA, v9  }
0x92: {  	s8 =	sor.u32 s7, s24;
	[tilespmem:v10+s16+$0x0] =	vst.idx.add.s32.msk $0xffff, v2;
	v30 =	vshrl.u32 v9, $0x15  }
0x93: {  	v10 =	vld [tilespmem:s8+$0x4000];
	v11 =	vmul.u32 $0x11, v30  }
0x94: {  	v31 =	vld [tilespmem:s8+$0x0]  }
0x95: {  	v5 =	vadd.s32 v1, v11  }
0x96: {  	v32 =	vld [tilespmem:s8+$0x8000];
	_ =	sdelay $0x1  }
0x97: {  	s4 =	sor.u32 s13, s0  }
0x98: {  	s10 =	sor.u32 $0x20, s29;
	[tilespmem:s4+$0x0] =	vst v9;
	v10 =	vsub.f32 v31, v10  }
0x99: {  	s11 =	sor.u32 s10, s28;
	[tilespmem:v5+s16+$0x0] =	vst.idx.add.s32.msk $0xffff, v2  }
0x9a: {  	vm9 =	vgt.f32 v32, $5.000000000e-01;
	v10 =	vand.u32 $0x7FFFFFFF, v10;
	v33 =	vld [tilespmem:s11+$0x4000]  }
0x9b: {  	v6 =	vsub.f32 v8, v6;
	v38 =	vnsel vm9, $0x7149F2CA, v10;
	v34 =	vld [tilespmem:s11+$0x0]  }
0x9c: {  	v10 =	vshrl.u32 v38, $0x15  }
0x9d: {  	vm10 =	vgt.f32 v7, $5.000000000e-01;
	v10 =	vmul.u32 $0x11, v10;
	v5 =	vand.u32 $0x7FFFFFFF, v6;
	v36 =	vld [tilespmem:s11+$0x8000]  }
0x9e: {  	s13 =	sor.u32 s2, s21;
	v5 =	vnsel vm10, $0x7149F2CA, v5  }
0x9f: {  	v35 =	vshrl.u32 v5, $0x15;
	[tilespmem:s13+$0x0] =	vst v5;
	v5 =	vadd.s32 v1, v10  }
0xa0: {  	v6 =	vsub.f32 v34, v33  }
0xa1: {  	v39 =	vld [tilespmem:s31+$0x8000];
	v9 =	vmul.u32 $0x11, v35  }
0xa2: {  	v40 =	vld [tilespmem:s31+$0x0];
	s3 =	sor.u32 s7, s26;
	vm8 =	vgt.f32 v36, $5.000000000e-01;
	v6 =	vand.u32 $0x7FFFFFFF, v6  }
0xa3: {  	v41 =	vld [tilespmem:s31+$0x4000];
	s14 =	sor.u32 $0x30, s23;
	s19 =	sor.u32 $0x30, s25;
	[tilespmem:s3+$0x0] =	vst v38;
	v37 =	vadd.s32 v1, v9;
	v6 =	vnsel vm8, $0x7149F2CA, v6  }
0xa4: {  	s15 =	sor.u32 s14, s22;
	s22 =	sor.u32 s19, s24;
	[tilespmem:v5+s16+$0x0] =	vst.idx.add.s32.msk $0xffff, v2;
	v42 =	vshrl.u32 v6, $0x15  }
0xa5: {  	v45 =	vld [tilespmem:s22+$0x8000];
	v8 =	vmul.u32 $0x11, v42  }
0xa6: {  	v46 =	vld [tilespmem:s22+$0x0]  }
0xa7: {  	v47 =	vld [tilespmem:s22+$0x4000];
	v8 =	vadd.s32 v1, v8  }
0xa8: {  	[tilespmem:v37+s16+$0x0] =	vst.idx.add.s32.msk $0xffff, v2  }
0xa9: {  	v43 =	vld [tilespmem:s15+$0x8000]  }
0xaa: {  	s4 =	sor.u32 s10, s0;
	v13 =	vld [tilespmem:s15+$0x0]  }
0xab: {  	s23 =	sor.u32 $0x30, s29;
	[tilespmem:s4+$0x0] =	vst v6;
	v44 =	vld [tilespmem:s15+$0x4000]  }
0xac: {  	s24 =	sor.u32 s23, s28;
	v5 =	vsub.f32 v40, v41;
	[tilespmem:v8+s16+$0x0] =	vst.idx.add.s32.msk $0xffff, v2  }
0xad: {  	v48 =	vsel vm4, $0x1, v0;
	v14 =	vsel vm5, $0x1, v0;
	v15 =	vld [tilespmem:s24+$0x0]  }
0xae: {  	v16 =	vsel vm2, $0x1, v0;
	vm11 =	vgt.f32 v39, $5.000000000e-01;
	v5 =	vand.u32 $0x7FFFFFFF, v5;
	v51 =	vld [tilespmem:s24+$0x4000]  }
0xaf: {  	vm1 =	vmmov vm1;
	v5 =	vnsel vm11, $0x7149F2CA, v5;
	v6 =	vsub.f32 v46, v47  }
0xb0: {  	vm0 =	vmmov vm0;
	vm14 =	vmmov vm10;
	v50 =	vshrl.u32 v5, $0x15;
	v54 =	vld [tilespmem:s24+$0x8000]  }
0xb1: {  	vm15 =	vgt.f32 v45, $5.000000000e-01;
	v6 =	vand.u32 $0x7FFFFFFF, v6;
	v52 =	vsub.f32 v13, v44  }
0xb2: {  	v7 =	vmul.u32 $0x11, v50;
	vm13 =	vgt.f32 v43, $5.000000000e-01;
	v6 =	vnsel vm15, $0x7149F2CA, v6  }
0xb3: {  	v59 =	vshrl.u32 v6, $0x15;
	v8 =	vand.u32 $0x7FFFFFFF, v52;
	v57 =	vsub.f32 v15, v51  }
0xb4: {  	v7 =	vadd.s32 v1, v7;
	v10 =	vmul.u32 $0x11, v59;
	v8 =	vnsel vm13, $0x7149F2CA, v8  }
0xb5: {  	v56 =	vshrl.u32 v8, $0x15;
	vm10 =	vgt.f32 v54, $5.000000000e-01;
	v13 =	vand.u32 $0x7FFFFFFF, v57  }
0xb6: {  	[tilespmem:v4+s16+$0x0] =	vst.idx.add.s32.msk $0xffff, v2;
	s25 =	sor.u32 s30, s20;
	v3 =	vadd.s32 v48, v3;
	v11 =	vmul.u32 $0x11, v56;
	v13 =	vnsel vm10, $0x7149F2CA, v13  }
0xb7: {  	v3 =	vadd.s32 v14, v3;
	[tilespmem:s25+$0x0] =	vst v5;
	v5 =	vadd.s32 v1, v10;
	v4 =	vshrl.u32 v13, $0x15  }
0xb8: {  	s28 =	sor.u32 s19, s26;
	v49 =	vsel vm11, $0x1, v0;
	v11 =	vadd.s32 v1, v11;
	v4 =	vmul.u32 $0x11, v4  }
0xb9: {  	vm3 =	vmmov vm3;
	v53 =	vsel vm1, $0x1, v0;
	v3 =	vadd.s32 v49, v3;
	[tilespmem:s28+$0x0] =	vst v6  }
0xba: {  	vm0 =	vmmov vm0;
	s1 =	sor.u32 s14, s21;
	v3 =	vadd.s32 v16, v3;
	[tilespmem:v7+s16+$0x0] =	vst.idx.add.s32.msk $0xffff, v2;
	v4 =	vadd.s32 v1, v4  }
0xbb: {  	vm3 =	vmmov vm3;
	v55 =	vsel vm14, $0x1, v0;
	v3 =	vadd.s32 v53, v3;
	[tilespmem:s1+$0x0] =	vst v8  }
0xbc: {  	v3 =	vadd.s32 v55, v3;
	vm11 =	vmmov vm7;
	v58 =	vsel vm13, $0x1, v0;
	[tilespmem:v5+s16+$0x0] =	vst.idx.add.s32.msk $0xffff, v2  }
0xbd: {  	v60 =	vsel vm0, $0x1, v0;
	s0 =	sor.u32 s23, s0;
	vm12 =	vmmov vm11;
	v3 =	vadd.s32 v58, v3;
	[tilespmem:v11+s16+$0x0] =	vst.idx.add.s32.msk $0xffff, v2  }
0xbe: {  	p0 =	seq.s32 s18, $0x0;
	v61 =	vsel vm12, $0x1, v0;
	v3 =	vadd.s32 v60, v3;
	vm13 =	vmmov vm9;
	[tilespmem:s0+$0x0] =	vst v13  }
0xbf: {  	vm3 =	vmmov vm3;
	v62 =	vsel vm13, $0x1, v0;
	v3 =	vadd.s32 v61, v3;
	s0 =	simm.s32 @!p0 $0x3;
	[tilespmem:v4+s16+$0x0] =	vst.idx.add.s32.msk $0xffff, v2  }
0xc0: {  	vm14 =	vmmov vm6;
	v3 =	vadd.s32 v62, v3;
	v5 =	vsel vm15, $0x1, v0;
	_ =	swait.ge @!p0 [sflag:s0], $0x2000  }
0xc1: {  	v63 =	vsel vm3, $0x1, v0;
	s29 =	sshll.u32 s18, $0xE;
	vm0 =	vmmov vm14;
	v3 =	vadd.s32 v5, v3;
	s31 =	rddreg [dreg:$0x7]  }
0xc2: {  	vm15 =	vmmov vm8;
	v3 =	vadd.s32 v63, v3;
	v4 =	vsel vm0, $0x1, v0;
	s1 =	sadd.s32 s31, s29  }
0xc3: {  	v5 =	vsel vm15, $0x1, v0;
	v3 =	vadd.s32 v4, v3;
	[sflag:s0] =	ssyncset.done @!p0 $0x0;
	s30 =	rddreg [dreg:$0x6];
	s1 =	sshrl.u32 s1, $0x3  }
0xc4: {  	s2 =	simm.s32 $0x10;
	v4 =	vsel vm10, $0x1, v0;
	v3 =	vadd.s32 v5, v3;
	[sflag:s0] =	ssyncadd.s32 @!p0 $0xFFFFE000;
	s0 =	sadd.s32 s30, s1  }
0xc5: {  	s3 =	simm.s32 $0xC100;
	v3 =	vadd.s32 v4, v3;
	s1 =	simm.s32 $0xC000;
	s6 =	sadd.s32 $0x0, s0  }
.LBB2_6:
0xc6: {  	[hbm4b:s6+s9] =	stream.linear.scatter [tilespmem:s1], [sflag:$0x3], $0x80, $0x38;
	[tilespmem:$0x1E080] =	vst v63  }
0xc7: {  	s4 =	smov.u32 s2;
	s1 =	smov.u32 s3;
	p1 =	sne.s32 s2, $0x3F0  }
.Ltmp2:
0xc8: {  	s2 =	sadd.s32 $0x10, s2;
	(pc) =	sbr.rel @p1 .LBB2_6-.Ltmp2, $2  }
0xc9: {  	_ =	sdelay $0x2  }
0xca: {  	s3 =	sadd.s32 $0x100, s3;
	s6 =	sadd.s32 s4, s0  }
0xcb: {  	[hbm4b:s6+s9] =	stream.linear.scatter [tilespmem:s1], [sflag:$0x3], $0x80, $0x38;
	[tilespmem:$0x1E080] =	vst v63  }
0xcc: {  	_ =	swait.ge [sflag:s17], $0x2000  }
0xcd: {  	[sflag:s17] =	ssyncset.done $0x0  }
0xce: {  	[sflag:s17] =	ssyncadd.s32 $0xFFFFE000  }
0xcf: {  	_ =	swait.ge [sflag:s17], $0x2000  }
0xd0: {  	[sflag:s17] =	ssyncset.done $0x0  }
0xd1: {  	[sflag:s17] =	ssyncadd.s32 $0xFFFFE000  }
0xd2: {  	_ =	swait.ge [sflag:s17], $0x2000  }
0xd3: {  	p1 =	seq.s32 s18, $0x1F;
	[sflag:s17] =	ssyncset.done $0x0  }
0xd4: {  	s0 =	sshll.u32 @!p1 s18, $0xB;
	s1 =	rddreg [dreg:$0xa];
	[sflag:s17] =	ssyncadd.s32 $0xFFFFE000  }
0xd5: {  	s23 =	simm.s32 $0x0;
	s0 =	sadd.s32 @!p1 s0, s1;
	s11 =	rddreg [dreg:$0x0]  }
0xd6: {  	s2 =	simm.s32 @!p1 $0x0;
	s14 =	rddreg [dreg:$0x1];
	s1 =	sadd.s32 @!p1 s11, s0  }
0xd7: {  	[tilespmem:s2], [sflag:$0x1] =	stream.linear.gather @!p1 [hbm4b:s1+s2], $0x2000, $0x38;
	[tilespmem:$0x1E080] =	vst v63  }
0xd8: {  	s3 =	simm.s32 @!p1 $0x4000;
	s15 =	rddreg [dreg:$0x9];
	s1 =	sadd.s32 @!p1 s14, s0  }
0xd9: {  	[tilespmem:s3], [sflag:$0x1] =	stream.linear.gather @!p1 [hbm4b:s1+s2], $0x2000, $0x38;
	[tilespmem:$0x1E080] =	vst v63  }
0xda: {  	s24 =	simm.s32 $0x0;
	s0 =	sadd.s32 @!p1 s15, s0;
	s1 =	simm.s32 @!p1 $0x8000  }
0xdb: {  	[tilespmem:s1], [sflag:$0x1] =	stream.linear.gather @!p1 [hbm4b:s0+s2], $0x2000, $0x38;
	[tilespmem:$0x1E080] =	vst v63  }
0xdc: {  	s25 =	simm.s32 $0x0;
	s26 =	sand.u32 $0xC00, s23;
	s1 =	sand.u32 $0x1000, s24  }
0xdd: {  	s2 =	sand.u32 $0x380, s25;
	s1 =	sor.u32 s26, s1  }
0xde: {  	s0 =	sand.u32 $0x40, s23;
	s1 =	sor.u32 s2, s1  }
0xdf: {  	s1 =	sor.u32 s0, s1  }
0xe0: {  	v4 =	vld [tilespmem:s1+$0x6000]  }
0xe1: {  	v5 =	vld [tilespmem:s1+$0x2000];
	_ =	sdelay $0x1  }
0xe2: {  	v6 =	vld [tilespmem:s1+$0xA000];
	_ =	sdelay $0x2  }
0xe3: {  	v4 =	vsub.f32 v5, v4;
	_ =	sdelay $0x1  }
0xe4: {  	vm0 =	vgt.f32 v6, $5.000000000e-01;
	v4 =	vand.u32 $0x7FFFFFFF, v4  }
0xe5: {  	s4 =	simm.s32 $0x200;
	v4 =	vnsel vm0, $0x7149F2CA, v4  }
0xe6: {  	s5 =	simm.s32 $0x10;
	s7 =	simm.s32 $0x40;
	s3 =	simm.s32 $0x40;
	v5 =	vshrl.u32 v4, $0x15  }
0xe7: {  	s6 =	sand.u32 $0x380, s5;
	s2 =	sand.u32 $0xC00, s4;
	s0 =	sand.u32 $0x1000, s3;
	v5 =	vmul.u32 $0x11, v5  }
0xe8: {  	p1 =	por $0x0, $0x0;
	s4 =	simm.s32 $0x1;
	s0 =	sor.u32 s2, s0  }
0xe9: {  	s3 =	sand.u32 $0x40, s7;
	s4 =	simm.s32 @!p1 $0x0;
	s0 =	sor.u32 s6, s0;
	v5 =	vadd.s32 v1, v5  }
0xea: {  	s8 =	sshll.u32 s4, $0x6;
	s20 =	sor.u32 s3, s0  }
0xeb: {  	s0 =	sadd.s32 $0x0, s8;
	v7 =	vld [tilespmem:s20+$0x2000]  }
0xec: {  	s10 =	sor.u32 $0x80, s0;
	v6 =	vld [tilespmem:s20+$0x6000]  }
0xed: {  	v8 =	vld [tilespmem:s20+$0xA000];
	[tilespmem:s10+$0xC000] =	vst v4  }
0xee: {  	[tilespmem:v5+s16+$0x0] =	vst.idx.add.s32.msk $0xffff, v2  }
0xef: {  	v4 =	vld [tilespmem:s1+$0x2010]  }
0xf0: {  	v5 =	vld [tilespmem:s1+$0x6010]  }
0xf1: {  	v6 =	vsub.f32 v7, v6  }
0xf2: {  	v7 =	vld [tilespmem:s1+$0xA010]  }
0xf3: {  	s13 =	simm.s32 $0x80;
	s19 =	simm.s32 $0x400;
	vm1 =	vgt.f32 v8, $5.000000000e-01;
	v6 =	vand.u32 $0x7FFFFFFF, v6  }
0xf4: {  	s21 =	simm.s32 $0x20;
	s2 =	sand.u32 $0x1000, s13;
	s3 =	sand.u32 $0xC00, s19;
	v6 =	vnsel vm1, $0x7149F2CA, v6  }
0xf5: {  	s22 =	sand.u32 $0x380, s21;
	s23 =	simm.s32 $0x80;
	s2 =	sor.u32 s3, s2;
	v8 =	vshrl.u32 v6, $0x15;
	v4 =	vsub.f32 v4, v5  }
0xf6: {  	s4 =	sand.u32 $0x40, s23;
	s2 =	sor.u32 s22, s2;
	v5 =	vmul.u32 $0x11, v8  }
0xf7: {  	s5 =	simm.s32 $0x1;
	p1 =	por !p1, !p1;
	s21 =	sor.u32 s4, s2;
	vm2 =	vgt.f32 v7, $5.000000000e-01;
	v4 =	vand.u32 $0x7FFFFFFF, v4  }
0xf8: {  	s5 =	simm.s32 @!p1 $0x0;
	v9 =	vld [tilespmem:s21+$0x2000];
	v5 =	vadd.s32 v1, v5;
	v4 =	vnsel vm2, $0x7149F2CA, v4  }
0xf9: {  	s24 =	sshll.u32 s5, $0x6;
	v8 =	vld [tilespmem:s21+$0x6000];
	v7 =	vshrl.u32 v4, $0x15  }
0xfa: {  	s2 =	sadd.s32 $0x80, s24;
	v7 =	vmul.u32 $0x11, v7  }
0xfb: {  	s25 =	sor.u32 $0x80, s2;
	v10 =	vld [tilespmem:s21+$0xA000]  }
0xfc: {  	[tilespmem:s25+$0xC000] =	vst v6;
	v6 =	vadd.s32 v1, v7  }
0xfd: {  	[tilespmem:v5+s16+$0x0] =	vst.idx.add.s32.msk $0xffff, v2  }
0xfe: {  	s26 =	sadd.s32 $0x10, s0;
	v8 =	vsub.f32 v9, v8;
	v5 =	vld [tilespmem:s20+$0x2010]  }
0xff: {  	s3 =	sor.u32 $0x80, s26;
	v7 =	vld [tilespmem:s20+$0x6010]  }
0x100: {  	vm4 =	vgt.f32 v10, $5.000000000e-01;
	[tilespmem:s3+$0xC000] =	vst v4;
	v4 =	vand.u32 $0x7FFFFFFF, v8;
	v11 =	vld [tilespmem:s20+$0xA010]  }
0x101: {  	v4 =	vnsel vm4, $0x7149F2CA, v4;
	[tilespmem:v6+s16+$0x0] =	vst.idx.add.s32.msk $0xffff, v2  }
0x102: {  	p1 =	por !p1, !p1;
	s6 =	simm.s32 $0x30;
	v9 =	vshrl.u32 v4, $0x15;
	v6 =	vld [tilespmem:s1+$0x6020]  }
0x103: {  	s5 =	simm.s32 $0x600;
	s7 =	sand.u32 $0x380, s6;
	s4 =	simm.s32 $0xC0;
	v9 =	vmul.u32 $0x11, v9;
	v8 =	vld [tilespmem:s1+$0x2020]  }
0x104: {  	s6 =	simm.s32 $0x1;
	s3 =	sand.u32 $0x1000, s4;
	s4 =	sand.u32 $0xC00, s5;
	v5 =	vsub.f32 v5, v7  }
0x105: {  	s8 =	simm.s32 $0xC0;
	s6 =	simm.s32 @!p1 $0x0;
	s3 =	sor.u32 s4, s3;
	v9 =	vadd.s32 v1, v9;
	v7 =	vld [tilespmem:s1+$0xA020]  }
0x106: {  	s10 =	sshll.u32 s6, $0x6;
	s5 =	sand.u32 $0x40, s8;
	s3 =	sor.u32 s7, s3;
	vm3 =	vgt.f32 v11, $5.000000000e-01;
	v5 =	vand.u32 $0x7FFFFFFF, v5  }
0x107: {  	s10 =	sadd.s32 $0x100, s10;
	s22 =	sor.u32 s5, s3;
	v5 =	vnsel vm3, $0x7149F2CA, v5  }
0x108: {  	s3 =	sor.u32 $0x80, s10;
	v10 =	vld [tilespmem:s22+$0x6000];
	v6 =	vsub.f32 v8, v6;
	v8 =	vshrl.u32 v5, $0x15  }
0x109: {  	s28 =	simm.s32 $0x800;
	s23 =	simm.s32 $0x100;
	s13 =	sadd.s32 $0x10, s2;
	[tilespmem:s3+$0xC000] =	vst v4;
	v11 =	vld [tilespmem:s22+$0x2000];
	v8 =	vmul.u32 $0x11, v8  }
0x10a: {  	s19 =	sadd.s32 $0x20, s0;
	s26 =	simm.s32 $0x40;
	s3 =	sor.u32 $0x80, s13;
	[tilespmem:v9+s16+$0x0] =	vst.idx.add.s32.msk $0xffff, v2;
	vm5 =	vgt.f32 v7, $5.000000000e-01;
	v6 =	vand.u32 $0x7FFFFFFF, v6  }
0x10b: {  	s24 =	sand.u32 $0x1000, s23;
	s25 =	sand.u32 $0xC00, s28;
	[tilespmem:s3+$0xC000] =	vst v5;
	s3 =	sor.u32 $0x80, s19;
	v7 =	vld [tilespmem:s22+$0xA000];
	v4 =	vadd.s32 v1, v8;
	v6 =	vnsel vm5, $0x7149F2CA, v6  }
0x10c: {  	s29 =	simm.s32 $0x100;
	s6 =	sand.u32 $0x380, s26;
	v9 =	vld [tilespmem:s21+$0x2010];
	v8 =	vshrl.u32 v6, $0x15;
	[tilespmem:s3+$0xC000] =	vst v6;
	s3 =	sor.u32 s25, s24  }
0x10d: {  	s7 =	sand.u32 $0x40, s29;
	v12 =	vld [tilespmem:s21+$0x6010];
	v8 =	vmul.u32 $0x11, v8;
	s3 =	sor.u32 s6, s3  }
0x10e: {  	vm0 =	vmmov vm0;
	v13 =	vld [tilespmem:s21+$0xA010];
	s23 =	sor.u32 s7, s3  }
0x10f: {  	vm6 =	vmmov vm0;
	v10 =	vsub.f32 v11, v10;
	v5 =	vadd.s32 v1, v8;
	v61 =	vld [tilespmem:s23+$0x6000]  }
0x110: {  	vm7 =	vmmov vm6;
	[tilespmem:v4+s16+$0x0] =	vst.idx.add.s32.msk $0xffff, v2  }
0x111: {  	vm1 =	vmmov vm1;
	vm0 =	vgt.f32 v7, $5.000000000e-01;
	v4 =	vand.u32 $0x7FFFFFFF, v10;
	v8 =	vld [tilespmem:s20+$0x6020]  }
0x112: {  	vm6 =	vmmov vm4;
	vm1 =	vmmov vm1;
	v7 =	vld [tilespmem:s20+$0x2020];
	v4 =	vnsel vm0, $0x7149F2CA, v4  }
0x113: {  	vm2 =	vmmov vm2;
	v9 =	vsub.f32 v9, v12;
	v14 =	vld [tilespmem:s23+$0x2000];
	v10 =	vshrl.u32 v4, $0x15  }
0x114: {  	v59 =	vsel vm2, $0x1, v0;
	vm4 =	vmmov vm3;
	[tilespmem:v5+s16+$0x0] =	vst.idx.add.s32.msk $0xffff, v2;
	v5 =	vmul.u32 $0x11, v10  }
0x115: {  	p1 =	por !p1, !p1;
	s5 =	simm.s32 $0x1;
	v63 =	vsel vm4, $0x1, v0;
	vm2 =	vgt.f32 v13, $5.000000000e-01;
	v9 =	vand.u32 $0x7FFFFFFF, v9;
	v6 =	vld [tilespmem:s20+$0xA020]  }
0x116: {  	s5 =	simm.s32 @!p1 $0x0;
	v11 =	vsel vm7, $0x1, v0;
	v9 =	vnsel vm2, $0x7149F2CA, v9;
	v10 =	vld [tilespmem:s1+$0x2030];
	v5 =	vadd.s32 v1, v5  }
0x117: {  	s8 =	sshll.u32 s5, $0x6;
	v3 =	vadd.s32 v11, v3;
	v11 =	vld [tilespmem:s1+$0x6030];
	v7 =	vsub.f32 v7, v8;
	v8 =	vshrl.u32 v9, $0x15  }
0x118: {  	vm7 =	vmmov vm1;
	vm1 =	vmmov vm6;
	s3 =	sadd.s32 $0x180, s8;
	v60 =	vld [tilespmem:s1+$0xA030];
	v8 =	vmul.u32 $0x11, v8  }
0x119: {  	v16 =	vsel vm7, $0x1, v0;
	v3 =	vadd.s32 v59, v3;
	vm5 =	vmmov vm5;
	s1 =	sor.u32 $0x80, s3  }
0x11a: {  	v15 =	vld [tilespmem:s23+$0xA000];
	vm3 =	vgt.f32 v6, $5.000000000e-01;
	[tilespmem:s1+$0xC000] =	vst v4;
	v7 =	vand.u32 $0x7FFFFFFF, v7;
	v6 =	vadd.s32 v1, v8  }
0x11b: {  	vm2 =	vmmov vm2;
	vm0 =	vmmov vm0;
	v8 =	vnsel vm3, $0x7149F2CA, v7;
	[tilespmem:v5+s16+$0x0] =	vst.idx.add.s32.msk $0xffff, v2  }
0x11c: {  	s13 =	sadd.s32 $0x10, s10;
	v13 =	vsub.f32 v14, v61;
	v4 =	vshrl.u32 v8, $0x15;
	v10 =	vsub.f32 v10, v11;
	v7 =	vld [tilespmem:s22+$0x2010]  }
0x11d: {  	s1 =	sor.u32 $0x80, s13;
	v11 =	vsel vm5, $0x1, v0;
	vm5 =	vgt.f32 v60, $5.000000000e-01;
	v4 =	vmul.u32 $0x11, v4;
	v5 =	vld [tilespmem:s22+$0xA010]  }
0x11e: {  	s19 =	sadd.s32 $0x30, s0;
	s24 =	sadd.s32 $0x20, s2;
	[tilespmem:s1+$0xC000] =	vst v9;
	v3 =	vadd.s32 v11, v3;
	v11 =	vsel vm5, $0x1, v0;
	v62 =	vand.u32 $0x7FFFFFFF, v10;
	v10 =	vld [tilespmem:s22+$0x6010]  }
0x11f: {  	s0 =	sadd.s32 $0x20, s10;
	s4 =	sor.u32 $0x80, s19;
	s26 =	sor.u32 $0x80, s24;
	v3 =	vadd.s32 v11, v3;
	v4 =	vadd.s32 v1, v4;
	v9 =	vnsel vm5, $0x7149F2CA, v62;
	[tilespmem:v6+s16+$0x0] =	vst.idx.add.s32.msk $0xffff, v2  }
0x120: {  	s25 =	sadd.s32 $0x30, s2;
	s2 =	simm.s32 $0x180;
	s24 =	sadd.s32 $0x30, s10;
	vm4 =	vgt.f32 v15, $5.000000000e-01;
	[tilespmem:s26+$0xC000] =	vst v8;
	v3 =	vadd.s32 v16, v3;
	v6 =	vshrl.u32 v9, $0x15;
	v8 =	vld [tilespmem:s21+$0x6020]  }
0x121: {  	s13 =	simm.s32 $0x10;
	s1 =	sadd.s32 $0x20, s3;
	s26 =	sadd.s32 $0x30, s3;
	v11 =	vand.u32 $0x7FFFFFFF, v13;
	[tilespmem:s4+$0xC000] =	vst v9;
	v3 =	vadd.s32 v63, v3;
	v6 =	vmul.u32 $0x11, v6;
	v9 =	vld [tilespmem:s21+$0x2020]  }
.LBB2_8:
0x122: {  	s13 =	sadd.s32 $0x4, s13  }
0x123: {  	v11 =	vnsel vm4, $0x7149F2CA, v11;
	s2 =	sadd.s32 $0x80, s2;
	v12 =	vld [tilespmem:s21+$0xA020];
	v6 =	vadd.s32 v1, v6;
	vm6 =	vmmov vm3;
	s28 =	sadd.s32 $0x200, s28;
	s4 =	sshll.u32 s13, $0x4  }
0x124: {  	vm7 =	vmmov vm1;
	s5 =	sshll.u32 s13, $0x2;
	v13 =	vshrl.u32 v11, $0x15;
	v7 =	vsub.f32 v7, v10;
	[tilespmem:v4+s16+$0x0] =	vst.idx.add.s32.msk $0xffff, v2;
	s6 =	sand.u32 $0xC00, s28;
	s4 =	sand.u32 $0x1000, s4  }
0x125: {  	p1 =	por !p1, !p1;
	vm1 =	vmmov vm0;
	vm0 =	vmmov vm4;
	v4 =	vmul.u32 $0x11, v13;
	v10 =	vld [tilespmem:s20+$0xA030];
	s5 =	sand.u32 $0x380, s5;
	s4 =	sor.u32 s6, s4  }
0x126: {  	s29 =	sadd.s32 $0x40, s29;
	vm5 =	vgt.f32 v5, $5.000000000e-01;
	v5 =	vand.u32 $0x7FFFFFFF, v7;
	v7 =	vld [tilespmem:s20+$0x2030];
	s4 =	sor.u32 s5, s4;
	s5 =	simm.s32 $0x1  }
0x127: {  	s6 =	sand.u32 $0x40, s29;
	v4 =	vadd.s32 v1, v4;
	v13 =	vnsel vm5, $0x7149F2CA, v5;
	v5 =	vsub.f32 v9, v8;
	v8 =	vld [tilespmem:s20+$0x6030];
	s5 =	simm.s32 @!p1 $0x0  }
0x128: {  	p2 =	slt.u32 s13, $0x1FC;
	s4 =	sor.u32 s6, s4;
	v9 =	vshrl.u32 v13, $0x15;
	s5 =	sshll.u32 s5, $0x6;
	[tilespmem:v6+s16+$0x0] =	vst.idx.add.s32.msk $0xffff, v2  }
0x129: {  	s20 =	smov.u32 s21;
	s21 =	smov.u32 s22;
	v9 =	vmul.u32 $0x11, v9;
	v5 =	vand.u32 $0x7FFFFFFF, v5;
	v6 =	vld [tilespmem:s4+$0x6000];
	s5 =	sadd.s32 s5, s2  }
0x12a: {  	vm3 =	vgt.f32 v12, $5.000000000e-01;
	v14 =	vld [tilespmem:s4+$0x2000];
	s6 =	sor.u32 $0x80, s5;
	s7 =	sadd.s32 $0x20, s5;
	s8 =	sadd.s32 $0x30, s5  }
0x12b: {  	s22 =	smov.u32 s23;
	s23 =	smov.u32 s4;
	v5 =	vnsel vm3, $0x7149F2CA, v5;
	v9 =	vadd.s32 v1, v9;
	v12 =	vld [tilespmem:s4+$0xA000];
	[tilespmem:s6+$0xC000] =	vst v11  }
0x12c: {  	v15 =	vsel vm7, $0x1, v0;
	s4 =	sor.u32 $0x80, s0;
	v8 =	vsub.f32 v7, v8;
	s0 =	smov.u32 s1;
	s1 =	smov.u32 s7;
	[tilespmem:v4+s16+$0x0] =	vst.idx.add.s32.msk $0xffff, v2;
	v4 =	vshrl.u32 v5, $0x15  }
0x12d: {  	vm4 =	vgt.f32 v10, $5.000000000e-01;
	s6 =	sadd.s32 $0x10, s3;
	v11 =	vsel vm6, $0x1, v0;
	s3 =	smov.u32 s5;
	v7 =	vld [tilespmem:s22+$0x2010];
	[tilespmem:s4+$0xC000] =	vst v5;
	v4 =	vmul.u32 $0x11, v4  }
.Ltmp3:
0x12e: {  	v16 =	vsel vm4, $0x1, v0;
	v3 =	vadd.s32 v11, v3;
	s4 =	sor.u32 $0x80, s6;
	v8 =	vand.u32 $0x7FFFFFFF, v8;
	v5 =	vld [tilespmem:s22+$0xA010];
	(pc) =	sbr.rel @p2 .LBB2_8-.Ltmp3, $4  }
0x12f: {  	v6 =	vsub.f32 v14, v6;
	v10 =	vld [tilespmem:s22+$0x6010];
	[tilespmem:s4+$0xC000] =	vst v13;
	v4 =	vadd.s32 v1, v4;
	v13 =	vnsel vm4, $0x7149F2CA, v8  }
0x130: {  	v3 =	vadd.s32 v16, v3;
	v14 =	vsel vm2, $0x1, v0;
	s4 =	sor.u32 $0x80, s25;
	s25 =	smov.u32 s24;
	s24 =	smov.u32 s26;
	[tilespmem:v9+s16+$0x0] =	vst.idx.add.s32.msk $0xffff, v2;
	v9 =	vshrl.u32 v13, $0x15  }
0x131: {  	v3 =	vadd.s32 v15, v3;
	s26 =	smov.u32 s8;
	v11 =	vand.u32 $0x7FFFFFFF, v6;
	v8 =	vld [tilespmem:s21+$0x6020];
	[tilespmem:s4+$0xC000] =	vst v13;
	v6 =	vmul.u32 $0x11, v9  }
0x132: {  	vm2 =	vmmov vm5;
	vm4 =	vgt.f32 v12, $5.000000000e-01;
	v3 =	vadd.s32 v14, v3;
	v9 =	vld [tilespmem:s21+$0x2020]  }
0x133: {  	v11 =	vnsel vm4, $0x7149F2CA, v11  }
0x134: {  	v12 =	vshrl.u32 v11, $0x15  }
0x135: {  	v12 =	vmul.u32 $0x11, v12  }
0x136: {  	p1 =	por !p1, !p1;
	s4 =	simm.s32 $0x1  }
0x137: {  	s4 =	simm.s32 @!p1 $0x0;
	v12 =	vadd.s32 v1, v12  }
0x138: {  	s2 =	sadd.s32 $0x80, s2;
	s4 =	sshll.u32 s4, $0x6  }
0x139: {  	s2 =	sadd.s32 s4, s2  }
0x13a: {  	s4 =	sor.u32 $0x80, s2  }
0x13b: {  	[tilespmem:s4+$0xC000] =	vst v11  }
0x13c: {  	[tilespmem:v12+s16+$0x0] =	vst.idx.add.s32.msk $0xffff, v2  }
0x13d: {  	v11 =	vld [tilespmem:s23+$0x2010]  }
0x13e: {  	v12 =	vld [tilespmem:s23+$0x6010]  }
0x13f: {  	v7 =	vsub.f32 v7, v10  }
0x140: {  	v35 =	vld [tilespmem:s23+$0xA010]  }
0x141: {  	vm6 =	vgt.f32 v5, $5.000000000e-01;
	v5 =	vand.u32 $0x7FFFFFFF, v7  }
0x142: {  	v5 =	vnsel vm6, $0x7149F2CA, v5  }
0x143: {  	v36 =	vshrl.u32 v5, $0x15;
	v11 =	vsub.f32 v11, v12  }
0x144: {  	v7 =	vmul.u32 $0x11, v36  }
0x145: {  	vm5 =	vgt.f32 v35, $5.000000000e-01;
	v37 =	vand.u32 $0x7FFFFFFF, v11  }
0x146: {  	v7 =	vadd.s32 v1, v7;
	v10 =	vnsel vm5, $0x7149F2CA, v37  }
0x147: {  	v38 =	vshrl.u32 v10, $0x15  }
0x148: {  	s3 =	sadd.s32 $0x10, s3;
	v11 =	vmul.u32 $0x11, v38  }
0x149: {  	s3 =	sor.u32 $0x80, s3  }
0x14a: {  	v39 =	vld [tilespmem:s21+$0xA020];
	[tilespmem:s3+$0xC000] =	vst v5;
	v5 =	vadd.s32 v1, v11  }
0x14b: {  	[tilespmem:v7+s16+$0x0] =	vst.idx.add.s32.msk $0xffff, v2  }
0x14c: {  	s19 =	sadd.s32 $0x10, s2;
	v7 =	vld [tilespmem:s22+$0x6020]  }
0x14d: {  	s3 =	sor.u32 $0x80, s19;
	v40 =	vld [tilespmem:s22+$0x2020]  }
0x14e: {  	v13 =	vld [tilespmem:s22+$0xA020];
	[tilespmem:s3+$0xC000] =	vst v10  }
0x14f: {  	v8 =	vsub.f32 v9, v8;
	[tilespmem:v5+s16+$0x0] =	vst.idx.add.s32.msk $0xffff, v2  }
0x150: {  	v5 =	vld [tilespmem:s23+$0x6020]  }
0x151: {  	vm9 =	vgt.f32 v39, $5.000000000e-01;
	v8 =	vand.u32 $0x7FFFFFFF, v8;
	v41 =	vld [tilespmem:s23+$0x2020]  }
0x152: {  	v8 =	vnsel vm9, $0x7149F2CA, v8  }
0x153: {  	v42 =	vshrl.u32 v8, $0x15;
	v7 =	vsub.f32 v40, v7;
	v43 =	vld [tilespmem:s23+$0xA020]  }
0x154: {  	v10 =	vmul.u32 $0x11, v42  }
0x155: {  	vm8 =	vgt.f32 v13, $5.000000000e-01;
	v7 =	vand.u32 $0x7FFFFFFF, v7  }
0x156: {  	v10 =	vadd.s32 v1, v10;
	v7 =	vnsel vm8, $0x7149F2CA, v7;
	v5 =	vsub.f32 v41, v5  }
0x157: {  	[tilespmem:v4+s16+$0x0] =	vst.idx.add.s32.msk $0xffff, v2;
	v4 =	vshrl.u32 v7, $0x15  }
0x158: {  	v44 =	vld [tilespmem:s20+$0xA030];
	v4 =	vmul.u32 $0x11, v4;
	vm7 =	vgt.f32 v43, $5.000000000e-01;
	v5 =	vand.u32 $0x7FFFFFFF, v5  }
0x159: {  	s0 =	sor.u32 $0x80, s0;
	v45 =	vld [tilespmem:s20+$0x2030];
	v5 =	vnsel vm7, $0x7149F2CA, v5  }
0x15a: {  	v46 =	vld [tilespmem:s20+$0x6030];
	[tilespmem:s0+$0xC000] =	vst v8;
	v4 =	vadd.s32 v1, v4;
	v47 =	vshrl.u32 v5, $0x15  }
0x15b: {  	[tilespmem:v10+s16+$0x0] =	vst.idx.add.s32.msk $0xffff, v2;
	v8 =	vmul.u32 $0x11, v47  }
0x15c: {  	v10 =	vld [tilespmem:s21+$0xA030]  }
0x15d: {  	s20 =	sor.u32 $0x80, s1;
	v48 =	vld [tilespmem:s21+$0x2030];
	v8 =	vadd.s32 v1, v8  }
0x15e: {  	[tilespmem:s20+$0xC000] =	vst v7;
	v49 =	vld [tilespmem:s21+$0x6030]  }
0x15f: {  	s21 =	sadd.s32 $0x20, s2;
	[tilespmem:v4+s16+$0x0] =	vst.idx.add.s32.msk $0xffff, v2  }
0x160: {  	s0 =	sor.u32 $0x80, s21;
	v4 =	vld [tilespmem:s22+$0x2030]  }
0x161: {  	[tilespmem:s0+$0xC000] =	vst v5;
	v5 =	vld [tilespmem:s22+$0x6030]  }
0x162: {  	[tilespmem:v8+s16+$0x0] =	vst.idx.add.s32.msk $0xffff, v2  }
0x163: {  	v7 =	vsub.f32 v48, v49;
	v53 =	vld [tilespmem:s23+$0x2030]  }
0x164: {  	vm3 =	vmmov vm3;
	v6 =	vadd.s32 v1, v6;
	v11 =	vsub.f32 v45, v46;
	v54 =	vld [tilespmem:s23+$0x6030]  }
0x165: {  	vm12 =	vgt.f32 v44, $5.000000000e-01;
	v51 =	vld [tilespmem:s22+$0xA030];
	vm13 =	vgt.f32 v10, $5.000000000e-01;
	v7 =	vand.u32 $0x7FFFFFFF, v7  }
0x166: {  	v11 =	vand.u32 $0x7FFFFFFF, v11;
	v7 =	vnsel vm13, $0x7149F2CA, v7;
	v4 =	vsub.f32 v4, v5;
	v5 =	vld [tilespmem:s23+$0xA030]  }
0x167: {  	vm1 =	vmmov vm1;
	v11 =	vnsel vm12, $0x7149F2CA, v11;
	v58 =	vshrl.u32 v7, $0x15  }
0x168: {  	vm10 =	vmmov vm0;
	v56 =	vshrl.u32 v11, $0x15;
	v12 =	vmul.u32 $0x11, v58  }
0x169: {  	v55 =	vsel vm1, $0x1, v0;
	v10 =	vmul.u32 $0x11, v56;
	v8 =	vsub.f32 v53, v54  }
0x16a: {  	vm1 =	vgt.f32 v51, $5.000000000e-01;
	v12 =	vadd.s32 v1, v12;
	v4 =	vand.u32 $0x7FFFFFFF, v4  }
0x16b: {  	v4 =	vnsel vm1, $0x7149F2CA, v4;
	vm0 =	vgt.f32 v5, $5.000000000e-01;
	v8 =	vand.u32 $0x7FFFFFFF, v8  }
0x16c: {  	v50 =	vsel vm3, $0x1, v0;
	v5 =	vshrl.u32 v4, $0x15;
	v8 =	vnsel vm0, $0x7149F2CA, v8  }
0x16d: {  	s24 =	sor.u32 $0x80, s24;
	[tilespmem:v6+s16+$0x0] =	vst.idx.add.s32.msk $0xffff, v2;
	v10 =	vadd.s32 v1, v10;
	v5 =	vmul.u32 $0x11, v5;
	v59 =	vshrl.u32 v8, $0x15  }
0x16e: {  	v3 =	vadd.s32 v50, v3;
	v52 =	vsel vm12, $0x1, v0;
	[tilespmem:s24+$0xC000] =	vst v7;
	v6 =	vmul.u32 $0x11, v59  }
0x16f: {  	v57 =	vsel vm2, $0x1, v0;
	v3 =	vadd.s32 v52, v3;
	[tilespmem:v12+s16+$0x0] =	vst.idx.add.s32.msk $0xffff, v2;
	s23 =	sor.u32 $0x80, s25;
	v5 =	vadd.s32 v1, v5  }
0x170: {  	vm14 =	vmmov vm9;
	v3 =	vadd.s32 v55, v3;
	s25 =	sor.u32 $0x80, s26;
	[tilespmem:s23+$0xC000] =	vst v11;
	v6 =	vadd.s32 v1, v6  }
0x171: {  	vm11 =	vmmov vm4;
	v61 =	vsel vm14, $0x1, v0;
	v3 =	vadd.s32 v57, v3;
	s26 =	sadd.s32 $0x30, s2;
	[tilespmem:s25+$0xC000] =	vst v4  }
0x172: {  	vm15 =	vmmov vm10;
	v3 =	vadd.s32 v61, v3;
	v62 =	vsel vm13, $0x1, v0;
	s28 =	sor.u32 $0x80, s26;
	[tilespmem:v10+s16+$0x0] =	vst.idx.add.s32.msk $0xffff, v2  }
0x173: {  	v60 =	vsel vm15, $0x1, v0;
	vm12 =	vmmov vm6;
	v3 =	vadd.s32 v62, v3;
	[tilespmem:s28+$0xC000] =	vst v8  }
0x174: {  	v63 =	vsel vm12, $0x1, v0;
	v3 =	vadd.s32 v60, v3;
	vm13 =	vmmov vm8;
	[tilespmem:v5+s16+$0x0] =	vst.idx.add.s32.msk $0xffff, v2  }
0x175: {  	vm2 =	vmmov vm11;
	v3 =	vadd.s32 v63, v3;
	v4 =	vsel vm13, $0x1, v0;
	[tilespmem:v6+s16+$0x0] =	vst.idx.add.s32.msk $0xffff, v2  }
0x176: {  	vm2 =	vmmov vm2;
	v3 =	vadd.s32 v4, v3;
	v5 =	vsel vm1, $0x1, v0;
	s29 =	rddreg [dreg:$0xb]  }
0x177: {  	vm14 =	vmmov vm5;
	s0 =	simm.s32 @!p0 $0x4;
	v4 =	vsel vm2, $0x1, v0;
	v3 =	vadd.s32 v5, v3;
	s1 =	sshll.u32 s29, $0xD  }
0x178: {  	vm15 =	vmmov vm7;
	v5 =	vsel vm14, $0x1, v0;
	v3 =	vadd.s32 v4, v3;
	_ =	swait.ge @!p0 [sflag:s0], $0x2000;
	s1 =	sadd.s32 s31, s1  }
0x179: {  	v4 =	vsel vm15, $0x1, v0;
	v3 =	vadd.s32 v5, v3;
	[sflag:s0] =	ssyncset.done @!p0 $0x0;
	s1 =	sshrl.u32 s1, $0x3  }
0x17a: {  	s3 =	simm.s32 $0xC180;
	v5 =	vsel vm0, $0x1, v0;
	v3 =	vadd.s32 v4, v3;
	[sflag:s0] =	ssyncadd.s32 @!p0 $0xFFFFE000;
	s0 =	sadd.s32 s30, s1  }
0x17b: {  	s2 =	simm.s32 $0x10;
	v3 =	vadd.s32 v5, v3;
	s1 =	simm.s32 $0xC080;
	s6 =	sadd.s32 $0x0, s0  }
.LBB2_10:
0x17c: {  	[hbm4b:s6+s9] =	stream.linear.scatter [tilespmem:s1], [sflag:$0x4], $0x80, $0x38;
	[tilespmem:$0x1E080] =	vst v63  }
0x17d: {  	s4 =	smov.u32 s2;
	s1 =	smov.u32 s3;
	p0 =	sne.s32 s2, $0x3F0  }
.Ltmp4:
0x17e: {  	s2 =	sadd.s32 $0x10, s2;
	(pc) =	sbr.rel @p0 .LBB2_10-.Ltmp4, $2  }
0x17f: {  	_ =	sdelay $0x2  }
0x180: {  	s3 =	sadd.s32 $0x100, s3;
	s6 =	sadd.s32 s4, s0  }
0x181: {  	s18 =	sadd.s32 $0x1, s18  }
0x182: {  	p0 =	sne.s32 s18, $0x20  }
.Ltmp5:
0x183: {  	_ = 	snop;
	(pc) =	sbr.rel @p0 .LBB2_3-.Ltmp5, $2  }
0x184: {  	_ =	sdelay $0x2  }
0x185: {  	[hbm4b:s6+s9] =	stream.linear.scatter [tilespmem:s1], [sflag:$0x4], $0x80, $0x38;
	[tilespmem:$0x1E080] =	vst v63  }
0x186: {  	s0 =	simm.s32 $0x10  }
0x187: {  	s1 =	simm.s32 $0x0;
	v0 =	vmov s0  }
0x188: {  	v1 =	vmov s1;
	v2 =	vmul.u32 $0x11, v0  }
0x189: {  	v0 =	vlaneseq.u32;
	v1 =	vmul.u32 $0x11, v1  }
0x18a: {  	s25 =	simm.s32 $0x3;
	v0 =	vmul.u32 $0x11, v0;
	v17 =	vbroadcast v2, $0x0  }
0x18b: {  	_ =	swait.ge [sflag:s25], $0x2000;
	v18 =	vbroadcast v1, $0x0  }
0x18c: {  	[sflag:s25] =	ssyncset.done $0x0;
	v7 =	vadd.s32 v0, v17  }
0x18d: {  	s26 =	simm.s32 $0x4;
	[sflag:s25] =	ssyncadd.s32 $0xFFFFE000;
	v1 =	vadd.s32 $0x1, v0;
	v8 =	vadd.s32 v0, v18  }
0x18e: {  	_ =	swait.ge [sflag:s26], $0x2000;
	v2 =	vadd.s32 $0x2, v0;
	v9 =	vadd.s32 v1, v18  }
0x18f: {  	[sflag:s26] =	ssyncset.done $0x0;
	v4 =	vadd.s32 $0x3, v0;
	v10 =	vadd.s32 v2, v18  }
0x190: {  	s6 =	simm.s32 $0x10000;
	v5 =	vadd.s32 $0x4, v0;
	[sflag:s26] =	ssyncadd.s32 $0xFFFFE000;
	v11 =	vadd.s32 v4, v18  }
0x191: {  	v6 =	vadd.s32 $0x5, v0;
	v12 =	vadd.s32 v5, v18;
	v19 =	vld.idx.msk [tilespmem:v7+s6+$0x0], $0xffff  }
0x192: {  	v13 =	vadd.s32 v6, v18;
	v20 =	vld.idx.msk [tilespmem:v8+s6+$0x0], $0xffff  }
0x193: {  	v35 =	vadd.s32 v1, v17;
	v21 =	vld.idx.msk [tilespmem:v9+s6+$0x0], $0xffff  }
0x194: {  	v36 =	vadd.s32 v2, v17;
	v22 =	vld.idx.msk [tilespmem:v10+s6+$0x0], $0xffff  }
0x195: {  	v37 =	vadd.s32 v4, v17;
	v23 =	vld.idx.msk [tilespmem:v11+s6+$0x0], $0xffff  }
0x196: {  	v38 =	vadd.s32 v5, v17;
	v24 =	vld.idx.msk [tilespmem:v12+s6+$0x0], $0xffff  }
0x197: {  	v39 =	vadd.s32 v6, v17;
	v7 =	vadd.s32 $0x6, v0;
	v26 =	vld.idx.msk [tilespmem:v13+s6+$0x0], $0xffff  }
0x198: {  	v8 =	vadd.s32 $0x7, v0;
	v35 =	vld.idx.msk [tilespmem:v35+s6+$0x0], $0xffff;
	v14 =	vadd.s32 v7, v18  }
0x199: {  	v9 =	vadd.s32 $0x8, v0;
	v36 =	vld.idx.msk [tilespmem:v36+s6+$0x0], $0xffff;
	v15 =	vadd.s32 v8, v18  }
0x19a: {  	v10 =	vadd.s32 $0x9, v0;
	v37 =	vld.idx.msk [tilespmem:v37+s6+$0x0], $0xffff;
	v16 =	vadd.s32 v9, v18  }
0x19b: {  	v11 =	vadd.s32 $0xA, v0;
	v38 =	vld.idx.msk [tilespmem:v38+s6+$0x0], $0xffff;
	v25 =	vadd.s32 v10, v18  }
0x19c: {  	v12 =	vadd.s32 $0xB, v0;
	v39 =	vld.idx.msk [tilespmem:v39+s6+$0x0], $0xffff;
	v27 =	vadd.s32 v11, v18  }
0x19d: {  	v13 =	vadd.s32 $0xC, v0;
	v29 =	vadd.s32 v12, v18;
	v28 =	vld.idx.msk [tilespmem:v14+s6+$0x0], $0xffff  }
0x19e: {  	v31 =	vadd.s32 v13, v18;
	v30 =	vld.idx.msk [tilespmem:v15+s6+$0x0], $0xffff  }
0x19f: {  	v40 =	vadd.s32 v7, v17;
	v32 =	vld.idx.msk [tilespmem:v16+s6+$0x0], $0xffff  }
0x1a0: {  	v41 =	vadd.s32 v8, v17;
	v25 =	vld.idx.msk [tilespmem:v25+s6+$0x0], $0xffff  }
0x1a1: {  	v42 =	vadd.s32 v9, v17;
	v27 =	vld.idx.msk [tilespmem:v27+s6+$0x0], $0xffff  }
0x1a2: {  	v43 =	vadd.s32 v10, v17;
	v29 =	vld.idx.msk [tilespmem:v29+s6+$0x0], $0xffff  }
0x1a3: {  	s28 =	simm.s32 $0x30;
	v44 =	vadd.s32 v11, v17;
	v45 =	vadd.s32 v12, v17;
	v31 =	vld.idx.msk [tilespmem:v31+s6+$0x0], $0xffff  }
0x1a4: {  	v46 =	vadd.s32 v13, v17;
	v20 =	vadd.s32 v20, v21;
	v21 =	vmov s28;
	v40 =	vld.idx.msk [tilespmem:v40+s6+$0x0], $0xffff  }
0x1a5: {  	v14 =	vadd.s32 $0xD, v0;
	v15 =	vadd.s32 $0xE, v0;
	v21 =	vmul.u32 $0x11, v21;
	v41 =	vld.idx.msk [tilespmem:v41+s6+$0x0], $0xffff  }
0x1a6: {  	v16 =	vadd.s32 $0xF, v0;
	v20 =	vadd.s32 v22, v20;
	v42 =	vld.idx.msk [tilespmem:v42+s6+$0x0], $0xffff;
	v33 =	vadd.s32 v14, v18  }
0x1a7: {  	s29 =	simm.s32 $0x20;
	v34 =	vadd.s32 v15, v18;
	v20 =	vadd.s32 v23, v20;
	v48 =	vbroadcast v21, $0x0;
	v21 =	vld.idx.msk [tilespmem:v43+s6+$0x0], $0xffff  }
0x1a8: {  	v22 =	vmov s29;
	v18 =	vadd.s32 v16, v18;
	v20 =	vadd.s32 v24, v20;
	v24 =	vld.idx.msk [tilespmem:v44+s6+$0x0], $0xffff  }
0x1a9: {  	v47 =	vadd.s32 v14, v17;
	v22 =	vmul.u32 $0x11, v22;
	v43 =	vld.idx.msk [tilespmem:v46+s6+$0x0], $0xffff;
	v20 =	vadd.s32 v26, v20  }
0x1aa: {  	v23 =	vadd.s32 v15, v17;
	v20 =	vadd.s32 v28, v20;
	v28 =	vld.idx.msk [tilespmem:v45+s6+$0x0], $0xffff  }
0x1ab: {  	v17 =	vadd.s32 v16, v17;
	v22 =	vbroadcast v22, $0x0;
	v33 =	vld.idx.msk [tilespmem:v33+s6+$0x0], $0xffff  }
0x1ac: {  	v26 =	vadd.s32 v0, v48;
	v34 =	vld.idx.msk [tilespmem:v34+s6+$0x0], $0xffff  }
0x1ad: {  	v50 =	vadd.s32 v7, v22;
	v18 =	vld.idx.msk [tilespmem:v18+s6+$0x0], $0xffff;
	v20 =	vadd.s32 v30, v20  }
0x1ae: {  	v30 =	vadd.s32 v0, v22;
	v62 =	vld.idx.msk [tilespmem:v47+s6+$0x0], $0xffff;
	v20 =	vadd.s32 v32, v20  }
0x1af: {  	v61 =	vadd.s32 v1, v22;
	v63 =	vld.idx.msk [tilespmem:v23+s6+$0x0], $0xffff;
	v20 =	vadd.s32 v25, v20  }
0x1b0: {  	v25 =	vadd.s32 v2, v22;
	v20 =	vadd.s32 v27, v20;
	v27 =	vld.idx.msk [tilespmem:v17+s6+$0x0], $0xffff  }
0x1b1: {  	v23 =	vadd.s32 v4, v22;
	v17 =	vld.idx.msk [tilespmem:v26+s6+$0x0], $0xffff  }
0x1b2: {  	v20 =	vadd.s32 v29, v20;
	v29 =	vadd.s32 v5, v22;
	v32 =	vld.idx.msk [tilespmem:v50+s6+$0x0], $0xffff  }
0x1b3: {  	v19 =	vadd.s32 v19, v35;
	v20 =	vadd.s32 v31, v20;
	v26 =	vld.idx.msk [tilespmem:v30+s6+$0x0], $0xffff;
	v30 =	vadd.s32 v6, v22  }
0x1b4: {  	v19 =	vadd.s32 v36, v19;
	v53 =	vadd.s32 v11, v22;
	v31 =	vld.idx.msk [tilespmem:v61+s6+$0x0], $0xffff;
	v20 =	vadd.s32 v33, v20  }
0x1b5: {  	v52 =	vadd.s32 v1, v48;
	v51 =	vadd.s32 v8, v22;
	v20 =	vadd.s32 v34, v20;
	v25 =	vld.idx.msk [tilespmem:v25+s6+$0x0], $0xffff  }
0x1b6: {  	s7 =	simm.s32 $0x18810;
	v54 =	vadd.s32 v2, v48;
	v18 =	vadd.s32 v18, v20;
	v20 =	vld.idx.msk [tilespmem:v23+s6+$0x0], $0xffff;
	v23 =	vadd.s32 v9, v22  }
0x1b7: {  	[tilespmem:s7+$0xFFFFFFF0] =	vst v18;
	v18 =	vadd.s32 v37, v19;
	v19 =	vld.idx.msk [tilespmem:v29+s6+$0x0], $0xffff;
	v29 =	vadd.s32 v10, v22  }
0x1b8: {  	v55 =	vadd.s32 v4, v48;
	v57 =	vadd.s32 v5, v48;
	v58 =	vadd.s32 v13, v22;
	v30 =	vld.idx.msk [tilespmem:v30+s6+$0x0], $0xffff  }
0x1b9: {  	v56 =	vadd.s32 v12, v22;
	v35 =	vld.idx.msk [tilespmem:v53+s6+$0x0], $0xffff;
	v18 =	vadd.s32 v38, v18;
	v26 =	vadd.s32 v26, v31  }
0x1ba: {  	v49 =	vadd.s32 v14, v22;
	v31 =	vld.idx.msk [tilespmem:v51+s6+$0x0], $0xffff;
	v18 =	vadd.s32 v39, v18;
	v25 =	vadd.s32 v25, v26  }
0x1bb: {  	v59 =	vadd.s32 v6, v48;
	v18 =	vadd.s32 v40, v18;
	v26 =	vld.idx.msk [tilespmem:v23+s6+$0x0], $0xffff;
	v20 =	vadd.s32 v20, v25  }
0x1bc: {  	v23 =	vadd.s32 v7, v48;
	v25 =	vld.idx.msk [tilespmem:v29+s6+$0x0], $0xffff;
	v29 =	vadd.s32 v15, v22;
	v19 =	vadd.s32 v19, v20  }
0x1bd: {  	v60 =	vld.idx.msk [tilespmem:v58+s6+$0x0], $0xffff;
	v18 =	vadd.s32 v41, v18;
	v22 =	vadd.s32 v16, v22;
	v19 =	vadd.s32 v30, v19  }
0x1be: {  	v38 =	vld.idx.msk [tilespmem:v56+s6+$0x0], $0xffff;
	v20 =	vadd.s32 v8, v48;
	v30 =	vadd.s32 v42, v18;
	v19 =	vadd.s32 v32, v19  }
0x1bf: {  	v61 =	vld.idx.msk [tilespmem:v49+s6+$0x0], $0xffff;
	v18 =	vadd.s32 v9, v48;
	v30 =	vadd.s32 v21, v30;
	v19 =	vadd.s32 v31, v19  }
0x1c0: {  	v33 =	vld.idx.msk [tilespmem:v57+s6+$0x0], $0xffff;
	v21 =	vadd.s32 v10, v48;
	v24 =	vadd.s32 v24, v30;
	v26 =	vadd.s32 v26, v19  }
0x1c1: {  	v19 =	vadd.s32 v11, v48;
	v24 =	vadd.s32 v28, v24;
	v29 =	vld.idx.msk [tilespmem:v29+s6+$0x0], $0xffff;
	v25 =	vadd.s32 v25, v26  }
0x1c2: {  	v28 =	vld.idx.msk [tilespmem:v22+s6+$0x0], $0xffff;
	v22 =	vadd.s32 v12, v48;
	v26 =	vadd.s32 v43, v24;
	v25 =	vadd.s32 v35, v25  }
0x1c3: {  	v30 =	vld.idx.msk [tilespmem:v52+s6+$0x0], $0xffff;
	v24 =	vadd.s32 v13, v48;
	v26 =	vadd.s32 v62, v26;
	v62 =	vadd.s32 v38, v25  }
0x1c4: {  	v31 =	vld.idx.msk [tilespmem:v54+s6+$0x0], $0xffff;
	v25 =	vadd.s32 v14, v48;
	v63 =	vadd.s32 v63, v26;
	v34 =	vadd.s32 v60, v62  }
0x1c5: {  	v32 =	vld.idx.msk [tilespmem:v55+s6+$0x0], $0xffff;
	v26 =	vadd.s32 v15, v48;
	v35 =	vadd.s32 v27, v63;
	v34 =	vadd.s32 v61, v34  }
0x1c6: {  	s0 =	simm.s32 $0x2;
	s1 =	simm.s32 $0x50;
	v27 =	vadd.s32 v16, v48;
	[tilespmem:s7+$0x0] =	vst v35;
	v34 =	vadd.s32 v29, v34;
	v29 =	vld.idx.msk [tilespmem:v59+s6+$0x0], $0xffff  }
.LBB2_13:
0x1c7: {  	s2 =	sadd.s32 $0xFFFFFFF0, s1;
	v35 =	vmov s1;
	v28 =	vadd.s32 v28, v34;
	v34 =	vld.idx.msk [tilespmem:v23+s6+$0x0], $0xffff;
	s7 =	sadd.s32 $0x20, s7  }
0x1c8: {  	s0 =	sadd.s32 $0x2, s0;
	v17 =	vadd.s32 v17, v30;
	v23 =	vmov s2;
	v35 =	vmul.u32 $0x11, v35;
	[tilespmem:s7+$0xFFFFFFF0] =	vst v28;
	v28 =	vld.idx.msk [tilespmem:v20+s6+$0x0], $0xffff  }
0x1c9: {  	p0 =	slt.u32 s0, $0x7E;
	v17 =	vadd.s32 v31, v17;
	v20 =	vmul.u32 $0x11, v23;
	v30 =	vld.idx.msk [tilespmem:v18+s6+$0x0], $0xffff  }
0x1ca: {  	v17 =	vadd.s32 v32, v17;
	v31 =	vbroadcast v35, $0x0;
	v32 =	vld.idx.msk [tilespmem:v21+s6+$0x0], $0xffff  }
0x1cb: {  	v33 =	vadd.s32 v33, v17;
	v35 =	vbroadcast v20, $0x0;
	v36 =	vld.idx.msk [tilespmem:v19+s6+$0x0], $0xffff  }
0x1cc: {  	v17 =	vadd.s32 v0, v31;
	v37 =	vadd.s32 v1, v31;
	v38 =	vadd.s32 v2, v31;
	v39 =	vld.idx.msk [tilespmem:v22+s6+$0x0], $0xffff  }
0x1cd: {  	v41 =	vadd.s32 v4, v31;
	v42 =	vadd.s32 v5, v31;
	v40 =	vadd.s32 v0, v35;
	v43 =	vld.idx.msk [tilespmem:v24+s6+$0x0], $0xffff  }
0x1ce: {  	v45 =	vadd.s32 v6, v31;
	v23 =	vadd.s32 v7, v31;
	v44 =	vadd.s32 v1, v35;
	v46 =	vld.idx.msk [tilespmem:v25+s6+$0x0], $0xffff  }
0x1cf: {  	v20 =	vadd.s32 v8, v31;
	v18 =	vadd.s32 v9, v31;
	v47 =	vadd.s32 v2, v35;
	v48 =	vld.idx.msk [tilespmem:v26+s6+$0x0], $0xffff  }
0x1d0: {  	v21 =	vadd.s32 v10, v31;
	v19 =	vadd.s32 v11, v31;
	v49 =	vadd.s32 v4, v35;
	v50 =	vld.idx.msk [tilespmem:v27+s6+$0x0], $0xffff  }
0x1d1: {  	v22 =	vadd.s32 v12, v31;
	v51 =	vadd.s32 v5, v35;
	v25 =	vadd.s32 v29, v33;
	v17 =	vld.idx.msk [tilespmem:v17+s6+$0x0], $0xffff  }
0x1d2: {  	v24 =	vadd.s32 v13, v31;
	v33 =	vadd.s32 v6, v35;
	v26 =	vadd.s32 v34, v25;
	v29 =	vld.idx.msk [tilespmem:v40+s6+$0x0], $0xffff  }
0x1d3: {  	v25 =	vadd.s32 v14, v31;
	v27 =	vadd.s32 v28, v26;
	v40 =	vadd.s32 v7, v35;
	v34 =	vld.idx.msk [tilespmem:v44+s6+$0x0], $0xffff  }
0x1d4: {  	v26 =	vadd.s32 v15, v31;
	v30 =	vadd.s32 v30, v27;
	v44 =	vadd.s32 v8, v35;
	v28 =	vld.idx.msk [tilespmem:v47+s6+$0x0], $0xffff  }
0x1d5: {  	v27 =	vadd.s32 v16, v31;
	v30 =	vadd.s32 v32, v30;
	v47 =	vld.idx.msk [tilespmem:v49+s6+$0x0], $0xffff;
	v49 =	vadd.s32 v9, v35  }
0x1d6: {  	v32 =	vadd.s32 v10, v35;
	v30 =	vadd.s32 v36, v30;
	v31 =	vld.idx.msk [tilespmem:v51+s6+$0x0], $0xffff  }
0x1d7: {  	v36 =	vadd.s32 v11, v35;
	v30 =	vadd.s32 v39, v30;
	v33 =	vld.idx.msk [tilespmem:v33+s6+$0x0], $0xffff  }
0x1d8: {  	v30 =	vadd.s32 v43, v30;
	v39 =	vld.idx.msk [tilespmem:v40+s6+$0x0], $0xffff;
	v40 =	vadd.s32 v12, v35  }
0x1d9: {  	v43 =	vadd.s32 v13, v35;
	v30 =	vadd.s32 v46, v30;
	v29 =	vadd.s32 v29, v34;
	v34 =	vld.idx.msk [tilespmem:v44+s6+$0x0], $0xffff  }
0x1da: {  	v30 =	vadd.s32 v48, v30;
	v28 =	vadd.s32 v28, v29;
	v44 =	vadd.s32 v14, v35;
	v29 =	vld.idx.msk [tilespmem:v49+s6+$0x0], $0xffff  }
0x1db: {  	v46 =	vadd.s32 v15, v35;
	v30 =	vadd.s32 v50, v30;
	v28 =	vadd.s32 v47, v28;
	v32 =	vld.idx.msk [tilespmem:v32+s6+$0x0], $0xffff  }
0x1dc: {  	v35 =	vadd.s32 v16, v35;
	v28 =	vadd.s32 v31, v28;
	v31 =	vld.idx.msk [tilespmem:v36+s6+$0x0], $0xffff;
	[tilespmem:s7+$0x0] =	vst v30  }
0x1dd: {  	v28 =	vadd.s32 v33, v28;
	v33 =	vld.idx.msk [tilespmem:v40+s6+$0x0], $0xffff  }
0x1de: {  	v28 =	vadd.s32 v39, v28;
	v36 =	vld.idx.msk [tilespmem:v43+s6+$0x0], $0xffff  }
0x1df: {  	v28 =	vadd.s32 v34, v28;
	v34 =	vld.idx.msk [tilespmem:v44+s6+$0x0], $0xffff  }
0x1e0: {  	v28 =	vadd.s32 v29, v28;
	v29 =	vld.idx.msk [tilespmem:v46+s6+$0x0], $0xffff  }
0x1e1: {  	v30 =	vadd.s32 v32, v28;
	v28 =	vld.idx.msk [tilespmem:v35+s6+$0x0], $0xffff  }
.Ltmp6:
0x1e2: {  	v31 =	vadd.s32 v31, v30;
	v30 =	vld.idx.msk [tilespmem:v37+s6+$0x0], $0xffff;
	(pc) =	sbr.rel @p0 .LBB2_13-.Ltmp6, $4  }
0x1e3: {  	v32 =	vadd.s32 v33, v31;
	v31 =	vld.idx.msk [tilespmem:v38+s6+$0x0], $0xffff  }
0x1e4: {  	v33 =	vadd.s32 v36, v32;
	v32 =	vld.idx.msk [tilespmem:v41+s6+$0x0], $0xffff  }
0x1e5: {  	v34 =	vadd.s32 v34, v33;
	v33 =	vld.idx.msk [tilespmem:v42+s6+$0x0], $0xffff  }
0x1e6: {  	s1 =	sadd.s32 $0x20, s1;
	v34 =	vadd.s32 v29, v34;
	v29 =	vld.idx.msk [tilespmem:v45+s6+$0x0], $0xffff  }
0x1e7: {  	_ =	sdelay $0x3  }
0x1e8: {  	v0 =	vld.idx.msk [tilespmem:v23+s6+$0x0], $0xffff;
	v1 =	vadd.s32 v17, v30  }
0x1e9: {  	v2 =	vld.idx.msk [tilespmem:v20+s6+$0x0], $0xffff;
	v1 =	vadd.s32 v31, v1  }
0x1ea: {  	v4 =	vld.idx.msk [tilespmem:v18+s6+$0x0], $0xffff;
	v1 =	vadd.s32 v32, v1  }
0x1eb: {  	v5 =	vld.idx.msk [tilespmem:v21+s6+$0x0], $0xffff;
	v1 =	vadd.s32 v33, v1  }
0x1ec: {  	v6 =	vld.idx.msk [tilespmem:v19+s6+$0x0], $0xffff;
	v1 =	vadd.s32 v29, v1  }
0x1ed: {  	v7 =	vld.idx.msk [tilespmem:v22+s6+$0x0], $0xffff;
	v0 =	vadd.s32 v0, v1  }
0x1ee: {  	(xrf0) =	vadd.scan.msk.s32 $0xffff, v3;
	v1 =	vld.idx.msk [tilespmem:v24+s6+$0x0], $0xffff;
	v0 =	vadd.s32 v2, v0  }
0x1ef: {  	v2 =	vld.idx.msk [tilespmem:v25+s6+$0x0], $0xffff;
	v0 =	vadd.s32 v4, v0  }
0x1f0: {  	v3 =	vld.idx.msk [tilespmem:v26+s6+$0x0], $0xffff;
	v0 =	vadd.s32 v5, v0  }
0x1f1: {  	v4 =	vld.idx.msk [tilespmem:v27+s6+$0x0], $0xffff;
	v0 =	vadd.s32 v6, v0  }
0x1f2: {  	v0 =	vadd.s32 v7, v0  }
0x1f3: {  	v0 =	vadd.s32 v1, v0  }
0x1f4: {  	s22 =	stileid.u32;
	v1, _, _ =	vpop (xrf0);
	v0 =	vadd.s32 v2, v0  }
0x1f5: {  	s1 =	sadd.s32 $0x20, s7;
	s21 =	rddreg [dreg:$0x4];
	s0 =	sshll.u32 s22, $0xB;
	v2 =	vadd.s32 v28, v34;
	v1 =	vbroadcast v1, $0xF;
	v0 =	vadd.s32 v3, v0  }
0x1f6: {  	vm0 =	vmmov $0x1;
	s14 =	simm.s32 $0x80;
	s2 =	sshll.u32 s22, $0x7;
	s0 =	sand.u32 $0x4000, s0;
	[tilespmem:s1+$0xFFFFFFF0] =	vst v2;
	v0 =	vadd.s32 v4, v0  }
0x1f7: {  	s15 =	simm.s32 $0x400;
	s2 =	sand.u32 $0x380, s2;
	s0 =	sadd.s32 s0, s21;
	[tilespmem:s1+$0x0] =	vst v0;
	v0 =	vnsel vm0, $0x0, v1  }
0x1f8: {  	s16 =	simm.s32 $0x18800;
	s17 =	simm.s32 $0x5;
	s6 =	sadd.s32 s2, s0;
	[tilespmem:$0x18C00] =	vst v0  }
0x1f9: {  	[spmem:s6] =	stream.strided.scatter [tilespmem:s16], [sflag:$0x5], $0x800, s15, s14, $0x38;
	[tilespmem:$0x1E080] =	vst v63  }
0x1fa: {  	_ =	swait.ge [sflag:s17], $0x800  }
0x1fb: {  	[sflag:s17] =	ssyncset.done $0x0  }
0x1fc: {  	[sflag:s17] =	ssyncadd.s32 $0xFFFFF800  }
0x1fd: {  	s18 =	simm.s32 $0x19000;
	s19 =	simm.s32 $0x0;
	[bflag:$0x0] =	sbarrier.arrive $0xFFFF  }
0x1fe: {  	[tilespmem:s18], [sflag:$0x5] =	stream.linear.gather [spmem:s21], $0x4000, $0x38;
	[tilespmem:$0x1E080] =	vst v63  }
0x1ff: {  	s20 =	sand.u32 $0x60, s19;
	s3 =	sand.u32 $0x3C00, s19;
	_ =	swait.ge [sflag:s17], $0x4000  }
0x200: {  	s3 =	sadd.s32 $0x19000, s3;
	s4 =	sor.u32 $0x10, s20;
	[sflag:s17] =	ssyncset.done $0x0  }
0x201: {  	s23 =	sor.u32 s4, s3;
	[sflag:s17] =	ssyncadd.s32 $0xFFFFC000  }
0x202: {  	v0 =	vld [tilespmem:s23+$0x0]  }
0x203: {  	v1 =	vld [tilespmem:s23+$0x80]  }
0x204: {  	v2 =	vld [tilespmem:s23+$0x100]  }
0x205: {  	v3 =	vld [tilespmem:s23+$0x180]  }
0x206: {  	v4 =	vld [tilespmem:s23+$0x200]  }
0x207: {  	v5 =	vld [tilespmem:s23+$0x280]  }
0x208: {  	v6 =	vld [tilespmem:s23+$0x300]  }
0x209: {  	s2 =	sor.u32 s20, s3;
	v7 =	vld [tilespmem:s23+$0x380]  }
0x20a: {  	v8 =	vld [tilespmem:s2+$0x0]  }
0x20b: {  	v9 =	vld [tilespmem:s2+$0x80]  }
0x20c: {  	v10 =	vld [tilespmem:s2+$0x100]  }
0x20d: {  	v11 =	vld [tilespmem:s2+$0x180]  }
0x20e: {  	s24 =	simm.s32 $0x100;
	s25 =	simm.s32 $0x20;
	v12 =	vld [tilespmem:s2+$0x200]  }
0x20f: {  	s5 =	sand.u32 $0x60, s25;
	s0 =	sand.u32 $0x3C00, s24;
	v13 =	vld [tilespmem:s2+$0x280]  }
0x210: {  	s26 =	sor.u32 $0x10, s5;
	s0 =	sadd.s32 $0x19000, s0;
	v14 =	vld [tilespmem:s2+$0x300]  }
0x211: {  	s28 =	sor.u32 s26, s0;
	v15 =	vld [tilespmem:s2+$0x380]  }
0x212: {  	v16 =	vld [tilespmem:s28+$0x0]  }
0x213: {  	v57 =	vld [tilespmem:s28+$0x80]  }
0x214: {  	v58 =	vld [tilespmem:s28+$0x100]  }
0x215: {  	v59 =	vld [tilespmem:s28+$0x180]  }
0x216: {  	v60 =	vld [tilespmem:s28+$0x200];
	v0 =	vadd.s32 v0, v1  }
0x217: {  	v61 =	vld [tilespmem:s28+$0x280];
	v1 =	vadd.s32 v8, v9;
	v0 =	vadd.s32 v2, v0  }
0x218: {  	v62 =	vld [tilespmem:s28+$0x300];
	v1 =	vadd.s32 v10, v1;
	v2 =	vadd.s32 v16, v57;
	v0 =	vadd.s32 v3, v0  }
0x219: {  	s0 =	sor.u32 s5, s0;
	v63 =	vld [tilespmem:s28+$0x380];
	v1 =	vadd.s32 v11, v1;
	v2 =	vadd.s32 v58, v2;
	v0 =	vadd.s32 v4, v0  }
0x21a: {  	v1 =	vadd.s32 v12, v1;
	v2 =	vadd.s32 v59, v2;
	v3 =	vadd.s32 v5, v0;
	v0 =	vld [tilespmem:s0+$0x0]  }
0x21b: {  	s1 =	sand.u32 $0x780, s19;
	v4 =	vadd.s32 v13, v1;
	v1 =	vld [tilespmem:s0+$0x80];
	v5 =	vadd.s32 v60, v2;
	v3 =	vadd.s32 v6, v3  }
0x21c: {  	s29 =	sor.u32 s4, s1;
	v2 =	vld [tilespmem:s0+$0x100];
	v4 =	vadd.s32 v14, v4;
	v5 =	vadd.s32 v61, v5;
	v3 =	vadd.s32 v7, v3  }
0x21d: {  	s7 =	simm.s32 $0x40;
	s3 =	sand.u32 $0x780, s25;
	s1 =	simm.s32 $0x1D000;
	v4 =	vadd.s32 v15, v4;
	v5 =	vadd.s32 v62, v5;
	[tilespmem:s29+$0x1D000] =	vst v3;
	v3 =	vld [tilespmem:s0+$0x180]  }
0x21e: {  	s8 =	sor.u32 s26, s3;
	s3 =	simm.s32 $0x200;
	s2 =	simm.s32 $0x2;
	[tilespmem:s1+$0x0] =	vst v4;
	v4 =	vld [tilespmem:s0+$0x200];
	v5 =	vadd.s32 v63, v5  }
.LBB2_15:
0x21f: {  	s4 =	sand.u32 $0x60, s7;
	s5 =	sand.u32 $0x3C00, s3;
	v6 =	vld [tilespmem:s0+$0x280];
	[tilespmem:s8+$0x1D000] =	vst v5  }
0x220: {  	s2 =	sadd.s32 $0x2, s2;
	s5 =	sadd.s32 $0x19000, s5;
	s8 =	sor.u32 $0x10, s4;
	v0 =	vadd.s32 v0, v1;
	v1 =	vld [tilespmem:s0+$0x300]  }
0x221: {  	p0 =	slt.u32 s2, $0x7E;
	s9 =	sor.u32 s8, s5;
	v0 =	vadd.s32 v2, v0;
	v2 =	vld [tilespmem:s0+$0x380];
	s0 =	sor.u32 s4, s5  }
0x222: {  	v5 =	vld [tilespmem:s9+$0x0];
	v0 =	vadd.s32 v3, v0  }
0x223: {  	v3 =	vld [tilespmem:s9+$0x80];
	v0 =	vadd.s32 v4, v0  }
0x224: {  	v4 =	vld [tilespmem:s9+$0x100];
	v0 =	vadd.s32 v6, v0  }
0x225: {  	v6 =	vld [tilespmem:s9+$0x180];
	v0 =	vadd.s32 v1, v0  }
0x226: {  	s1 =	sadd.s32 $0x20, s1;
	v7 =	vld [tilespmem:s9+$0x200];
	v0 =	vadd.s32 v2, v0  }
0x227: {  	v8 =	vld [tilespmem:s9+$0x280];
	[tilespmem:s1+$0x0] =	vst v0  }
0x228: {  	v0 =	vadd.s32 v5, v3;
	v5 =	vld [tilespmem:s9+$0x300]  }
0x229: {  	v1 =	vadd.s32 v4, v0;
	v9 =	vld [tilespmem:s9+$0x380]  }
.Ltmp7:
0x22a: {  	v0 =	vld [tilespmem:s0+$0x0];
	v2 =	vadd.s32 v6, v1;
	(pc) =	sbr.rel @p0 .LBB2_15-.Ltmp7, $4  }
0x22b: {  	v1 =	vld [tilespmem:s0+$0x80];
	v3 =	vadd.s32 v7, v2  }
0x22c: {  	v2 =	vld [tilespmem:s0+$0x100];
	v4 =	vadd.s32 v8, v3  }
0x22d: {  	s4 =	sand.u32 $0x780, s7;
	v3 =	vld [tilespmem:s0+$0x180];
	v5 =	vadd.s32 v5, v4  }
0x22e: {  	s3 =	sadd.s32 $0x100, s3;
	s7 =	sadd.s32 $0x20, s7;
	s8 =	sor.u32 s8, s4;
	v4 =	vld [tilespmem:s0+$0x200];
	v5 =	vadd.s32 v9, v5  }
0x22f: {  	v6 =	vld [tilespmem:s0+$0x280]  }
0x230: {  	v0 =	vadd.s32 v0, v1;
	v1 =	vld [tilespmem:s0+$0x300]  }
0x231: {  	v0 =	vadd.s32 v2, v0;
	v2 =	vld [tilespmem:s0+$0x380]  }
0x232: {  	v0 =	vadd.s32 v3, v0  }
0x233: {  	v0 =	vadd.s32 v4, v0  }
0x234: {  	v0 =	vadd.s32 v6, v0  }
0x235: {  	v0 =	vadd.s32 v1, v0  }
0x236: {  	[tilespmem:s8+$0x1D000] =	vst v5;
	s10 =	sadd.s32 $0x20, s1;
	s7 =	sadd.s32 $0x4000, s21;
	v0 =	vadd.s32 v2, v0  }
0x237: {  	s11 =	simm.s32 $0x19000;
	s12 =	simm.s32 $0x5;
	s13 =	simm.s32 $0x0;
	[tilespmem:s10+$0x0] =	vst v0  }
0x238: {  	[tilespmem:s11], [sflag:$0x5] =	stream.linear.gather [spmem:s7], $0x4000, $0x38;
	[tilespmem:$0x1E080] =	vst v63  }
0x239: {  	s2 =	sand.u32 $0x60, s13;
	s3 =	sand.u32 $0x3C00, s13;
	_ =	swait.ge [sflag:s12], $0x4000  }
0x23a: {  	s3 =	sadd.s32 $0x19000, s3;
	s4 =	sor.u32 $0x10, s2;
	[sflag:s12] =	ssyncset.done $0x0  }
0x23b: {  	s14 =	sor.u32 s4, s3;
	[sflag:s12] =	ssyncadd.s32 $0xFFFFC000  }
0x23c: {  	v0 =	vld [tilespmem:s14+$0x0]  }
0x23d: {  	v1 =	vld [tilespmem:s14+$0x80]  }
0x23e: {  	v2 =	vld [tilespmem:s14+$0x100]  }
0x23f: {  	v3 =	vld [tilespmem:s14+$0x180]  }
0x240: {  	s24 =	simm.s32 $0x200;
	s25 =	simm.s32 $0x40;
	s15 =	sand.u32 $0x780, s13;
	v4 =	vld [tilespmem:s14+$0x200]  }
0x241: {  	s26 =	sand.u32 $0x60, s25;
	s28 =	sand.u32 $0x3C00, s24;
	s2 =	sor.u32 s2, s3;
	v5 =	vld [tilespmem:s14+$0x280]  }
0x242: {  	s5 =	sor.u32 $0x10, s26;
	s0 =	sor.u32 s4, s15;
	s4 =	sadd.s32 $0x19000, s28;
	v6 =	vld [tilespmem:s2+$0x0]  }
0x243: {  	s29 =	sor.u32 s5, s4;
	v7 =	vld [tilespmem:s2+$0x380]  }
0x244: {  	v60 =	vld [tilespmem:s29+$0x180]  }
0x245: {  	v61 =	vld [tilespmem:s29+$0x200]  }
0x246: {  	v62 =	vld [tilespmem:s29+$0x280]  }
0x247: {  	v0 =	vadd.s32 v0, v1;
	v1 =	vld [tilespmem:s14+$0x300]  }
0x248: {  	v0 =	vadd.s32 v2, v0;
	v2 =	vld [tilespmem:s14+$0x380]  }
0x249: {  	v14 =	vld [tilespmem:s29+$0x380];
	v0 =	vadd.s32 v3, v0  }
0x24a: {  	v3 =	vld [tilespmem:s2+$0x80];
	v0 =	vadd.s32 v4, v0  }
0x24b: {  	v4 =	vld [tilespmem:s2+$0x100];
	v0 =	vadd.s32 v5, v0  }
0x24c: {  	v5 =	vld [tilespmem:s2+$0x180];
	v0 =	vadd.s32 v1, v0  }
0x24d: {  	s16 =	simm.s32 $0x100;
	s17 =	simm.s32 $0x20;
	s0 =	sor.u32 $0x1D000, s0;
	v1 =	vld [tilespmem:s2+$0x200];
	v0 =	vadd.s32 v2, v0  }
0x24e: {  	s18 =	sand.u32 $0x60, s17;
	[tilespmem:s0+$0x0] =	vst.add.s32.msk $0xffff, v0;
	s0 =	sand.u32 $0x3C00, s16  }
0x24f: {  	s19 =	sor.u32 $0x10, s18;
	v2 =	vld [tilespmem:s2+$0x300];
	s0 =	sadd.s32 $0x19000, s0  }
0x250: {  	v0 =	vld [tilespmem:s2+$0x280];
	s20 =	sor.u32 s19, s0  }
0x251: {  	v8 =	vld [tilespmem:s20+$0x0]  }
0x252: {  	v9 =	vld [tilespmem:s20+$0x80]  }
0x253: {  	v10 =	vld [tilespmem:s20+$0x100]  }
0x254: {  	v11 =	vld [tilespmem:s20+$0x180]  }
0x255: {  	v12 =	vld [tilespmem:s20+$0x200]  }
0x256: {  	v13 =	vld [tilespmem:s20+$0x280]  }
0x257: {  	v55 =	vld [tilespmem:s20+$0x300];
	v8 =	vadd.s32 v8, v9  }
0x258: {  	s1 =	sor.u32 s26, s4;
	v3 =	vadd.s32 v6, v3;
	v56 =	vld [tilespmem:s20+$0x380];
	v8 =	vadd.s32 v10, v8  }
0x259: {  	v63 =	vld [tilespmem:s1+$0x0];
	v3 =	vadd.s32 v4, v3;
	s3 =	sor.u32 s18, s0;
	v8 =	vadd.s32 v11, v8  }
0x25a: {  	v3 =	vadd.s32 v5, v3;
	v57 =	vld [tilespmem:s3+$0x0];
	v8 =	vadd.s32 v12, v8  }
0x25b: {  	s23 =	sand.u32 $0x780, s17;
	v58 =	vld [tilespmem:s3+$0x80];
	v1 =	vadd.s32 v1, v3;
	v8 =	vadd.s32 v13, v8  }
0x25c: {  	s0 =	sor.u32 s19, s23;
	v6 =	vld [tilespmem:s3+$0x100];
	v0 =	vadd.s32 v0, v1;
	v8 =	vadd.s32 v55, v8  }
0x25d: {  	s0 =	sor.u32 $0x1D000, s0;
	v1 =	vld [tilespmem:s29+$0x80];
	v0 =	vadd.s32 v2, v0;
	v8 =	vadd.s32 v56, v8  }
0x25e: {  	v0 =	vadd.s32 v7, v0;
	[tilespmem:s0+$0x0] =	vst.add.s32.msk $0xffff, v8;
	s0 =	simm.s32 $0x1D000  }
0x25f: {  	[tilespmem:s0+$0x0] =	vst.add.s32.msk $0xffff, v0  }
0x260: {  	v0 =	vld [tilespmem:s29+$0x0]  }
0x261: {  	v2 =	vld [tilespmem:s29+$0x100]  }
0x262: {  	v4 =	vld [tilespmem:s3+$0x180]  }
0x263: {  	v5 =	vld [tilespmem:s3+$0x200]  }
0x264: {  	v3 =	vld [tilespmem:s3+$0x280]  }
0x265: {  	v0 =	vadd.s32 v0, v1;
	v1 =	vld [tilespmem:s29+$0x300]  }
0x266: {  	v59 =	vld [tilespmem:s3+$0x300];
	v0 =	vadd.s32 v2, v0  }
0x267: {  	v7 =	vld [tilespmem:s3+$0x380];
	v2 =	vadd.s32 v57, v58;
	v0 =	vadd.s32 v60, v0  }
0x268: {  	v2 =	vadd.s32 v6, v2;
	v6 =	vld [tilespmem:s1+$0x80];
	v0 =	vadd.s32 v61, v0  }
0x269: {  	s2 =	sand.u32 $0x780, s25;
	v4 =	vadd.s32 v4, v2;
	v2 =	vld [tilespmem:s1+$0x100];
	v0 =	vadd.s32 v62, v0  }
0x26a: {  	s2 =	sor.u32 s5, s2;
	v4 =	vadd.s32 v5, v4;
	v0 =	vadd.s32 v1, v0;
	v1 =	vld [tilespmem:s1+$0x180]  }
0x26b: {  	s2 =	sor.u32 $0x1D000, s2;
	v4 =	vadd.s32 v3, v4;
	v3 =	vld [tilespmem:s1+$0x200];
	v0 =	vadd.s32 v14, v0  }
0x26c: {  	v4 =	vadd.s32 v59, v4;
	[tilespmem:s2+$0x0] =	vst.add.s32.msk $0xffff, v0  }
0x26d: {  	s8 =	simm.s32 $0x60;
	s3 =	simm.s32 $0x300;
	s2 =	simm.s32 $0x4;
	v0 =	vadd.s32 v7, v4;
	v5 =	vadd.s32 v63, v6;
	v4 =	vld [tilespmem:s1+$0x280]  }
.LBB2_17:
0x26e: {  	s4 =	sand.u32 $0x60, s8;
	s5 =	sand.u32 $0x3C00, s3;
	v2 =	vadd.s32 v2, v5;
	v5 =	vld [tilespmem:s1+$0x300];
	s0 =	sadd.s32 $0x20, s0  }
0x26f: {  	s2 =	sadd.s32 $0x2, s2;
	s5 =	sadd.s32 $0x19000, s5;
	s9 =	sor.u32 $0x10, s4;
	v1 =	vadd.s32 v1, v2;
	v2 =	vld [tilespmem:s1+$0x380]  }
0x270: {  	p0 =	slt.u32 s2, $0x7E;
	s1 =	sor.u32 s4, s5;
	s4 =	sor.u32 s9, s5;
	v1 =	vadd.s32 v3, v1;
	[tilespmem:s0+$0x0] =	vst.add.s32.msk $0xffff, v0  }
0x271: {  	v3 =	vld [tilespmem:s4+$0x0]  }
0x272: {  	v6 =	vld [tilespmem:s4+$0x80];
	v0 =	vadd.s32 v4, v1  }
0x273: {  	v1 =	vld [tilespmem:s4+$0x100];
	v0 =	vadd.s32 v5, v0  }
0x274: {  	v4 =	vld [tilespmem:s4+$0x180];
	v0 =	vadd.s32 v2, v0  }
0x275: {  	v2 =	vld [tilespmem:s4+$0x200]  }
0x276: {  	v5 =	vld [tilespmem:s4+$0x280]  }
0x277: {  	v3 =	vadd.s32 v3, v6;
	v6 =	vld [tilespmem:s4+$0x300]  }
0x278: {  	v1 =	vadd.s32 v1, v3;
	v7 =	vld [tilespmem:s4+$0x380]  }
0x279: {  	v8 =	vld [tilespmem:s1+$0x0];
	v1 =	vadd.s32 v4, v1  }
0x27a: {  	v4 =	vld [tilespmem:s1+$0x80];
	v1 =	vadd.s32 v2, v1  }
.Ltmp8:
0x27b: {  	s4 =	sand.u32 $0x780, s8;
	v2 =	vld [tilespmem:s1+$0x100];
	v3 =	vadd.s32 v5, v1;
	(pc) =	sbr.rel @p0 .LBB2_17-.Ltmp8, $4  }
0x27c: {  	s4 =	sor.u32 s9, s4;
	v1 =	vld [tilespmem:s1+$0x180];
	v5 =	vadd.s32 v6, v3  }
0x27d: {  	s4 =	sor.u32 $0x1D000, s4;
	v3 =	vld [tilespmem:s1+$0x200];
	v5 =	vadd.s32 v7, v5  }
0x27e: {  	[tilespmem:s4+$0x0] =	vst.add.s32.msk $0xffff, v5  }
0x27f: {  	s3 =	sadd.s32 $0x100, s3;
	s8 =	sadd.s32 $0x20, s8;
	v5 =	vadd.s32 v8, v4;
	v4 =	vld [tilespmem:s1+$0x280]  }
0x280: {  	v6 =	vld [tilespmem:s1+$0x300]  }
0x281: {  	v2 =	vadd.s32 v2, v5;
	v63 =	vld [tilespmem:s1+$0x380]  }
0x282: {  	v1 =	vadd.s32 v1, v2  }
0x283: {  	v1 =	vadd.s32 v3, v1  }
0x284: {  	v1 =	vadd.s32 v4, v1  }
0x285: {  	s0 =	sadd.s32 $0x20, s0;
	v1 =	vadd.s32 v6, v1  }
0x286: {  	[tilespmem:s0+$0x0] =	vst.add.s32.msk $0xffff, v0;
	s0 =	sadd.s32 $0x20, s0;
	v0 =	vadd.s32 v63, v1  }
0x287: {  	[tilespmem:s0+$0x0] =	vst.add.s32.msk $0xffff, v0  }
0x288: {  	[bflag:$0x0] =	sbarrier.arrive $0xFFFF  }
0x289: {  	v0 =	vld [tilespmem:$0x1D400];
	_ =	sdelay $0x4  }
0x28a: {  	(v2sf) =	vpush v0, $0x0;
	_ =	sdelay $0xe  }
0x28b: {  	s25 =	spop (v2sf)  }
0x28c: {  	s9 =	scvt.s32.f32 s25;
	_ =	sdelay $0x1  }
0x28d: {  	s26 =	smul.f32 $8.000000110e-01, s9;
	_ =	sdelay $0x1  }
0x28e: {  	s1 =	scvt.f32.s32 s26;
	_ =	sdelay $0x1  }
0x28f: {  	s2 =	smul.u32 $0x5, s1  }
0x290: {  	s8 =	sadd.s32 $0xFFFFFFFE, s1  }
0x291: {  	s0 =	sshll.u32 s25, $0x2;
	p1 =	sgt.s32 s8, $0x0;
	s3 =	sadd.s32 $0xFFFFFFF6, s2  }
0x292: {  	p0 =	sgt.s32 s8, $0xFFFFFFFF;
	s8 =	simm.s32 @!p1 $0x0;
	p2 =	sle.s32 s3, s0  }
0x293: {  	s8 =	simm.s32 @!p2 $0x0  }
0x294: {  	s4 =	sadd.s32 $0xFFFFFFFB, s2;
	s3 =	sadd.s32 $0xFFFFFFFF, s1;
	s8 =	simm.s32 @!p0 $0x0  }
0x295: {  	p2 =	sle.s32 s4, s0;
	p1 =	sgt.s32 s8, s3  }
0x296: {  	p0 =	sgt.s32 s3, $0xFFFFFFFF;
	s4 =	smov.u32 s8;
	s3 =	smov.u32 @p1 s8  }
0x297: {  	s4 =	smov.u32 @p2 s3  }
0x298: {  	s8 =	smov.u32 @p0 s4  }
0x299: {  	s3 =	smov.u32 s1;
	p0 =	sgt.s32 s8, s1  }
0x29a: {  	p1 =	sle.s32 s2, s0;
	s4 =	smov.u32 s8;
	s3 =	smov.u32 @p0 s8  }
0x29b: {  	p0 =	sgt.s32 s1, $0xFFFFFFFF;
	s4 =	smov.u32 @p1 s3  }
0x29c: {  	s28 =	sadd.s32 $0x5, s2;
	s3 =	sadd.s32 $0x1, s1;
	s8 =	smov.u32 @p0 s4  }
0x29d: {  	p2 =	sle.s32 s28, s0;
	p1 =	sgt.s32 s8, s3  }
0x29e: {  	p0 =	sgt.s32 s3, $0xFFFFFFFF;
	s4 =	smov.u32 s8;
	s3 =	smov.u32 @p1 s8  }
0x29f: {  	s4 =	smov.u32 @p2 s3  }
0x2a0: {  	s2 =	sadd.s32 $0xA, s2;
	s1 =	sadd.s32 $0x2, s1;
	s8 =	smov.u32 @p0 s4  }
0x2a1: {  	p2 =	sle.s32 s2, s0;
	p1 =	sgt.s32 s8, s1  }
0x2a2: {  	p0 =	sgt.s32 s1, $0xFFFFFFFF;
	s0 =	smov.u32 s8;
	s1 =	smov.u32 @p1 s8  }
0x2a3: {  	s0 =	smov.u32 @p2 s1  }
0x2a4: {  	s8 =	smov.u32 @p0 s0;
	s0 =	simm.s32 $0x1D000  }
0x2a5: {  	v2 =	vld [tilespmem:s0+$0x0];
	_ =	sdelay $0x4  }
0x2a6: {  	(xrf0) =	vadd.scan.msk.s32 $0xffff, v2;
	_ =	sdelay $0x5  }
0x2a7: {  	s29 =	simm.s32 $0x0;
	v1 =	vlaneseq.u32;
	v2, _, _ =	vpop (xrf0)  }
0x2a8: {  	v1 =	vor.u32 $0x80000000, v1;
	v0 =	vmov s8;
	v2 =	vadd.s32 s29, v2  }
0x2a9: {  	v3 =	vor.u32 s29, v1;
	vm1 =	vlt.s32 v2, v0;
	v2 =	vxor.u32 $0x80000000, v2  }
0x2aa: {  	v3 =	vsel vm1, $0xC0000000, v3;
	(xrf0) =	vmax.scan.msk.u32 $0xffff, v2  }
0x2ab: {  	(xrf0) =	vmin.scan.msk.u32 $0xffff, v3;
	_ =	sdelay $0x4  }
0x2ac: {  	v2, _, _ =	vpop (xrf0)  }
0x2ad: {  	v3, _, _ =	vpop (xrf0);
	(v2sf) =	vpush v2, $0xF  }
0x2ae: {  	s2 =	simm.s32 $0x10;
	s3 =	simm.s32 $0x20;
	s1 =	simm.s32 $0x40000000;
	(v2sf) =	vpush v3, $0xF  }
.LBB2_19:
0x2af: {  	s4 =	smov.u32 s1  }
0x2b0: {  	p0 =	seq.s32 s3, $0x7F0  }
0x2b1: {  	s0 =	sadd.s32 $0x10, s0  }
0x2b2: {  	v2 =	vld [tilespmem:s0+$0x0];
	_ =	sdelay $0x4  }
0x2b3: {  	(xrf0) =	vadd.scan.msk.s32 $0xffff, v2;
	_ =	sdelay $0x4  }
0x2b4: {  	s1 =	spop (v2sf)  }
0x2b5: {  	v2, _, _ =	vpop (xrf0);
	s1 =	sxor.u32 $0x80000000, s1;
	s5 =	spop (v2sf)  }
0x2b6: {  	v2 =	vadd.s32 s1, v2;
	s1 =	sxor.u32 $0x80000000, s5  }
0x2b7: {  	v3 =	vor.u32 s2, v1;
	s2 =	smov.u32 s3;
	vm1 =	vlt.s32 v2, v0;
	v2 =	vxor.u32 $0x80000000, v2;
	p1 =	slt.s32 s4, s1  }
0x2b8: {  	v3 =	vsel vm1, $0xC0000000, v3;
	(xrf0) =	vmax.scan.msk.u32 $0xffff, v2;
	s1 =	smov.u32 @p1 s4  }
0x2b9: {  	(xrf0) =	vmin.scan.msk.u32 $0xffff, v3;
	_ =	sdelay $0x3  }
.Ltmp9:
0x2ba: {  	(pc) =	sbr.rel @!p0 .LBB2_19-.Ltmp9, $4  }
0x2bb: {  	v2, _, _ =	vpop (xrf0)  }
0x2bc: {  	v3, _, _ =	vpop (xrf0);
	(v2sf) =	vpush v2, $0xF  }
0x2bd: {  	(v2sf) =	vpush v3, $0xF  }
0x2be: {  	s3 =	sadd.s32 $0x10, s3  }
0x2bf: {  	_ = 	snop  }
0x2c0: {  	s0 =	sadd.s32 $0x10, s0  }
0x2c1: {  	v2 =	vld [tilespmem:s0+$0x0];
	_ =	sdelay $0x4  }
0x2c2: {  	(xrf0) =	vadd.scan.msk.s32 $0xffff, v2;
	_ =	sdelay $0x4  }
0x2c3: {  	s17 =	spop (v2sf)  }
0x2c4: {  	v2, _, _ =	vpop (xrf0);
	s0 =	sxor.u32 $0x80000000, s17  }
0x2c5: {  	v2 =	vadd.s32 s0, v2  }
0x2c6: {  	vm1 =	vlt.s32 v2, v0;
	v0 =	vor.u32 s2, v1;
	v1 =	vxor.u32 $0x80000000, v2  }
0x2c7: {  	v0 =	vsel vm1, $0xC0000000, v0;
	(xrf0) =	vmax.scan.msk.u32 $0xffff, v1  }
0x2c8: {  	(xrf0) =	vmin.scan.msk.u32 $0xffff, v0;
	_ =	sdelay $0x4  }
0x2c9: {  	v0, _, _ =	vpop (xrf0)  }
0x2ca: {  	v1, _, _ =	vpop (xrf0);
	(v2sf) =	vpush v0, $0xF  }
0x2cb: {  	(v2sf) =	vpush v1, $0xF;
	_ =	sdelay $0xc  }
0x2cc: {  	s18 =	spop (v2sf)  }
0x2cd: {  	s0 =	sxor.u32 $0x80000000, s18;
	s19 =	spop (v2sf)  }
0x2ce: {  	s20 =	simm.s32 $0x1D000;
	p0 =	slt.s32 s1, s0;
	s2 =	spop (v2sf)  }
0x2cf: {  	s23 =	simm.s32 $0x1D010;
	v2 =	vld [tilespmem:s20+$0x0];
	s0 =	smov.u32 @p0 s1;
	s12 =	sxor.u32 $0x80000000, s2  }
0x2d0: {  	v3 =	vld [tilespmem:s23+$0x0];
	p0 =	slt.s32 s0, s12  }
0x2d1: {  	v1 =	vlaneseq.u32;
	s12 =	smov.u32 @p0 s0;
	s0 =	simm.s32 $0x0  }
0x2d2: {  	s24 =	simm.s32 $0x10;
	v0 =	vmov s12;
	v4 =	vor.u32 s0, v1  }
0x2d3: {  	v60 =	vor.u32 s24, v1;
	vm1 =	vlt.s32 v4, v0  }
0x2d4: {  	v2 =	vnsel vm1, $0x0, v2;
	vm1 =	vlt.s32 v60, v0  }
0x2d5: {  	(xrf0) =	vadd.scan.msk.s32 $0xffff, v2;
	v2 =	vnsel vm1, $0x0, v3  }
0x2d6: {  	(xrf0) =	vadd.scan.msk.s32 $0xffff, v2;
	_ =	sdelay $0x3  }
0x2d7: {  	s25 =	simm.s32 $0x1D020  }
0x2d8: {  	v2 =	vld [tilespmem:s25+$0x0];
	v5, _, _ =	vpop (xrf0)  }
0x2d9: {  	(v2sf) =	vpush v5, $0xF;
	v63, _, _ =	vpop (xrf0)  }
0x2da: {  	s28 =	simm.s32 $0x20;
	(v2sf) =	vpush v63, $0xF  }
0x2db: {  	v61 =	vor.u32 s28, v1  }
0x2dc: {  	vm1 =	vlt.s32 v61, v0  }
0x2dd: {  	s26 =	simm.s32 $0x1D030;
	v2 =	vnsel vm1, $0x0, v2  }
0x2de: {  	v3 =	vld [tilespmem:s26+$0x0];
	(xrf0) =	vadd.scan.msk.s32 $0xffff, v2;
	_ =	sdelay $0x1  }
0x2df: {  	s29 =	simm.s32 $0x30  }
0x2e0: {  	v62 =	vor.u32 s29, v1  }
0x2e1: {  	vm1 =	vlt.s32 v62, v0  }
0x2e2: {  	s1 =	simm.s32 $0x40;
	s2 =	simm.s32 $0x1D040;
	v2 =	vnsel vm1, $0x0, v3  }
.LBB2_21:
0x2e3: {  	v3 =	vld [tilespmem:s2+$0x0];
	p0 =	sne.s32 s1, $0x7F0;
	(xrf0) =	vadd.scan.msk.s32 $0xffff, v2;
	v2, _, _ =	vpop (xrf0);
	s3 =	smov.u32 s1;
	s1 =	sadd.s32 $0x10, s1  }
.Ltmp10:
0x2e4: {  	(v2sf) =	vpush v2, $0xF;
	(pc) =	sbr.rel @p0 .LBB2_21-.Ltmp10, $4  }
0x2e5: {  	_ = 	snop  }
0x2e6: {  	v2 =	vor.u32 s3, v1  }
0x2e7: {  	vm1 =	vlt.s32 v2, v0;
	s3 =	spop (v2sf)  }
0x2e8: {  	s2 =	sadd.s32 $0x10, s2;
	v2 =	vnsel vm1, $0x0, v3;
	s0 =	sadd.s32 s0, s3  }
0x2e9: {  	(xrf0) =	vadd.scan.msk.s32 $0xffff, v2;
	_ =	sdelay $0x4  }
0x2ea: {  	v1, _, _ =	vpop (xrf0)  }
0x2eb: {  	(v2sf) =	vpush v1, $0xF;
	v1, _, _ =	vpop (xrf0)  }
0x2ec: {  	(v2sf) =	vpush v1, $0xF;
	_ =	sdelay $0x8  }
0x2ed: {  	s1 =	simm.s32 $0x10040;
	v1 =	vimm.s32 $0x0  }
0x2ee: {  	[tilespmem:s1+$0xFFFFFFC0] =	vst v1  }
0x2ef: {  	[tilespmem:s1+$0x30] =	vst v1  }
0x2f0: {  	s2 =	spop (v2sf);
	[tilespmem:s1+$0x20] =	vst v1  }
0x2f1: {  	s0 =	sadd.s32 s0, s2;
	[tilespmem:s1+$0x10] =	vst v1;
	s26 =	spop (v2sf)  }
0x2f2: {  	[tilespmem:s1+$0x0] =	vst v1;
	s0 =	sadd.s32 s0, s26;
	s28 =	spop (v2sf)  }
0x2f3: {  	[tilespmem:s1+$0xFFFFFFF0] =	vst v1;
	s0 =	sadd.s32 s0, s28;
	s29 =	spop (v2sf)  }
0x2f4: {  	[tilespmem:s1+$0xFFFFFFE0] =	vst v1;
	s13 =	sadd.s32 s0, s29;
	s0 =	simm.s32 $0x0  }
.LBB2_23:
0x2f5: {  	s0 =	sadd.s32 $0x8, s0;
	[tilespmem:s1+$0xFFFFFFD0] =	vst v1;
	s1 =	sadd.s32 $0x80, s1  }
0x2f6: {  	[tilespmem:s1+$0xFFFFFFC0] =	vst v1;
	p0 =	slt.u32 s0, $0x878  }
0x2f7: {  	[tilespmem:s1+$0x30] =	vst v1  }
.Ltmp11:
0x2f8: {  	[tilespmem:s1+$0x20] =	vst v1;
	(pc) =	sbr.rel @p0 .LBB2_23-.Ltmp11, $4  }
0x2f9: {  	[tilespmem:s1+$0x10] =	vst v1  }
0x2fa: {  	[tilespmem:s1+$0x0] =	vst v1  }
0x2fb: {  	[tilespmem:s1+$0xFFFFFFF0] =	vst v1  }
0x2fc: {  	[tilespmem:s1+$0xFFFFFFE0] =	vst v1  }
0x2fd: {  	[tilespmem:s1+$0xFFFFFFD0] =	vst v1  }
0x2fe: {  	s0 =	rddreg [dreg:$0x8]  }
0x2ff: {  	s1 =	simm.s32 $0xC000;
	s2 =	simm.s32 $0x10;
	s11 =	sadd.s32 s30, s0  }
0x300: {  	s3 =	simm.s32 $0xC100;
	s0 =	simm.s32 $0x0;
	s10 =	sadd.s32 $0x0, s11  }
.LBB2_25:
0x301: {  	[tilespmem:s1], [sflag:$0x1] =	stream.linear.gather [hbm4b:s10+s0], $0x80, $0x38;
	[tilespmem:$0x1E080] =	vst v63  }
0x302: {  	s4 =	smov.u32 s2;
	s1 =	smov.u32 s3;
	p0 =	seq.s32 s2, $0x3F0  }
.Ltmp12:
0x303: {  	s2 =	sadd.s32 $0x10, s2;
	(pc) =	sbr.rel @!p0 .LBB2_25-.Ltmp12, $2  }
0x304: {  	_ =	sdelay $0x2  }
0x305: {  	s3 =	sadd.s32 $0x100, s3;
	s10 =	sadd.s32 s4, s11  }
0x306: {  	[tilespmem:s1], [sflag:$0x1] =	stream.linear.gather [hbm4b:s10+s0], $0x80, $0x38;
	[tilespmem:$0x1E080] =	vst v63  }
0x307: {  	s10 =	sor.u32 $0x4000, s31;
	s14 =	simm.s32 $0x0;
	s15 =	simm.s32 $0x1  }
0x308: {  	v1 =	vlaneseq.u32;
	v2 =	vimm.s32 $0x1;
	s16 =	simm.s32 $0x10000;
	s17 =	simm.s32 $0x2;
	s18 =	simm.s32 $0x0  }
.LBB2_27:
0x309: {  	s19 =	sshll.u32 s18, $0xE  }
0x30a: {  	s0 =	sor.u32 s19, s31  }
0x30b: {  	_ =	swait.ge [sflag:s15], $0x2000;
	s0 =	sshrl.u32 s0, $0x3  }
0x30c: {  	s1 =	simm.s32 $0xC080;
	[sflag:s15] =	ssyncset.done $0x0;
	s0 =	sadd.s32 s0, s30  }
0x30d: {  	s2 =	simm.s32 $0x0;
	[sflag:s15] =	ssyncadd.s32 $0xFFFFE000;
	s0 =	sadd.s32 $0x400, s0  }
.LBB2_28:
0x30e: {  	p0 =	sne.s32 s2, $0x3F0  }
.Ltmp13:
0x30f: {  	_ = 	snop;
	(pc) =	sbr.rel @p0 .LBB2_28-.Ltmp13, $4  }
0x310: {  	_ = 	snop  }
0x311: {  	s3 =	sadd.s32 s2, s0  }
0x312: {  	[tilespmem:s1], [sflag:$0x2] =	stream.linear.gather [hbm4b:s3+s14], $0x80, $0x38;
	[tilespmem:$0x1E080] =	vst v63  }
0x313: {  	s2 =	sadd.s32 $0x10, s2;
	s1 =	sadd.s32 $0x100, s1  }
0x314: {  	s0 =	simm.s32 $0xC040  }
0x315: {  	v3 =	vld [tilespmem:s0+$0x30]  }
0x316: {  	v4 =	vld [tilespmem:s0+$0xFFFFFFD0]  }
0x317: {  	v5 =	vld [tilespmem:s0+$0xFFFFFFE0]  }
0x318: {  	v6 =	vld [tilespmem:s0+$0xFFFFFFF0]  }
0x319: {  	v8 =	vld [tilespmem:s0+$0x10]  }
0x31a: {  	v11 =	vld [tilespmem:s0+$0x20]  }
0x31b: {  	v12 =	vld [tilespmem:s0+$0xFFFFFFC0];
	_ =	sdelay $0x1  }
0x31c: {  	v9 =	vshrl.u32 v3, $0xA  }
0x31d: {  	v7 =	vld [tilespmem:s0+$0x0];
	v10 =	vshrl.u32 v4, $0xA;
	v4 =	vshrl.u32 v4, $0x15;
	v13 =	vshrl.u32 v5, $0xA  }
0x31e: {  	v3 =	vshrl.u32 v3, $0x15;
	v14 =	vshrl.u32 v6, $0xA;
	v15 =	vshrl.u32 v8, $0xA  }
0x31f: {  	v16 =	vshrl.u32 v11, $0xA;
	v17 =	vshrl.u32 v12, $0xA;
	v12 =	vshrl.u32 v12, $0x15  }
0x320: {  	s29 =	simm.s32 $0xC140;
	v5 =	vshrl.u32 v5, $0x15;
	v6 =	vshrl.u32 v6, $0x15;
	v8 =	vshrl.u32 v8, $0x15  }
0x321: {  	v18 =	vld [tilespmem:s29+$0x30];
	v11 =	vshrl.u32 v11, $0x15;
	v9 =	vand.u32 $0x7FF, v9;
	v10 =	vand.u32 $0x7FF, v10  }
0x322: {  	v19 =	vld [tilespmem:s29+$0xFFFFFFD0];
	vm2 =	veq.s32 v3, v0;
	v3 =	vand.u32 $0x7FF, v13;
	v13 =	vshrl.u32 v7, $0xA  }
0x323: {  	v14 =	vand.u32 $0x7FF, v14;
	v15 =	vand.u32 $0x7FF, v15;
	v16 =	vand.u32 $0x7FF, v16  }
0x324: {  	v17 =	vand.u32 $0x7FF, v17;
	v7 =	vshrl.u32 v7, $0x15;
	vm6 =	veq.s32 v12, v0  }
0x325: {  	vm7 =	veq.s32 v4, v0;
	vm8 =	veq.s32 v5, v0;
	vm5 =	veq.s32 v6, v0  }
0x326: {  	v21 =	vld [tilespmem:s29+$0xFFFFFFE0];
	v12 =	vshrl.u32 v18, $0xA;
	vm3 =	veq.s32 v8, v0;
	vm1 =	veq.s32 v11, v0  }
0x327: {  	v8 =	vshrl.u32 v19, $0xA;
	v5 =	vshrl.u32 v19, $0x15;
	v9 =	vmul.u32 $0x11, v9  }
0x328: {  	v13 =	vand.u32 $0x7FF, v13;
	v10 =	vmul.u32 $0x11, v10;
	v3 =	vmul.u32 $0x11, v3  }
0x329: {  	v23 =	vld [tilespmem:s29+$0xFFFFFFF0];
	v14 =	vmul.u32 $0x11, v14;
	v17 =	vmul.u32 $0x11, v17;
	v15 =	vmul.u32 $0x11, v15  }
0x32a: {  	v4 =	vld [tilespmem:s29+$0x0];
	v16 =	vmul.u32 $0x11, v16;
	vm4 =	veq.s32 v7, v0;
	v9 =	vadd.s32 v1, v9  }
0x32b: {  	v6 =	vld [tilespmem:s29+$0x10];
	v11 =	vand.u32 $0x7FF, v12;
	v12 =	vshrl.u32 v21, $0xA;
	v17 =	vadd.s32 v1, v17  }
0x32c: {  	v7 =	vld [tilespmem:s29+$0x20];
	v8 =	vand.u32 $0x7FF, v8;
	v13 =	vmul.u32 $0x11, v13;
	v10 =	vadd.s32 v1, v10  }
0x32d: {  	v11 =	vmul.u32 $0x11, v11;
	v20 =	vadd.s32 v1, v3;
	v22 =	vadd.s32 v1, v15;
	v15 =	vld [tilespmem:s29+$0xFFFFFFC0]  }
0x32e: {  	v12 =	vand.u32 $0x7FF, v12;
	v8 =	vmul.u32 $0x11, v8;
	v14 =	vadd.s32 v1, v14  }
0x32f: {  	v3 =	vadd.s32 v1, v16;
	v16 =	vshrl.u32 v18, $0x15;
	v13 =	vadd.s32 v1, v13;
	[tilespmem:v9+s16+$0x0] =	vst.idx.add.s32.msk vm2, v2  }
0x330: {  	v18 =	vadd.s32 v1, v11;
	v11 =	vshrl.u32 v6, $0xA;
	vm2 =	veq.s32 v16, v0;
	[tilespmem:v17+s16+$0x0] =	vst.idx.add.s32.msk vm6, v2  }
0x331: {  	v9 =	vshrl.u32 v23, $0xA;
	v16 =	vshrl.u32 v4, $0xA;
	[tilespmem:v10+s16+$0x0] =	vst.idx.add.s32.msk vm7, v2;
	v17 =	vand.u32 $0x7FF, v11  }
0x332: {  	v11 =	vshrl.u32 v7, $0xA;
	[tilespmem:v20+s16+$0x0] =	vst.idx.add.s32.msk vm8, v2;
	v19 =	vshrl.u32 v15, $0xA;
	v10 =	vmul.u32 $0x11, v12  }
0x333: {  	[tilespmem:v14+s16+$0x0] =	vst.idx.add.s32.msk vm5, v2;
	v9 =	vand.u32 $0x7FF, v9;
	v16 =	vand.u32 $0x7FF, v16;
	v63 =	vand.u32 $0x7FF, v11  }
0x334: {  	v14 =	vand.u32 $0x7FF, v19;
	[tilespmem:v13+s16+$0x0] =	vst.idx.add.s32.msk vm4, v2;
	v13 =	vmul.u32 $0x11, v17;
	v17 =	vshrl.u32 v15, $0x15  }
0x335: {  	[tilespmem:v22+s16+$0x0] =	vst.idx.add.s32.msk vm3, v2;
	v15 =	vshrl.u32 v21, $0x15;
	v11 =	vmul.u32 $0x11, v9;
	v12 =	vmul.u32 $0x11, v16  }
0x336: {  	s1 =	simm.s32 $0xC240;
	s0 =	simm.s32 $0x8;
	v16 =	vmul.u32 $0x11, v14;
	v9 =	vmul.u32 $0x11, v63;
	v14 =	vshrl.u32 v23, $0x15;
	[tilespmem:v18+s16+$0x0] =	vst.idx.add.s32.msk vm2, v2  }
.LBB2_30:
0x337: {  	v19 =	vshrl.u32 v4, $0x15  }
0x338: {  	v18 =	vld [tilespmem:s1+$0x30];
	s0 =	sadd.s32 $0x8, s0;
	v20 =	vshrl.u32 v6, $0x15;
	v7 =	vshrl.u32 v7, $0x15;
	vm5 =	vmmov vm1  }
0x339: {  	v16 =	vadd.s32 v1, v16;
	v8 =	vadd.s32 v1, v8;
	v10 =	vadd.s32 v1, v10;
	v21 =	vld [tilespmem:s1+$0xFFFFFFD0];
	p0 =	slt.u32 s0, $0x1F8  }
0x33a: {  	v11 =	vadd.s32 v1, v11;
	v23 =	vadd.s32 v1, v12;
	v24 =	vadd.s32 v1, v13;
	v22 =	vld [tilespmem:s1+$0xFFFFFFE0]  }
0x33b: {  	vm8 =	veq.s32 v17, v0;
	vm7 =	veq.s32 v5, v0;
	v9 =	vadd.s32 v1, v9;
	v25 =	vld [tilespmem:s1+$0xFFFFFFF0]  }
0x33c: {  	vm6 =	veq.s32 v15, v0;
	vm4 =	veq.s32 v14, v0;
	vm3 =	veq.s32 v19, v0;
	v4 =	vld [tilespmem:s1+$0x0]  }
0x33d: {  	vm2 =	veq.s32 v20, v0;
	vm1 =	veq.s32 v7, v0;
	v6 =	vld [tilespmem:s1+$0x10];
	v12 =	vshrl.u32 v18, $0xA  }
0x33e: {  	v13 =	vshrl.u32 v21, $0xA;
	v5 =	vshrl.u32 v21, $0x15;
	v7 =	vld [tilespmem:s1+$0x20];
	v12 =	vand.u32 $0x7FF, v12  }
0x33f: {  	v17 =	vshrl.u32 v18, $0x15;
	v14 =	vld [tilespmem:s1+$0xFFFFFFC0];
	v15 =	vshrl.u32 v22, $0xA;
	v12 =	vmul.u32 $0x11, v12  }
0x340: {  	vm9 =	veq.s32 v17, v0;
	v13 =	vand.u32 $0x7FF, v13;
	v18 =	vshrl.u32 v25, $0xA;
	[tilespmem:v3+s16+$0x0] =	vst.idx.add.s32.msk vm5, v2;
	v3 =	vmovc v9  }
0x341: {  	v9 =	vand.u32 $0x7FF, v15;
	v15 =	vshrl.u32 v4, $0xA;
	v17 =	vadd.s32 v1, v12;
	[tilespmem:v16+s16+$0x0] =	vst.idx.add.s32.msk vm8, v2  }
0x342: {  	v12 =	vand.u32 $0x7FF, v18;
	v15 =	vand.u32 $0x7FF, v15;
	v16 =	vshrl.u32 v6, $0xA;
	[tilespmem:v8+s16+$0x0] =	vst.idx.add.s32.msk vm7, v2  }
.Ltmp14:
0x343: {  	v8 =	vmul.u32 $0x11, v13;
	v13 =	vand.u32 $0x7FF, v16;
	v16 =	vshrl.u32 v7, $0xA;
	[tilespmem:v10+s16+$0x0] =	vst.idx.add.s32.msk vm6, v2;
	(pc) =	sbr.rel @p0 .LBB2_30-.Ltmp14, $4  }
0x344: {  	v10 =	vmul.u32 $0x11, v9;
	v18 =	vshrl.u32 v14, $0xA;
	v9 =	vand.u32 $0x7FF, v16;
	[tilespmem:v11+s16+$0x0] =	vst.idx.add.s32.msk vm4, v2  }
0x345: {  	v11 =	vmul.u32 $0x11, v12;
	v12 =	vmul.u32 $0x11, v15;
	v16 =	vand.u32 $0x7FF, v18;
	[tilespmem:v23+s16+$0x0] =	vst.idx.add.s32.msk vm3, v2  }
0x346: {  	v13 =	vmul.u32 $0x11, v13;
	v9 =	vmul.u32 $0x11, v9;
	v16 =	vmul.u32 $0x11, v16;
	[tilespmem:v17+s16+$0x0] =	vst.idx.add.s32.msk vm9, v2  }
0x347: {  	s1 =	sadd.s32 $0x100, s1;
	v15 =	vshrl.u32 v22, $0x15;
	v17 =	vshrl.u32 v14, $0x15;
	v14 =	vshrl.u32 v25, $0x15;
	[tilespmem:v24+s16+$0x0] =	vst.idx.add.s32.msk vm2, v2  }
0x348: {  	vm1 =	vmmov vm1  }
0x349: {  	vm2 =	veq.s32 v17, v0  }
0x34a: {  	v16 =	vadd.s32 v1, v16;
	vm3 =	veq.s32 v5, v0  }
0x34b: {  	v59 =	vadd.s32 v1, v8;
	vm4 =	veq.s32 v15, v0  }
0x34c: {  	v4 =	vshrl.u32 v4, $0x15;
	v60 =	vadd.s32 v1, v10;
	vm5 =	veq.s32 v14, v0  }
0x34d: {  	v7 =	vshrl.u32 v7, $0x15;
	v61 =	vadd.s32 v1, v11;
	vm6 =	veq.s32 v4, v0  }
0x34e: {  	v58 =	vshrl.u32 v6, $0x15;
	v62 =	vadd.s32 v1, v12;
	vm8 =	veq.s32 v7, v0;
	[tilespmem:v3+s16+$0x0] =	vst.idx.add.s32.msk vm1, v2  }
0x34f: {  	v63 =	vadd.s32 v1, v9;
	vm7 =	veq.s32 v58, v0;
	[tilespmem:v16+s16+$0x0] =	vst.idx.add.s32.msk vm2, v2  }
0x350: {  	v3 =	vadd.s32 v1, v13;
	[tilespmem:v59+s16+$0x0] =	vst.idx.add.s32.msk vm3, v2  }
0x351: {  	[tilespmem:v60+s16+$0x0] =	vst.idx.add.s32.msk vm4, v2  }
0x352: {  	[tilespmem:v61+s16+$0x0] =	vst.idx.add.s32.msk vm5, v2  }
0x353: {  	p0 =	seq.s32 s18, $0x1F;
	[tilespmem:v62+s16+$0x0] =	vst.idx.add.s32.msk vm6, v2  }
.Ltmp15:
0x354: {  	[tilespmem:v63+s16+$0x0] =	vst.idx.add.s32.msk vm8, v2;
	(pc) =	sbr.rel @p0 .LBB2_35-.Ltmp15, $4  }
0x355: {  	[tilespmem:v3+s16+$0x0] =	vst.idx.add.s32.msk vm7, v2  }
0x356: {  	_ =	swait.ge [sflag:s17], $0x2000  }
0x357: {  	[sflag:s17] =	ssyncset.done $0x0  }
0x358: {  	vm1 =	vmmov vm8;
	[sflag:s17] =	ssyncadd.s32 $0xFFFFE000  }
0x359: {  	s0 =	sadd.s32 s19, s10  }
0x35a: {  	s0 =	sshrl.u32 s0, $0x3  }
0x35b: {  	s1 =	simm.s32 $0xC000;
	s0 =	sadd.s32 s30, s0  }
0x35c: {  	s2 =	simm.s32 $0x10;
	s3 =	simm.s32 $0xC100;
	s19 =	sadd.s32 $0x0, s0  }
.LBB2_33:
0x35d: {  	[tilespmem:s1], [sflag:$0x1] =	stream.linear.gather [hbm4b:s19+s14], $0x80, $0x38;
	[tilespmem:$0x1E080] =	vst v63  }
0x35e: {  	s4 =	smov.u32 s2;
	s1 =	smov.u32 s3;
	p0 =	sne.s32 s2, $0x3F0  }
.Ltmp16:
0x35f: {  	s2 =	sadd.s32 $0x10, s2;
	(pc) =	sbr.rel @p0 .LBB2_33-.Ltmp16, $2  }
0x360: {  	_ =	sdelay $0x2  }
0x361: {  	s3 =	sadd.s32 $0x100, s3;
	s19 =	sadd.s32 s4, s0  }
0x362: {  	[tilespmem:s1], [sflag:$0x1] =	stream.linear.gather [hbm4b:s19+s14], $0x80, $0x38;
	[tilespmem:$0x1E080] =	vst v63  }
.LBB2_35:
0x363: {  	s0 =	simm.s32 $0xC0F0  }
0x364: {  	v3 =	vld [tilespmem:s0+$0x0]  }
0x365: {  	v4 =	vld [tilespmem:s0+$0xFFFFFFA0]  }
0x366: {  	v5 =	vld [tilespmem:s0+$0xFFFFFFB0]  }
0x367: {  	v6 =	vld [tilespmem:s0+$0xFFFFFFC0]  }
0x368: {  	v8 =	vld [tilespmem:s0+$0xFFFFFFE0]  }
0x369: {  	v11 =	vld [tilespmem:s0+$0xFFFFFFF0]  }
0x36a: {  	v12 =	vld [tilespmem:s0+$0xFFFFFF90];
	_ =	sdelay $0x1  }
0x36b: {  	v9 =	vshrl.u32 v3, $0xA  }
0x36c: {  	v7 =	vld [tilespmem:s0+$0xFFFFFFD0];
	v10 =	vshrl.u32 v4, $0xA;
	v4 =	vshrl.u32 v4, $0x15;
	v13 =	vshrl.u32 v5, $0xA  }
0x36d: {  	v3 =	vshrl.u32 v3, $0x15;
	v14 =	vshrl.u32 v6, $0xA;
	v15 =	vshrl.u32 v8, $0xA  }
0x36e: {  	v16 =	vshrl.u32 v11, $0xA;
	v17 =	vshrl.u32 v12, $0xA;
	v12 =	vshrl.u32 v12, $0x15  }
0x36f: {  	s29 =	simm.s32 $0xC1F0;
	v5 =	vshrl.u32 v5, $0x15;
	v6 =	vshrl.u32 v6, $0x15;
	v8 =	vshrl.u32 v8, $0x15  }
0x370: {  	v18 =	vld [tilespmem:s29+$0x0];
	v11 =	vshrl.u32 v11, $0x15;
	v9 =	vand.u32 $0x7FF, v9;
	v10 =	vand.u32 $0x7FF, v10  }
0x371: {  	v19 =	vld [tilespmem:s29+$0xFFFFFFA0];
	vm2 =	veq.s32 v3, v0;
	v3 =	vand.u32 $0x7FF, v13;
	v13 =	vshrl.u32 v7, $0xA  }
0x372: {  	v14 =	vand.u32 $0x7FF, v14;
	v15 =	vand.u32 $0x7FF, v15;
	v16 =	vand.u32 $0x7FF, v16  }
0x373: {  	v17 =	vand.u32 $0x7FF, v17;
	v7 =	vshrl.u32 v7, $0x15;
	vm6 =	veq.s32 v12, v0  }
0x374: {  	vm7 =	veq.s32 v4, v0;
	vm8 =	veq.s32 v5, v0;
	vm5 =	veq.s32 v6, v0  }
0x375: {  	v21 =	vld [tilespmem:s29+$0xFFFFFFB0];
	v12 =	vshrl.u32 v18, $0xA;
	vm3 =	veq.s32 v8, v0;
	vm1 =	veq.s32 v11, v0  }
0x376: {  	v8 =	vshrl.u32 v19, $0xA;
	v5 =	vshrl.u32 v19, $0x15;
	v9 =	vmul.u32 $0x11, v9  }
0x377: {  	v13 =	vand.u32 $0x7FF, v13;
	v10 =	vmul.u32 $0x11, v10;
	v3 =	vmul.u32 $0x11, v3  }
0x378: {  	v23 =	vld [tilespmem:s29+$0xFFFFFFC0];
	v14 =	vmul.u32 $0x11, v14;
	v17 =	vmul.u32 $0x11, v17;
	v15 =	vmul.u32 $0x11, v15  }
0x379: {  	v4 =	vld [tilespmem:s29+$0xFFFFFFD0];
	v16 =	vmul.u32 $0x11, v16;
	vm4 =	veq.s32 v7, v0;
	v9 =	vadd.s32 v1, v9  }
0x37a: {  	v6 =	vld [tilespmem:s29+$0xFFFFFFE0];
	v11 =	vand.u32 $0x7FF, v12;
	v12 =	vshrl.u32 v21, $0xA;
	v17 =	vadd.s32 v1, v17  }
0x37b: {  	v7 =	vld [tilespmem:s29+$0xFFFFFFF0];
	v8 =	vand.u32 $0x7FF, v8;
	v13 =	vmul.u32 $0x11, v13;
	v10 =	vadd.s32 v1, v10  }
0x37c: {  	v11 =	vmul.u32 $0x11, v11;
	v20 =	vadd.s32 v1, v3;
	v22 =	vadd.s32 v1, v15;
	v15 =	vld [tilespmem:s29+$0xFFFFFF90]  }
0x37d: {  	v12 =	vand.u32 $0x7FF, v12;
	v8 =	vmul.u32 $0x11, v8;
	v14 =	vadd.s32 v1, v14  }
0x37e: {  	v3 =	vadd.s32 v1, v16;
	v16 =	vshrl.u32 v18, $0x15;
	v13 =	vadd.s32 v1, v13;
	[tilespmem:v9+s16+$0x0] =	vst.idx.add.s32.msk vm2, v2  }
0x37f: {  	v18 =	vadd.s32 v1, v11;
	v11 =	vshrl.u32 v6, $0xA;
	vm2 =	veq.s32 v16, v0;
	[tilespmem:v17+s16+$0x0] =	vst.idx.add.s32.msk vm6, v2  }
0x380: {  	v9 =	vshrl.u32 v23, $0xA;
	v16 =	vshrl.u32 v4, $0xA;
	[tilespmem:v10+s16+$0x0] =	vst.idx.add.s32.msk vm7, v2;
	v17 =	vand.u32 $0x7FF, v11  }
0x381: {  	v11 =	vshrl.u32 v7, $0xA;
	[tilespmem:v20+s16+$0x0] =	vst.idx.add.s32.msk vm8, v2;
	v19 =	vshrl.u32 v15, $0xA;
	v10 =	vmul.u32 $0x11, v12  }
0x382: {  	[tilespmem:v14+s16+$0x0] =	vst.idx.add.s32.msk vm5, v2;
	v9 =	vand.u32 $0x7FF, v9;
	v16 =	vand.u32 $0x7FF, v16;
	v63 =	vand.u32 $0x7FF, v11  }
0x383: {  	v14 =	vand.u32 $0x7FF, v19;
	[tilespmem:v13+s16+$0x0] =	vst.idx.add.s32.msk vm4, v2;
	v13 =	vmul.u32 $0x11, v17;
	v17 =	vshrl.u32 v15, $0x15  }
0x384: {  	[tilespmem:v22+s16+$0x0] =	vst.idx.add.s32.msk vm3, v2;
	v15 =	vshrl.u32 v21, $0x15;
	v11 =	vmul.u32 $0x11, v9;
	v12 =	vmul.u32 $0x11, v16  }
0x385: {  	s1 =	simm.s32 $0xC2F0;
	s0 =	simm.s32 $0x8;
	v16 =	vmul.u32 $0x11, v14;
	v9 =	vmul.u32 $0x11, v63;
	v14 =	vshrl.u32 v23, $0x15;
	[tilespmem:v18+s16+$0x0] =	vst.idx.add.s32.msk vm2, v2  }
.LBB2_36:
0x386: {  	v19 =	vshrl.u32 v4, $0x15  }
0x387: {  	v18 =	vld [tilespmem:s1+$0x0];
	s0 =	sadd.s32 $0x8, s0;
	v20 =	vshrl.u32 v6, $0x15;
	v7 =	vshrl.u32 v7, $0x15;
	vm5 =	vmmov vm1  }
0x388: {  	v16 =	vadd.s32 v1, v16;
	v8 =	vadd.s32 v1, v8;
	v10 =	vadd.s32 v1, v10;
	v21 =	vld [tilespmem:s1+$0xFFFFFFA0];
	p0 =	slt.u32 s0, $0x1F8  }
0x389: {  	v11 =	vadd.s32 v1, v11;
	v23 =	vadd.s32 v1, v12;
	v24 =	vadd.s32 v1, v13;
	v22 =	vld [tilespmem:s1+$0xFFFFFFB0]  }
0x38a: {  	vm8 =	veq.s32 v17, v0;
	vm7 =	veq.s32 v5, v0;
	v9 =	vadd.s32 v1, v9;
	v25 =	vld [tilespmem:s1+$0xFFFFFFC0]  }
0x38b: {  	vm6 =	veq.s32 v15, v0;
	vm4 =	veq.s32 v14, v0;
	vm3 =	veq.s32 v19, v0;
	v4 =	vld [tilespmem:s1+$0xFFFFFFD0]  }
0x38c: {  	vm2 =	veq.s32 v20, v0;
	vm1 =	veq.s32 v7, v0;
	v6 =	vld [tilespmem:s1+$0xFFFFFFE0];
	v12 =	vshrl.u32 v18, $0xA  }
0x38d: {  	v13 =	vshrl.u32 v21, $0xA;
	v5 =	vshrl.u32 v21, $0x15;
	v7 =	vld [tilespmem:s1+$0xFFFFFFF0];
	v12 =	vand.u32 $0x7FF, v12  }
0x38e: {  	v17 =	vshrl.u32 v18, $0x15;
	v14 =	vld [tilespmem:s1+$0xFFFFFF90];
	v15 =	vshrl.u32 v22, $0xA;
	v12 =	vmul.u32 $0x11, v12  }
0x38f: {  	vm9 =	veq.s32 v17, v0;
	v13 =	vand.u32 $0x7FF, v13;
	v18 =	vshrl.u32 v25, $0xA;
	[tilespmem:v3+s16+$0x0] =	vst.idx.add.s32.msk vm5, v2;
	v3 =	vmovc v9  }
0x390: {  	v9 =	vand.u32 $0x7FF, v15;
	v15 =	vshrl.u32 v4, $0xA;
	v17 =	vadd.s32 v1, v12;
	[tilespmem:v16+s16+$0x0] =	vst.idx.add.s32.msk vm8, v2  }
0x391: {  	v12 =	vand.u32 $0x7FF, v18;
	v15 =	vand.u32 $0x7FF, v15;
	v16 =	vshrl.u32 v6, $0xA;
	[tilespmem:v8+s16+$0x0] =	vst.idx.add.s32.msk vm7, v2  }
.Ltmp17:
0x392: {  	v8 =	vmul.u32 $0x11, v13;
	v13 =	vand.u32 $0x7FF, v16;
	v16 =	vshrl.u32 v7, $0xA;
	[tilespmem:v10+s16+$0x0] =	vst.idx.add.s32.msk vm6, v2;
	(pc) =	sbr.rel @p0 .LBB2_36-.Ltmp17, $4  }
0x393: {  	v10 =	vmul.u32 $0x11, v9;
	v18 =	vshrl.u32 v14, $0xA;
	v9 =	vand.u32 $0x7FF, v16;
	[tilespmem:v11+s16+$0x0] =	vst.idx.add.s32.msk vm4, v2  }
0x394: {  	v11 =	vmul.u32 $0x11, v12;
	v12 =	vmul.u32 $0x11, v15;
	v16 =	vand.u32 $0x7FF, v18;
	[tilespmem:v23+s16+$0x0] =	vst.idx.add.s32.msk vm3, v2  }
0x395: {  	v13 =	vmul.u32 $0x11, v13;
	v9 =	vmul.u32 $0x11, v9;
	v16 =	vmul.u32 $0x11, v16;
	[tilespmem:v17+s16+$0x0] =	vst.idx.add.s32.msk vm9, v2  }
0x396: {  	s1 =	sadd.s32 $0x100, s1;
	v15 =	vshrl.u32 v22, $0x15;
	v17 =	vshrl.u32 v14, $0x15;
	v14 =	vshrl.u32 v25, $0x15;
	[tilespmem:v24+s16+$0x0] =	vst.idx.add.s32.msk vm2, v2  }
0x397: {  	vm1 =	vmmov vm1  }
0x398: {  	vm2 =	veq.s32 v17, v0  }
0x399: {  	v16 =	vadd.s32 v1, v16;
	vm3 =	veq.s32 v5, v0  }
0x39a: {  	v59 =	vadd.s32 v1, v8;
	vm4 =	veq.s32 v15, v0  }
0x39b: {  	v4 =	vshrl.u32 v4, $0x15;
	v60 =	vadd.s32 v1, v10;
	vm5 =	veq.s32 v14, v0  }
0x39c: {  	v7 =	vshrl.u32 v7, $0x15;
	v61 =	vadd.s32 v1, v11;
	vm6 =	veq.s32 v4, v0  }
0x39d: {  	v58 =	vshrl.u32 v6, $0x15;
	v62 =	vadd.s32 v1, v12;
	vm8 =	veq.s32 v7, v0;
	[tilespmem:v3+s16+$0x0] =	vst.idx.add.s32.msk vm1, v2  }
0x39e: {  	v63 =	vadd.s32 v1, v9;
	s18 =	sadd.s32 $0x1, s18;
	vm7 =	veq.s32 v58, v0;
	[tilespmem:v16+s16+$0x0] =	vst.idx.add.s32.msk vm2, v2  }
0x39f: {  	p0 =	sne.s32 s18, $0x20;
	v3 =	vadd.s32 v1, v13;
	[tilespmem:v59+s16+$0x0] =	vst.idx.add.s32.msk vm3, v2  }
.Ltmp18:
0x3a0: {  	[tilespmem:v60+s16+$0x0] =	vst.idx.add.s32.msk vm4, v2;
	(pc) =	sbr.rel @p0 .LBB2_27-.Ltmp18, $4  }
0x3a1: {  	[tilespmem:v61+s16+$0x0] =	vst.idx.add.s32.msk vm5, v2  }
0x3a2: {  	[tilespmem:v62+s16+$0x0] =	vst.idx.add.s32.msk vm6, v2  }
0x3a3: {  	[tilespmem:v63+s16+$0x0] =	vst.idx.add.s32.msk vm8, v2  }
0x3a4: {  	vm1 =	vmmov vm8;
	[tilespmem:v3+s16+$0x0] =	vst.idx.add.s32.msk vm7, v2  }
0x3a5: {  	s0 =	simm.s32 $0x10  }
0x3a6: {  	s1 =	simm.s32 $0x0;
	v0 =	vmov s0  }
0x3a7: {  	v1 =	vmov s1;
	v2 =	vmul.u32 $0x11, v0  }
0x3a8: {  	v0 =	vlaneseq.u32;
	v1 =	vmul.u32 $0x11, v1  }
0x3a9: {  	v0 =	vmul.u32 $0x11, v0;
	v16 =	vbroadcast v2, $0x0  }
0x3aa: {  	v17 =	vbroadcast v1, $0x0  }
0x3ab: {  	v6 =	vadd.s32 v0, v16  }
0x3ac: {  	v1 =	vadd.s32 $0x1, v0;
	v7 =	vadd.s32 v0, v17  }
0x3ad: {  	v2 =	vadd.s32 $0x2, v0;
	v8 =	vadd.s32 v1, v17  }
0x3ae: {  	v3 =	vadd.s32 $0x3, v0;
	v9 =	vadd.s32 v2, v17  }
0x3af: {  	s14 =	simm.s32 $0x10000;
	v4 =	vadd.s32 $0x4, v0;
	v10 =	vadd.s32 v3, v17  }
0x3b0: {  	v5 =	vadd.s32 $0x5, v0;
	v11 =	vadd.s32 v4, v17;
	v18 =	vld.idx.msk [tilespmem:v6+s14+$0x0], $0xffff  }
0x3b1: {  	v12 =	vadd.s32 v5, v17;
	v19 =	vld.idx.msk [tilespmem:v7+s14+$0x0], $0xffff  }
0x3b2: {  	v34 =	vadd.s32 v1, v16;
	v20 =	vld.idx.msk [tilespmem:v8+s14+$0x0], $0xffff  }
0x3b3: {  	v35 =	vadd.s32 v2, v16;
	v21 =	vld.idx.msk [tilespmem:v9+s14+$0x0], $0xffff  }
0x3b4: {  	v36 =	vadd.s32 v3, v16;
	v22 =	vld.idx.msk [tilespmem:v10+s14+$0x0], $0xffff  }
0x3b5: {  	v37 =	vadd.s32 v4, v16;
	v23 =	vld.idx.msk [tilespmem:v11+s14+$0x0], $0xffff  }
0x3b6: {  	v38 =	vadd.s32 v5, v16;
	v6 =	vadd.s32 $0x6, v0;
	v25 =	vld.idx.msk [tilespmem:v12+s14+$0x0], $0xffff  }
0x3b7: {  	v7 =	vadd.s32 $0x7, v0;
	v34 =	vld.idx.msk [tilespmem:v34+s14+$0x0], $0xffff;
	v13 =	vadd.s32 v6, v17  }
0x3b8: {  	v8 =	vadd.s32 $0x8, v0;
	v35 =	vld.idx.msk [tilespmem:v35+s14+$0x0], $0xffff;
	v14 =	vadd.s32 v7, v17  }
0x3b9: {  	v9 =	vadd.s32 $0x9, v0;
	v36 =	vld.idx.msk [tilespmem:v36+s14+$0x0], $0xffff;
	v15 =	vadd.s32 v8, v17  }
0x3ba: {  	v10 =	vadd.s32 $0xA, v0;
	v37 =	vld.idx.msk [tilespmem:v37+s14+$0x0], $0xffff;
	v24 =	vadd.s32 v9, v17  }
0x3bb: {  	v11 =	vadd.s32 $0xB, v0;
	v38 =	vld.idx.msk [tilespmem:v38+s14+$0x0], $0xffff;
	v26 =	vadd.s32 v10, v17  }
0x3bc: {  	v12 =	vadd.s32 $0xC, v0;
	v28 =	vadd.s32 v11, v17;
	v27 =	vld.idx.msk [tilespmem:v13+s14+$0x0], $0xffff  }
0x3bd: {  	v30 =	vadd.s32 v12, v17;
	v29 =	vld.idx.msk [tilespmem:v14+s14+$0x0], $0xffff  }
0x3be: {  	v39 =	vadd.s32 v6, v16;
	v31 =	vld.idx.msk [tilespmem:v15+s14+$0x0], $0xffff  }
0x3bf: {  	v40 =	vadd.s32 v7, v16;
	v24 =	vld.idx.msk [tilespmem:v24+s14+$0x0], $0xffff  }
0x3c0: {  	v41 =	vadd.s32 v8, v16;
	v26 =	vld.idx.msk [tilespmem:v26+s14+$0x0], $0xffff  }
0x3c1: {  	v42 =	vadd.s32 v9, v16;
	v28 =	vld.idx.msk [tilespmem:v28+s14+$0x0], $0xffff  }
0x3c2: {  	s28 =	simm.s32 $0x30;
	v43 =	vadd.s32 v10, v16;
	v44 =	vadd.s32 v11, v16;
	v30 =	vld.idx.msk [tilespmem:v30+s14+$0x0], $0xffff  }
0x3c3: {  	v45 =	vadd.s32 v12, v16;
	v19 =	vadd.s32 v19, v20;
	v20 =	vmov s28;
	v39 =	vld.idx.msk [tilespmem:v39+s14+$0x0], $0xffff  }
0x3c4: {  	v13 =	vadd.s32 $0xD, v0;
	v14 =	vadd.s32 $0xE, v0;
	v20 =	vmul.u32 $0x11, v20;
	v40 =	vld.idx.msk [tilespmem:v40+s14+$0x0], $0xffff  }
0x3c5: {  	v15 =	vadd.s32 $0xF, v0;
	v19 =	vadd.s32 v21, v19;
	v41 =	vld.idx.msk [tilespmem:v41+s14+$0x0], $0xffff;
	v32 =	vadd.s32 v13, v17  }
0x3c6: {  	s29 =	simm.s32 $0x20;
	v33 =	vadd.s32 v14, v17;
	v19 =	vadd.s32 v22, v19;
	v47 =	vbroadcast v20, $0x0;
	v20 =	vld.idx.msk [tilespmem:v42+s14+$0x0], $0xffff  }
0x3c7: {  	v21 =	vmov s29;
	v17 =	vadd.s32 v15, v17;
	v19 =	vadd.s32 v23, v19;
	v23 =	vld.idx.msk [tilespmem:v43+s14+$0x0], $0xffff  }
0x3c8: {  	v46 =	vadd.s32 v13, v16;
	v21 =	vmul.u32 $0x11, v21;
	v42 =	vld.idx.msk [tilespmem:v45+s14+$0x0], $0xffff;
	v19 =	vadd.s32 v25, v19  }
0x3c9: {  	v22 =	vadd.s32 v14, v16;
	v19 =	vadd.s32 v27, v19;
	v27 =	vld.idx.msk [tilespmem:v44+s14+$0x0], $0xffff  }
0x3ca: {  	v16 =	vadd.s32 v15, v16;
	v21 =	vbroadcast v21, $0x0;
	v32 =	vld.idx.msk [tilespmem:v32+s14+$0x0], $0xffff  }
0x3cb: {  	v25 =	vadd.s32 v0, v47;
	v33 =	vld.idx.msk [tilespmem:v33+s14+$0x0], $0xffff  }
0x3cc: {  	v54 =	vadd.s32 v10, v21;
	v17 =	vld.idx.msk [tilespmem:v17+s14+$0x0], $0xffff;
	v19 =	vadd.s32 v29, v19  }
0x3cd: {  	v29 =	vadd.s32 v0, v21;
	v43 =	vld.idx.msk [tilespmem:v46+s14+$0x0], $0xffff;
	v19 =	vadd.s32 v31, v19  }
0x3ce: {  	v63 =	vld.idx.msk [tilespmem:v22+s14+$0x0], $0xffff;
	v31 =	vadd.s32 v1, v21;
	v19 =	vadd.s32 v24, v19  }
0x3cf: {  	v24 =	vadd.s32 v2, v21;
	v19 =	vadd.s32 v26, v19;
	v26 =	vld.idx.msk [tilespmem:v16+s14+$0x0], $0xffff  }
0x3d0: {  	v22 =	vadd.s32 v3, v21;
	v16 =	vld.idx.msk [tilespmem:v25+s14+$0x0], $0xffff  }
0x3d1: {  	v18 =	vadd.s32 v18, v34;
	v19 =	vadd.s32 v28, v19;
	v28 =	vadd.s32 v4, v21;
	v34 =	vld.idx.msk [tilespmem:v54+s14+$0x0], $0xffff  }
0x3d2: {  	v19 =	vadd.s32 v30, v19;
	v25 =	vld.idx.msk [tilespmem:v29+s14+$0x0], $0xffff;
	v29 =	vadd.s32 v5, v21  }
0x3d3: {  	v18 =	vadd.s32 v35, v18;
	v19 =	vadd.s32 v32, v19;
	v30 =	vld.idx.msk [tilespmem:v31+s14+$0x0], $0xffff;
	v31 =	vadd.s32 v6, v21  }
0x3d4: {  	v53 =	vadd.s32 v1, v47;
	v52 =	vadd.s32 v7, v21;
	v19 =	vadd.s32 v33, v19;
	v24 =	vld.idx.msk [tilespmem:v24+s14+$0x0], $0xffff  }
0x3d5: {  	s15 =	simm.s32 $0x18810;
	v55 =	vadd.s32 v2, v47;
	v17 =	vadd.s32 v17, v19;
	v19 =	vld.idx.msk [tilespmem:v22+s14+$0x0], $0xffff;
	v22 =	vadd.s32 v8, v21  }
0x3d6: {  	[tilespmem:s15+$0xFFFFFFF0] =	vst v17;
	v17 =	vadd.s32 v36, v18;
	v18 =	vld.idx.msk [tilespmem:v28+s14+$0x0], $0xffff;
	v28 =	vadd.s32 v9, v21  }
0x3d7: {  	v56 =	vadd.s32 v3, v47;
	v58 =	vadd.s32 v4, v47;
	v48 =	vadd.s32 v13, v21;
	v29 =	vld.idx.msk [tilespmem:v29+s14+$0x0], $0xffff  }
0x3d8: {  	v57 =	vadd.s32 v11, v21;
	v17 =	vadd.s32 v37, v17;
	v31 =	vld.idx.msk [tilespmem:v31+s14+$0x0], $0xffff;
	v25 =	vadd.s32 v25, v30  }
0x3d9: {  	v59 =	vadd.s32 v12, v21;
	v30 =	vld.idx.msk [tilespmem:v52+s14+$0x0], $0xffff;
	v17 =	vadd.s32 v38, v17;
	v24 =	vadd.s32 v24, v25  }
0x3da: {  	v60 =	vadd.s32 v5, v47;
	v17 =	vadd.s32 v39, v17;
	v25 =	vld.idx.msk [tilespmem:v22+s14+$0x0], $0xffff;
	v19 =	vadd.s32 v19, v24  }
0x3db: {  	v22 =	vadd.s32 v6, v47;
	v24 =	vld.idx.msk [tilespmem:v28+s14+$0x0], $0xffff;
	v28 =	vadd.s32 v14, v21;
	v18 =	vadd.s32 v18, v19  }
0x3dc: {  	v61 =	vld.idx.msk [tilespmem:v48+s14+$0x0], $0xffff;
	v17 =	vadd.s32 v40, v17;
	v21 =	vadd.s32 v15, v21;
	v18 =	vadd.s32 v29, v18  }
0x3dd: {  	v37 =	vld.idx.msk [tilespmem:v57+s14+$0x0], $0xffff;
	v19 =	vadd.s32 v7, v47;
	v29 =	vadd.s32 v41, v17;
	v18 =	vadd.s32 v31, v18  }
0x3de: {  	v17 =	vadd.s32 v8, v47;
	v31 =	vld.idx.msk [tilespmem:v59+s14+$0x0], $0xffff;
	v29 =	vadd.s32 v20, v29;
	v18 =	vadd.s32 v30, v18  }
0x3df: {  	v32 =	vld.idx.msk [tilespmem:v58+s14+$0x0], $0xffff;
	v20 =	vadd.s32 v9, v47;
	v23 =	vadd.s32 v23, v29;
	v25 =	vadd.s32 v25, v18  }
0x3e0: {  	v18 =	vadd.s32 v10, v47;
	v23 =	vadd.s32 v27, v23;
	v62 =	vld.idx.msk [tilespmem:v28+s14+$0x0], $0xffff;
	v24 =	vadd.s32 v24, v25  }
0x3e1: {  	v28 =	vld.idx.msk [tilespmem:v21+s14+$0x0], $0xffff;
	v21 =	vadd.s32 v11, v47;
	v25 =	vadd.s32 v42, v23;
	v24 =	vadd.s32 v34, v24  }
0x3e2: {  	v29 =	vld.idx.msk [tilespmem:v53+s14+$0x0], $0xffff;
	v23 =	vadd.s32 v12, v47;
	v25 =	vadd.s32 v43, v25;
	v27 =	vadd.s32 v37, v24  }
0x3e3: {  	v30 =	vld.idx.msk [tilespmem:v55+s14+$0x0], $0xffff;
	v24 =	vadd.s32 v13, v47;
	v63 =	vadd.s32 v63, v25;
	v27 =	vadd.s32 v31, v27  }
0x3e4: {  	v25 =	vadd.s32 v14, v47;
	v31 =	vld.idx.msk [tilespmem:v56+s14+$0x0], $0xffff;
	v33 =	vadd.s32 v26, v63;
	v27 =	vadd.s32 v61, v27  }
0x3e5: {  	s0 =	simm.s32 $0x2;
	s1 =	simm.s32 $0x50;
	v26 =	vadd.s32 v15, v47;
	[tilespmem:s15+$0x0] =	vst v33;
	v33 =	vadd.s32 v62, v27;
	v27 =	vld.idx.msk [tilespmem:v60+s14+$0x0], $0xffff  }
.LBB2_39:
0x3e6: {  	s2 =	sadd.s32 $0xFFFFFFF0, s1;
	v34 =	vmov s1;
	v28 =	vadd.s32 v28, v33;
	v33 =	vld.idx.msk [tilespmem:v22+s14+$0x0], $0xffff;
	s15 =	sadd.s32 $0x20, s15  }
0x3e7: {  	s0 =	sadd.s32 $0x2, s0;
	v16 =	vadd.s32 v16, v29;
	v22 =	vmov s2;
	v34 =	vmul.u32 $0x11, v34;
	[tilespmem:s15+$0xFFFFFFF0] =	vst v28;
	v28 =	vld.idx.msk [tilespmem:v19+s14+$0x0], $0xffff  }
0x3e8: {  	p0 =	slt.u32 s0, $0x7E;
	v16 =	vadd.s32 v30, v16;
	v19 =	vmul.u32 $0x11, v22;
	v29 =	vld.idx.msk [tilespmem:v17+s14+$0x0], $0xffff  }
0x3e9: {  	v16 =	vadd.s32 v31, v16;
	v30 =	vbroadcast v34, $0x0;
	v31 =	vld.idx.msk [tilespmem:v20+s14+$0x0], $0xffff  }
0x3ea: {  	v32 =	vadd.s32 v32, v16;
	v34 =	vbroadcast v19, $0x0;
	v35 =	vld.idx.msk [tilespmem:v18+s14+$0x0], $0xffff  }
0x3eb: {  	v16 =	vadd.s32 v0, v30;
	v36 =	vadd.s32 v1, v30;
	v37 =	vadd.s32 v2, v30;
	v38 =	vld.idx.msk [tilespmem:v21+s14+$0x0], $0xffff  }
0x3ec: {  	v40 =	vadd.s32 v3, v30;
	v41 =	vadd.s32 v4, v30;
	v39 =	vadd.s32 v0, v34;
	v42 =	vld.idx.msk [tilespmem:v23+s14+$0x0], $0xffff  }
0x3ed: {  	v44 =	vadd.s32 v5, v30;
	v22 =	vadd.s32 v6, v30;
	v43 =	vadd.s32 v1, v34;
	v45 =	vld.idx.msk [tilespmem:v24+s14+$0x0], $0xffff  }
0x3ee: {  	v19 =	vadd.s32 v7, v30;
	v17 =	vadd.s32 v8, v30;
	v46 =	vadd.s32 v2, v34;
	v47 =	vld.idx.msk [tilespmem:v25+s14+$0x0], $0xffff  }
0x3ef: {  	v20 =	vadd.s32 v9, v30;
	v18 =	vadd.s32 v10, v30;
	v48 =	vadd.s32 v3, v34;
	v49 =	vld.idx.msk [tilespmem:v26+s14+$0x0], $0xffff  }
0x3f0: {  	v21 =	vadd.s32 v11, v30;
	v50 =	vadd.s32 v4, v34;
	v24 =	vadd.s32 v27, v32;
	v16 =	vld.idx.msk [tilespmem:v16+s14+$0x0], $0xffff  }
0x3f1: {  	v23 =	vadd.s32 v12, v30;
	v32 =	vadd.s32 v5, v34;
	v25 =	vadd.s32 v33, v24;
	v27 =	vld.idx.msk [tilespmem:v39+s14+$0x0], $0xffff  }
0x3f2: {  	v24 =	vadd.s32 v13, v30;
	v26 =	vadd.s32 v28, v25;
	v39 =	vadd.s32 v6, v34;
	v33 =	vld.idx.msk [tilespmem:v43+s14+$0x0], $0xffff  }
0x3f3: {  	v25 =	vadd.s32 v14, v30;
	v29 =	vadd.s32 v29, v26;
	v43 =	vadd.s32 v7, v34;
	v28 =	vld.idx.msk [tilespmem:v46+s14+$0x0], $0xffff  }
0x3f4: {  	v26 =	vadd.s32 v15, v30;
	v29 =	vadd.s32 v31, v29;
	v46 =	vld.idx.msk [tilespmem:v48+s14+$0x0], $0xffff;
	v48 =	vadd.s32 v8, v34  }
0x3f5: {  	v31 =	vadd.s32 v9, v34;
	v29 =	vadd.s32 v35, v29;
	v30 =	vld.idx.msk [tilespmem:v50+s14+$0x0], $0xffff  }
0x3f6: {  	v35 =	vadd.s32 v10, v34;
	v29 =	vadd.s32 v38, v29;
	v32 =	vld.idx.msk [tilespmem:v32+s14+$0x0], $0xffff  }
0x3f7: {  	v29 =	vadd.s32 v42, v29;
	v38 =	vld.idx.msk [tilespmem:v39+s14+$0x0], $0xffff;
	v39 =	vadd.s32 v11, v34  }
0x3f8: {  	v42 =	vadd.s32 v12, v34;
	v29 =	vadd.s32 v45, v29;
	v27 =	vadd.s32 v27, v33;
	v33 =	vld.idx.msk [tilespmem:v43+s14+$0x0], $0xffff  }
0x3f9: {  	v29 =	vadd.s32 v47, v29;
	v27 =	vadd.s32 v28, v27;
	v43 =	vadd.s32 v13, v34;
	v28 =	vld.idx.msk [tilespmem:v48+s14+$0x0], $0xffff  }
0x3fa: {  	v45 =	vadd.s32 v14, v34;
	v29 =	vadd.s32 v49, v29;
	v27 =	vadd.s32 v46, v27;
	v31 =	vld.idx.msk [tilespmem:v31+s14+$0x0], $0xffff  }
0x3fb: {  	v34 =	vadd.s32 v15, v34;
	v27 =	vadd.s32 v30, v27;
	v30 =	vld.idx.msk [tilespmem:v35+s14+$0x0], $0xffff;
	[tilespmem:s15+$0x0] =	vst v29  }
0x3fc: {  	v27 =	vadd.s32 v32, v27;
	v32 =	vld.idx.msk [tilespmem:v39+s14+$0x0], $0xffff  }
0x3fd: {  	v27 =	vadd.s32 v38, v27;
	v35 =	vld.idx.msk [tilespmem:v42+s14+$0x0], $0xffff  }
0x3fe: {  	v27 =	vadd.s32 v33, v27;
	v33 =	vld.idx.msk [tilespmem:v43+s14+$0x0], $0xffff  }
0x3ff: {  	v27 =	vadd.s32 v28, v27;
	v38 =	vld.idx.msk [tilespmem:v45+s14+$0x0], $0xffff  }
0x400: {  	v27 =	vadd.s32 v31, v27;
	v28 =	vld.idx.msk [tilespmem:v34+s14+$0x0], $0xffff  }
.Ltmp19:
0x401: {  	v27 =	vadd.s32 v30, v27;
	v29 =	vld.idx.msk [tilespmem:v36+s14+$0x0], $0xffff;
	(pc) =	sbr.rel @p0 .LBB2_39-.Ltmp19, $4  }
0x402: {  	v27 =	vadd.s32 v32, v27;
	v30 =	vld.idx.msk [tilespmem:v37+s14+$0x0], $0xffff  }
0x403: {  	v27 =	vadd.s32 v35, v27;
	v31 =	vld.idx.msk [tilespmem:v40+s14+$0x0], $0xffff  }
0x404: {  	v27 =	vadd.s32 v33, v27;
	v32 =	vld.idx.msk [tilespmem:v41+s14+$0x0], $0xffff  }
0x405: {  	s1 =	sadd.s32 $0x20, s1;
	v33 =	vadd.s32 v38, v27;
	v27 =	vld.idx.msk [tilespmem:v44+s14+$0x0], $0xffff  }
0x406: {  	_ =	sdelay $0x3  }
0x407: {  	v0 =	vld.idx.msk [tilespmem:v22+s14+$0x0], $0xffff;
	v1 =	vadd.s32 v16, v29  }
0x408: {  	v2 =	vld.idx.msk [tilespmem:v19+s14+$0x0], $0xffff;
	v1 =	vadd.s32 v30, v1  }
0x409: {  	v3 =	vld.idx.msk [tilespmem:v17+s14+$0x0], $0xffff;
	v1 =	vadd.s32 v31, v1  }
0x40a: {  	v4 =	vld.idx.msk [tilespmem:v20+s14+$0x0], $0xffff;
	v1 =	vadd.s32 v32, v1  }
0x40b: {  	v5 =	vld.idx.msk [tilespmem:v18+s14+$0x0], $0xffff;
	v1 =	vadd.s32 v27, v1  }
0x40c: {  	v6 =	vld.idx.msk [tilespmem:v21+s14+$0x0], $0xffff;
	v0 =	vadd.s32 v0, v1  }
0x40d: {  	v1 =	vld.idx.msk [tilespmem:v23+s14+$0x0], $0xffff;
	v0 =	vadd.s32 v2, v0  }
0x40e: {  	v2 =	vld.idx.msk [tilespmem:v24+s14+$0x0], $0xffff;
	v0 =	vadd.s32 v3, v0  }
0x40f: {  	v3 =	vld.idx.msk [tilespmem:v25+s14+$0x0], $0xffff;
	v0 =	vadd.s32 v4, v0  }
0x410: {  	v4 =	vld.idx.msk [tilespmem:v26+s14+$0x0], $0xffff;
	v0 =	vadd.s32 v5, v0  }
0x411: {  	v0 =	vadd.s32 v6, v0  }
0x412: {  	v0 =	vadd.s32 v1, v0  }
0x413: {  	v0 =	vadd.s32 v2, v0  }
0x414: {  	s0 =	sadd.s32 $0x20, s15;
	v1 =	vadd.s32 v28, v33;
	v0 =	vadd.s32 v3, v0  }
0x415: {  	s16 =	simm.s32 $0x80;
	[tilespmem:s0+$0xFFFFFFF0] =	vst v1;
	v0 =	vadd.s32 v4, v0  }
0x416: {  	s1 =	simm.s32 $0x400;
	s2 =	simm.s32 $0x18800;
	s17 =	simm.s32 $0x5;
	[tilespmem:s0+$0x0] =	vst v0  }
0x417: {  	[spmem:s6] =	stream.strided.scatter [tilespmem:s2], [sflag:$0x5], $0x800, s1, s16, $0x38;
	[tilespmem:$0x1E080] =	vst v63  }
0x418: {  	_ =	swait.ge [sflag:s17], $0x800  }
0x419: {  	[sflag:s17] =	ssyncset.done $0x0  }
0x41a: {  	[sflag:s17] =	ssyncadd.s32 $0xFFFFF800  }
0x41b: {  	s18 =	simm.s32 $0x19000;
	s19 =	simm.s32 $0x0;
	[bflag:$0x0] =	sbarrier.arrive $0xFFFF  }
0x41c: {  	[tilespmem:s18], [sflag:$0x5] =	stream.linear.gather [spmem:s21], $0x4000, $0x38;
	[tilespmem:$0x1E080] =	vst v63  }
0x41d: {  	s20 =	sand.u32 $0x60, s19;
	s3 =	sand.u32 $0x3C00, s19;
	_ =	swait.ge [sflag:s17], $0x4000  }
0x41e: {  	s3 =	sadd.s32 $0x19000, s3;
	s4 =	sor.u32 $0x10, s20;
	[sflag:s17] =	ssyncset.done $0x0  }
0x41f: {  	s23 =	sor.u32 s4, s3;
	[sflag:s17] =	ssyncadd.s32 $0xFFFFC000  }
0x420: {  	v0 =	vld [tilespmem:s23+$0x0]  }
0x421: {  	v1 =	vld [tilespmem:s23+$0x80]  }
0x422: {  	v2 =	vld [tilespmem:s23+$0x100]  }
0x423: {  	v3 =	vld [tilespmem:s23+$0x180]  }
0x424: {  	v4 =	vld [tilespmem:s23+$0x200]  }
0x425: {  	v5 =	vld [tilespmem:s23+$0x280]  }
0x426: {  	v6 =	vld [tilespmem:s23+$0x300]  }
0x427: {  	s2 =	sor.u32 s20, s3;
	v7 =	vld [tilespmem:s23+$0x380]  }
0x428: {  	v8 =	vld [tilespmem:s2+$0x0]  }
0x429: {  	v9 =	vld [tilespmem:s2+$0x80]  }
0x42a: {  	v10 =	vld [tilespmem:s2+$0x100]  }
0x42b: {  	v11 =	vld [tilespmem:s2+$0x180]  }
0x42c: {  	s24 =	simm.s32 $0x100;
	s25 =	simm.s32 $0x20;
	v12 =	vld [tilespmem:s2+$0x200]  }
0x42d: {  	s5 =	sand.u32 $0x60, s25;
	s0 =	sand.u32 $0x3C00, s24;
	v13 =	vld [tilespmem:s2+$0x280]  }
0x42e: {  	s26 =	sor.u32 $0x10, s5;
	s0 =	sadd.s32 $0x19000, s0;
	v14 =	vld [tilespmem:s2+$0x300]  }
0x42f: {  	s28 =	sor.u32 s26, s0;
	v15 =	vld [tilespmem:s2+$0x380]  }
0x430: {  	v56 =	vld [tilespmem:s28+$0x0]  }
0x431: {  	v57 =	vld [tilespmem:s28+$0x80]  }
0x432: {  	v58 =	vld [tilespmem:s28+$0x100]  }
0x433: {  	v59 =	vld [tilespmem:s28+$0x180]  }
0x434: {  	v60 =	vld [tilespmem:s28+$0x200];
	v0 =	vadd.s32 v0, v1  }
0x435: {  	v61 =	vld [tilespmem:s28+$0x280];
	v1 =	vadd.s32 v8, v9;
	v0 =	vadd.s32 v2, v0  }
0x436: {  	v62 =	vld [tilespmem:s28+$0x300];
	v1 =	vadd.s32 v10, v1;
	v2 =	vadd.s32 v56, v57;
	v0 =	vadd.s32 v3, v0  }
0x437: {  	s0 =	sor.u32 s5, s0;
	v63 =	vld [tilespmem:s28+$0x380];
	v1 =	vadd.s32 v11, v1;
	v2 =	vadd.s32 v58, v2;
	v0 =	vadd.s32 v4, v0  }
0x438: {  	v1 =	vadd.s32 v12, v1;
	v2 =	vadd.s32 v59, v2;
	v3 =	vadd.s32 v5, v0;
	v0 =	vld [tilespmem:s0+$0x0]  }
0x439: {  	s1 =	sand.u32 $0x780, s19;
	v4 =	vadd.s32 v13, v1;
	v1 =	vld [tilespmem:s0+$0x80];
	v5 =	vadd.s32 v60, v2;
	v3 =	vadd.s32 v6, v3  }
0x43a: {  	s29 =	sor.u32 s4, s1;
	v2 =	vld [tilespmem:s0+$0x100];
	v4 =	vadd.s32 v14, v4;
	v5 =	vadd.s32 v61, v5;
	v3 =	vadd.s32 v7, v3  }
0x43b: {  	s14 =	simm.s32 $0x40;
	s3 =	sand.u32 $0x780, s25;
	s1 =	simm.s32 $0x1D000;
	v4 =	vadd.s32 v15, v4;
	v5 =	vadd.s32 v62, v5;
	[tilespmem:s29+$0x1D000] =	vst v3;
	v3 =	vld [tilespmem:s0+$0x180]  }
0x43c: {  	s15 =	sor.u32 s26, s3;
	s3 =	simm.s32 $0x200;
	s2 =	simm.s32 $0x2;
	[tilespmem:s1+$0x0] =	vst v4;
	v4 =	vld [tilespmem:s0+$0x200];
	v5 =	vadd.s32 v63, v5  }
.LBB2_41:
0x43d: {  	s4 =	sand.u32 $0x60, s14;
	s5 =	sand.u32 $0x3C00, s3;
	v6 =	vld [tilespmem:s0+$0x280];
	[tilespmem:s15+$0x1D000] =	vst v5  }
0x43e: {  	s2 =	sadd.s32 $0x2, s2;
	s5 =	sadd.s32 $0x19000, s5;
	s15 =	sor.u32 $0x10, s4;
	v0 =	vadd.s32 v0, v1;
	v1 =	vld [tilespmem:s0+$0x300]  }
0x43f: {  	p0 =	slt.u32 s2, $0x7E;
	s16 =	sor.u32 s15, s5;
	v0 =	vadd.s32 v2, v0;
	v2 =	vld [tilespmem:s0+$0x380];
	s0 =	sor.u32 s4, s5  }
0x440: {  	v5 =	vld [tilespmem:s16+$0x0];
	v0 =	vadd.s32 v3, v0  }
0x441: {  	v3 =	vld [tilespmem:s16+$0x80];
	v0 =	vadd.s32 v4, v0  }
0x442: {  	v4 =	vld [tilespmem:s16+$0x100];
	v0 =	vadd.s32 v6, v0  }
0x443: {  	v6 =	vld [tilespmem:s16+$0x180];
	v0 =	vadd.s32 v1, v0  }
0x444: {  	s1 =	sadd.s32 $0x20, s1;
	v7 =	vld [tilespmem:s16+$0x200];
	v0 =	vadd.s32 v2, v0  }
0x445: {  	v8 =	vld [tilespmem:s16+$0x280];
	[tilespmem:s1+$0x0] =	vst v0  }
0x446: {  	v0 =	vadd.s32 v5, v3;
	v5 =	vld [tilespmem:s16+$0x300]  }
0x447: {  	v1 =	vadd.s32 v4, v0;
	v9 =	vld [tilespmem:s16+$0x380]  }
.Ltmp20:
0x448: {  	v0 =	vld [tilespmem:s0+$0x0];
	v2 =	vadd.s32 v6, v1;
	(pc) =	sbr.rel @p0 .LBB2_41-.Ltmp20, $4  }
0x449: {  	v1 =	vld [tilespmem:s0+$0x80];
	v3 =	vadd.s32 v7, v2  }
0x44a: {  	v2 =	vld [tilespmem:s0+$0x100];
	v4 =	vadd.s32 v8, v3  }
0x44b: {  	s4 =	sand.u32 $0x780, s14;
	v3 =	vld [tilespmem:s0+$0x180];
	v5 =	vadd.s32 v5, v4  }
0x44c: {  	s3 =	sadd.s32 $0x100, s3;
	s14 =	sadd.s32 $0x20, s14;
	s15 =	sor.u32 s15, s4;
	v4 =	vld [tilespmem:s0+$0x200];
	v5 =	vadd.s32 v9, v5  }
0x44d: {  	v6 =	vld [tilespmem:s0+$0x280]  }
0x44e: {  	v0 =	vadd.s32 v0, v1;
	v1 =	vld [tilespmem:s0+$0x300]  }
0x44f: {  	v0 =	vadd.s32 v2, v0;
	v2 =	vld [tilespmem:s0+$0x380]  }
0x450: {  	v0 =	vadd.s32 v3, v0  }
0x451: {  	v0 =	vadd.s32 v4, v0  }
0x452: {  	v0 =	vadd.s32 v6, v0  }
0x453: {  	v0 =	vadd.s32 v1, v0  }
0x454: {  	[tilespmem:s15+$0x1D000] =	vst v5;
	s28 =	sadd.s32 $0x20, s1;
	v0 =	vadd.s32 v2, v0  }
0x455: {  	s29 =	simm.s32 $0x19000;
	s1 =	simm.s32 $0x5;
	s5 =	simm.s32 $0x0;
	[tilespmem:s28+$0x0] =	vst v0  }
0x456: {  	[tilespmem:s29], [sflag:$0x5] =	stream.linear.gather [spmem:s7], $0x4000, $0x38;
	[tilespmem:$0x1E080] =	vst v63  }
0x457: {  	s2 =	sand.u32 $0x60, s5;
	s3 =	sand.u32 $0x3C00, s5;
	_ =	swait.ge [sflag:s1], $0x4000  }
0x458: {  	s3 =	sadd.s32 $0x19000, s3;
	s4 =	sor.u32 $0x10, s2;
	[sflag:s1] =	ssyncset.done $0x0  }
0x459: {  	s14 =	sor.u32 s4, s3;
	[sflag:s1] =	ssyncadd.s32 $0xFFFFC000  }
0x45a: {  	v0 =	vld [tilespmem:s14+$0x0]  }
0x45b: {  	v1 =	vld [tilespmem:s14+$0x80]  }
0x45c: {  	v2 =	vld [tilespmem:s14+$0x100]  }
0x45d: {  	v3 =	vld [tilespmem:s14+$0x180]  }
0x45e: {  	s24 =	simm.s32 $0x200;
	s25 =	simm.s32 $0x40;
	s15 =	sand.u32 $0x780, s5;
	v4 =	vld [tilespmem:s14+$0x200]  }
0x45f: {  	s26 =	sand.u32 $0x60, s25;
	s2 =	sor.u32 s2, s3;
	s28 =	sand.u32 $0x3C00, s24;
	v5 =	vld [tilespmem:s14+$0x280]  }
0x460: {  	s5 =	sor.u32 $0x10, s26;
	s0 =	sor.u32 s4, s15;
	s4 =	sadd.s32 $0x19000, s28;
	v6 =	vld [tilespmem:s2+$0x0]  }
0x461: {  	s29 =	sor.u32 s5, s4;
	v7 =	vld [tilespmem:s2+$0x380]  }
0x462: {  	v60 =	vld [tilespmem:s29+$0x180]  }
0x463: {  	v61 =	vld [tilespmem:s29+$0x200]  }
0x464: {  	v62 =	vld [tilespmem:s29+$0x280]  }
0x465: {  	v0 =	vadd.s32 v0, v1;
	v1 =	vld [tilespmem:s14+$0x300]  }
0x466: {  	v0 =	vadd.s32 v2, v0;
	v2 =	vld [tilespmem:s14+$0x380]  }
0x467: {  	v14 =	vld [tilespmem:s29+$0x380];
	v0 =	vadd.s32 v3, v0  }
0x468: {  	v3 =	vld [tilespmem:s2+$0x80];
	v0 =	vadd.s32 v4, v0  }
0x469: {  	v4 =	vld [tilespmem:s2+$0x100];
	v0 =	vadd.s32 v5, v0  }
0x46a: {  	v5 =	vld [tilespmem:s2+$0x180];
	v0 =	vadd.s32 v1, v0  }
0x46b: {  	s16 =	simm.s32 $0x100;
	s17 =	simm.s32 $0x20;
	s0 =	sor.u32 $0x1D000, s0;
	v1 =	vld [tilespmem:s2+$0x200];
	v0 =	vadd.s32 v2, v0  }
0x46c: {  	s18 =	sand.u32 $0x60, s17;
	[tilespmem:s0+$0x0] =	vst.add.s32.msk $0xffff, v0;
	s0 =	sand.u32 $0x3C00, s16  }
0x46d: {  	s19 =	sor.u32 $0x10, s18;
	v2 =	vld [tilespmem:s2+$0x300];
	s0 =	sadd.s32 $0x19000, s0  }
0x46e: {  	v0 =	vld [tilespmem:s2+$0x280];
	s20 =	sor.u32 s19, s0  }
0x46f: {  	v8 =	vld [tilespmem:s20+$0x0]  }
0x470: {  	v9 =	vld [tilespmem:s20+$0x80]  }
0x471: {  	v10 =	vld [tilespmem:s20+$0x100]  }
0x472: {  	v11 =	vld [tilespmem:s20+$0x180]  }
0x473: {  	v12 =	vld [tilespmem:s20+$0x200]  }
0x474: {  	v13 =	vld [tilespmem:s20+$0x280]  }
0x475: {  	v55 =	vld [tilespmem:s20+$0x300];
	v8 =	vadd.s32 v8, v9  }
0x476: {  	s1 =	sor.u32 s26, s4;
	v3 =	vadd.s32 v6, v3;
	v56 =	vld [tilespmem:s20+$0x380];
	v8 =	vadd.s32 v10, v8  }
0x477: {  	v63 =	vld [tilespmem:s1+$0x0];
	v3 =	vadd.s32 v4, v3;
	s3 =	sor.u32 s18, s0;
	v8 =	vadd.s32 v11, v8  }
0x478: {  	v3 =	vadd.s32 v5, v3;
	v57 =	vld [tilespmem:s3+$0x0];
	v8 =	vadd.s32 v12, v8  }
0x479: {  	s23 =	sand.u32 $0x780, s17;
	v58 =	vld [tilespmem:s3+$0x80];
	v1 =	vadd.s32 v1, v3;
	v8 =	vadd.s32 v13, v8  }
0x47a: {  	s0 =	sor.u32 s19, s23;
	v6 =	vld [tilespmem:s3+$0x100];
	v0 =	vadd.s32 v0, v1;
	v8 =	vadd.s32 v55, v8  }
0x47b: {  	s0 =	sor.u32 $0x1D000, s0;
	v1 =	vld [tilespmem:s29+$0x80];
	v0 =	vadd.s32 v2, v0;
	v8 =	vadd.s32 v56, v8  }
0x47c: {  	v0 =	vadd.s32 v7, v0;
	[tilespmem:s0+$0x0] =	vst.add.s32.msk $0xffff, v8;
	s0 =	simm.s32 $0x1D000  }
0x47d: {  	[tilespmem:s0+$0x0] =	vst.add.s32.msk $0xffff, v0  }
0x47e: {  	v0 =	vld [tilespmem:s29+$0x0]  }
0x47f: {  	v2 =	vld [tilespmem:s29+$0x100]  }
0x480: {  	v4 =	vld [tilespmem:s3+$0x180]  }
0x481: {  	v5 =	vld [tilespmem:s3+$0x200]  }
0x482: {  	v3 =	vld [tilespmem:s3+$0x280]  }
0x483: {  	v0 =	vadd.s32 v0, v1;
	v1 =	vld [tilespmem:s29+$0x300]  }
0x484: {  	v59 =	vld [tilespmem:s3+$0x300];
	v0 =	vadd.s32 v2, v0  }
0x485: {  	v7 =	vld [tilespmem:s3+$0x380];
	v2 =	vadd.s32 v57, v58;
	v0 =	vadd.s32 v60, v0  }
0x486: {  	v2 =	vadd.s32 v6, v2;
	v6 =	vld [tilespmem:s1+$0x80];
	v0 =	vadd.s32 v61, v0  }
0x487: {  	s2 =	sand.u32 $0x780, s25;
	v4 =	vadd.s32 v4, v2;
	v2 =	vld [tilespmem:s1+$0x100];
	v0 =	vadd.s32 v62, v0  }
0x488: {  	s2 =	sor.u32 s5, s2;
	v4 =	vadd.s32 v5, v4;
	v0 =	vadd.s32 v1, v0;
	v1 =	vld [tilespmem:s1+$0x180]  }
0x489: {  	s2 =	sor.u32 $0x1D000, s2;
	v4 =	vadd.s32 v3, v4;
	v3 =	vld [tilespmem:s1+$0x200];
	v0 =	vadd.s32 v14, v0  }
0x48a: {  	v4 =	vadd.s32 v59, v4;
	[tilespmem:s2+$0x0] =	vst.add.s32.msk $0xffff, v0  }
0x48b: {  	s14 =	simm.s32 $0x60;
	s3 =	simm.s32 $0x300;
	s2 =	simm.s32 $0x4;
	v0 =	vadd.s32 v7, v4;
	v5 =	vadd.s32 v63, v6;
	v4 =	vld [tilespmem:s1+$0x280]  }
.LBB2_43:
0x48c: {  	s4 =	sand.u32 $0x60, s14;
	s5 =	sand.u32 $0x3C00, s3;
	v2 =	vadd.s32 v2, v5;
	v5 =	vld [tilespmem:s1+$0x300];
	s0 =	sadd.s32 $0x20, s0  }
0x48d: {  	s2 =	sadd.s32 $0x2, s2;
	s5 =	sadd.s32 $0x19000, s5;
	s15 =	sor.u32 $0x10, s4;
	v1 =	vadd.s32 v1, v2;
	v2 =	vld [tilespmem:s1+$0x380]  }
0x48e: {  	p0 =	slt.u32 s2, $0x7E;
	s1 =	sor.u32 s4, s5;
	s4 =	sor.u32 s15, s5;
	v1 =	vadd.s32 v3, v1;
	[tilespmem:s0+$0x0] =	vst.add.s32.msk $0xffff, v0  }
0x48f: {  	v3 =	vld [tilespmem:s4+$0x0]  }
0x490: {  	v6 =	vld [tilespmem:s4+$0x80];
	v0 =	vadd.s32 v4, v1  }
0x491: {  	v1 =	vld [tilespmem:s4+$0x100];
	v0 =	vadd.s32 v5, v0  }
0x492: {  	v4 =	vld [tilespmem:s4+$0x180];
	v0 =	vadd.s32 v2, v0  }
0x493: {  	v2 =	vld [tilespmem:s4+$0x200]  }
0x494: {  	v5 =	vld [tilespmem:s4+$0x280]  }
0x495: {  	v3 =	vadd.s32 v3, v6;
	v6 =	vld [tilespmem:s4+$0x300]  }
0x496: {  	v1 =	vadd.s32 v1, v3;
	v7 =	vld [tilespmem:s4+$0x380]  }
0x497: {  	v8 =	vld [tilespmem:s1+$0x0];
	v1 =	vadd.s32 v4, v1  }
0x498: {  	v4 =	vld [tilespmem:s1+$0x80];
	v1 =	vadd.s32 v2, v1  }
.Ltmp21:
0x499: {  	s4 =	sand.u32 $0x780, s14;
	v2 =	vld [tilespmem:s1+$0x100];
	v3 =	vadd.s32 v5, v1;
	(pc) =	sbr.rel @p0 .LBB2_43-.Ltmp21, $4  }
0x49a: {  	s4 =	sor.u32 s15, s4;
	v1 =	vld [tilespmem:s1+$0x180];
	v5 =	vadd.s32 v6, v3  }
0x49b: {  	s4 =	sor.u32 $0x1D000, s4;
	v3 =	vld [tilespmem:s1+$0x200];
	v5 =	vadd.s32 v7, v5  }
0x49c: {  	[tilespmem:s4+$0x0] =	vst.add.s32.msk $0xffff, v5  }
0x49d: {  	s3 =	sadd.s32 $0x100, s3;
	s14 =	sadd.s32 $0x20, s14;
	v5 =	vadd.s32 v8, v4;
	v4 =	vld [tilespmem:s1+$0x280]  }
0x49e: {  	v6 =	vld [tilespmem:s1+$0x300]  }
0x49f: {  	v2 =	vadd.s32 v2, v5;
	v63 =	vld [tilespmem:s1+$0x380]  }
0x4a0: {  	v1 =	vadd.s32 v1, v2  }
0x4a1: {  	v1 =	vadd.s32 v3, v1  }
0x4a2: {  	v1 =	vadd.s32 v4, v1  }
0x4a3: {  	s0 =	sadd.s32 $0x20, s0;
	v1 =	vadd.s32 v6, v1  }
0x4a4: {  	[tilespmem:s0+$0x0] =	vst.add.s32.msk $0xffff, v0;
	s0 =	sadd.s32 $0x20, s0;
	v0 =	vadd.s32 v63, v1  }
0x4a5: {  	[tilespmem:s0+$0x0] =	vst.add.s32.msk $0xffff, v0  }
0x4a6: {  	s0 =	simm.s32 $0x1D000;
	[bflag:$0x0] =	sbarrier.arrive $0xFFFF  }
0x4a7: {  	v2 =	vld [tilespmem:s0+$0x0];
	_ =	sdelay $0x4  }
0x4a8: {  	(xrf0) =	vadd.scan.msk.s32 $0xffff, v2;
	_ =	sdelay $0x5  }
0x4a9: {  	s13 =	ssub.s32 s8, s13;
	s2 =	simm.s32 $0x0;
	v1 =	vlaneseq.u32;
	v2, _, _ =	vpop (xrf0)  }
0x4aa: {  	v0 =	vmov s13;
	v1 =	vor.u32 $0x80000000, v1;
	v2 =	vadd.s32 s2, v2  }
0x4ab: {  	v3 =	vor.u32 s2, v1;
	vm1 =	vlt.s32 v2, v0;
	v2 =	vxor.u32 $0x80000000, v2  }
0x4ac: {  	v3 =	vsel vm1, $0xC0000000, v3;
	(xrf0) =	vmax.scan.msk.u32 $0xffff, v2  }
0x4ad: {  	(xrf0) =	vmin.scan.msk.u32 $0xffff, v3;
	_ =	sdelay $0x4  }
0x4ae: {  	v2, _, _ =	vpop (xrf0)  }
0x4af: {  	v3, _, _ =	vpop (xrf0);
	(v2sf) =	vpush v2, $0xF  }
0x4b0: {  	s1 =	simm.s32 $0x40000000;
	s3 =	simm.s32 $0x20;
	s2 =	simm.s32 $0x10;
	(v2sf) =	vpush v3, $0xF  }
.LBB2_45:
0x4b1: {  	s4 =	smov.u32 s1  }
0x4b2: {  	p0 =	seq.s32 s3, $0x7F0  }
0x4b3: {  	s0 =	sadd.s32 $0x10, s0  }
0x4b4: {  	v2 =	vld [tilespmem:s0+$0x0];
	_ =	sdelay $0x4  }
0x4b5: {  	(xrf0) =	vadd.scan.msk.s32 $0xffff, v2;
	_ =	sdelay $0x4  }
0x4b6: {  	s1 =	spop (v2sf)  }
0x4b7: {  	v2, _, _ =	vpop (xrf0);
	s1 =	sxor.u32 $0x80000000, s1;
	s5 =	spop (v2sf)  }
0x4b8: {  	v2 =	vadd.s32 s1, v2;
	s1 =	sxor.u32 $0x80000000, s5  }
0x4b9: {  	v3 =	vor.u32 s2, v1;
	s2 =	smov.u32 s3;
	vm1 =	vlt.s32 v2, v0;
	v2 =	vxor.u32 $0x80000000, v2;
	p1 =	slt.s32 s4, s1  }
0x4ba: {  	v3 =	vsel vm1, $0xC0000000, v3;
	(xrf0) =	vmax.scan.msk.u32 $0xffff, v2;
	s1 =	smov.u32 @p1 s4  }
0x4bb: {  	(xrf0) =	vmin.scan.msk.u32 $0xffff, v3;
	_ =	sdelay $0x3  }
.Ltmp22:
0x4bc: {  	(pc) =	sbr.rel @!p0 .LBB2_45-.Ltmp22, $4  }
0x4bd: {  	v2, _, _ =	vpop (xrf0)  }
0x4be: {  	v3, _, _ =	vpop (xrf0);
	(v2sf) =	vpush v2, $0xF  }
0x4bf: {  	(v2sf) =	vpush v3, $0xF  }
0x4c0: {  	s3 =	sadd.s32 $0x10, s3  }
0x4c1: {  	_ = 	snop  }
0x4c2: {  	s0 =	sadd.s32 $0x10, s0  }
0x4c3: {  	v2 =	vld [tilespmem:s0+$0x0];
	_ =	sdelay $0x4  }
0x4c4: {  	(xrf0) =	vadd.scan.msk.s32 $0xffff, v2;
	_ =	sdelay $0x4  }
0x4c5: {  	s18 =	spop (v2sf)  }
0x4c6: {  	v2, _, _ =	vpop (xrf0);
	s0 =	sxor.u32 $0x80000000, s18  }
0x4c7: {  	v2 =	vadd.s32 s0, v2  }
0x4c8: {  	vm1 =	vlt.s32 v2, v0;
	v0 =	vor.u32 s2, v1;
	v1 =	vxor.u32 $0x80000000, v2  }
0x4c9: {  	v0 =	vsel vm1, $0xC0000000, v0;
	(xrf0) =	vmax.scan.msk.u32 $0xffff, v1  }
0x4ca: {  	(xrf0) =	vmin.scan.msk.u32 $0xffff, v0;
	_ =	sdelay $0x4  }
0x4cb: {  	v0, _, _ =	vpop (xrf0)  }
0x4cc: {  	v1, _, _ =	vpop (xrf0);
	(v2sf) =	vpush v0, $0xF  }
0x4cd: {  	(v2sf) =	vpush v1, $0xF;
	_ =	sdelay $0xc  }
0x4ce: {  	s19 =	spop (v2sf)  }
0x4cf: {  	s2 =	sxor.u32 $0x80000000, s19;
	s20 =	spop (v2sf)  }
0x4d0: {  	s23 =	simm.s32 $0x1D000;
	p0 =	slt.s32 s1, s2;
	s0 =	spop (v2sf)  }
0x4d1: {  	s24 =	simm.s32 $0x1D010;
	v2 =	vld [tilespmem:s23+$0x0];
	s2 =	smov.u32 @p0 s1;
	s0 =	sxor.u32 $0x80000000, s0  }
0x4d2: {  	v3 =	vld [tilespmem:s24+$0x0];
	p0 =	slt.s32 s2, s0  }
0x4d3: {  	s1 =	simm.s32 $0x0;
	v1 =	vlaneseq.u32;
	s0 =	smov.u32 @p0 s2  }
0x4d4: {  	s25 =	simm.s32 $0x10;
	v4 =	vor.u32 s1, v1;
	v0 =	vmov s0  }
0x4d5: {  	v60 =	vor.u32 s25, v1;
	vm1 =	vlt.s32 v4, v0  }
0x4d6: {  	v2 =	vnsel vm1, $0x0, v2;
	vm1 =	vlt.s32 v60, v0  }
0x4d7: {  	(xrf0) =	vadd.scan.msk.s32 $0xffff, v2;
	v2 =	vnsel vm1, $0x0, v3  }
0x4d8: {  	(xrf0) =	vadd.scan.msk.s32 $0xffff, v2;
	_ =	sdelay $0x3  }
0x4d9: {  	s26 =	simm.s32 $0x1D020  }
0x4da: {  	v2 =	vld [tilespmem:s26+$0x0];
	v5, _, _ =	vpop (xrf0)  }
0x4db: {  	(v2sf) =	vpush v5, $0xF;
	v63, _, _ =	vpop (xrf0)  }
0x4dc: {  	s29 =	simm.s32 $0x20;
	(v2sf) =	vpush v63, $0xF  }
0x4dd: {  	v61 =	vor.u32 s29, v1  }
0x4de: {  	vm1 =	vlt.s32 v61, v0  }
0x4df: {  	s28 =	simm.s32 $0x1D030;
	v2 =	vnsel vm1, $0x0, v2  }
0x4e0: {  	v3 =	vld [tilespmem:s28+$0x0];
	(xrf0) =	vadd.scan.msk.s32 $0xffff, v2;
	_ =	sdelay $0x1  }
0x4e1: {  	s3 =	simm.s32 $0x30  }
0x4e2: {  	v62 =	vor.u32 s3, v1  }
0x4e3: {  	vm1 =	vlt.s32 v62, v0  }
0x4e4: {  	s3 =	simm.s32 $0x1D040;
	s2 =	simm.s32 $0x40;
	v2 =	vnsel vm1, $0x0, v3  }
.LBB2_47:
0x4e5: {  	v3 =	vld [tilespmem:s3+$0x0];
	p0 =	sne.s32 s2, $0x7F0;
	(xrf0) =	vadd.scan.msk.s32 $0xffff, v2;
	v2, _, _ =	vpop (xrf0);
	s4 =	smov.u32 s2;
	s2 =	sadd.s32 $0x10, s2  }
.Ltmp23:
0x4e6: {  	(v2sf) =	vpush v2, $0xF;
	(pc) =	sbr.rel @p0 .LBB2_47-.Ltmp23, $4  }
0x4e7: {  	_ = 	snop  }
0x4e8: {  	v2 =	vor.u32 s4, v1  }
0x4e9: {  	vm1 =	vlt.s32 v2, v0;
	s4 =	spop (v2sf)  }
0x4ea: {  	s3 =	sadd.s32 $0x10, s3;
	v2 =	vnsel vm1, $0x0, v3;
	s1 =	sadd.s32 s1, s4  }
0x4eb: {  	(xrf0) =	vadd.scan.msk.s32 $0xffff, v2;
	_ =	sdelay $0x4  }
0x4ec: {  	v0, _, _ =	vpop (xrf0)  }
0x4ed: {  	(v2sf) =	vpush v0, $0xF;
	v0, _, _ =	vpop (xrf0)  }
0x4ee: {  	(v2sf) =	vpush v0, $0xF;
	_ =	sdelay $0x8  }
0x4ef: {  	s2 =	simm.s32 $0x10040;
	v0 =	vimm.s32 $0x0  }
0x4f0: {  	[tilespmem:s2+$0xFFFFFFC0] =	vst v0  }
0x4f1: {  	[tilespmem:s2+$0x30] =	vst v0  }
0x4f2: {  	s3 =	spop (v2sf);
	[tilespmem:s2+$0x20] =	vst v0  }
0x4f3: {  	s1 =	sadd.s32 s1, s3;
	[tilespmem:s2+$0x10] =	vst v0;
	s26 =	spop (v2sf)  }
0x4f4: {  	[tilespmem:s2+$0x0] =	vst v0;
	s1 =	sadd.s32 s1, s26;
	s28 =	spop (v2sf)  }
0x4f5: {  	[tilespmem:s2+$0xFFFFFFF0] =	vst v0;
	s1 =	sadd.s32 s1, s28;
	s29 =	spop (v2sf)  }
0x4f6: {  	[tilespmem:s2+$0xFFFFFFE0] =	vst v0;
	s14 =	sadd.s32 s1, s29;
	s1 =	simm.s32 $0x0  }
.LBB2_49:
0x4f7: {  	s1 =	sadd.s32 $0x8, s1;
	[tilespmem:s2+$0xFFFFFFD0] =	vst v0;
	s2 =	sadd.s32 $0x80, s2  }
0x4f8: {  	[tilespmem:s2+$0xFFFFFFC0] =	vst v0;
	p0 =	slt.u32 s1, $0x878  }
0x4f9: {  	[tilespmem:s2+$0x30] =	vst v0  }
.Ltmp24:
0x4fa: {  	[tilespmem:s2+$0x20] =	vst v0;
	(pc) =	sbr.rel @p0 .LBB2_49-.Ltmp24, $4  }
0x4fb: {  	[tilespmem:s2+$0x10] =	vst v0  }
0x4fc: {  	[tilespmem:s2+$0x0] =	vst v0  }
0x4fd: {  	[tilespmem:s2+$0xFFFFFFF0] =	vst v0  }
0x4fe: {  	[tilespmem:s2+$0xFFFFFFE0] =	vst v0  }
0x4ff: {  	[tilespmem:s2+$0xFFFFFFD0] =	vst v0;
	s1 =	simm.s32 $0x0;
	s2 =	simm.s32 $0xC000  }
0x500: {  	s3 =	simm.s32 $0x10;
	s16 =	sadd.s32 $0x0, s11;
	s15 =	simm.s32 $0xC100  }
.LBB2_51:
0x501: {  	[tilespmem:s2], [sflag:$0x1] =	stream.linear.gather [hbm4b:s16+s1], $0x80, $0x38;
	[tilespmem:$0x1E080] =	vst v63  }
0x502: {  	s4 =	smov.u32 s3;
	s2 =	smov.u32 s15;
	p0 =	seq.s32 s3, $0x3F0  }
.Ltmp25:
0x503: {  	s3 =	sadd.s32 $0x10, s3;
	(pc) =	sbr.rel @!p0 .LBB2_51-.Ltmp25, $2  }
0x504: {  	_ =	sdelay $0x2  }
0x505: {  	s15 =	sadd.s32 $0x100, s15;
	s16 =	sadd.s32 s4, s11  }
0x506: {  	[tilespmem:s2], [sflag:$0x1] =	stream.linear.gather [hbm4b:s16+s1], $0x80, $0x38;
	[tilespmem:$0x1E080] =	vst v63  }
0x507: {  	s29 =	sshll.u32 s12, $0xB  }
0x508: {  	s15 =	simm.s32 $0x0;
	s16 =	simm.s32 $0x1;
	s12 =	sor.u32 s29, s0  }
0x509: {  	v1 =	vlaneseq.u32;
	v2 =	vimm.s32 $0x1;
	s17 =	simm.s32 $0x10000;
	s18 =	simm.s32 $0x2;
	s19 =	simm.s32 $0x0;
	v0 =	vmov s12  }
.LBB2_53:
0x50a: {  	s0 =	sshll.u32 s19, $0xE  }
0x50b: {  	s1 =	sor.u32 s0, s31  }
0x50c: {  	_ =	swait.ge [sflag:s16], $0x2000;
	s1 =	sshrl.u32 s1, $0x3  }
0x50d: {  	s2 =	simm.s32 $0xC080;
	[sflag:s16] =	ssyncset.done $0x0;
	s1 =	sadd.s32 s1, s30  }
0x50e: {  	s3 =	simm.s32 $0x0;
	[sflag:s16] =	ssyncadd.s32 $0xFFFFE000;
	s1 =	sadd.s32 $0x400, s1  }
.LBB2_54:
0x50f: {  	p0 =	sne.s32 s3, $0x3F0  }
.Ltmp26:
0x510: {  	_ = 	snop;
	(pc) =	sbr.rel @p0 .LBB2_54-.Ltmp26, $4  }
0x511: {  	_ = 	snop  }
0x512: {  	s4 =	sadd.s32 s3, s1  }
0x513: {  	[tilespmem:s2], [sflag:$0x2] =	stream.linear.gather [hbm4b:s4+s15], $0x80, $0x38;
	[tilespmem:$0x1E080] =	vst v63  }
0x514: {  	s3 =	sadd.s32 $0x10, s3;
	s2 =	sadd.s32 $0x100, s2  }
0x515: {  	s2 =	simm.s32 $0xC040  }
0x516: {  	v4 =	vld [tilespmem:s2+$0xFFFFFFE0]  }
0x517: {  	v5 =	vld [tilespmem:s2+$0x30]  }
0x518: {  	v6 =	vld [tilespmem:s2+$0xFFFFFFC0]  }
0x519: {  	v7 =	vld [tilespmem:s2+$0x0]  }
0x51a: {  	v8 =	vld [tilespmem:s2+$0x10];
	_ =	sdelay $0x1  }
0x51b: {  	v3 =	vshrl.u32 v4, $0xA;
	v13 =	vshrl.u32 v5, $0xA  }
0x51c: {  	v12 =	vld [tilespmem:s2+$0x20];
	v10 =	vand.u32 $0x3FF, v6;
	v6 =	vshrl.u32 v6, $0xA;
	v5 =	vand.u32 $0x3FF, v5  }
0x51d: {  	v4 =	vand.u32 $0x3FF, v4;
	vm2 =	veq.s32 v6, v0;
	v6 =	vshrl.u32 v7, $0xA  }
0x51e: {  	v14 =	vshrl.u32 v8, $0xA;
	v11 =	vand.u32 $0x3FF, v8;
	vm1 =	veq.s32 v6, v0;
	v6 =	vld [tilespmem:s2+$0xFFFFFFD0]  }
0x51f: {  	v4 =	vmul.u32 $0x11, v4;
	v7 =	vand.u32 $0x3FF, v7;
	v9 =	vmul.u32 $0x11, v5  }
0x520: {  	v8 =	vmul.u32 $0x11, v10;
	v11 =	vmul.u32 $0x11, v11;
	v7 =	vmul.u32 $0x11, v7  }
0x521: {  	v10 =	vand.u32 $0x3FF, v12;
	vm4 =	veq.s32 v14, v0;
	v12 =	vshrl.u32 v12, $0xA  }
0x522: {  	s1 =	simm.s32 $0x0;
	vm3 =	veq.s32 v13, v0;
	v4 =	vadd.s32 v1, v4;
	v5 =	vadd.s32 v1, v7;
	v7 =	vld [tilespmem:s2+$0xFFFFFFF0];
	s2 =	simm.s32 $0xC140  }
.LBB2_56:
0x523: {  	v13 =	vld [tilespmem:s2+$0xFFFFFFE0];
	s1 =	sadd.s32 $0x8, s1;
	v14 =	vand.u32 $0x3FF, v6;
	v11 =	vadd.s32 v1, v11;
	vm6 =	veq.s32 v12, v0  }
0x524: {  	v6 =	vshrl.u32 v6, $0xA;
	v10 =	vmul.u32 $0x11, v10;
	v9 =	vadd.s32 v1, v9;
	v12 =	vld [tilespmem:s2+$0x0];
	p0 =	slt.u32 s1, $0x1F8  }
0x525: {  	v8 =	vadd.s32 v1, v8;
	vm5 =	veq.s32 v6, v0;
	v14 =	vmul.u32 $0x11, v14;
	v15 =	vld [tilespmem:s2+$0x30]  }
0x526: {  	vm8 =	veq.s32 v3, v0;
	vm7 =	vmmov vm2;
	v16 =	vld [tilespmem:s2+$0xFFFFFFC0]  }
0x527: {  	v10 =	vadd.s32 v1, v10;
	v14 =	vadd.s32 v1, v14;
	v6 =	vld [tilespmem:s2+$0xFFFFFFD0];
	v17 =	vand.u32 $0x3FF, v7  }
0x528: {  	v3 =	vshrl.u32 v13, $0xA;
	v17 =	vmul.u32 $0x11, v17;
	[tilespmem:v11+s17+$0x0] =	vst.idx.add.s32.msk vm4, v2  }
0x529: {  	v7 =	vshrl.u32 v7, $0xA;
	v11 =	vld [tilespmem:s2+$0x10]  }
0x52a: {  	vm4 =	veq.s32 v7, v0;
	v7 =	vadd.s32 v1, v17;
	[tilespmem:v9+s17+$0x0] =	vst.idx.add.s32.msk vm3, v2  }
0x52b: {  	v18 =	vshrl.u32 v15, $0xA;
	v17 =	vld [tilespmem:s2+$0x20]  }
0x52c: {  	v15 =	vand.u32 $0x3FF, v15;
	v19 =	vand.u32 $0x3FF, v16;
	v9 =	vshrl.u32 v16, $0xA;
	[tilespmem:v5+s17+$0x0] =	vst.idx.add.s32.msk vm1, v2  }
0x52d: {  	vm2 =	veq.s32 v9, v0;
	v5 =	vand.u32 $0x3FF, v13;
	v13 =	vshrl.u32 v12, $0xA;
	[tilespmem:v4+s17+$0x0] =	vst.idx.add.s32.msk vm8, v2  }
.Ltmp27:
0x52e: {  	v4 =	vmul.u32 $0x11, v5;
	v5 =	vand.u32 $0x3FF, v12;
	v12 =	vshrl.u32 v11, $0xA;
	[tilespmem:v10+s17+$0x0] =	vst.idx.add.s32.msk vm6, v2;
	(pc) =	sbr.rel @p0 .LBB2_56-.Ltmp27, $4  }
0x52f: {  	v9 =	vmul.u32 $0x11, v15;
	v5 =	vmul.u32 $0x11, v5;
	v10 =	vand.u32 $0x3FF, v11;
	[tilespmem:v8+s17+$0x0] =	vst.idx.add.s32.msk vm7, v2  }
0x530: {  	vm1 =	veq.s32 v13, v0;
	v8 =	vmul.u32 $0x11, v19;
	v4 =	vadd.s32 v1, v4;
	[tilespmem:v14+s17+$0x0] =	vst.idx.add.s32.msk vm5, v2  }
0x531: {  	v11 =	vmul.u32 $0x11, v10;
	v5 =	vadd.s32 v1, v5;
	v10 =	vand.u32 $0x3FF, v17;
	[tilespmem:v7+s17+$0x0] =	vst.idx.add.s32.msk vm4, v2  }
0x532: {  	vm3 =	veq.s32 v18, v0;
	vm4 =	veq.s32 v12, v0;
	v12 =	vshrl.u32 v17, $0xA;
	v7 =	vld [tilespmem:s2+$0xFFFFFFF0];
	s2 =	sadd.s32 $0x100, s2  }
0x533: {  	_ = 	snop  }
0x534: {  	v11 =	vadd.s32 v1, v11;
	v13 =	vand.u32 $0x3FF, v6;
	v9 =	vadd.s32 v1, v9  }
0x535: {  	vm5 =	veq.s32 v12, v0;
	v10 =	vmul.u32 $0x11, v10;
	vm6 =	veq.s32 v3, v0  }
0x536: {  	v3 =	vshrl.u32 v6, $0xA;
	v60 =	vadd.s32 v1, v8;
	vm2 =	vmmov vm2  }
0x537: {  	v61 =	vmul.u32 $0x11, v13;
	vm7 =	veq.s32 v3, v0;
	v62 =	vand.u32 $0x3FF, v7  }
0x538: {  	[tilespmem:v5+s17+$0x0] =	vst.idx.add.s32.msk vm1, v2;
	v10 =	vadd.s32 v1, v10;
	v63 =	vshrl.u32 v7, $0xA;
	v3 =	vmul.u32 $0x11, v62  }
0x539: {  	v8 =	vadd.s32 v1, v61;
	[tilespmem:v11+s17+$0x0] =	vst.idx.add.s32.msk vm4, v2;
	vm15 =	veq.s32 v63, v0  }
0x53a: {  	[tilespmem:v9+s17+$0x0] =	vst.idx.add.s32.msk vm3, v2;
	v3 =	vadd.s32 v1, v3  }
0x53b: {  	[tilespmem:v4+s17+$0x0] =	vst.idx.add.s32.msk vm6, v2  }
0x53c: {  	[tilespmem:v60+s17+$0x0] =	vst.idx.add.s32.msk vm2, v2  }
0x53d: {  	p0 =	seq.s32 s19, $0x1F;
	[tilespmem:v10+s17+$0x0] =	vst.idx.add.s32.msk vm5, v2  }
.Ltmp28:
0x53e: {  	[tilespmem:v8+s17+$0x0] =	vst.idx.add.s32.msk vm7, v2;
	(pc) =	sbr.rel @p0 .LBB2_61-.Ltmp28, $4  }
0x53f: {  	[tilespmem:v3+s17+$0x0] =	vst.idx.add.s32.msk vm15, v2  }
0x540: {  	_ =	swait.ge [sflag:s18], $0x2000  }
0x541: {  	[sflag:s18] =	ssyncset.done $0x0  }
0x542: {  	[sflag:s18] =	ssyncadd.s32 $0xFFFFE000  }
0x543: {  	s0 =	sadd.s32 s0, s10  }
0x544: {  	s0 =	sshrl.u32 s0, $0x3  }
0x545: {  	s1 =	simm.s32 $0xC000;
	s0 =	sadd.s32 s30, s0  }
0x546: {  	s2 =	simm.s32 $0x10;
	s3 =	simm.s32 $0xC100;
	s20 =	sadd.s32 $0x0, s0  }
.LBB2_59:
0x547: {  	[tilespmem:s1], [sflag:$0x1] =	stream.linear.gather [hbm4b:s20+s15], $0x80, $0x38;
	[tilespmem:$0x1E080] =	vst v63  }
0x548: {  	s4 =	smov.u32 s2;
	s1 =	smov.u32 s3;
	p0 =	sne.s32 s2, $0x3F0  }
.Ltmp29:
0x549: {  	s2 =	sadd.s32 $0x10, s2;
	(pc) =	sbr.rel @p0 .LBB2_59-.Ltmp29, $2  }
0x54a: {  	_ =	sdelay $0x2  }
0x54b: {  	s3 =	sadd.s32 $0x100, s3;
	s20 =	sadd.s32 s4, s0  }
0x54c: {  	[tilespmem:s1], [sflag:$0x1] =	stream.linear.gather [hbm4b:s20+s15], $0x80, $0x38;
	[tilespmem:$0x1E080] =	vst v63  }
.LBB2_61:
0x54d: {  	s1 =	simm.s32 $0xC0F0  }
0x54e: {  	v4 =	vld [tilespmem:s1+$0xFFFFFFB0]  }
0x54f: {  	v5 =	vld [tilespmem:s1+$0x0]  }
0x550: {  	v6 =	vld [tilespmem:s1+$0xFFFFFF90]  }
0x551: {  	v7 =	vld [tilespmem:s1+$0xFFFFFFD0]  }
0x552: {  	v8 =	vld [tilespmem:s1+$0xFFFFFFE0];
	_ =	sdelay $0x1  }
0x553: {  	v3 =	vshrl.u32 v4, $0xA;
	v13 =	vshrl.u32 v5, $0xA  }
0x554: {  	v12 =	vld [tilespmem:s1+$0xFFFFFFF0];
	v10 =	vand.u32 $0x3FF, v6;
	v6 =	vshrl.u32 v6, $0xA;
	v5 =	vand.u32 $0x3FF, v5  }
0x555: {  	v4 =	vand.u32 $0x3FF, v4;
	vm2 =	veq.s32 v6, v0;
	v6 =	vshrl.u32 v7, $0xA  }
0x556: {  	v14 =	vshrl.u32 v8, $0xA;
	v11 =	vand.u32 $0x3FF, v8;
	vm1 =	veq.s32 v6, v0;
	v6 =	vld [tilespmem:s1+$0xFFFFFFA0]  }
0x557: {  	v4 =	vmul.u32 $0x11, v4;
	v7 =	vand.u32 $0x3FF, v7;
	v9 =	vmul.u32 $0x11, v5  }
0x558: {  	v8 =	vmul.u32 $0x11, v10;
	v11 =	vmul.u32 $0x11, v11;
	v7 =	vmul.u32 $0x11, v7  }
0x559: {  	v10 =	vand.u32 $0x3FF, v12;
	vm4 =	veq.s32 v14, v0;
	v12 =	vshrl.u32 v12, $0xA  }
0x55a: {  	s0 =	simm.s32 $0x0;
	vm3 =	veq.s32 v13, v0;
	v4 =	vadd.s32 v1, v4;
	v5 =	vadd.s32 v1, v7;
	v7 =	vld [tilespmem:s1+$0xFFFFFFC0];
	s1 =	simm.s32 $0xC1F0  }
.LBB2_62:
0x55b: {  	v13 =	vld [tilespmem:s1+$0xFFFFFFB0];
	s0 =	sadd.s32 $0x8, s0;
	v14 =	vand.u32 $0x3FF, v6;
	v11 =	vadd.s32 v1, v11;
	vm6 =	veq.s32 v12, v0  }
0x55c: {  	v6 =	vshrl.u32 v6, $0xA;
	v10 =	vmul.u32 $0x11, v10;
	v9 =	vadd.s32 v1, v9;
	v12 =	vld [tilespmem:s1+$0xFFFFFFD0];
	p0 =	slt.u32 s0, $0x1F8  }
0x55d: {  	v8 =	vadd.s32 v1, v8;
	vm5 =	veq.s32 v6, v0;
	v14 =	vmul.u32 $0x11, v14;
	v15 =	vld [tilespmem:s1+$0x0]  }
0x55e: {  	vm8 =	veq.s32 v3, v0;
	vm7 =	vmmov vm2;
	v16 =	vld [tilespmem:s1+$0xFFFFFF90]  }
0x55f: {  	v10 =	vadd.s32 v1, v10;
	v14 =	vadd.s32 v1, v14;
	v6 =	vld [tilespmem:s1+$0xFFFFFFA0];
	v17 =	vand.u32 $0x3FF, v7  }
0x560: {  	v3 =	vshrl.u32 v13, $0xA;
	v17 =	vmul.u32 $0x11, v17;
	[tilespmem:v11+s17+$0x0] =	vst.idx.add.s32.msk vm4, v2  }
0x561: {  	v7 =	vshrl.u32 v7, $0xA;
	v11 =	vld [tilespmem:s1+$0xFFFFFFE0]  }
0x562: {  	vm4 =	veq.s32 v7, v0;
	v7 =	vadd.s32 v1, v17;
	[tilespmem:v9+s17+$0x0] =	vst.idx.add.s32.msk vm3, v2  }
0x563: {  	v18 =	vshrl.u32 v15, $0xA;
	v17 =	vld [tilespmem:s1+$0xFFFFFFF0]  }
0x564: {  	v15 =	vand.u32 $0x3FF, v15;
	v19 =	vand.u32 $0x3FF, v16;
	v9 =	vshrl.u32 v16, $0xA;
	[tilespmem:v5+s17+$0x0] =	vst.idx.add.s32.msk vm1, v2  }
0x565: {  	vm2 =	veq.s32 v9, v0;
	v5 =	vand.u32 $0x3FF, v13;
	v13 =	vshrl.u32 v12, $0xA;
	[tilespmem:v4+s17+$0x0] =	vst.idx.add.s32.msk vm8, v2  }
.Ltmp30:
0x566: {  	v4 =	vmul.u32 $0x11, v5;
	v5 =	vand.u32 $0x3FF, v12;
	v12 =	vshrl.u32 v11, $0xA;
	[tilespmem:v10+s17+$0x0] =	vst.idx.add.s32.msk vm6, v2;
	(pc) =	sbr.rel @p0 .LBB2_62-.Ltmp30, $4  }
0x567: {  	v9 =	vmul.u32 $0x11, v15;
	v5 =	vmul.u32 $0x11, v5;
	v10 =	vand.u32 $0x3FF, v11;
	[tilespmem:v8+s17+$0x0] =	vst.idx.add.s32.msk vm7, v2  }
0x568: {  	vm1 =	veq.s32 v13, v0;
	v8 =	vmul.u32 $0x11, v19;
	v4 =	vadd.s32 v1, v4;
	[tilespmem:v14+s17+$0x0] =	vst.idx.add.s32.msk vm5, v2  }
0x569: {  	v11 =	vmul.u32 $0x11, v10;
	v5 =	vadd.s32 v1, v5;
	v10 =	vand.u32 $0x3FF, v17;
	[tilespmem:v7+s17+$0x0] =	vst.idx.add.s32.msk vm4, v2  }
0x56a: {  	vm3 =	veq.s32 v18, v0;
	vm4 =	veq.s32 v12, v0;
	v12 =	vshrl.u32 v17, $0xA;
	v7 =	vld [tilespmem:s1+$0xFFFFFFC0];
	s1 =	sadd.s32 $0x100, s1  }
0x56b: {  	_ = 	snop  }
0x56c: {  	v11 =	vadd.s32 v1, v11;
	v13 =	vand.u32 $0x3FF, v6;
	v9 =	vadd.s32 v1, v9  }
0x56d: {  	vm5 =	veq.s32 v12, v0;
	v10 =	vmul.u32 $0x11, v10;
	vm6 =	veq.s32 v3, v0  }
0x56e: {  	v3 =	vshrl.u32 v6, $0xA;
	v60 =	vadd.s32 v1, v8;
	vm2 =	vmmov vm2  }
0x56f: {  	v61 =	vmul.u32 $0x11, v13;
	vm7 =	veq.s32 v3, v0;
	v62 =	vand.u32 $0x3FF, v7  }
0x570: {  	[tilespmem:v5+s17+$0x0] =	vst.idx.add.s32.msk vm1, v2;
	v10 =	vadd.s32 v1, v10;
	v63 =	vshrl.u32 v7, $0xA;
	v3 =	vmul.u32 $0x11, v62  }
0x571: {  	s19 =	sadd.s32 $0x1, s19;
	v8 =	vadd.s32 v1, v61;
	[tilespmem:v11+s17+$0x0] =	vst.idx.add.s32.msk vm4, v2;
	vm15 =	veq.s32 v63, v0  }
0x572: {  	p0 =	sne.s32 s19, $0x20;
	[tilespmem:v9+s17+$0x0] =	vst.idx.add.s32.msk vm3, v2;
	v3 =	vadd.s32 v1, v3  }
.Ltmp31:
0x573: {  	[tilespmem:v4+s17+$0x0] =	vst.idx.add.s32.msk vm6, v2;
	(pc) =	sbr.rel @p0 .LBB2_53-.Ltmp31, $4  }
0x574: {  	[tilespmem:v60+s17+$0x0] =	vst.idx.add.s32.msk vm2, v2  }
0x575: {  	[tilespmem:v10+s17+$0x0] =	vst.idx.add.s32.msk vm5, v2  }
0x576: {  	[tilespmem:v8+s17+$0x0] =	vst.idx.add.s32.msk vm7, v2  }
0x577: {  	[tilespmem:v3+s17+$0x0] =	vst.idx.add.s32.msk vm15, v2  }
0x578: {  	s0 =	simm.s32 $0x10  }
0x579: {  	s1 =	simm.s32 $0x0;
	v0 =	vmov s0  }
0x57a: {  	v1 =	vmov s1;
	v2 =	vmul.u32 $0x11, v0  }
0x57b: {  	v0 =	vlaneseq.u32;
	v1 =	vmul.u32 $0x11, v1  }
0x57c: {  	v0 =	vmul.u32 $0x11, v0;
	v16 =	vbroadcast v2, $0x0  }
0x57d: {  	v17 =	vbroadcast v1, $0x0  }
0x57e: {  	v6 =	vadd.s32 v0, v16  }
0x57f: {  	v1 =	vadd.s32 $0x1, v0;
	v7 =	vadd.s32 v0, v17  }
0x580: {  	v2 =	vadd.s32 $0x2, v0;
	v8 =	vadd.s32 v1, v17  }
0x581: {  	v3 =	vadd.s32 $0x3, v0;
	v9 =	vadd.s32 v2, v17  }
0x582: {  	s15 =	simm.s32 $0x10000;
	v4 =	vadd.s32 $0x4, v0;
	v10 =	vadd.s32 v3, v17  }
0x583: {  	v5 =	vadd.s32 $0x5, v0;
	v11 =	vadd.s32 v4, v17;
	v18 =	vld.idx.msk [tilespmem:v6+s15+$0x0], $0xffff  }
0x584: {  	v12 =	vadd.s32 v5, v17;
	v19 =	vld.idx.msk [tilespmem:v7+s15+$0x0], $0xffff  }
0x585: {  	v34 =	vadd.s32 v1, v16;
	v20 =	vld.idx.msk [tilespmem:v8+s15+$0x0], $0xffff  }
0x586: {  	v35 =	vadd.s32 v2, v16;
	v21 =	vld.idx.msk [tilespmem:v9+s15+$0x0], $0xffff  }
0x587: {  	v36 =	vadd.s32 v3, v16;
	v22 =	vld.idx.msk [tilespmem:v10+s15+$0x0], $0xffff  }
0x588: {  	v37 =	vadd.s32 v4, v16;
	v23 =	vld.idx.msk [tilespmem:v11+s15+$0x0], $0xffff  }
0x589: {  	v38 =	vadd.s32 v5, v16;
	v6 =	vadd.s32 $0x6, v0;
	v25 =	vld.idx.msk [tilespmem:v12+s15+$0x0], $0xffff  }
0x58a: {  	v7 =	vadd.s32 $0x7, v0;
	v34 =	vld.idx.msk [tilespmem:v34+s15+$0x0], $0xffff;
	v13 =	vadd.s32 v6, v17  }
0x58b: {  	v8 =	vadd.s32 $0x8, v0;
	v35 =	vld.idx.msk [tilespmem:v35+s15+$0x0], $0xffff;
	v14 =	vadd.s32 v7, v17  }
0x58c: {  	v9 =	vadd.s32 $0x9, v0;
	v36 =	vld.idx.msk [tilespmem:v36+s15+$0x0], $0xffff;
	v15 =	vadd.s32 v8, v17  }
0x58d: {  	v10 =	vadd.s32 $0xA, v0;
	v37 =	vld.idx.msk [tilespmem:v37+s15+$0x0], $0xffff;
	v24 =	vadd.s32 v9, v17  }
0x58e: {  	v11 =	vadd.s32 $0xB, v0;
	v38 =	vld.idx.msk [tilespmem:v38+s15+$0x0], $0xffff;
	v26 =	vadd.s32 v10, v17  }
0x58f: {  	v12 =	vadd.s32 $0xC, v0;
	v28 =	vadd.s32 v11, v17;
	v27 =	vld.idx.msk [tilespmem:v13+s15+$0x0], $0xffff  }
0x590: {  	v30 =	vadd.s32 v12, v17;
	v29 =	vld.idx.msk [tilespmem:v14+s15+$0x0], $0xffff  }
0x591: {  	v39 =	vadd.s32 v6, v16;
	v31 =	vld.idx.msk [tilespmem:v15+s15+$0x0], $0xffff  }
0x592: {  	v40 =	vadd.s32 v7, v16;
	v24 =	vld.idx.msk [tilespmem:v24+s15+$0x0], $0xffff  }
0x593: {  	v41 =	vadd.s32 v8, v16;
	v26 =	vld.idx.msk [tilespmem:v26+s15+$0x0], $0xffff  }
0x594: {  	v42 =	vadd.s32 v9, v16;
	v28 =	vld.idx.msk [tilespmem:v28+s15+$0x0], $0xffff  }
0x595: {  	s28 =	simm.s32 $0x30;
	v43 =	vadd.s32 v10, v16;
	v44 =	vadd.s32 v11, v16;
	v30 =	vld.idx.msk [tilespmem:v30+s15+$0x0], $0xffff  }
0x596: {  	v45 =	vadd.s32 v12, v16;
	v19 =	vadd.s32 v19, v20;
	v20 =	vmov s28;
	v39 =	vld.idx.msk [tilespmem:v39+s15+$0x0], $0xffff  }
0x597: {  	v13 =	vadd.s32 $0xD, v0;
	v14 =	vadd.s32 $0xE, v0;
	v20 =	vmul.u32 $0x11, v20;
	v40 =	vld.idx.msk [tilespmem:v40+s15+$0x0], $0xffff  }
0x598: {  	v15 =	vadd.s32 $0xF, v0;
	v19 =	vadd.s32 v21, v19;
	v41 =	vld.idx.msk [tilespmem:v41+s15+$0x0], $0xffff;
	v32 =	vadd.s32 v13, v17  }
0x599: {  	s29 =	simm.s32 $0x20;
	v33 =	vadd.s32 v14, v17;
	v19 =	vadd.s32 v22, v19;
	v47 =	vbroadcast v20, $0x0;
	v20 =	vld.idx.msk [tilespmem:v42+s15+$0x0], $0xffff  }
0x59a: {  	v21 =	vmov s29;
	v17 =	vadd.s32 v15, v17;
	v19 =	vadd.s32 v23, v19;
	v23 =	vld.idx.msk [tilespmem:v43+s15+$0x0], $0xffff  }
0x59b: {  	v46 =	vadd.s32 v13, v16;
	v21 =	vmul.u32 $0x11, v21;
	v42 =	vld.idx.msk [tilespmem:v45+s15+$0x0], $0xffff;
	v19 =	vadd.s32 v25, v19  }
0x59c: {  	v22 =	vadd.s32 v14, v16;
	v19 =	vadd.s32 v27, v19;
	v27 =	vld.idx.msk [tilespmem:v44+s15+$0x0], $0xffff  }
0x59d: {  	v16 =	vadd.s32 v15, v16;
	v21 =	vbroadcast v21, $0x0;
	v32 =	vld.idx.msk [tilespmem:v32+s15+$0x0], $0xffff  }
0x59e: {  	v25 =	vadd.s32 v0, v47;
	v33 =	vld.idx.msk [tilespmem:v33+s15+$0x0], $0xffff  }
0x59f: {  	v54 =	vadd.s32 v10, v21;
	v17 =	vld.idx.msk [tilespmem:v17+s15+$0x0], $0xffff;
	v19 =	vadd.s32 v29, v19  }
0x5a0: {  	v29 =	vadd.s32 v0, v21;
	v43 =	vld.idx.msk [tilespmem:v46+s15+$0x0], $0xffff;
	v19 =	vadd.s32 v31, v19  }
0x5a1: {  	v63 =	vld.idx.msk [tilespmem:v22+s15+$0x0], $0xffff;
	v31 =	vadd.s32 v1, v21;
	v19 =	vadd.s32 v24, v19  }
0x5a2: {  	v24 =	vadd.s32 v2, v21;
	v19 =	vadd.s32 v26, v19;
	v26 =	vld.idx.msk [tilespmem:v16+s15+$0x0], $0xffff  }
0x5a3: {  	v22 =	vadd.s32 v3, v21;
	v16 =	vld.idx.msk [tilespmem:v25+s15+$0x0], $0xffff  }
0x5a4: {  	v18 =	vadd.s32 v18, v34;
	v19 =	vadd.s32 v28, v19;
	v28 =	vadd.s32 v4, v21;
	v34 =	vld.idx.msk [tilespmem:v54+s15+$0x0], $0xffff  }
0x5a5: {  	v19 =	vadd.s32 v30, v19;
	v25 =	vld.idx.msk [tilespmem:v29+s15+$0x0], $0xffff;
	v29 =	vadd.s32 v5, v21  }
0x5a6: {  	v18 =	vadd.s32 v35, v18;
	v19 =	vadd.s32 v32, v19;
	v30 =	vld.idx.msk [tilespmem:v31+s15+$0x0], $0xffff;
	v31 =	vadd.s32 v6, v21  }
0x5a7: {  	v53 =	vadd.s32 v1, v47;
	v52 =	vadd.s32 v7, v21;
	v19 =	vadd.s32 v33, v19;
	v24 =	vld.idx.msk [tilespmem:v24+s15+$0x0], $0xffff  }
0x5a8: {  	s16 =	simm.s32 $0x18810;
	v55 =	vadd.s32 v2, v47;
	v17 =	vadd.s32 v17, v19;
	v19 =	vld.idx.msk [tilespmem:v22+s15+$0x0], $0xffff;
	v22 =	vadd.s32 v8, v21  }
0x5a9: {  	[tilespmem:s16+$0xFFFFFFF0] =	vst v17;
	v17 =	vadd.s32 v36, v18;
	v18 =	vld.idx.msk [tilespmem:v28+s15+$0x0], $0xffff;
	v28 =	vadd.s32 v9, v21  }
0x5aa: {  	v56 =	vadd.s32 v3, v47;
	v58 =	vadd.s32 v4, v47;
	v48 =	vadd.s32 v13, v21;
	v29 =	vld.idx.msk [tilespmem:v29+s15+$0x0], $0xffff  }
0x5ab: {  	v57 =	vadd.s32 v11, v21;
	v17 =	vadd.s32 v37, v17;
	v31 =	vld.idx.msk [tilespmem:v31+s15+$0x0], $0xffff;
	v25 =	vadd.s32 v25, v30  }
0x5ac: {  	v59 =	vadd.s32 v12, v21;
	v30 =	vld.idx.msk [tilespmem:v52+s15+$0x0], $0xffff;
	v17 =	vadd.s32 v38, v17;
	v24 =	vadd.s32 v24, v25  }
0x5ad: {  	v60 =	vadd.s32 v5, v47;
	v17 =	vadd.s32 v39, v17;
	v25 =	vld.idx.msk [tilespmem:v22+s15+$0x0], $0xffff;
	v19 =	vadd.s32 v19, v24  }
0x5ae: {  	v22 =	vadd.s32 v6, v47;
	v24 =	vld.idx.msk [tilespmem:v28+s15+$0x0], $0xffff;
	v28 =	vadd.s32 v14, v21;
	v18 =	vadd.s32 v18, v19  }
0x5af: {  	v61 =	vld.idx.msk [tilespmem:v48+s15+$0x0], $0xffff;
	v17 =	vadd.s32 v40, v17;
	v21 =	vadd.s32 v15, v21;
	v18 =	vadd.s32 v29, v18  }
0x5b0: {  	v37 =	vld.idx.msk [tilespmem:v57+s15+$0x0], $0xffff;
	v19 =	vadd.s32 v7, v47;
	v29 =	vadd.s32 v41, v17;
	v18 =	vadd.s32 v31, v18  }
0x5b1: {  	v17 =	vadd.s32 v8, v47;
	v31 =	vld.idx.msk [tilespmem:v59+s15+$0x0], $0xffff;
	v29 =	vadd.s32 v20, v29;
	v18 =	vadd.s32 v30, v18  }
0x5b2: {  	v32 =	vld.idx.msk [tilespmem:v58+s15+$0x0], $0xffff;
	v20 =	vadd.s32 v9, v47;
	v23 =	vadd.s32 v23, v29;
	v25 =	vadd.s32 v25, v18  }
0x5b3: {  	v18 =	vadd.s32 v10, v47;
	v23 =	vadd.s32 v27, v23;
	v62 =	vld.idx.msk [tilespmem:v28+s15+$0x0], $0xffff;
	v24 =	vadd.s32 v24, v25  }
0x5b4: {  	v28 =	vld.idx.msk [tilespmem:v21+s15+$0x0], $0xffff;
	v21 =	vadd.s32 v11, v47;
	v25 =	vadd.s32 v42, v23;
	v24 =	vadd.s32 v34, v24  }
0x5b5: {  	v29 =	vld.idx.msk [tilespmem:v53+s15+$0x0], $0xffff;
	v23 =	vadd.s32 v12, v47;
	v25 =	vadd.s32 v43, v25;
	v27 =	vadd.s32 v37, v24  }
0x5b6: {  	v30 =	vld.idx.msk [tilespmem:v55+s15+$0x0], $0xffff;
	v24 =	vadd.s32 v13, v47;
	v63 =	vadd.s32 v63, v25;
	v27 =	vadd.s32 v31, v27  }
0x5b7: {  	v25 =	vadd.s32 v14, v47;
	v31 =	vld.idx.msk [tilespmem:v56+s15+$0x0], $0xffff;
	v33 =	vadd.s32 v26, v63;
	v27 =	vadd.s32 v61, v27  }
0x5b8: {  	s0 =	simm.s32 $0x2;
	s1 =	simm.s32 $0x50;
	v26 =	vadd.s32 v15, v47;
	[tilespmem:s16+$0x0] =	vst v33;
	v33 =	vadd.s32 v62, v27;
	v27 =	vld.idx.msk [tilespmem:v60+s15+$0x0], $0xffff  }
.LBB2_65:
0x5b9: {  	s2 =	sadd.s32 $0xFFFFFFF0, s1;
	v34 =	vmov s1;
	v28 =	vadd.s32 v28, v33;
	v33 =	vld.idx.msk [tilespmem:v22+s15+$0x0], $0xffff;
	s16 =	sadd.s32 $0x20, s16  }
0x5ba: {  	s0 =	sadd.s32 $0x2, s0;
	v16 =	vadd.s32 v16, v29;
	v22 =	vmov s2;
	v34 =	vmul.u32 $0x11, v34;
	[tilespmem:s16+$0xFFFFFFF0] =	vst v28;
	v28 =	vld.idx.msk [tilespmem:v19+s15+$0x0], $0xffff  }
0x5bb: {  	p0 =	slt.u32 s0, $0x7E;
	v16 =	vadd.s32 v30, v16;
	v19 =	vmul.u32 $0x11, v22;
	v29 =	vld.idx.msk [tilespmem:v17+s15+$0x0], $0xffff  }
0x5bc: {  	v16 =	vadd.s32 v31, v16;
	v30 =	vbroadcast v34, $0x0;
	v31 =	vld.idx.msk [tilespmem:v20+s15+$0x0], $0xffff  }
0x5bd: {  	v32 =	vadd.s32 v32, v16;
	v34 =	vbroadcast v19, $0x0;
	v35 =	vld.idx.msk [tilespmem:v18+s15+$0x0], $0xffff  }
0x5be: {  	v16 =	vadd.s32 v0, v30;
	v36 =	vadd.s32 v1, v30;
	v37 =	vadd.s32 v2, v30;
	v38 =	vld.idx.msk [tilespmem:v21+s15+$0x0], $0xffff  }
0x5bf: {  	v40 =	vadd.s32 v3, v30;
	v41 =	vadd.s32 v4, v30;
	v39 =	vadd.s32 v0, v34;
	v42 =	vld.idx.msk [tilespmem:v23+s15+$0x0], $0xffff  }
0x5c0: {  	v44 =	vadd.s32 v5, v30;
	v22 =	vadd.s32 v6, v30;
	v43 =	vadd.s32 v1, v34;
	v45 =	vld.idx.msk [tilespmem:v24+s15+$0x0], $0xffff  }
0x5c1: {  	v19 =	vadd.s32 v7, v30;
	v17 =	vadd.s32 v8, v30;
	v46 =	vadd.s32 v2, v34;
	v47 =	vld.idx.msk [tilespmem:v25+s15+$0x0], $0xffff  }
0x5c2: {  	v20 =	vadd.s32 v9, v30;
	v18 =	vadd.s32 v10, v30;
	v48 =	vadd.s32 v3, v34;
	v49 =	vld.idx.msk [tilespmem:v26+s15+$0x0], $0xffff  }
0x5c3: {  	v21 =	vadd.s32 v11, v30;
	v50 =	vadd.s32 v4, v34;
	v24 =	vadd.s32 v27, v32;
	v16 =	vld.idx.msk [tilespmem:v16+s15+$0x0], $0xffff  }
0x5c4: {  	v23 =	vadd.s32 v12, v30;
	v32 =	vadd.s32 v5, v34;
	v25 =	vadd.s32 v33, v24;
	v27 =	vld.idx.msk [tilespmem:v39+s15+$0x0], $0xffff  }
0x5c5: {  	v24 =	vadd.s32 v13, v30;
	v26 =	vadd.s32 v28, v25;
	v39 =	vadd.s32 v6, v34;
	v33 =	vld.idx.msk [tilespmem:v43+s15+$0x0], $0xffff  }
0x5c6: {  	v25 =	vadd.s32 v14, v30;
	v29 =	vadd.s32 v29, v26;
	v43 =	vadd.s32 v7, v34;
	v28 =	vld.idx.msk [tilespmem:v46+s15+$0x0], $0xffff  }
0x5c7: {  	v26 =	vadd.s32 v15, v30;
	v29 =	vadd.s32 v31, v29;
	v46 =	vld.idx.msk [tilespmem:v48+s15+$0x0], $0xffff;
	v48 =	vadd.s32 v8, v34  }
0x5c8: {  	v31 =	vadd.s32 v9, v34;
	v29 =	vadd.s32 v35, v29;
	v30 =	vld.idx.msk [tilespmem:v50+s15+$0x0], $0xffff  }
0x5c9: {  	v35 =	vadd.s32 v10, v34;
	v29 =	vadd.s32 v38, v29;
	v32 =	vld.idx.msk [tilespmem:v32+s15+$0x0], $0xffff  }
0x5ca: {  	v29 =	vadd.s32 v42, v29;
	v38 =	vld.idx.msk [tilespmem:v39+s15+$0x0], $0xffff;
	v39 =	vadd.s32 v11, v34  }
0x5cb: {  	v42 =	vadd.s32 v12, v34;
	v29 =	vadd.s32 v45, v29;
	v27 =	vadd.s32 v27, v33;
	v33 =	vld.idx.msk [tilespmem:v43+s15+$0x0], $0xffff  }
0x5cc: {  	v29 =	vadd.s32 v47, v29;
	v27 =	vadd.s32 v28, v27;
	v43 =	vadd.s32 v13, v34;
	v28 =	vld.idx.msk [tilespmem:v48+s15+$0x0], $0xffff  }
0x5cd: {  	v45 =	vadd.s32 v14, v34;
	v29 =	vadd.s32 v49, v29;
	v27 =	vadd.s32 v46, v27;
	v31 =	vld.idx.msk [tilespmem:v31+s15+$0x0], $0xffff  }
0x5ce: {  	v34 =	vadd.s32 v15, v34;
	v27 =	vadd.s32 v30, v27;
	v30 =	vld.idx.msk [tilespmem:v35+s15+$0x0], $0xffff;
	[tilespmem:s16+$0x0] =	vst v29  }
0x5cf: {  	v27 =	vadd.s32 v32, v27;
	v32 =	vld.idx.msk [tilespmem:v39+s15+$0x0], $0xffff  }
0x5d0: {  	v27 =	vadd.s32 v38, v27;
	v35 =	vld.idx.msk [tilespmem:v42+s15+$0x0], $0xffff  }
0x5d1: {  	v27 =	vadd.s32 v33, v27;
	v33 =	vld.idx.msk [tilespmem:v43+s15+$0x0], $0xffff  }
0x5d2: {  	v27 =	vadd.s32 v28, v27;
	v38 =	vld.idx.msk [tilespmem:v45+s15+$0x0], $0xffff  }
0x5d3: {  	v27 =	vadd.s32 v31, v27;
	v28 =	vld.idx.msk [tilespmem:v34+s15+$0x0], $0xffff  }
.Ltmp32:
0x5d4: {  	v27 =	vadd.s32 v30, v27;
	v29 =	vld.idx.msk [tilespmem:v36+s15+$0x0], $0xffff;
	(pc) =	sbr.rel @p0 .LBB2_65-.Ltmp32, $4  }
0x5d5: {  	v27 =	vadd.s32 v32, v27;
	v30 =	vld.idx.msk [tilespmem:v37+s15+$0x0], $0xffff  }
0x5d6: {  	v27 =	vadd.s32 v35, v27;
	v31 =	vld.idx.msk [tilespmem:v40+s15+$0x0], $0xffff  }
0x5d7: {  	v27 =	vadd.s32 v33, v27;
	v32 =	vld.idx.msk [tilespmem:v41+s15+$0x0], $0xffff  }
0x5d8: {  	s1 =	sadd.s32 $0x20, s1;
	v33 =	vadd.s32 v38, v27;
	v27 =	vld.idx.msk [tilespmem:v44+s15+$0x0], $0xffff  }
0x5d9: {  	_ =	sdelay $0x3  }
0x5da: {  	v0 =	vld.idx.msk [tilespmem:v22+s15+$0x0], $0xffff;
	v1 =	vadd.s32 v16, v29  }
0x5db: {  	v2 =	vld.idx.msk [tilespmem:v19+s15+$0x0], $0xffff;
	v1 =	vadd.s32 v30, v1  }
0x5dc: {  	v3 =	vld.idx.msk [tilespmem:v17+s15+$0x0], $0xffff;
	v1 =	vadd.s32 v31, v1  }
0x5dd: {  	v4 =	vld.idx.msk [tilespmem:v20+s15+$0x0], $0xffff;
	v1 =	vadd.s32 v32, v1  }
0x5de: {  	v5 =	vld.idx.msk [tilespmem:v18+s15+$0x0], $0xffff;
	v1 =	vadd.s32 v27, v1  }
0x5df: {  	v6 =	vld.idx.msk [tilespmem:v21+s15+$0x0], $0xffff;
	v0 =	vadd.s32 v0, v1  }
0x5e0: {  	v1 =	vld.idx.msk [tilespmem:v23+s15+$0x0], $0xffff;
	v0 =	vadd.s32 v2, v0  }
0x5e1: {  	v2 =	vld.idx.msk [tilespmem:v24+s15+$0x0], $0xffff;
	v0 =	vadd.s32 v3, v0  }
0x5e2: {  	v3 =	vld.idx.msk [tilespmem:v25+s15+$0x0], $0xffff;
	v0 =	vadd.s32 v4, v0  }
0x5e3: {  	v4 =	vld.idx.msk [tilespmem:v26+s15+$0x0], $0xffff;
	v0 =	vadd.s32 v5, v0  }
0x5e4: {  	v0 =	vadd.s32 v6, v0  }
0x5e5: {  	v0 =	vadd.s32 v1, v0  }
0x5e6: {  	v0 =	vadd.s32 v2, v0  }
0x5e7: {  	s0 =	sadd.s32 $0x20, s16;
	v1 =	vadd.s32 v28, v33;
	v0 =	vadd.s32 v3, v0  }
0x5e8: {  	s16 =	simm.s32 $0x80;
	[tilespmem:s0+$0xFFFFFFF0] =	vst v1;
	v0 =	vadd.s32 v4, v0  }
0x5e9: {  	s1 =	simm.s32 $0x400;
	s2 =	simm.s32 $0x18800;
	s17 =	simm.s32 $0x5;
	[tilespmem:s0+$0x0] =	vst v0  }
0x5ea: {  	[spmem:s6] =	stream.strided.scatter [tilespmem:s2], [sflag:$0x5], $0x800, s1, s16, $0x38;
	[tilespmem:$0x1E080] =	vst v63  }
0x5eb: {  	_ =	swait.ge [sflag:s17], $0x800  }
0x5ec: {  	[sflag:s17] =	ssyncset.done $0x0  }
0x5ed: {  	[sflag:s17] =	ssyncadd.s32 $0xFFFFF800  }
0x5ee: {  	s18 =	simm.s32 $0x19000;
	s19 =	simm.s32 $0x0;
	[bflag:$0x0] =	sbarrier.arrive $0xFFFF  }
0x5ef: {  	[tilespmem:s18], [sflag:$0x5] =	stream.linear.gather [spmem:s21], $0x4000, $0x38;
	[tilespmem:$0x1E080] =	vst v63  }
0x5f0: {  	s20 =	sand.u32 $0x60, s19;
	s3 =	sand.u32 $0x3C00, s19;
	_ =	swait.ge [sflag:s17], $0x4000  }
0x5f1: {  	s3 =	sadd.s32 $0x19000, s3;
	s4 =	sor.u32 $0x10, s20;
	[sflag:s17] =	ssyncset.done $0x0  }
0x5f2: {  	s23 =	sor.u32 s4, s3;
	[sflag:s17] =	ssyncadd.s32 $0xFFFFC000  }
0x5f3: {  	v0 =	vld [tilespmem:s23+$0x0]  }
0x5f4: {  	v1 =	vld [tilespmem:s23+$0x80]  }
0x5f5: {  	v2 =	vld [tilespmem:s23+$0x100]  }
0x5f6: {  	v3 =	vld [tilespmem:s23+$0x180]  }
0x5f7: {  	v4 =	vld [tilespmem:s23+$0x200]  }
0x5f8: {  	v5 =	vld [tilespmem:s23+$0x280]  }
0x5f9: {  	v6 =	vld [tilespmem:s23+$0x300]  }
0x5fa: {  	s2 =	sor.u32 s20, s3;
	v7 =	vld [tilespmem:s23+$0x380]  }
0x5fb: {  	v8 =	vld [tilespmem:s2+$0x0]  }
0x5fc: {  	v9 =	vld [tilespmem:s2+$0x80]  }
0x5fd: {  	v10 =	vld [tilespmem:s2+$0x100]  }
0x5fe: {  	v11 =	vld [tilespmem:s2+$0x180]  }
0x5ff: {  	s24 =	simm.s32 $0x100;
	s25 =	simm.s32 $0x20;
	v12 =	vld [tilespmem:s2+$0x200]  }
0x600: {  	s5 =	sand.u32 $0x60, s25;
	s0 =	sand.u32 $0x3C00, s24;
	v13 =	vld [tilespmem:s2+$0x280]  }
0x601: {  	s26 =	sor.u32 $0x10, s5;
	s0 =	sadd.s32 $0x19000, s0;
	v14 =	vld [tilespmem:s2+$0x300]  }
0x602: {  	s28 =	sor.u32 s26, s0;
	v15 =	vld [tilespmem:s2+$0x380]  }
0x603: {  	v56 =	vld [tilespmem:s28+$0x0]  }
0x604: {  	v57 =	vld [tilespmem:s28+$0x80]  }
0x605: {  	v58 =	vld [tilespmem:s28+$0x100]  }
0x606: {  	v59 =	vld [tilespmem:s28+$0x180]  }
0x607: {  	v60 =	vld [tilespmem:s28+$0x200];
	v0 =	vadd.s32 v0, v1  }
0x608: {  	v61 =	vld [tilespmem:s28+$0x280];
	v1 =	vadd.s32 v8, v9;
	v0 =	vadd.s32 v2, v0  }
0x609: {  	v62 =	vld [tilespmem:s28+$0x300];
	v1 =	vadd.s32 v10, v1;
	v2 =	vadd.s32 v56, v57;
	v0 =	vadd.s32 v3, v0  }
0x60a: {  	s0 =	sor.u32 s5, s0;
	v63 =	vld [tilespmem:s28+$0x380];
	v1 =	vadd.s32 v11, v1;
	v2 =	vadd.s32 v58, v2;
	v0 =	vadd.s32 v4, v0  }
0x60b: {  	v1 =	vadd.s32 v12, v1;
	v2 =	vadd.s32 v59, v2;
	v3 =	vadd.s32 v5, v0;
	v0 =	vld [tilespmem:s0+$0x0]  }
0x60c: {  	s1 =	sand.u32 $0x780, s19;
	v4 =	vadd.s32 v13, v1;
	v1 =	vld [tilespmem:s0+$0x80];
	v5 =	vadd.s32 v60, v2;
	v3 =	vadd.s32 v6, v3  }
0x60d: {  	s29 =	sor.u32 s4, s1;
	v2 =	vld [tilespmem:s0+$0x100];
	v4 =	vadd.s32 v14, v4;
	v5 =	vadd.s32 v61, v5;
	v3 =	vadd.s32 v7, v3  }
0x60e: {  	s15 =	simm.s32 $0x40;
	s3 =	sand.u32 $0x780, s25;
	s1 =	simm.s32 $0x1D000;
	v4 =	vadd.s32 v15, v4;
	v5 =	vadd.s32 v62, v5;
	[tilespmem:s29+$0x1D000] =	vst v3;
	v3 =	vld [tilespmem:s0+$0x180]  }
0x60f: {  	s16 =	sor.u32 s26, s3;
	s3 =	simm.s32 $0x200;
	s2 =	simm.s32 $0x2;
	[tilespmem:s1+$0x0] =	vst v4;
	v4 =	vld [tilespmem:s0+$0x200];
	v5 =	vadd.s32 v63, v5  }
.LBB2_67:
0x610: {  	s4 =	sand.u32 $0x60, s15;
	s5 =	sand.u32 $0x3C00, s3;
	v6 =	vld [tilespmem:s0+$0x280];
	[tilespmem:s16+$0x1D000] =	vst v5  }
0x611: {  	s2 =	sadd.s32 $0x2, s2;
	s5 =	sadd.s32 $0x19000, s5;
	s16 =	sor.u32 $0x10, s4;
	v0 =	vadd.s32 v0, v1;
	v1 =	vld [tilespmem:s0+$0x300]  }
0x612: {  	p0 =	slt.u32 s2, $0x7E;
	s17 =	sor.u32 s16, s5;
	v0 =	vadd.s32 v2, v0;
	v2 =	vld [tilespmem:s0+$0x380];
	s0 =	sor.u32 s4, s5  }
0x613: {  	v5 =	vld [tilespmem:s17+$0x0];
	v0 =	vadd.s32 v3, v0  }
0x614: {  	v3 =	vld [tilespmem:s17+$0x80];
	v0 =	vadd.s32 v4, v0  }
0x615: {  	v4 =	vld [tilespmem:s17+$0x100];
	v0 =	vadd.s32 v6, v0  }
0x616: {  	v6 =	vld [tilespmem:s17+$0x180];
	v0 =	vadd.s32 v1, v0  }
0x617: {  	s1 =	sadd.s32 $0x20, s1;
	v7 =	vld [tilespmem:s17+$0x200];
	v0 =	vadd.s32 v2, v0  }
0x618: {  	v8 =	vld [tilespmem:s17+$0x280];
	[tilespmem:s1+$0x0] =	vst v0  }
0x619: {  	v0 =	vadd.s32 v5, v3;
	v5 =	vld [tilespmem:s17+$0x300]  }
0x61a: {  	v1 =	vadd.s32 v4, v0;
	v9 =	vld [tilespmem:s17+$0x380]  }
.Ltmp33:
0x61b: {  	v0 =	vld [tilespmem:s0+$0x0];
	v2 =	vadd.s32 v6, v1;
	(pc) =	sbr.rel @p0 .LBB2_67-.Ltmp33, $4  }
0x61c: {  	v1 =	vld [tilespmem:s0+$0x80];
	v3 =	vadd.s32 v7, v2  }
0x61d: {  	v2 =	vld [tilespmem:s0+$0x100];
	v4 =	vadd.s32 v8, v3  }
0x61e: {  	s4 =	sand.u32 $0x780, s15;
	v3 =	vld [tilespmem:s0+$0x180];
	v5 =	vadd.s32 v5, v4  }
0x61f: {  	s3 =	sadd.s32 $0x100, s3;
	s15 =	sadd.s32 $0x20, s15;
	s16 =	sor.u32 s16, s4;
	v4 =	vld [tilespmem:s0+$0x200];
	v5 =	vadd.s32 v9, v5  }
0x620: {  	v6 =	vld [tilespmem:s0+$0x280]  }
0x621: {  	v0 =	vadd.s32 v0, v1;
	v1 =	vld [tilespmem:s0+$0x300]  }
0x622: {  	v0 =	vadd.s32 v2, v0;
	v2 =	vld [tilespmem:s0+$0x380]  }
0x623: {  	v0 =	vadd.s32 v3, v0  }
0x624: {  	v0 =	vadd.s32 v4, v0  }
0x625: {  	v0 =	vadd.s32 v6, v0  }
0x626: {  	v0 =	vadd.s32 v1, v0  }
0x627: {  	[tilespmem:s16+$0x1D000] =	vst v5;
	s25 =	sadd.s32 $0x20, s1;
	v0 =	vadd.s32 v2, v0  }
0x628: {  	s26 =	simm.s32 $0x19000;
	s28 =	simm.s32 $0x5;
	s29 =	simm.s32 $0x0;
	[tilespmem:s25+$0x0] =	vst v0  }
0x629: {  	[tilespmem:s26], [sflag:$0x5] =	stream.linear.gather [spmem:s7], $0x4000, $0x38;
	[tilespmem:$0x1E080] =	vst v63  }
0x62a: {  	s2 =	sand.u32 $0x60, s29;
	s3 =	sand.u32 $0x3C00, s29;
	_ =	swait.ge [sflag:s28], $0x4000  }
0x62b: {  	s3 =	sadd.s32 $0x19000, s3;
	s4 =	sor.u32 $0x10, s2;
	[sflag:s28] =	ssyncset.done $0x0  }
0x62c: {  	s5 =	sor.u32 s4, s3;
	[sflag:s28] =	ssyncadd.s32 $0xFFFFC000  }
0x62d: {  	v0 =	vld [tilespmem:s5+$0x0]  }
0x62e: {  	v1 =	vld [tilespmem:s5+$0x80]  }
0x62f: {  	v2 =	vld [tilespmem:s5+$0x100]  }
0x630: {  	v3 =	vld [tilespmem:s5+$0x180]  }
0x631: {  	s24 =	simm.s32 $0x200;
	s15 =	sand.u32 $0x780, s29;
	v4 =	vld [tilespmem:s5+$0x200]  }
0x632: {  	s2 =	sor.u32 s2, s3;
	s25 =	simm.s32 $0x40;
	s28 =	sand.u32 $0x3C00, s24;
	v5 =	vld [tilespmem:s5+$0x280]  }
0x633: {  	s0 =	sor.u32 s4, s15;
	s26 =	sand.u32 $0x60, s25;
	v6 =	vld [tilespmem:s2+$0x0];
	s4 =	sadd.s32 $0x19000, s28  }
0x634: {  	v7 =	vld [tilespmem:s2+$0x380];
	s1 =	sor.u32 s26, s4  }
0x635: {  	v63 =	vld [tilespmem:s1+$0x0]  }
0x636: {  	v0 =	vadd.s32 v0, v1;
	v1 =	vld [tilespmem:s5+$0x300]  }
0x637: {  	v0 =	vadd.s32 v2, v0;
	v2 =	vld [tilespmem:s5+$0x380]  }
0x638: {  	s5 =	sor.u32 $0x10, s26;
	v0 =	vadd.s32 v3, v0;
	v3 =	vld [tilespmem:s2+$0x80]  }
0x639: {  	s29 =	sor.u32 s5, s4;
	v0 =	vadd.s32 v4, v0;
	v4 =	vld [tilespmem:s2+$0x100]  }
0x63a: {  	v60 =	vld [tilespmem:s29+$0x180]  }
0x63b: {  	v61 =	vld [tilespmem:s29+$0x200]  }
0x63c: {  	v62 =	vld [tilespmem:s29+$0x280];
	v0 =	vadd.s32 v5, v0  }
0x63d: {  	v5 =	vld [tilespmem:s2+$0x180];
	v0 =	vadd.s32 v1, v0  }
0x63e: {  	s16 =	simm.s32 $0x100;
	s17 =	simm.s32 $0x20;
	s0 =	sor.u32 $0x1D000, s0;
	v1 =	vld [tilespmem:s2+$0x200];
	v0 =	vadd.s32 v2, v0  }
0x63f: {  	s18 =	sand.u32 $0x60, s17;
	[tilespmem:s0+$0x0] =	vst.add.s32.msk $0xffff, v0;
	s0 =	sand.u32 $0x3C00, s16  }
0x640: {  	s19 =	sor.u32 $0x10, s18;
	v2 =	vld [tilespmem:s2+$0x300];
	s0 =	sadd.s32 $0x19000, s0  }
0x641: {  	v0 =	vld [tilespmem:s2+$0x280];
	s20 =	sor.u32 s19, s0  }
0x642: {  	v8 =	vld [tilespmem:s20+$0x0]  }
0x643: {  	v9 =	vld [tilespmem:s20+$0x80]  }
0x644: {  	v10 =	vld [tilespmem:s20+$0x100]  }
0x645: {  	v11 =	vld [tilespmem:s20+$0x180]  }
0x646: {  	v12 =	vld [tilespmem:s20+$0x200]  }
0x647: {  	v13 =	vld [tilespmem:s20+$0x280]  }
0x648: {  	v55 =	vld [tilespmem:s20+$0x300];
	v8 =	vadd.s32 v8, v9  }
0x649: {  	v3 =	vadd.s32 v6, v3;
	v56 =	vld [tilespmem:s20+$0x380];
	v8 =	vadd.s32 v10, v8  }
0x64a: {  	v14 =	vld [tilespmem:s29+$0x380];
	v3 =	vadd.s32 v4, v3;
	s3 =	sor.u32 s18, s0;
	v8 =	vadd.s32 v11, v8  }
0x64b: {  	v3 =	vadd.s32 v5, v3;
	v57 =	vld [tilespmem:s3+$0x0];
	v8 =	vadd.s32 v12, v8  }
0x64c: {  	s23 =	sand.u32 $0x780, s17;
	v58 =	vld [tilespmem:s3+$0x80];
	v1 =	vadd.s32 v1, v3;
	v8 =	vadd.s32 v13, v8  }
0x64d: {  	s0 =	sor.u32 s19, s23;
	v6 =	vld [tilespmem:s3+$0x100];
	v0 =	vadd.s32 v0, v1;
	v8 =	vadd.s32 v55, v8  }
0x64e: {  	s0 =	sor.u32 $0x1D000, s0;
	v1 =	vld [tilespmem:s29+$0x80];
	v0 =	vadd.s32 v2, v0;
	v8 =	vadd.s32 v56, v8  }
0x64f: {  	v0 =	vadd.s32 v7, v0;
	[tilespmem:s0+$0x0] =	vst.add.s32.msk $0xffff, v8;
	s0 =	simm.s32 $0x1D000  }
0x650: {  	[tilespmem:s0+$0x0] =	vst.add.s32.msk $0xffff, v0  }
0x651: {  	v0 =	vld [tilespmem:s29+$0x0]  }
0x652: {  	v2 =	vld [tilespmem:s29+$0x100]  }
0x653: {  	v4 =	vld [tilespmem:s3+$0x180]  }
0x654: {  	v5 =	vld [tilespmem:s3+$0x200]  }
0x655: {  	v3 =	vld [tilespmem:s3+$0x280]  }
0x656: {  	v0 =	vadd.s32 v0, v1;
	v1 =	vld [tilespmem:s29+$0x300]  }
0x657: {  	v59 =	vld [tilespmem:s3+$0x300];
	v0 =	vadd.s32 v2, v0  }
0x658: {  	v7 =	vld [tilespmem:s3+$0x380];
	v2 =	vadd.s32 v57, v58;
	v0 =	vadd.s32 v60, v0  }
0x659: {  	v2 =	vadd.s32 v6, v2;
	v6 =	vld [tilespmem:s1+$0x80];
	v0 =	vadd.s32 v61, v0  }
0x65a: {  	s2 =	sand.u32 $0x780, s25;
	v4 =	vadd.s32 v4, v2;
	v2 =	vld [tilespmem:s1+$0x100];
	v0 =	vadd.s32 v62, v0  }
0x65b: {  	s2 =	sor.u32 s5, s2;
	v4 =	vadd.s32 v5, v4;
	v0 =	vadd.s32 v1, v0;
	v1 =	vld [tilespmem:s1+$0x180]  }
0x65c: {  	s2 =	sor.u32 $0x1D000, s2;
	v4 =	vadd.s32 v3, v4;
	v3 =	vld [tilespmem:s1+$0x200];
	v0 =	vadd.s32 v14, v0  }
0x65d: {  	v4 =	vadd.s32 v59, v4;
	[tilespmem:s2+$0x0] =	vst.add.s32.msk $0xffff, v0  }
0x65e: {  	s15 =	simm.s32 $0x60;
	s3 =	simm.s32 $0x300;
	s2 =	simm.s32 $0x4;
	v0 =	vadd.s32 v7, v4;
	v5 =	vadd.s32 v63, v6;
	v4 =	vld [tilespmem:s1+$0x280]  }
.LBB2_69:
0x65f: {  	s4 =	sand.u32 $0x60, s15;
	s5 =	sand.u32 $0x3C00, s3;
	v2 =	vadd.s32 v2, v5;
	v5 =	vld [tilespmem:s1+$0x300];
	s0 =	sadd.s32 $0x20, s0  }
0x660: {  	s2 =	sadd.s32 $0x2, s2;
	s5 =	sadd.s32 $0x19000, s5;
	s16 =	sor.u32 $0x10, s4;
	v1 =	vadd.s32 v1, v2;
	v2 =	vld [tilespmem:s1+$0x380]  }
0x661: {  	p0 =	slt.u32 s2, $0x7E;
	s1 =	sor.u32 s4, s5;
	s4 =	sor.u32 s16, s5;
	v1 =	vadd.s32 v3, v1;
	[tilespmem:s0+$0x0] =	vst.add.s32.msk $0xffff, v0  }
0x662: {  	v3 =	vld [tilespmem:s4+$0x0]  }
0x663: {  	v6 =	vld [tilespmem:s4+$0x80];
	v0 =	vadd.s32 v4, v1  }
0x664: {  	v1 =	vld [tilespmem:s4+$0x100];
	v0 =	vadd.s32 v5, v0  }
0x665: {  	v4 =	vld [tilespmem:s4+$0x180];
	v0 =	vadd.s32 v2, v0  }
0x666: {  	v2 =	vld [tilespmem:s4+$0x200]  }
0x667: {  	v5 =	vld [tilespmem:s4+$0x280]  }
0x668: {  	v3 =	vadd.s32 v3, v6;
	v6 =	vld [tilespmem:s4+$0x300]  }
0x669: {  	v1 =	vadd.s32 v1, v3;
	v7 =	vld [tilespmem:s4+$0x380]  }
0x66a: {  	v8 =	vld [tilespmem:s1+$0x0];
	v1 =	vadd.s32 v4, v1  }
0x66b: {  	v4 =	vld [tilespmem:s1+$0x80];
	v1 =	vadd.s32 v2, v1  }
.Ltmp34:
0x66c: {  	s4 =	sand.u32 $0x780, s15;
	v2 =	vld [tilespmem:s1+$0x100];
	v3 =	vadd.s32 v5, v1;
	(pc) =	sbr.rel @p0 .LBB2_69-.Ltmp34, $4  }
0x66d: {  	s4 =	sor.u32 s16, s4;
	v1 =	vld [tilespmem:s1+$0x180];
	v5 =	vadd.s32 v6, v3  }
0x66e: {  	s4 =	sor.u32 $0x1D000, s4;
	v3 =	vld [tilespmem:s1+$0x200];
	v5 =	vadd.s32 v7, v5  }
0x66f: {  	[tilespmem:s4+$0x0] =	vst.add.s32.msk $0xffff, v5  }
0x670: {  	s3 =	sadd.s32 $0x100, s3;
	s15 =	sadd.s32 $0x20, s15;
	v5 =	vadd.s32 v8, v4;
	v4 =	vld [tilespmem:s1+$0x280]  }
0x671: {  	v6 =	vld [tilespmem:s1+$0x300]  }
0x672: {  	v2 =	vadd.s32 v2, v5;
	v63 =	vld [tilespmem:s1+$0x380]  }
0x673: {  	v1 =	vadd.s32 v1, v2  }
0x674: {  	v1 =	vadd.s32 v3, v1  }
0x675: {  	v1 =	vadd.s32 v4, v1  }
0x676: {  	s0 =	sadd.s32 $0x20, s0;
	v1 =	vadd.s32 v6, v1  }
0x677: {  	[tilespmem:s0+$0x0] =	vst.add.s32.msk $0xffff, v0;
	s0 =	sadd.s32 $0x20, s0;
	v0 =	vadd.s32 v63, v1  }
0x678: {  	[tilespmem:s0+$0x0] =	vst.add.s32.msk $0xffff, v0  }
0x679: {  	s1 =	simm.s32 $0x1D000;
	[bflag:$0x0] =	sbarrier.arrive $0xFFFF  }
0x67a: {  	v0 =	vld [tilespmem:s1+$0x0];
	_ =	sdelay $0x4  }
0x67b: {  	(xrf0) =	vadd.scan.msk.s32 $0xffff, v0;
	_ =	sdelay $0x5  }
0x67c: {  	s29 =	ssub.s32 s13, s14;
	s2 =	simm.s32 $0x0;
	v1 =	vlaneseq.u32;
	v2, _, _ =	vpop (xrf0)  }
0x67d: {  	v1 =	vor.u32 $0x80000000, v1;
	v0 =	vmov s29;
	v2 =	vadd.s32 s2, v2  }
0x67e: {  	v3 =	vor.u32 s2, v1;
	vm1 =	vlt.s32 v2, v0;
	v2 =	vxor.u32 $0x80000000, v2  }
0x67f: {  	v3 =	vsel vm1, $0xC0000000, v3;
	(xrf0) =	vmax.scan.msk.u32 $0xffff, v2  }
0x680: {  	(xrf0) =	vmin.scan.msk.u32 $0xffff, v3;
	_ =	sdelay $0x4  }
0x681: {  	v2, _, _ =	vpop (xrf0)  }
0x682: {  	s3 =	simm.s32 $0x40000000;
	v3, _, _ =	vpop (xrf0);
	(v2sf) =	vpush v2, $0xF  }
0x683: {  	s13 =	simm.s32 $0x20;
	s0 =	simm.s32 $0x10;
	s2 =	simm.s32 $0x10;
	(v2sf) =	vpush v3, $0xF  }
.LBB2_71:
0x684: {  	s4 =	smov.u32 s3  }
0x685: {  	p0 =	sne.s32 s13, $0x7F0  }
0x686: {  	s1 =	sadd.s32 $0x10, s1  }
0x687: {  	v2 =	vld [tilespmem:s1+$0x0];
	_ =	sdelay $0x4  }
0x688: {  	(xrf0) =	vadd.scan.msk.s32 $0xffff, v2;
	_ =	sdelay $0x4  }
0x689: {  	s3 =	spop (v2sf)  }
0x68a: {  	v2, _, _ =	vpop (xrf0);
	s3 =	sxor.u32 $0x80000000, s3;
	s5 =	spop (v2sf)  }
0x68b: {  	v2 =	vadd.s32 s3, v2;
	s3 =	sxor.u32 $0x80000000, s5  }
0x68c: {  	v3 =	vor.u32 s2, v1;
	s2 =	smov.u32 s13;
	vm1 =	vlt.s32 v2, v0;
	v2 =	vxor.u32 $0x80000000, v2;
	p1 =	slt.s32 s4, s3  }
0x68d: {  	v3 =	vsel vm1, $0xC0000000, v3;
	(xrf0) =	vmax.scan.msk.u32 $0xffff, v2;
	s3 =	smov.u32 @p1 s4  }
0x68e: {  	(xrf0) =	vmin.scan.msk.u32 $0xffff, v3;
	_ =	sdelay $0x3  }
.Ltmp35:
0x68f: {  	(pc) =	sbr.rel @p0 .LBB2_71-.Ltmp35, $4  }
0x690: {  	v2, _, _ =	vpop (xrf0)  }
0x691: {  	v3, _, _ =	vpop (xrf0);
	(v2sf) =	vpush v2, $0xF  }
0x692: {  	(v2sf) =	vpush v3, $0xF  }
0x693: {  	s13 =	sadd.s32 $0x10, s13  }
0x694: {  	_ = 	snop  }
0x695: {  	s1 =	sadd.s32 $0x10, s1  }
0x696: {  	v2 =	vld [tilespmem:s1+$0x0];
	_ =	sdelay $0x4  }
0x697: {  	(xrf0) =	vadd.scan.msk.s32 $0xffff, v2;
	_ =	sdelay $0x4  }
0x698: {  	s26 =	spop (v2sf)  }
0x699: {  	v2, _, _ =	vpop (xrf0);
	s1 =	sxor.u32 $0x80000000, s26  }
0x69a: {  	v2 =	vadd.s32 s1, v2  }
0x69b: {  	v60 =	vor.u32 s2, v1;
	vm1 =	vlt.s32 v2, v0;
	v61 =	vxor.u32 $0x80000000, v2  }
0x69c: {  	v0 =	vsel vm1, $0xC0000000, v60;
	(xrf0) =	vmax.scan.msk.u32 $0xffff, v61  }
0x69d: {  	(xrf0) =	vmin.scan.msk.u32 $0xffff, v0;
	_ =	sdelay $0x4  }
0x69e: {  	v62, _, _ =	vpop (xrf0)  }
0x69f: {  	v63, _, _ =	vpop (xrf0);
	(v2sf) =	vpush v62, $0xF  }
0x6a0: {  	(v2sf) =	vpush v63, $0xF;
	_ =	sdelay $0xc  }
0x6a1: {  	s28 =	spop (v2sf)  }
0x6a2: {  	s2 =	sxor.u32 $0x80000000, s28;
	s29 =	spop (v2sf)  }
0x6a3: {  	p0 =	slt.s32 s3, s2;
	s1 =	spop (v2sf)  }
0x6a4: {  	s2 =	smov.u32 @p0 s3;
	s1 =	sxor.u32 $0x80000000, s1  }
0x6a5: {  	s14 =	sadd.s32 $0x0, s11;
	s13 =	simm.s32 $0xC100;
	p0 =	slt.s32 s2, s1  }
0x6a6: {  	s3 =	simm.s32 $0xC000;
	s1 =	smov.u32 @p0 s2;
	s2 =	simm.s32 $0x0  }
.LBB2_73:
0x6a7: {  	[tilespmem:s3], [sflag:$0x1] =	stream.linear.gather [hbm4b:s14+s2], $0x80, $0x38;
	[tilespmem:$0x1E080] =	vst v63  }
0x6a8: {  	s4 =	smov.u32 s0;
	s3 =	smov.u32 s13;
	p0 =	sne.s32 s0, $0x3F0  }
.Ltmp36:
0x6a9: {  	s0 =	sadd.s32 $0x10, s0;
	(pc) =	sbr.rel @p0 .LBB2_73-.Ltmp36, $2  }
0x6aa: {  	_ =	sdelay $0x2  }
0x6ab: {  	s13 =	sadd.s32 $0x100, s13;
	s14 =	sadd.s32 s4, s11  }
0x6ac: {  	s0 =	sshll.u32 s12, $0xA  }
0x6ad: {  	[tilespmem:s3], [sflag:$0x1] =	stream.linear.gather [hbm4b:s14+s2], $0x80, $0x38;
	[tilespmem:$0x1E080] =	vst v63  }
0x6ae: {  	s0 =	sor.u32 s0, s1  }
0x6af: {  	s11 =	simm.s32 $0x0;
	v2 =	vimm.f32 $0.0e+00;
	v0 =	vmov s0  }
0x6b0: {  	v1 =	vimm.s32 $0x0;
	s12 =	simm.s32 $0x1;
	s13 =	simm.s32 $0x2;
	v3 =	vimm.s32 $0x0;
	s14 =	simm.s32 $0x0;
	v0 =	vbroadcast v0, $0x0  }
.LBB2_75:
0x6b1: {  	s15 =	sshll.u32 s14, $0xE  }
0x6b2: {  	s0 =	sor.u32 s15, s31  }
0x6b3: {  	_ =	swait.ge [sflag:s12], $0x2000;
	s0 =	sshrl.u32 s0, $0x3  }
0x6b4: {  	s1 =	simm.s32 $0xC080;
	[sflag:s12] =	ssyncset.done $0x0;
	s0 =	sadd.s32 s0, s30  }
0x6b5: {  	s2 =	simm.s32 $0x0;
	[sflag:s12] =	ssyncadd.s32 $0xFFFFE000;
	s0 =	sadd.s32 $0x400, s0  }
.LBB2_76:
0x6b6: {  	p0 =	sne.s32 s2, $0x3F0  }
.Ltmp37:
0x6b7: {  	_ = 	snop;
	(pc) =	sbr.rel @p0 .LBB2_76-.Ltmp37, $4  }
0x6b8: {  	_ = 	snop  }
0x6b9: {  	s3 =	sadd.s32 s2, s0  }
0x6ba: {  	[tilespmem:s1], [sflag:$0x2] =	stream.linear.gather [hbm4b:s3+s11], $0x80, $0x38;
	[tilespmem:$0x1E080] =	vst v63  }
0x6bb: {  	s2 =	sadd.s32 $0x10, s2;
	s1 =	sadd.s32 $0x100, s1  }
0x6bc: {  	s0 =	simm.s32 $0xC040  }
0x6bd: {  	v4 =	vld [tilespmem:s0+$0xFFFFFFC0]  }
0x6be: {  	v6 =	vld [tilespmem:s0+$0xFFFFFFE0]  }
0x6bf: {  	v7 =	vld [tilespmem:s0+$0xFFFFFFF0]  }
0x6c0: {  	v8 =	vld [tilespmem:s0+$0x0]  }
0x6c1: {  	v9 =	vld [tilespmem:s0+$0x10]  }
0x6c2: {  	v10 =	vld [tilespmem:s0+$0x20]  }
0x6c3: {  	v13 =	vld [tilespmem:s0+$0x30]  }
0x6c4: {  	v5 =	vld [tilespmem:s0+$0xFFFFFFD0];
	_ =	sdelay $0x1  }
0x6c5: {  	vm1 =	vlt.f32 v4, v0;
	vm2 =	vlt.f32 v6, v0;
	vm3 =	vlt.f32 v7, v0  }
0x6c6: {  	vm4 =	vlt.f32 v8, v0;
	vm5 =	vlt.f32 v9, v0;
	vm6 =	vlt.f32 v10, v0  }
0x6c7: {  	vm7 =	vlt.f32 v13, v0;
	v4 =	vnsel vm1, $0x0, v4;
	v11 =	vsel vm1, $0x1, v1  }
0x6c8: {  	vm1 =	vlt.f32 v5, v0;
	v6 =	vnsel vm2, $0x0, v6;
	v7 =	vnsel vm3, $0x0, v7  }
0x6c9: {  	v8 =	vnsel vm4, $0x0, v8;
	v12 =	vsel vm1, $0x1, v1;
	v3 =	vadd.s32 v11, v3  }
0x6ca: {  	s28 =	simm.s32 $0xC140;
	v9 =	vnsel vm5, $0x0, v9;
	v11 =	vsel vm2, $0x1, v1;
	v3 =	vadd.s32 v12, v3  }
0x6cb: {  	v16 =	vld [tilespmem:s28+$0xFFFFFFE0];
	v10 =	vnsel vm6, $0x0, v10;
	v12 =	vsel vm3, $0x1, v1;
	v3 =	vadd.s32 v11, v3  }
0x6cc: {  	v13 =	vnsel vm7, $0x0, v13;
	v11 =	vsel vm4, $0x1, v1;
	v3 =	vadd.s32 v12, v3  }
0x6cd: {  	v5 =	vnsel vm1, $0x0, v5;
	v12 =	vsel vm5, $0x1, v1;
	v3 =	vadd.s32 v11, v3  }
0x6ce: {  	v4 =	vadd.f32 v5, v4;
	v5 =	vadd.f32 v7, v6;
	v3 =	vadd.s32 v12, v3;
	v12 =	vld [tilespmem:s28+$0xFFFFFFC0]  }
0x6cf: {  	v15 =	vld [tilespmem:s28+$0xFFFFFFD0];
	v7 =	vadd.f32 v9, v8;
	v8 =	vadd.f32 v13, v10  }
0x6d0: {  	vm2 =	vlt.f32 v16, v0;
	v6 =	vld [tilespmem:s28+$0xFFFFFFF0]  }
0x6d1: {  	v9 =	vld [tilespmem:s28+$0x0];
	v4 =	vadd.f32 v5, v4;
	v5 =	vadd.f32 v8, v7;
	v11 =	vsel vm6, $0x1, v1  }
0x6d2: {  	v14 =	vsel vm7, $0x1, v1;
	v10 =	vld [tilespmem:s28+$0x10];
	v16 =	vnsel vm2, $0x0, v16;
	v3 =	vadd.s32 v11, v3  }
0x6d3: {  	v13 =	vld [tilespmem:s28+$0x30];
	v4 =	vadd.f32 v5, v4;
	v3 =	vadd.s32 v14, v3;
	vm1 =	vlt.f32 v12, v0  }
0x6d4: {  	v7 =	vnsel vm1, $0x0, v12;
	v11 =	vsel vm1, $0x1, v1;
	vm1 =	vlt.f32 v15, v0  }
0x6d5: {  	s29 =	simm.s32 $0xC240;
	vm3 =	vlt.f32 v6, v0;
	v12 =	vsel vm1, $0x1, v1;
	v3 =	vadd.s32 v11, v3  }
0x6d6: {  	v17 =	vld [tilespmem:s29+$0xFFFFFFD0];
	vm4 =	vlt.f32 v9, v0;
	v11 =	vsel vm2, $0x1, v1;
	v3 =	vadd.s32 v12, v3  }
0x6d7: {  	v8 =	vld [tilespmem:s28+$0x20];
	vm5 =	vlt.f32 v10, v0;
	v12 =	vsel vm3, $0x1, v1;
	v3 =	vadd.s32 v11, v3  }
0x6d8: {  	vm7 =	vlt.f32 v13, v0;
	v11 =	vsel vm4, $0x1, v1;
	v3 =	vadd.s32 v12, v3  }
0x6d9: {  	v14 =	vsel vm7, $0x1, v1;
	v12 =	vsel vm5, $0x1, v1;
	v3 =	vadd.s32 v11, v3  }
0x6da: {  	v6 =	vnsel vm3, $0x0, v6;
	v3 =	vadd.s32 v12, v3;
	v12 =	vnsel vm1, $0x0, v15;
	v15 =	vld [tilespmem:s29+$0xFFFFFFC0]  }
0x6db: {  	v9 =	vnsel vm4, $0x0, v9;
	v10 =	vnsel vm5, $0x0, v10;
	v13 =	vnsel vm7, $0x0, v13  }
0x6dc: {  	vm7 =	vlt.f32 v17, v0;
	vm6 =	vlt.f32 v8, v0;
	v16 =	vadd.f32 v6, v16;
	v6 =	vld [tilespmem:s29+$0xFFFFFFE0]  }
0x6dd: {  	v8 =	vnsel vm6, $0x0, v8;
	v11 =	vsel vm6, $0x1, v1;
	v12 =	vadd.f32 v12, v7;
	v7 =	vld [tilespmem:s29+$0xFFFFFFF0]  }
0x6de: {  	v9 =	vadd.f32 v10, v9;
	v3 =	vadd.s32 v11, v3;
	v11 =	vadd.f32 v13, v8;
	v8 =	vld [tilespmem:s29+$0x0]  }
0x6df: {  	v10 =	vld [tilespmem:s29+$0x10];
	v13 =	vadd.s32 v14, v3;
	v3 =	vadd.f32 v16, v12;
	vm1 =	vlt.f32 v15, v0  }
0x6e0: {  	v5 =	vadd.f32 v11, v9;
	v11 =	vld [tilespmem:s29+$0x20];
	v9 =	vnsel vm1, $0x0, v15;
	v14 =	vsel vm1, $0x1, v1  }
0x6e1: {  	v12 =	vld [tilespmem:s29+$0x30];
	v15 =	vsel vm7, $0x1, v1;
	vm1 =	vlt.f32 v6, v0;
	v13 =	vadd.s32 v14, v13  }
0x6e2: {  	vm2 =	vlt.f32 v7, v0;
	v14 =	vsel vm1, $0x1, v1;
	v13 =	vadd.s32 v15, v13  }
0x6e3: {  	vm3 =	vlt.f32 v8, v0;
	v15 =	vsel vm2, $0x1, v1;
	v13 =	vadd.s32 v14, v13  }
0x6e4: {  	vm4 =	vlt.f32 v10, v0;
	v14 =	vsel vm3, $0x1, v1;
	v13 =	vadd.s32 v15, v13  }
0x6e5: {  	vm5 =	vlt.f32 v11, v0;
	v15 =	vsel vm4, $0x1, v1;
	v13 =	vadd.s32 v14, v13  }
0x6e6: {  	vm6 =	vlt.f32 v12, v0;
	v16 =	vsel vm5, $0x1, v1;
	v15 =	vadd.s32 v15, v13  }
0x6e7: {  	s1 =	simm.s32 $0xC340;
	s0 =	simm.s32 $0x10;
	v14 =	vnsel vm7, $0x0, v17;
	v13 =	vsel vm6, $0x1, v1;
	v15 =	vadd.s32 v16, v15  }
.LBB2_78:
0x6e8: {  	v16 =	vld [tilespmem:s1+$0xFFFFFFC0];
	s0 =	sadd.s32 $0x8, s0;
	v17 =	vnsel vm1, $0x0, v6;
	v7 =	vnsel vm2, $0x0, v7;
	v13 =	vadd.s32 v13, v15  }
0x6e9: {  	v8 =	vnsel vm3, $0x0, v8;
	v10 =	vnsel vm4, $0x0, v10;
	v11 =	vnsel vm5, $0x0, v11;
	v15 =	vld [tilespmem:s1+$0xFFFFFFD0];
	p0 =	slt.u32 s0, $0x1F8  }
0x6ea: {  	v12 =	vnsel vm6, $0x0, v12;
	v9 =	vadd.f32 v14, v9;
	v14 =	vadd.f32 v7, v17;
	v6 =	vld [tilespmem:s1+$0xFFFFFFE0]  }
0x6eb: {  	v17 =	vadd.f32 v10, v8;
	v11 =	vadd.f32 v12, v11;
	v7 =	vld [tilespmem:s1+$0xFFFFFFF0]  }
0x6ec: {  	v12 =	vadd.f32 v5, v3;
	v3 =	vadd.f32 v14, v9;
	v8 =	vld [tilespmem:s1+$0x0]  }
0x6ed: {  	v2 =	vadd.f32 v4, v2;
	v5 =	vadd.f32 v11, v17;
	vm1 =	vlt.f32 v16, v0;
	v10 =	vld [tilespmem:s1+$0x10]  }
0x6ee: {  	v4 =	vmovc v12;
	v9 =	vnsel vm1, $0x0, v16;
	v14 =	vsel vm1, $0x1, v1;
	vm7 =	vlt.f32 v15, v0;
	v11 =	vld [tilespmem:s1+$0x20]  }
0x6ef: {  	v16 =	vsel vm7, $0x1, v1;
	vm1 =	vlt.f32 v6, v0;
	v12 =	vld [tilespmem:s1+$0x30];
	v13 =	vadd.s32 v14, v13  }
0x6f0: {  	v14 =	vsel vm1, $0x1, v1;
	vm2 =	vlt.f32 v7, v0;
	v13 =	vadd.s32 v16, v13  }
.Ltmp38:
0x6f1: {  	v16 =	vsel vm2, $0x1, v1;
	vm3 =	vlt.f32 v8, v0;
	v13 =	vadd.s32 v14, v13;
	(pc) =	sbr.rel @p0 .LBB2_78-.Ltmp38, $4  }
0x6f2: {  	v14 =	vsel vm3, $0x1, v1;
	vm4 =	vlt.f32 v10, v0;
	v13 =	vadd.s32 v16, v13  }
0x6f3: {  	v16 =	vsel vm4, $0x1, v1;
	vm5 =	vlt.f32 v11, v0;
	v13 =	vadd.s32 v14, v13  }
0x6f4: {  	v17 =	vsel vm5, $0x1, v1;
	vm6 =	vlt.f32 v12, v0;
	v16 =	vadd.s32 v16, v13  }
0x6f5: {  	s1 =	sadd.s32 $0x100, s1;
	v14 =	vnsel vm7, $0x0, v15;
	v13 =	vsel vm6, $0x1, v1;
	v15 =	vadd.s32 v17, v16  }
0x6f6: {  	v6 =	vnsel vm1, $0x0, v6;
	v7 =	vnsel vm2, $0x0, v7  }
0x6f7: {  	v8 =	vnsel vm3, $0x0, v8;
	v10 =	vnsel vm4, $0x0, v10;
	v11 =	vnsel vm5, $0x0, v11  }
0x6f8: {  	v12 =	vnsel vm6, $0x0, v12;
	v9 =	vadd.f32 v14, v9;
	v6 =	vadd.f32 v7, v6  }
0x6f9: {  	v62 =	vadd.f32 v10, v8;
	v63 =	vadd.f32 v12, v11  }
0x6fa: {  	v3 =	vadd.f32 v5, v3;
	v2 =	vadd.f32 v4, v2;
	p0 =	seq.s32 s14, $0x1F  }
.Ltmp39:
0x6fb: {  	v6 =	vadd.f32 v6, v9;
	v5 =	vadd.f32 v63, v62;
	(pc) =	sbr.rel @p0 .LBB2_83-.Ltmp39, $4  }
0x6fc: {  	_ = 	snop  }
0x6fd: {  	_ =	swait.ge [sflag:s13], $0x2000;
	v2 =	vadd.f32 v3, v2;
	v4 =	vadd.f32 v5, v6  }
0x6fe: {  	[sflag:s13] =	ssyncset.done $0x0  }
0x6ff: {  	v3 =	vadd.s32 v13, v15;
	[sflag:s13] =	ssyncadd.s32 $0xFFFFE000;
	v2 =	vadd.f32 v4, v2  }
0x700: {  	s0 =	sadd.s32 s15, s10  }
0x701: {  	s0 =	sshrl.u32 s0, $0x3  }
0x702: {  	s1 =	simm.s32 $0xC000;
	s0 =	sadd.s32 s30, s0  }
0x703: {  	s2 =	simm.s32 $0x10;
	s3 =	simm.s32 $0xC100;
	s15 =	sadd.s32 $0x0, s0  }
.LBB2_81:
0x704: {  	[tilespmem:s1], [sflag:$0x1] =	stream.linear.gather [hbm4b:s15+s11], $0x80, $0x38;
	[tilespmem:$0x1E080] =	vst v63  }
0x705: {  	s4 =	smov.u32 s2;
	s1 =	smov.u32 s3;
	p0 =	sne.s32 s2, $0x3F0  }
.Ltmp40:
0x706: {  	s2 =	sadd.s32 $0x10, s2;
	(pc) =	sbr.rel @p0 .LBB2_81-.Ltmp40, $2  }
0x707: {  	_ =	sdelay $0x2  }
0x708: {  	s3 =	sadd.s32 $0x100, s3;
	s15 =	sadd.s32 s4, s0  }
0x709: {  	[tilespmem:s1], [sflag:$0x1] =	stream.linear.gather [hbm4b:s15+s11], $0x80, $0x38;
	[tilespmem:$0x1E080] =	vst v63  }
.LBB2_83:
0x70a: {  	s0 =	simm.s32 $0xC0F0  }
0x70b: {  	v4 =	vld [tilespmem:s0+$0xFFFFFF90]  }
0x70c: {  	v6 =	vld [tilespmem:s0+$0xFFFFFFB0]  }
0x70d: {  	v7 =	vld [tilespmem:s0+$0xFFFFFFC0]  }
0x70e: {  	v8 =	vld [tilespmem:s0+$0xFFFFFFD0]  }
0x70f: {  	v9 =	vld [tilespmem:s0+$0xFFFFFFE0]  }
0x710: {  	v10 =	vld [tilespmem:s0+$0xFFFFFFF0]  }
0x711: {  	v13 =	vld [tilespmem:s0+$0x0]  }
0x712: {  	v5 =	vld [tilespmem:s0+$0xFFFFFFA0];
	_ =	sdelay $0x1  }
0x713: {  	vm1 =	vlt.f32 v4, v0;
	vm2 =	vlt.f32 v6, v0;
	vm3 =	vlt.f32 v7, v0  }
0x714: {  	vm4 =	vlt.f32 v8, v0;
	vm5 =	vlt.f32 v9, v0;
	vm6 =	vlt.f32 v10, v0  }
0x715: {  	vm7 =	vlt.f32 v13, v0;
	v4 =	vnsel vm1, $0x0, v4;
	v11 =	vsel vm1, $0x1, v1  }
0x716: {  	vm1 =	vlt.f32 v5, v0;
	v6 =	vnsel vm2, $0x0, v6;
	v7 =	vnsel vm3, $0x0, v7  }
0x717: {  	v8 =	vnsel vm4, $0x0, v8;
	v12 =	vsel vm1, $0x1, v1;
	v3 =	vadd.s32 v11, v3  }
0x718: {  	s28 =	simm.s32 $0xC1F0;
	v9 =	vnsel vm5, $0x0, v9;
	v11 =	vsel vm2, $0x1, v1;
	v3 =	vadd.s32 v12, v3  }
0x719: {  	v16 =	vld [tilespmem:s28+$0xFFFFFFB0];
	v10 =	vnsel vm6, $0x0, v10;
	v12 =	vsel vm3, $0x1, v1;
	v3 =	vadd.s32 v11, v3  }
0x71a: {  	v13 =	vnsel vm7, $0x0, v13;
	v11 =	vsel vm4, $0x1, v1;
	v3 =	vadd.s32 v12, v3  }
0x71b: {  	v5 =	vnsel vm1, $0x0, v5;
	v12 =	vsel vm5, $0x1, v1;
	v3 =	vadd.s32 v11, v3  }
0x71c: {  	v4 =	vadd.f32 v5, v4;
	v5 =	vadd.f32 v7, v6;
	v3 =	vadd.s32 v12, v3;
	v12 =	vld [tilespmem:s28+$0xFFFFFF90]  }
0x71d: {  	v15 =	vld [tilespmem:s28+$0xFFFFFFA0];
	v7 =	vadd.f32 v9, v8;
	v8 =	vadd.f32 v13, v10  }
0x71e: {  	vm2 =	vlt.f32 v16, v0;
	v6 =	vld [tilespmem:s28+$0xFFFFFFC0]  }
0x71f: {  	v9 =	vld [tilespmem:s28+$0xFFFFFFD0];
	v4 =	vadd.f32 v5, v4;
	v5 =	vadd.f32 v8, v7;
	v11 =	vsel vm6, $0x1, v1  }
0x720: {  	v14 =	vsel vm7, $0x1, v1;
	v10 =	vld [tilespmem:s28+$0xFFFFFFE0];
	v16 =	vnsel vm2, $0x0, v16;
	v3 =	vadd.s32 v11, v3  }
0x721: {  	v13 =	vld [tilespmem:s28+$0x0];
	v4 =	vadd.f32 v5, v4;
	v3 =	vadd.s32 v14, v3;
	vm1 =	vlt.f32 v12, v0  }
0x722: {  	v7 =	vnsel vm1, $0x0, v12;
	v11 =	vsel vm1, $0x1, v1;
	vm1 =	vlt.f32 v15, v0  }
0x723: {  	s29 =	simm.s32 $0xC2F0;
	vm3 =	vlt.f32 v6, v0;
	v12 =	vsel vm1, $0x1, v1;
	v3 =	vadd.s32 v11, v3  }
0x724: {  	v17 =	vld [tilespmem:s29+$0xFFFFFFA0];
	vm4 =	vlt.f32 v9, v0;
	v11 =	vsel vm2, $0x1, v1;
	v3 =	vadd.s32 v12, v3  }
0x725: {  	v8 =	vld [tilespmem:s28+$0xFFFFFFF0];
	vm5 =	vlt.f32 v10, v0;
	v12 =	vsel vm3, $0x1, v1;
	v3 =	vadd.s32 v11, v3  }
0x726: {  	vm7 =	vlt.f32 v13, v0;
	v11 =	vsel vm4, $0x1, v1;
	v3 =	vadd.s32 v12, v3  }
0x727: {  	v14 =	vsel vm7, $0x1, v1;
	v12 =	vsel vm5, $0x1, v1;
	v3 =	vadd.s32 v11, v3  }
0x728: {  	v6 =	vnsel vm3, $0x0, v6;
	v3 =	vadd.s32 v12, v3;
	v12 =	vnsel vm1, $0x0, v15;
	v15 =	vld [tilespmem:s29+$0xFFFFFF90]  }
0x729: {  	v9 =	vnsel vm4, $0x0, v9;
	v10 =	vnsel vm5, $0x0, v10;
	v13 =	vnsel vm7, $0x0, v13  }
0x72a: {  	vm7 =	vlt.f32 v17, v0;
	vm6 =	vlt.f32 v8, v0;
	v16 =	vadd.f32 v6, v16;
	v6 =	vld [tilespmem:s29+$0xFFFFFFB0]  }
0x72b: {  	v8 =	vnsel vm6, $0x0, v8;
	v11 =	vsel vm6, $0x1, v1;
	v12 =	vadd.f32 v12, v7;
	v7 =	vld [tilespmem:s29+$0xFFFFFFC0]  }
0x72c: {  	v9 =	vadd.f32 v10, v9;
	v3 =	vadd.s32 v11, v3;
	v11 =	vadd.f32 v13, v8;
	v8 =	vld [tilespmem:s29+$0xFFFFFFD0]  }
0x72d: {  	v10 =	vld [tilespmem:s29+$0xFFFFFFE0];
	v13 =	vadd.s32 v14, v3;
	v3 =	vadd.f32 v16, v12;
	vm1 =	vlt.f32 v15, v0  }
0x72e: {  	v5 =	vadd.f32 v11, v9;
	v11 =	vld [tilespmem:s29+$0xFFFFFFF0];
	v9 =	vnsel vm1, $0x0, v15;
	v14 =	vsel vm1, $0x1, v1  }
0x72f: {  	v12 =	vld [tilespmem:s29+$0x0];
	v15 =	vsel vm7, $0x1, v1;
	vm1 =	vlt.f32 v6, v0;
	v13 =	vadd.s32 v14, v13  }
0x730: {  	vm2 =	vlt.f32 v7, v0;
	v14 =	vsel vm1, $0x1, v1;
	v13 =	vadd.s32 v15, v13  }
0x731: {  	vm3 =	vlt.f32 v8, v0;
	v15 =	vsel vm2, $0x1, v1;
	v13 =	vadd.s32 v14, v13  }
0x732: {  	vm4 =	vlt.f32 v10, v0;
	v14 =	vsel vm3, $0x1, v1;
	v13 =	vadd.s32 v15, v13  }
0x733: {  	vm5 =	vlt.f32 v11, v0;
	v15 =	vsel vm4, $0x1, v1;
	v13 =	vadd.s32 v14, v13  }
0x734: {  	vm6 =	vlt.f32 v12, v0;
	v16 =	vsel vm5, $0x1, v1;
	v15 =	vadd.s32 v15, v13  }
0x735: {  	s1 =	simm.s32 $0xC3F0;
	s0 =	simm.s32 $0x10;
	v14 =	vnsel vm7, $0x0, v17;
	v13 =	vsel vm6, $0x1, v1;
	v15 =	vadd.s32 v16, v15  }
.LBB2_84:
0x736: {  	v16 =	vld [tilespmem:s1+$0xFFFFFF90];
	s0 =	sadd.s32 $0x8, s0;
	v17 =	vnsel vm1, $0x0, v6;
	v7 =	vnsel vm2, $0x0, v7;
	v13 =	vadd.s32 v13, v15  }
0x737: {  	v8 =	vnsel vm3, $0x0, v8;
	v10 =	vnsel vm4, $0x0, v10;
	v11 =	vnsel vm5, $0x0, v11;
	v15 =	vld [tilespmem:s1+$0xFFFFFFA0];
	p0 =	slt.u32 s0, $0x1F8  }
0x738: {  	v12 =	vnsel vm6, $0x0, v12;
	v9 =	vadd.f32 v14, v9;
	v14 =	vadd.f32 v7, v17;
	v6 =	vld [tilespmem:s1+$0xFFFFFFB0]  }
0x739: {  	v17 =	vadd.f32 v10, v8;
	v11 =	vadd.f32 v12, v11;
	v7 =	vld [tilespmem:s1+$0xFFFFFFC0]  }
0x73a: {  	v12 =	vadd.f32 v5, v3;
	v3 =	vadd.f32 v14, v9;
	v8 =	vld [tilespmem:s1+$0xFFFFFFD0]  }
0x73b: {  	v2 =	vadd.f32 v4, v2;
	v5 =	vadd.f32 v11, v17;
	vm1 =	vlt.f32 v16, v0;
	v10 =	vld [tilespmem:s1+$0xFFFFFFE0]  }
0x73c: {  	v4 =	vmovc v12;
	v9 =	vnsel vm1, $0x0, v16;
	v14 =	vsel vm1, $0x1, v1;
	vm7 =	vlt.f32 v15, v0;
	v11 =	vld [tilespmem:s1+$0xFFFFFFF0]  }
0x73d: {  	v16 =	vsel vm7, $0x1, v1;
	vm1 =	vlt.f32 v6, v0;
	v12 =	vld [tilespmem:s1+$0x0];
	v13 =	vadd.s32 v14, v13  }
0x73e: {  	v14 =	vsel vm1, $0x1, v1;
	vm2 =	vlt.f32 v7, v0;
	v13 =	vadd.s32 v16, v13  }
.Ltmp41:
0x73f: {  	v16 =	vsel vm2, $0x1, v1;
	vm3 =	vlt.f32 v8, v0;
	v13 =	vadd.s32 v14, v13;
	(pc) =	sbr.rel @p0 .LBB2_84-.Ltmp41, $4  }
0x740: {  	v14 =	vsel vm3, $0x1, v1;
	vm4 =	vlt.f32 v10, v0;
	v13 =	vadd.s32 v16, v13  }
0x741: {  	v16 =	vsel vm4, $0x1, v1;
	vm5 =	vlt.f32 v11, v0;
	v13 =	vadd.s32 v14, v13  }
0x742: {  	v17 =	vsel vm5, $0x1, v1;
	vm6 =	vlt.f32 v12, v0;
	v16 =	vadd.s32 v16, v13  }
0x743: {  	s1 =	sadd.s32 $0x100, s1;
	v14 =	vnsel vm7, $0x0, v15;
	v13 =	vsel vm6, $0x1, v1;
	v15 =	vadd.s32 v17, v16  }
0x744: {  	v6 =	vnsel vm1, $0x0, v6;
	v7 =	vnsel vm2, $0x0, v7  }
0x745: {  	v8 =	vnsel vm3, $0x0, v8;
	v10 =	vnsel vm4, $0x0, v10;
	v11 =	vnsel vm5, $0x0, v11  }
0x746: {  	v12 =	vnsel vm6, $0x0, v12;
	v9 =	vadd.f32 v14, v9;
	v6 =	vadd.f32 v7, v6  }
0x747: {  	s14 =	sadd.s32 $0x1, s14;
	v62 =	vadd.f32 v10, v8;
	v63 =	vadd.f32 v12, v11  }
0x748: {  	v3 =	vadd.f32 v5, v3;
	v2 =	vadd.f32 v4, v2;
	p0 =	sne.s32 s14, $0x20  }
.Ltmp42:
0x749: {  	v6 =	vadd.f32 v6, v9;
	v5 =	vadd.f32 v63, v62;
	(pc) =	sbr.rel @p0 .LBB2_75-.Ltmp42, $3  }
0x74a: {  	_ = 	snop  }
0x74b: {  	v2 =	vadd.f32 v3, v2;
	v4 =	vadd.f32 v5, v6;
	_ =	sdelay $0x1  }
0x74c: {  	v3 =	vadd.s32 v13, v15;
	v2 =	vadd.f32 v4, v2  }
0x74d: {  	(xrf0) =	vadd.scan.msk.s32 $0xffff, v3;
	_ =	sdelay $0x5  }
0x74e: {  	v1, _, _ =	vpop (xrf0)  }
0x74f: {  	(v2sf) =	vpush v1, $0xF;
	_ =	sdelay $0x5  }
0x750: {  	(xrf2) =	vadd.scan.msk.f32 $0xffff, v2;
	_ =	sdelay $0x8  }
0x751: {  	s0 =	spop (v2sf)  }
0x752: {  	v1, _, _ =	vpop (xrf2);
	s0 =	scvt.s32.f32 s0  }
0x753: {  	v1 =	vbroadcast v1, $0xF  }
0x754: {  	vm1 =	vcmask $0x704;
	v2 =	vmov s0  }
0x755: {  	v1 =	vnsel vm0, $0x0, v1;
	v2 =	vnsel vm1, $0x0, v2  }
0x756: {  	v1 =	vadd.f32 v2, v1  }
0x757: {  	s31 =	simm.s32 $0x80  }
0x758: {  	s1 =	simm.s32 $0x400;
	s2 =	simm.s32 $0x18800;
	s0 =	simm.s32 $0x5;
	[tilespmem:$0x18800] =	vst v1  }
0x759: {  	[spmem:s6] =	stream.strided.scatter [tilespmem:s2], [sflag:$0x5], $0x800, s1, s31, $0x38;
	[tilespmem:$0x1E080] =	vst v63  }
0x75a: {  	_ =	swait.ge [sflag:s0], $0x800  }
0x75b: {  	[sflag:s0] =	ssyncset.done $0x0  }
0x75c: {  	[sflag:s0] =	ssyncadd.s32 $0xFFFFF800  }
0x75d: {  	p0 =	sne.s32 s22, $0x0;
	[bflag:$0x0] =	sbarrier.arrive $0xFFFF  }
0x75e: {  	_ =	sfence.sel @p0 $0x180000  }
0x75f: {  	[bflag:$0x0] =	sbarrier.arrive @p0 $0xFFFF  }
0x760: {  	_ =	strace @p0 $0x90000047  }
0x761: {  	[bflag:$0x2] =	sbarrier.arrive @p0 $0xFFFF  }
0x762: {  	_ =	shalt @p0  }
.LBB2_87:
0x763: {  	s1 =	simm.s32 $0x19000  }
0x764: {  	[tilespmem:s1], [sflag:$0x5] =	stream.linear.gather [spmem:s21], $0x4000, $0x38;
	[tilespmem:$0x1E080] =	vst v63  }
0x765: {  	_ =	swait.ge [sflag:s0], $0x4000  }
0x766: {  	[sflag:s0] =	ssyncset.done $0x0  }
0x767: {  	[sflag:s0] =	ssyncadd.s32 $0xFFFFC000  }
0x768: {  	v1 =	vld [tilespmem:$0x19000];
	_ =	sdelay $0x1  }
0x769: {  	v2 =	vld [tilespmem:$0x19080];
	_ =	sdelay $0x1  }
0x76a: {  	v3 =	vld [tilespmem:$0x19100]  }
0x76b: {  	v1 =	vadd.f32 $0.0e+00, v1  }
0x76c: {  	v4 =	vld [tilespmem:$0x19180]  }
0x76d: {  	v1 =	vadd.f32 v2, v1  }
0x76e: {  	v49 =	vld [tilespmem:$0x19200]  }
0x76f: {  	v1 =	vadd.f32 v3, v1  }
0x770: {  	v50 =	vld [tilespmem:$0x19280]  }
0x771: {  	v5 =	vld [tilespmem:$0x19300];
	v1 =	vadd.f32 v4, v1  }
0x772: {  	v51 =	vld [tilespmem:$0x19380];
	[tilespmem:s1], [sflag:$0x5] =	stream.linear.gather [spmem:s7], $0x4000, $0x38  }
0x773: {  	_ =	swait.ge [sflag:s0], $0x4000;
	v1 =	vadd.f32 v49, v1  }
0x774: {  	[sflag:s0] =	ssyncset.done $0x0  }
0x775: {  	[sflag:s0] =	ssyncadd.s32 $0xFFFFC000;
	v1 =	vadd.f32 v50, v1  }
0x776: {  	v52 =	vld [tilespmem:$0x19000]  }
0x777: {  	v1 =	vadd.f32 v5, v1  }
0x778: {  	v53 =	vld [tilespmem:$0x19080]  }
0x779: {  	v1 =	vadd.f32 v51, v1  }
0x77a: {  	v54 =	vld [tilespmem:$0x19100]  }
0x77b: {  	v1 =	vadd.f32 v52, v1  }
0x77c: {  	v55 =	vld [tilespmem:$0x19180]  }
0x77d: {  	v1 =	vadd.f32 v53, v1  }
0x77e: {  	v56 =	vld [tilespmem:$0x19200]  }
0x77f: {  	v1 =	vadd.f32 v54, v1  }
0x780: {  	v57 =	vld [tilespmem:$0x19280]  }
0x781: {  	v1 =	vadd.f32 v55, v1  }
0x782: {  	v58 =	vld [tilespmem:$0x19300]  }
0x783: {  	v1 =	vadd.f32 v56, v1  }
0x784: {  	v59 =	vld [tilespmem:$0x19380]  }
0x785: {  	v60 =	vmov s9;
	v1 =	vadd.f32 v57, v1  }
0x786: {  	v4 =	vmax.f32 v60, $1.000000000e+00  }
0x787: {  	v61 =	vbroadcast v4, $0x0;
	v1 =	vadd.f32 v58, v1;
	_ =	sdelay $0x1  }
0x788: {  	(erf) = vrcp.f32 v61;
	v1 =	vadd.f32 v59, v1;
	_ =	sdelay $0x1  }
0x789: {  	s29 =	scvt.s32.f32 s8;
	v62 =	vbroadcast v1, $0x1;
	_ =	sdelay $0x1  }
0x78a: {  	v2 =	vsub.f32 s29, v62;
	_ =	sdelay $0x1  }
0x78b: {  	v1 =	vbroadcast v1, $0x0;
	v0 =	vmul.f32 v2, v0;
	_ =	sdelay $0x1  }
0x78c: {  	v0 =	vadd.f32 v0, v1  }
0x78d: {  	v63 =	vpop (erf)  }
0x78e: {  	v0 =	vmul.f32 v0, v63  }
0x78f: {  	p0 =	sgt.s32 s8, $0x0  }
0x790: {  	v0 =	vpsel !p0, $0x0, v0  }
0x791: {  	s30 =	simm.s32 $0x0;
	s2 =	simm.s32 $0x1D800;
	s3 =	rddreg [dreg:$0x3];
	[tilespmem:$0x1D800] =	vst v0  }
0x792: {  	[hbm4b:s3+s30] =	stream.linear.scatter [tilespmem:s2], [sflag:$0x5], $0x80, $0x38;
	[tilespmem:$0x1E080] =	vst v63  }
0x793: {  	_ =	swait.ge [sflag:s0], $0x80  }
0x794: {  	[sflag:s0] =	ssyncset.done $0x0  }
0x795: {  	[sflag:s0] =	ssyncadd.s32 $0xFFFFFF80  }
0x796: {  	_ =	sfence.sel $0x180000  }
0x797: {  	[bflag:$0x0] =	sbarrier.arrive $0xFFFF  }
0x798: {  	_ =	strace $0x90000047  }
0x799: {  	[bflag:$0x2] =	sbarrier.arrive $0xFFFF  }
0x79a: {  	s31 =	rddreg [dreg:$0x5]  }
0x79b: {  	s0 =	sadd.s32 $0x100000, s31  }
0x79c: {  	[sflag:s0] =	ssyncadd.tile.s32 $0x1;
	_ =	shalt  }
.Lfunc_end2:
_tile_overlayer_lowered:
.L_overlay_start_2:
0x79d: {  	(tag) =	ssettag $0x2  }
0x79e: {  	s0 =	rddreg [dreg:$0x0];
	s2 =	stileid.u32  }
0x79f: {  	s1 =	rddreg [dreg:$0x1];
	p0 =	sne.s32 s2, $0x0  }
0x7a0: {  	s3 =	rddreg [dreg:$0x2];
	[bflag:$0x3] =	sbarrier.arrive $0xFFFF;
	s2 =	simm.s32 @!p0 $0x1C05  }
0x7a1: {  	[timem:s3], [sflag:s2] =	dma.local @!p0 [hbm:s0], s1  }
0x7a2: {  	s0 =	simm.s32 @!p0 $0x5  }
0x7a3: {  	_ =	swait.ge @!p0 [sflag:s0], s1  }
0x7a4: {  	s1 =	ssub.s32 @!p0 $0x0, s1;
	[sflag:s0] =	ssyncset.done @!p0 $0x0  }
0x7a5: {  	[sflag:s0] =	ssyncadd.s32 @!p0 s1  }
0x7a6: {  	[bflag:$0x3] =	sbarrier.arrive $0xFFFF  }
0x7a7: {  	_ =	shalt  }

</sc_bundles>
